<compile_context>
chip_gen: v7x
topology: tpu7x:2x2x1
jax: 0.10.2.dev20260603
libtpu: 0.0.44.dev20260713+nightly
codegen_flags: <defaults>
</compile_context>

<pallas_src>
import functools

import jax
import jax.numpy as jnp
from jax import lax
from jax.experimental import pallas as pl
from jax.experimental.pallas import tpu as pltpu
from jax.experimental.pallas import tpu_sc as plsc

N_ROWS = 1000000
BATCH = 16384
NUM_CORES = 2
NUM_WORKERS = 32
BPW = BATCH // NUM_WORKERS
CHUNK = 128
NCHUNK = BPW // CHUNK
LANES = 16
NWIN_C = N_ROWS // LANES

_MESH = plsc.VectorSubcoreMesh(core_axis_name="c", subcore_axis_name="s")
_PARAMS = pltpu.CompilerParams(
    use_tc_tiling_on_sc=False, needs_layout_passes=False)


def _make_gather(ncol):
    kshift = {4: 5, 2: 4}[ncol]
    gper = CHUNK * ncol // LANES

    @functools.partial(
        pl.kernel,
        mesh=_MESH,
        compiler_params=_PARAMS,
        out_type=jax.ShapeDtypeStruct((BATCH * ncol,), jnp.float32),
        scratch_types=[
            pltpu.VMEM((NCHUNK, CHUNK), jnp.int32),
            pltpu.VMEM((NCHUNK * ncol, CHUNK), jnp.int32),
            pltpu.VMEM((BPW * ncol, LANES), jnp.float32),
            pltpu.VMEM((BPW * ncol,), jnp.float32),
        ] + [pltpu.SemaphoreType.DMA] * NCHUNK,
    )
    def _gather(tab_hbm, ind_hbm, out, idx_v, win_v, big, rows, *sems):
        wid = lax.axis_index("s") * NUM_CORES + lax.axis_index("c")
        pltpu.sync_copy(ind_hbm.at[pl.ds(wid * NCHUNK, NCHUNK)], idx_v)

        for j in range(NCHUNK):
            for i in range(CHUNK // LANES):
                sl = pl.ds(i * LANES, LANES)
                q = idx_v.at[j][sl] >> 4
                for c in range(ncol):
                    win_v.at[j * ncol + c][sl] = q + c * NWIN_C

        cps = [[pltpu.async_copy(
            tab_hbm.at[win_v.at[j * ncol + c]],
            big.at[pl.ds((j * ncol + c) * CHUNK, CHUNK)], sems[j])
            for c in range(ncol)] for j in range(NCHUNK)]

        lane = lax.iota(jnp.int32, LANES)

        for j in range(NCHUNK):
            for cp in cps[j]:
                cp.wait()

            @plsc.parallel_loop(j * gper, (j + 1) * gper, unroll=4)
            def _(g):
                ind_vec = idx_v.at[j][pl.ds((g & 7) << 4, LANES)]
                row = g * LANES + lane
                rows[pl.ds(g * LANES, LANES)] = plsc.load_gather(
                    big, [row, ind_vec & 15])

        pltpu.sync_copy(rows, out.at[pl.ds(wid * BPW * ncol, BPW * ncol)])

    return _gather


_gather4 = _make_gather(4)
_gather2 = _make_gather(2)


def kernel(orientations, translations, ind):
    ori16 = orientations.T.reshape(N_ROWS * 4 // LANES, LANES)
    trn16 = translations.T.reshape(N_ROWS * 2 // LANES, LANES)
    ind2d = ind.astype(jnp.int32).reshape(BATCH // CHUNK, CHUNK)
    t_flat = _gather2(trn16, ind2d)
    r_flat = _gather4(ori16, ind2d)
    r = r_flat.reshape(BATCH // CHUNK, 4, CHUNK).transpose(0, 2, 1)
    t = t_flat.reshape(BATCH // CHUNK, 2, CHUNK).transpose(0, 2, 1)
    return (r.reshape(BATCH, 4), t.reshape(BATCH, 2))

# --- scband reference (transcript-rebuilt; emitter-appended) ---
"""Pipeline reference for scband-pose-model-5995774345564 (READ-ONLY COPY).

The authoritative reference and input builder live on the scoring server;
editing this copy changes nothing except your own understanding.
"""

import jax, jax.numpy as jnp
import numpy as np

N_PARTICLES = 1000000
BATCH = 16384


def setup_inputs(seed: int = 0) -> dict:
    key = jax.random.key(seed)
    k1, k2, k3 = jax.random.split(key, 3)
    orientations = jax.random.normal(k1, (N_PARTICLES, 4), dtype=jnp.float32)
    translations = jax.random.normal(k2, (N_PARTICLES, 2), dtype=jnp.float32)
    ind = jax.random.randint(k3, (BATCH,), 0, N_PARTICLES, dtype=jnp.int64 if jax.config.jax_enable_x64 else jnp.int32)
    return {"orientations": orientations, "translations": translations, "ind": ind}


def reference(orientations, translations, ind):
    # Faithful translation of pose_model.forward: two parameter-table gathers.
    r = jnp.take(orientations, ind, axis=0)
    t = jnp.take(translations, ind, axis=0)
    return (r, t)

if __name__ == "__main__":
    import jax
    _d = setup_inputs()
    print(jax.jit(kernel)(*tuple(_d.values())))

</pallas_src>

<mosaic_0001>
#map = affine_map<(d0, d1) -> (0, 0)>
#map1 = affine_map<(d0, d1) -> (0)>
module attributes {stable_mosaic.version = 14 : i64} {
  func.func @_gather(%arg0: i32, %arg1: i32, %arg2: memref<250000x16xf32, #tpu.memory_space<hbm>>, %arg3: memref<128x128xi32, #tpu.memory_space<hbm>>, %arg4: memref<65536xf32, #tpu.memory_space<hbm>>, %arg5: memref<4x128xi32, #tpu.memory_space<vmem>>, %arg6: memref<16x128xi32, #tpu.memory_space<vmem>>, %arg7: memref<2048x16xf32, #tpu.memory_space<vmem>>, %arg8: memref<2048xf32, #tpu.memory_space<vmem>>, %arg9: memref<!tpu.dma_semaphore, #tpu.memory_space<semaphore_mem>>, %arg10: memref<!tpu.dma_semaphore, #tpu.memory_space<semaphore_mem>>, %arg11: memref<!tpu.dma_semaphore, #tpu.memory_space<semaphore_mem>>, %arg12: memref<!tpu.dma_semaphore, #tpu.memory_space<semaphore_mem>>) attributes {dimension_semantics = [#tpu.dimension_semantics<core_parallel>, #tpu.dimension_semantics<subcore_parallel>], iteration_bounds = array<i64: 2, 16>, scalar_prefetch = 0 : i64, scratch_operands = 8 : i64, tpu.core_type = #tpu.core_type<sc_vector_subcore>, window_params = [{transform_indices = #map}, {transform_indices = #map}, {transform_indices = #map1}]} {
    %mul3A = arith.constant 2 : i32
    %mul3A_0 = arith.muli %arg1, %mul3A : i32
    %add3A = arith.addi %mul3A_0, %arg0 : i32
    %mul3A_1 = arith.constant 4 : i32
    %mul3A_2 = arith.muli %add3A, %mul3A_1 : i32
    "tpu.region"() ({
      %run_scoped3A = tpu.sem_alloc : memref<!tpu.dma_semaphore, #tpu.memory_space<semaphore_mem>>
      %dma_start3A_1773 = arith.constant 0 : i32
      %dma_start3A_1774 = tpu.memref_slice %arg3[%mul3A_2, %dma_start3A_1773] : memref<128x128xi32, #tpu.memory_space<hbm>> -> memref<4x128xi32, #tpu.memory_space<hbm>>
      %dma_start3A_1775 = arith.constant 0 : i32
      %dma_start3A_1776 = tpu.memref_slice %arg3[%mul3A_2, %dma_start3A_1775] : memref<128x128xi32, #tpu.memory_space<hbm>> -> memref<4x128xi32, #tpu.memory_space<hbm>>
      tpu.enqueue_dma source(%dma_start3A_1776 : memref<4x128xi32, #tpu.memory_space<hbm>>) target(%arg5 : memref<4x128xi32, #tpu.memory_space<vmem>>) target_semaphore(%run_scoped3A : memref<!tpu.dma_semaphore, #tpu.memory_space<semaphore_mem>>)
      %dma_wait3A_1777 = arith.constant 0 : i32
      %dma_wait3A_1778 = tpu.memref_slice %arg3[%mul3A_2, %dma_wait3A_1777] : memref<128x128xi32, #tpu.memory_space<hbm>> -> memref<4x128xi32, #tpu.memory_space<hbm>>
      %dma_wait3A_1779 = arith.constant 0 : i32
      %dma_wait3A_1780 = tpu.memref_slice %arg3[%mul3A_2, %dma_wait3A_1779] : memref<128x128xi32, #tpu.memory_space<hbm>> -> memref<4x128xi32, #tpu.memory_space<hbm>>
      tpu.wait_dma2 semaphore(%run_scoped3A : memref<!tpu.dma_semaphore, #tpu.memory_space<semaphore_mem>>) src(%dma_wait3A_1780 : memref<4x128xi32, #tpu.memory_space<hbm>>) dst(%arg5 : memref<4x128xi32, #tpu.memory_space<vmem>>)
      tpu.yield
    }) : () -> ()
    %get3A = arith.constant 0 : i32
    %get3A_3 = arith.constant 0 : i32
    %get3A_4 = tpu.memref_slice %arg5[%get3A, %get3A_3] : memref<4x128xi32, #tpu.memory_space<vmem>> -> memref<1x128xi32, #tpu.memory_space<vmem>>
    %get3A_5 = tpu.memref_squeeze %get3A_4 : memref<1x128xi32, #tpu.memory_space<vmem>> -> memref<128xi32, #tpu.memory_space<vmem>>
    %get3A_6 = arith.constant 0 : index
    %get3A_7 = tpu.vector_load %get3A_5[%get3A_6] {strides = array<i32>} : memref<128xi32, #tpu.memory_space<vmem>>, vector<16xi32>,
    %shift_right_arithmetic3A = arith.constant 4 : i32
    %shift_right_arithmetic3A_8 = vector.broadcast %shift_right_arithmetic3A : i32 to vector<16xi32>
    %shift_right_arithmetic3A_9 = arith.shrsi %get3A_7, %shift_right_arithmetic3A_8 : vector<16xi32>
    %add3A_10 = arith.constant 0 : i32
    %add3A_11 = vector.broadcast %add3A_10 : i32 to vector<16xi32>
    %add3A_12 = arith.addi %shift_right_arithmetic3A_9, %add3A_11 : vector<16xi32>
    %swap3A = arith.constant 0 : i32
    %swap3A_13 = arith.constant 0 : i32
    %swap3A_14 = tpu.memref_slice %arg6[%swap3A, %swap3A_13] : memref<16x128xi32, #tpu.memory_space<vmem>> -> memref<1x128xi32, #tpu.memory_space<vmem>>
    %swap3A_15 = tpu.memref_squeeze %swap3A_14 : memref<1x128xi32, #tpu.memory_space<vmem>> -> memref<128xi32, #tpu.memory_space<vmem>>
    %swap3A_16 = arith.constant 0 : index
    %swap3A_17 = tpu.vector_load %swap3A_15[%swap3A_16] {strides = array<i32>} : memref<128xi32, #tpu.memory_space<vmem>>, vector<16xi32>,
    tpu.vector_store %swap3A_15[%swap3A_16], %add3A_12 {strides = array<i32>} : memref<128xi32, #tpu.memory_space<vmem>>, vector<16xi32>,
    %add3A_18 = arith.constant 62500 : i32
    %add3A_19 = vector.broadcast %add3A_18 : i32 to vector<16xi32>
    %add3A_20 = arith.addi %shift_right_arithmetic3A_9, %add3A_19 : vector<16xi32>
    %swap3A_21 = arith.constant 1 : i32
    %swap3A_22 = arith.constant 0 : i32
    %swap3A_23 = tpu.memref_slice %arg6[%swap3A_21, %swap3A_22] : memref<16x128xi32, #tpu.memory_space<vmem>> -> memref<1x128xi32, #tpu.memory_space<vmem>>
    %swap3A_24 = tpu.memref_squeeze %swap3A_23 : memref<1x128xi32, #tpu.memory_space<vmem>> -> memref<128xi32, #tpu.memory_space<vmem>>
    %swap3A_25 = arith.constant 0 : index
    %swap3A_26 = tpu.vector_load %swap3A_24[%swap3A_25] {strides = array<i32>} : memref<128xi32, #tpu.memory_space<vmem>>, vector<16xi32>,
    tpu.vector_store %swap3A_24[%swap3A_25], %add3A_20 {strides = array<i32>} : memref<128xi32, #tpu.memory_space<vmem>>, vector<16xi32>,
    %add3A_27 = arith.constant 125000 : i32
    %add3A_28 = vector.broadcast %add3A_27 : i32 to vector<16xi32>
    %add3A_29 = arith.addi %shift_right_arithmetic3A_9, %add3A_28 : vector<16xi32>
    %swap3A_30 = arith.constant 2 : i32
    %swap3A_31 = arith.constant 0 : i32
    %swap3A_32 = tpu.memref_slice %arg6[%swap3A_30, %swap3A_31] : memref<16x128xi32, #tpu.memory_space<vmem>> -> memref<1x128xi32, #tpu.memory_space<vmem>>
    %swap3A_33 = tpu.memref_squeeze %swap3A_32 : memref<1x128xi32, #tpu.memory_space<vmem>> -> memref<128xi32, #tpu.memory_space<vmem>>
    %swap3A_34 = arith.constant 0 : index
    %swap3A_35 = tpu.vector_load %swap3A_33[%swap3A_34] {strides = array<i32>} : memref<128xi32, #tpu.memory_space<vmem>>, vector<16xi32>,
    tpu.vector_store %swap3A_33[%swap3A_34], %add3A_29 {strides = array<i32>} : memref<128xi32, #tpu.memory_space<vmem>>, vector<16xi32>,
    %add3A_36 = arith.constant 187500 : i32
    %add3A_37 = vector.broadcast %add3A_36 : i32 to vector<16xi32>
    %add3A_38 = arith.addi %shift_right_arithmetic3A_9, %add3A_37 : vector<16xi32>
    %swap3A_39 = arith.constant 3 : i32
    %swap3A_40 = arith.constant 0 : i32
    %swap3A_41 = tpu.memref_slice %arg6[%swap3A_39, %swap3A_40] : memref<16x128xi32, #tpu.memory_space<vmem>> -> memref<1x128xi32, #tpu.memory_space<vmem>>
    %swap3A_42 = tpu.memref_squeeze %swap3A_41 : memref<1x128xi32, #tpu.memory_space<vmem>> -> memref<128xi32, #tpu.memory_space<vmem>>
    %swap3A_43 = arith.constant 0 : index
    %swap3A_44 = tpu.vector_load %swap3A_42[%swap3A_43] {strides = array<i32>} : memref<128xi32, #tpu.memory_space<vmem>>, vector<16xi32>,
    tpu.vector_store %swap3A_42[%swap3A_43], %add3A_38 {strides = array<i32>} : memref<128xi32, #tpu.memory_space<vmem>>, vector<16xi32>,
    %get3A_45 = arith.constant 0 : i32
    %get3A_46 = arith.constant 0 : i32
    %get3A_47 = tpu.memref_slice %arg5[%get3A_45, %get3A_46] : memref<4x128xi32, #tpu.memory_space<vmem>> -> memref<1x128xi32, #tpu.memory_space<vmem>>
    %get3A_48 = tpu.memref_squeeze %get3A_47 : memref<1x128xi32, #tpu.memory_space<vmem>> -> memref<128xi32, #tpu.memory_space<vmem>>
    %get3A_49 = arith.constant 16 : index
    %get3A_50 = tpu.vector_load %get3A_48[%get3A_49] {strides = array<i32>} : memref<128xi32, #tpu.memory_space<vmem>>, vector<16xi32>,
    %shift_right_arithmetic3A_51 = arith.constant 4 : i32
    %shift_right_arithmetic3A_52 = vector.broadcast %shift_right_arithmetic3A_51 : i32 to vector<16xi32>
    %shift_right_arithmetic3A_53 = arith.shrsi %get3A_50, %shift_right_arithmetic3A_52 : vector<16xi32>
    %add3A_54 = arith.constant 0 : i32
    %add3A_55 = vector.broadcast %add3A_54 : i32 to vector<16xi32>
    %add3A_56 = arith.addi %shift_right_arithmetic3A_53, %add3A_55 : vector<16xi32>
    %swap3A_57 = arith.constant 0 : i32
    %swap3A_58 = arith.constant 0 : i32
    %swap3A_59 = tpu.memref_slice %arg6[%swap3A_57, %swap3A_58] : memref<16x128xi32, #tpu.memory_space<vmem>> -> memref<1x128xi32, #tpu.memory_space<vmem>>
    %swap3A_60 = tpu.memref_squeeze %swap3A_59 : memref<1x128xi32, #tpu.memory_space<vmem>> -> memref<128xi32, #tpu.memory_space<vmem>>
    %swap3A_61 = arith.constant 16 : index
    %swap3A_62 = tpu.vector_load %swap3A_60[%swap3A_61] {strides = array<i32>} : memref<128xi32, #tpu.memory_space<vmem>>, vector<16xi32>,
    tpu.vector_store %swap3A_60[%swap3A_61], %add3A_56 {strides = array<i32>} : memref<128xi32, #tpu.memory_space<vmem>>, vector<16xi32>,
    %add3A_63 = arith.constant 62500 : i32
    %add3A_64 = vector.broadcast %add3A_63 : i32 to vector<16xi32>
    %add3A_65 = arith.addi %shift_right_arithmetic3A_53, %add3A_64 : vector<16xi32>
    %swap3A_66 = arith.constant 1 : i32
    %swap3A_67 = arith.constant 0 : i32
    %swap3A_68 = tpu.memref_slice %arg6[%swap3A_66, %swap3A_67] : memref<16x128xi32, #tpu.memory_space<vmem>> -> memref<1x128xi32, #tpu.memory_space<vmem>>
    %swap3A_69 = tpu.memref_squeeze %swap3A_68 : memref<1x128xi32, #tpu.memory_space<vmem>> -> memref<128xi32, #tpu.memory_space<vmem>>
    %swap3A_70 = arith.constant 16 : index
    %swap3A_71 = tpu.vector_load %swap3A_69[%swap3A_70] {strides = array<i32>} : memref<128xi32, #tpu.memory_space<vmem>>, vector<16xi32>,
    tpu.vector_store %swap3A_69[%swap3A_70], %add3A_65 {strides = array<i32>} : memref<128xi32, #tpu.memory_space<vmem>>, vector<16xi32>,
    %add3A_72 = arith.constant 125000 : i32
    %add3A_73 = vector.broadcast %add3A_72 : i32 to vector<16xi32>
    %add3A_74 = arith.addi %shift_right_arithmetic3A_53, %add3A_73 : vector<16xi32>
    %swap3A_75 = arith.constant 2 : i32
    %swap3A_76 = arith.constant 0 : i32
    %swap3A_77 = tpu.memref_slice %arg6[%swap3A_75, %swap3A_76] : memref<16x128xi32, #tpu.memory_space<vmem>> -> memref<1x128xi32, #tpu.memory_space<vmem>>
    %swap3A_78 = tpu.memref_squeeze %swap3A_77 : memref<1x128xi32, #tpu.memory_space<vmem>> -> memref<128xi32, #tpu.memory_space<vmem>>
    %swap3A_79 = arith.constant 16 : index
    %swap3A_80 = tpu.vector_load %swap3A_78[%swap3A_79] {strides = array<i32>} : memref<128xi32, #tpu.memory_space<vmem>>, vector<16xi32>,
    tpu.vector_store %swap3A_78[%swap3A_79], %add3A_74 {strides = array<i32>} : memref<128xi32, #tpu.memory_space<vmem>>, vector<16xi32>,
    %add3A_81 = arith.constant 187500 : i32
    %add3A_82 = vector.broadcast %add3A_81 : i32 to vector<16xi32>
    %add3A_83 = arith.addi %shift_right_arithmetic3A_53, %add3A_82 : vector<16xi32>
    %swap3A_84 = arith.constant 3 : i32
    %swap3A_85 = arith.constant 0 : i32
    %swap3A_86 = tpu.memref_slice %arg6[%swap3A_84, %swap3A_85] : memref<16x128xi32, #tpu.memory_space<vmem>> -> memref<1x128xi32, #tpu.memory_space<vmem>>
    %swap3A_87 = tpu.memref_squeeze %swap3A_86 : memref<1x128xi32, #tpu.memory_space<vmem>> -> memref<128xi32, #tpu.memory_space<vmem>>
    %swap3A_88 = arith.constant 16 : index
    %swap3A_89 = tpu.vector_load %swap3A_87[%swap3A_88] {strides = array<i32>} : memref<128xi32, #tpu.memory_space<vmem>>, vector<16xi32>,
    tpu.vector_store %swap3A_87[%swap3A_88], %add3A_83 {strides = array<i32>} : memref<128xi32, #tpu.memory_space<vmem>>, vector<16xi32>,
    %get3A_90 = arith.constant 0 : i32
    %get3A_91 = arith.constant 0 : i32
    %get3A_92 = tpu.memref_slice %arg5[%get3A_90, %get3A_91] : memref<4x128xi32, #tpu.memory_space<vmem>> -> memref<1x128xi32, #tpu.memory_space<vmem>>
    %get3A_93 = tpu.memref_squeeze %get3A_92 : memref<1x128xi32, #tpu.memory_space<vmem>> -> memref<128xi32, #tpu.memory_space<vmem>>
    %get3A_94 = arith.constant 32 : index
    %get3A_95 = tpu.vector_load %get3A_93[%get3A_94] {strides = array<i32>} : memref<128xi32, #tpu.memory_space<vmem>>, vector<16xi32>,
    %shift_right_arithmetic3A_96 = arith.constant 4 : i32
    %shift_right_arithmetic3A_97 = vector.broadcast %shift_right_arithmetic3A_96 : i32 to vector<16xi32>
    %shift_right_arithmetic3A_98 = arith.shrsi %get3A_95, %shift_right_arithmetic3A_97 : vector<16xi32>
    %add3A_99 = arith.constant 0 : i32
    %add3A_100 = vector.broadcast %add3A_99 : i32 to vector<16xi32>
    %add3A_101 = arith.addi %shift_right_arithmetic3A_98, %add3A_100 : vector<16xi32>
    %swap3A_102 = arith.constant 0 : i32
    %swap3A_103 = arith.constant 0 : i32
    %swap3A_104 = tpu.memref_slice %arg6[%swap3A_102, %swap3A_103] : memref<16x128xi32, #tpu.memory_space<vmem>> -> memref<1x128xi32, #tpu.memory_space<vmem>>
    %swap3A_105 = tpu.memref_squeeze %swap3A_104 : memref<1x128xi32, #tpu.memory_space<vmem>> -> memref<128xi32, #tpu.memory_space<vmem>>
    %swap3A_106 = arith.constant 32 : index
    %swap3A_107 = tpu.vector_load %swap3A_105[%swap3A_106] {strides = array<i32>} : memref<128xi32, #tpu.memory_space<vmem>>, vector<16xi32>,
    tpu.vector_store %swap3A_105[%swap3A_106], %add3A_101 {strides = array<i32>} : memref<128xi32, #tpu.memory_space<vmem>>, vector<16xi32>,
    %add3A_108 = arith.constant 62500 : i32
    %add3A_109 = vector.broadcast %add3A_108 : i32 to vector<16xi32>
    %add3A_110 = arith.addi %shift_right_arithmetic3A_98, %add3A_109 : vector<16xi32>
    %swap3A_111 = arith.constant 1 : i32
    %swap3A_112 = arith.constant 0 : i32
    %swap3A_113 = tpu.memref_slice %arg6[%swap3A_111, %swap3A_112] : memref<16x128xi32, #tpu.memory_space<vmem>> -> memref<1x128xi32, #tpu.memory_space<vmem>>
    %swap3A_114 = tpu.memref_squeeze %swap3A_113 : memref<1x128xi32, #tpu.memory_space<vmem>> -> memref<128xi32, #tpu.memory_space<vmem>>
    %swap3A_115 = arith.constant 32 : index
    %swap3A_116 = tpu.vector_load %swap3A_114[%swap3A_115] {strides = array<i32>} : memref<128xi32, #tpu.memory_space<vmem>>, vector<16xi32>,
    tpu.vector_store %swap3A_114[%swap3A_115], %add3A_110 {strides = array<i32>} : memref<128xi32, #tpu.memory_space<vmem>>, vector<16xi32>,
    %add3A_117 = arith.constant 125000 : i32
    %add3A_118 = vector.broadcast %add3A_117 : i32 to vector<16xi32>
    %add3A_119 = arith.addi %shift_right_arithmetic3A_98, %add3A_118 : vector<16xi32>
    %swap3A_120 = arith.constant 2 : i32
    %swap3A_121 = arith.constant 0 : i32
    %swap3A_122 = tpu.memref_slice %arg6[%swap3A_120, %swap3A_121] : memref<16x128xi32, #tpu.memory_space<vmem>> -> memref<1x128xi32, #tpu.memory_space<vmem>>
    %swap3A_123 = tpu.memref_squeeze %swap3A_122 : memref<1x128xi32, #tpu.memory_space<vmem>> -> memref<128xi32, #tpu.memory_space<vmem>>
    %swap3A_124 = arith.constant 32 : index
    %swap3A_125 = tpu.vector_load %swap3A_123[%swap3A_124] {strides = array<i32>} : memref<128xi32, #tpu.memory_space<vmem>>, vector<16xi32>,
    tpu.vector_store %swap3A_123[%swap3A_124], %add3A_119 {strides = array<i32>} : memref<128xi32, #tpu.memory_space<vmem>>, vector<16xi32>,
    %add3A_126 = arith.constant 187500 : i32
    %add3A_127 = vector.broadcast %add3A_126 : i32 to vector<16xi32>
    %add3A_128 = arith.addi %shift_right_arithmetic3A_98, %add3A_127 : vector<16xi32>
    %swap3A_129 = arith.constant 3 : i32
    %swap3A_130 = arith.constant 0 : i32
    %swap3A_131 = tpu.memref_slice %arg6[%swap3A_129, %swap3A_130] : memref<16x128xi32, #tpu.memory_space<vmem>> -> memref<1x128xi32, #tpu.memory_space<vmem>>
    %swap3A_132 = tpu.memref_squeeze %swap3A_131 : memref<1x128xi32, #tpu.memory_space<vmem>> -> memref<128xi32, #tpu.memory_space<vmem>>
    %swap3A_133 = arith.constant 32 : index
    %swap3A_134 = tpu.vector_load %swap3A_132[%swap3A_133] {strides = array<i32>} : memref<128xi32, #tpu.memory_space<vmem>>, vector<16xi32>,
    tpu.vector_store %swap3A_132[%swap3A_133], %add3A_128 {strides = array<i32>} : memref<128xi32, #tpu.memory_space<vmem>>, vector<16xi32>,
    %get3A_135 = arith.constant 0 : i32
    %get3A_136 = arith.constant 0 : i32
    %get3A_137 = tpu.memref_slice %arg5[%get3A_135, %get3A_136] : memref<4x128xi32, #tpu.memory_space<vmem>> -> memref<1x128xi32, #tpu.memory_space<vmem>>
    %get3A_138 = tpu.memref_squeeze %get3A_137 : memref<1x128xi32, #tpu.memory_space<vmem>> -> memref<128xi32, #tpu.memory_space<vmem>>
    %get3A_139 = arith.constant 48 : index
    %get3A_140 = tpu.vector_load %get3A_138[%get3A_139] {strides = array<i32>} : memref<128xi32, #tpu.memory_space<vmem>>, vector<16xi32>,
    %shift_right_arithmetic3A_141 = arith.constant 4 : i32
    %shift_right_arithmetic3A_142 = vector.broadcast %shift_right_arithmetic3A_141 : i32 to vector<16xi32>
    %shift_right_arithmetic3A_143 = arith.shrsi %get3A_140, %shift_right_arithmetic3A_142 : vector<16xi32>
    %add3A_144 = arith.constant 0 : i32
    %add3A_145 = vector.broadcast %add3A_144 : i32 to vector<16xi32>
    %add3A_146 = arith.addi %shift_right_arithmetic3A_143, %add3A_145 : vector<16xi32>
    %swap3A_147 = arith.constant 0 : i32
    %swap3A_148 = arith.constant 0 : i32
    %swap3A_149 = tpu.memref_slice %arg6[%swap3A_147, %swap3A_148] : memref<16x128xi32, #tpu.memory_space<vmem>> -> memref<1x128xi32, #tpu.memory_space<vmem>>
    %swap3A_150 = tpu.memref_squeeze %swap3A_149 : memref<1x128xi32, #tpu.memory_space<vmem>> -> memref<128xi32, #tpu.memory_space<vmem>>
    %swap3A_151 = arith.constant 48 : index
    %swap3A_152 = tpu.vector_load %swap3A_150[%swap3A_151] {strides = array<i32>} : memref<128xi32, #tpu.memory_space<vmem>>, vector<16xi32>,
    tpu.vector_store %swap3A_150[%swap3A_151], %add3A_146 {strides = array<i32>} : memref<128xi32, #tpu.memory_space<vmem>>, vector<16xi32>,
    %add3A_153 = arith.constant 62500 : i32
    %add3A_154 = vector.broadcast %add3A_153 : i32 to vector<16xi32>
    %add3A_155 = arith.addi %shift_right_arithmetic3A_143, %add3A_154 : vector<16xi32>
    %swap3A_156 = arith.constant 1 : i32
    %swap3A_157 = arith.constant 0 : i32
    %swap3A_158 = tpu.memref_slice %arg6[%swap3A_156, %swap3A_157] : memref<16x128xi32, #tpu.memory_space<vmem>> -> memref<1x128xi32, #tpu.memory_space<vmem>>
    %swap3A_159 = tpu.memref_squeeze %swap3A_158 : memref<1x128xi32, #tpu.memory_space<vmem>> -> memref<128xi32, #tpu.memory_space<vmem>>
    %swap3A_160 = arith.constant 48 : index
    %swap3A_161 = tpu.vector_load %swap3A_159[%swap3A_160] {strides = array<i32>} : memref<128xi32, #tpu.memory_space<vmem>>, vector<16xi32>,
    tpu.vector_store %swap3A_159[%swap3A_160], %add3A_155 {strides = array<i32>} : memref<128xi32, #tpu.memory_space<vmem>>, vector<16xi32>,
    %add3A_162 = arith.constant 125000 : i32
    %add3A_163 = vector.broadcast %add3A_162 : i32 to vector<16xi32>
    %add3A_164 = arith.addi %shift_right_arithmetic3A_143, %add3A_163 : vector<16xi32>
    %swap3A_165 = arith.constant 2 : i32
    %swap3A_166 = arith.constant 0 : i32
    %swap3A_167 = tpu.memref_slice %arg6[%swap3A_165, %swap3A_166] : memref<16x128xi32, #tpu.memory_space<vmem>> -> memref<1x128xi32, #tpu.memory_space<vmem>>
    %swap3A_168 = tpu.memref_squeeze %swap3A_167 : memref<1x128xi32, #tpu.memory_space<vmem>> -> memref<128xi32, #tpu.memory_space<vmem>>
    %swap3A_169 = arith.constant 48 : index
    %swap3A_170 = tpu.vector_load %swap3A_168[%swap3A_169] {strides = array<i32>} : memref<128xi32, #tpu.memory_space<vmem>>, vector<16xi32>,
    tpu.vector_store %swap3A_168[%swap3A_169], %add3A_164 {strides = array<i32>} : memref<128xi32, #tpu.memory_space<vmem>>, vector<16xi32>,
    %add3A_171 = arith.constant 187500 : i32
    %add3A_172 = vector.broadcast %add3A_171 : i32 to vector<16xi32>
    %add3A_173 = arith.addi %shift_right_arithmetic3A_143, %add3A_172 : vector<16xi32>
    %swap3A_174 = arith.constant 3 : i32
    %swap3A_175 = arith.constant 0 : i32
    %swap3A_176 = tpu.memref_slice %arg6[%swap3A_174, %swap3A_175] : memref<16x128xi32, #tpu.memory_space<vmem>> -> memref<1x128xi32, #tpu.memory_space<vmem>>
    %swap3A_177 = tpu.memref_squeeze %swap3A_176 : memref<1x128xi32, #tpu.memory_space<vmem>> -> memref<128xi32, #tpu.memory_space<vmem>>
    %swap3A_178 = arith.constant 48 : index
    %swap3A_179 = tpu.vector_load %swap3A_177[%swap3A_178] {strides = array<i32>} : memref<128xi32, #tpu.memory_space<vmem>>, vector<16xi32>,
    tpu.vector_store %swap3A_177[%swap3A_178], %add3A_173 {strides = array<i32>} : memref<128xi32, #tpu.memory_space<vmem>>, vector<16xi32>,
    %get3A_180 = arith.constant 0 : i32
    %get3A_181 = arith.constant 0 : i32
    %get3A_182 = tpu.memref_slice %arg5[%get3A_180, %get3A_181] : memref<4x128xi32, #tpu.memory_space<vmem>> -> memref<1x128xi32, #tpu.memory_space<vmem>>
    %get3A_183 = tpu.memref_squeeze %get3A_182 : memref<1x128xi32, #tpu.memory_space<vmem>> -> memref<128xi32, #tpu.memory_space<vmem>>
    %get3A_184 = arith.constant 64 : index
    %get3A_185 = tpu.vector_load %get3A_183[%get3A_184] {strides = array<i32>} : memref<128xi32, #tpu.memory_space<vmem>>, vector<16xi32>,
    %shift_right_arithmetic3A_186 = arith.constant 4 : i32
    %shift_right_arithmetic3A_187 = vector.broadcast %shift_right_arithmetic3A_186 : i32 to vector<16xi32>
    %shift_right_arithmetic3A_188 = arith.shrsi %get3A_185, %shift_right_arithmetic3A_187 : vector<16xi32>
    %add3A_189 = arith.constant 0 : i32
    %add3A_190 = vector.broadcast %add3A_189 : i32 to vector<16xi32>
    %add3A_191 = arith.addi %shift_right_arithmetic3A_188, %add3A_190 : vector<16xi32>
    %swap3A_192 = arith.constant 0 : i32
    %swap3A_193 = arith.constant 0 : i32
    %swap3A_194 = tpu.memref_slice %arg6[%swap3A_192, %swap3A_193] : memref<16x128xi32, #tpu.memory_space<vmem>> -> memref<1x128xi32, #tpu.memory_space<vmem>>
    %swap3A_195 = tpu.memref_squeeze %swap3A_194 : memref<1x128xi32, #tpu.memory_space<vmem>> -> memref<128xi32, #tpu.memory_space<vmem>>
    %swap3A_196 = arith.constant 64 : index
    %swap3A_197 = tpu.vector_load %swap3A_195[%swap3A_196] {strides = array<i32>} : memref<128xi32, #tpu.memory_space<vmem>>, vector<16xi32>,
    tpu.vector_store %swap3A_195[%swap3A_196], %add3A_191 {strides = array<i32>} : memref<128xi32, #tpu.memory_space<vmem>>, vector<16xi32>,
    %add3A_198 = arith.constant 62500 : i32
    %add3A_199 = vector.broadcast %add3A_198 : i32 to vector<16xi32>
    %add3A_200 = arith.addi %shift_right_arithmetic3A_188, %add3A_199 : vector<16xi32>
    %swap3A_201 = arith.constant 1 : i32
    %swap3A_202 = arith.constant 0 : i32
    %swap3A_203 = tpu.memref_slice %arg6[%swap3A_201, %swap3A_202] : memref<16x128xi32, #tpu.memory_space<vmem>> -> memref<1x128xi32, #tpu.memory_space<vmem>>
    %swap3A_204 = tpu.memref_squeeze %swap3A_203 : memref<1x128xi32, #tpu.memory_space<vmem>> -> memref<128xi32, #tpu.memory_space<vmem>>
    %swap3A_205 = arith.constant 64 : index
    %swap3A_206 = tpu.vector_load %swap3A_204[%swap3A_205] {strides = array<i32>} : memref<128xi32, #tpu.memory_space<vmem>>, vector<16xi32>,
    tpu.vector_store %swap3A_204[%swap3A_205], %add3A_200 {strides = array<i32>} : memref<128xi32, #tpu.memory_space<vmem>>, vector<16xi32>,
    %add3A_207 = arith.constant 125000 : i32
    %add3A_208 = vector.broadcast %add3A_207 : i32 to vector<16xi32>
    %add3A_209 = arith.addi %shift_right_arithmetic3A_188, %add3A_208 : vector<16xi32>
    %swap3A_210 = arith.constant 2 : i32
    %swap3A_211 = arith.constant 0 : i32
    %swap3A_212 = tpu.memref_slice %arg6[%swap3A_210, %swap3A_211] : memref<16x128xi32, #tpu.memory_space<vmem>> -> memref<1x128xi32, #tpu.memory_space<vmem>>
    %swap3A_213 = tpu.memref_squeeze %swap3A_212 : memref<1x128xi32, #tpu.memory_space<vmem>> -> memref<128xi32, #tpu.memory_space<vmem>>
    %swap3A_214 = arith.constant 64 : index
    %swap3A_215 = tpu.vector_load %swap3A_213[%swap3A_214] {strides = array<i32>} : memref<128xi32, #tpu.memory_space<vmem>>, vector<16xi32>,
    tpu.vector_store %swap3A_213[%swap3A_214], %add3A_209 {strides = array<i32>} : memref<128xi32, #tpu.memory_space<vmem>>, vector<16xi32>,
    %add3A_216 = arith.constant 187500 : i32
    %add3A_217 = vector.broadcast %add3A_216 : i32 to vector<16xi32>
    %add3A_218 = arith.addi %shift_right_arithmetic3A_188, %add3A_217 : vector<16xi32>
    %swap3A_219 = arith.constant 3 : i32
    %swap3A_220 = arith.constant 0 : i32
    %swap3A_221 = tpu.memref_slice %arg6[%swap3A_219, %swap3A_220] : memref<16x128xi32, #tpu.memory_space<vmem>> -> memref<1x128xi32, #tpu.memory_space<vmem>>
    %swap3A_222 = tpu.memref_squeeze %swap3A_221 : memref<1x128xi32, #tpu.memory_space<vmem>> -> memref<128xi32, #tpu.memory_space<vmem>>
    %swap3A_223 = arith.constant 64 : index
    %swap3A_224 = tpu.vector_load %swap3A_222[%swap3A_223] {strides = array<i32>} : memref<128xi32, #tpu.memory_space<vmem>>, vector<16xi32>,
    tpu.vector_store %swap3A_222[%swap3A_223], %add3A_218 {strides = array<i32>} : memref<128xi32, #tpu.memory_space<vmem>>, vector<16xi32>,
    %get3A_225 = arith.constant 0 : i32
    %get3A_226 = arith.constant 0 : i32
    %get3A_227 = tpu.memref_slice %arg5[%get3A_225, %get3A_226] : memref<4x128xi32, #tpu.memory_space<vmem>> -> memref<1x128xi32, #tpu.memory_space<vmem>>
    %get3A_228 = tpu.memref_squeeze %get3A_227 : memref<1x128xi32, #tpu.memory_space<vmem>> -> memref<128xi32, #tpu.memory_space<vmem>>
    %get3A_229 = arith.constant 80 : index
    %get3A_230 = tpu.vector_load %get3A_228[%get3A_229] {strides = array<i32>} : memref<128xi32, #tpu.memory_space<vmem>>, vector<16xi32>,
    %shift_right_arithmetic3A_231 = arith.constant 4 : i32
    %shift_right_arithmetic3A_232 = vector.broadcast %shift_right_arithmetic3A_231 : i32 to vector<16xi32>
    %shift_right_arithmetic3A_233 = arith.shrsi %get3A_230, %shift_right_arithmetic3A_232 : vector<16xi32>
    %add3A_234 = arith.constant 0 : i32
    %add3A_235 = vector.broadcast %add3A_234 : i32 to vector<16xi32>
    %add3A_236 = arith.addi %shift_right_arithmetic3A_233, %add3A_235 : vector<16xi32>
    %swap3A_237 = arith.constant 0 : i32
    %swap3A_238 = arith.constant 0 : i32
    %swap3A_239 = tpu.memref_slice %arg6[%swap3A_237, %swap3A_238] : memref<16x128xi32, #tpu.memory_space<vmem>> -> memref<1x128xi32, #tpu.memory_space<vmem>>
    %swap3A_240 = tpu.memref_squeeze %swap3A_239 : memref<1x128xi32, #tpu.memory_space<vmem>> -> memref<128xi32, #tpu.memory_space<vmem>>
    %swap3A_241 = arith.constant 80 : index
    %swap3A_242 = tpu.vector_load %swap3A_240[%swap3A_241] {strides = array<i32>} : memref<128xi32, #tpu.memory_space<vmem>>, vector<16xi32>,
    tpu.vector_store %swap3A_240[%swap3A_241], %add3A_236 {strides = array<i32>} : memref<128xi32, #tpu.memory_space<vmem>>, vector<16xi32>,
    %add3A_243 = arith.constant 62500 : i32
    %add3A_244 = vector.broadcast %add3A_243 : i32 to vector<16xi32>
    %add3A_245 = arith.addi %shift_right_arithmetic3A_233, %add3A_244 : vector<16xi32>
    %swap3A_246 = arith.constant 1 : i32
    %swap3A_247 = arith.constant 0 : i32
    %swap3A_248 = tpu.memref_slice %arg6[%swap3A_246, %swap3A_247] : memref<16x128xi32, #tpu.memory_space<vmem>> -> memref<1x128xi32, #tpu.memory_space<vmem>>
    %swap3A_249 = tpu.memref_squeeze %swap3A_248 : memref<1x128xi32, #tpu.memory_space<vmem>> -> memref<128xi32, #tpu.memory_space<vmem>>
    %swap3A_250 = arith.constant 80 : index
    %swap3A_251 = tpu.vector_load %swap3A_249[%swap3A_250] {strides = array<i32>} : memref<128xi32, #tpu.memory_space<vmem>>, vector<16xi32>,
    tpu.vector_store %swap3A_249[%swap3A_250], %add3A_245 {strides = array<i32>} : memref<128xi32, #tpu.memory_space<vmem>>, vector<16xi32>,
    %add3A_252 = arith.constant 125000 : i32
    %add3A_253 = vector.broadcast %add3A_252 : i32 to vector<16xi32>
    %add3A_254 = arith.addi %shift_right_arithmetic3A_233, %add3A_253 : vector<16xi32>
    %swap3A_255 = arith.constant 2 : i32
    %swap3A_256 = arith.constant 0 : i32
    %swap3A_257 = tpu.memref_slice %arg6[%swap3A_255, %swap3A_256] : memref<16x128xi32, #tpu.memory_space<vmem>> -> memref<1x128xi32, #tpu.memory_space<vmem>>
    %swap3A_258 = tpu.memref_squeeze %swap3A_257 : memref<1x128xi32, #tpu.memory_space<vmem>> -> memref<128xi32, #tpu.memory_space<vmem>>
    %swap3A_259 = arith.constant 80 : index
    %swap3A_260 = tpu.vector_load %swap3A_258[%swap3A_259] {strides = array<i32>} : memref<128xi32, #tpu.memory_space<vmem>>, vector<16xi32>,
    tpu.vector_store %swap3A_258[%swap3A_259], %add3A_254 {strides = array<i32>} : memref<128xi32, #tpu.memory_space<vmem>>, vector<16xi32>,
    %add3A_261 = arith.constant 187500 : i32
    %add3A_262 = vector.broadcast %add3A_261 : i32 to vector<16xi32>
    %add3A_263 = arith.addi %shift_right_arithmetic3A_233, %add3A_262 : vector<16xi32>
    %swap3A_264 = arith.constant 3 : i32
    %swap3A_265 = arith.constant 0 : i32
    %swap3A_266 = tpu.memref_slice %arg6[%swap3A_264, %swap3A_265] : memref<16x128xi32, #tpu.memory_space<vmem>> -> memref<1x128xi32, #tpu.memory_space<vmem>>
    %swap3A_267 = tpu.memref_squeeze %swap3A_266 : memref<1x128xi32, #tpu.memory_space<vmem>> -> memref<128xi32, #tpu.memory_space<vmem>>
    %swap3A_268 = arith.constant 80 : index
    %swap3A_269 = tpu.vector_load %swap3A_267[%swap3A_268] {strides = array<i32>} : memref<128xi32, #tpu.memory_space<vmem>>, vector<16xi32>,
    tpu.vector_store %swap3A_267[%swap3A_268], %add3A_263 {strides = array<i32>} : memref<128xi32, #tpu.memory_space<vmem>>, vector<16xi32>,
    %get3A_270 = arith.constant 0 : i32
    %get3A_271 = arith.constant 0 : i32
    %get3A_272 = tpu.memref_slice %arg5[%get3A_270, %get3A_271] : memref<4x128xi32, #tpu.memory_space<vmem>> -> memref<1x128xi32, #tpu.memory_space<vmem>>
    %get3A_273 = tpu.memref_squeeze %get3A_272 : memref<1x128xi32, #tpu.memory_space<vmem>> -> memref<128xi32, #tpu.memory_space<vmem>>
    %get3A_274 = arith.constant 96 : index
    %get3A_275 = tpu.vector_load %get3A_273[%get3A_274] {strides = array<i32>} : memref<128xi32, #tpu.memory_space<vmem>>, vector<16xi32>,
    %shift_right_arithmetic3A_276 = arith.constant 4 : i32
    %shift_right_arithmetic3A_277 = vector.broadcast %shift_right_arithmetic3A_276 : i32 to vector<16xi32>
    %shift_right_arithmetic3A_278 = arith.shrsi %get3A_275, %shift_right_arithmetic3A_277 : vector<16xi32>
    %add3A_279 = arith.constant 0 : i32
    %add3A_280 = vector.broadcast %add3A_279 : i32 to vector<16xi32>
    %add3A_281 = arith.addi %shift_right_arithmetic3A_278, %add3A_280 : vector<16xi32>
    %swap3A_282 = arith.constant 0 : i32
    %swap3A_283 = arith.constant 0 : i32
    %swap3A_284 = tpu.memref_slice %arg6[%swap3A_282, %swap3A_283] : memref<16x128xi32, #tpu.memory_space<vmem>> -> memref<1x128xi32, #tpu.memory_space<vmem>>
    %swap3A_285 = tpu.memref_squeeze %swap3A_284 : memref<1x128xi32, #tpu.memory_space<vmem>> -> memref<128xi32, #tpu.memory_space<vmem>>
    %swap3A_286 = arith.constant 96 : index
    %swap3A_287 = tpu.vector_load %swap3A_285[%swap3A_286] {strides = array<i32>} : memref<128xi32, #tpu.memory_space<vmem>>, vector<16xi32>,
    tpu.vector_store %swap3A_285[%swap3A_286], %add3A_281 {strides = array<i32>} : memref<128xi32, #tpu.memory_space<vmem>>, vector<16xi32>,
    %add3A_288 = arith.constant 62500 : i32
    %add3A_289 = vector.broadcast %add3A_288 : i32 to vector<16xi32>
    %add3A_290 = arith.addi %shift_right_arithmetic3A_278, %add3A_289 : vector<16xi32>
    %swap3A_291 = arith.constant 1 : i32
    %swap3A_292 = arith.constant 0 : i32
    %swap3A_293 = tpu.memref_slice %arg6[%swap3A_291, %swap3A_292] : memref<16x128xi32, #tpu.memory_space<vmem>> -> memref<1x128xi32, #tpu.memory_space<vmem>>
    %swap3A_294 = tpu.memref_squeeze %swap3A_293 : memref<1x128xi32, #tpu.memory_space<vmem>> -> memref<128xi32, #tpu.memory_space<vmem>>
    %swap3A_295 = arith.constant 96 : index
    %swap3A_296 = tpu.vector_load %swap3A_294[%swap3A_295] {strides = array<i32>} : memref<128xi32, #tpu.memory_space<vmem>>, vector<16xi32>,
    tpu.vector_store %swap3A_294[%swap3A_295], %add3A_290 {strides = array<i32>} : memref<128xi32, #tpu.memory_space<vmem>>, vector<16xi32>,
    %add3A_297 = arith.constant 125000 : i32
    %add3A_298 = vector.broadcast %add3A_297 : i32 to vector<16xi32>
    %add3A_299 = arith.addi %shift_right_arithmetic3A_278, %add3A_298 : vector<16xi32>
    %swap3A_300 = arith.constant 2 : i32
    %swap3A_301 = arith.constant 0 : i32
    %swap3A_302 = tpu.memref_slice %arg6[%swap3A_300, %swap3A_301] : memref<16x128xi32, #tpu.memory_space<vmem>> -> memref<1x128xi32, #tpu.memory_space<vmem>>
    %swap3A_303 = tpu.memref_squeeze %swap3A_302 : memref<1x128xi32, #tpu.memory_space<vmem>> -> memref<128xi32, #tpu.memory_space<vmem>>
    %swap3A_304 = arith.constant 96 : index
    %swap3A_305 = tpu.vector_load %swap3A_303[%swap3A_304] {strides = array<i32>} : memref<128xi32, #tpu.memory_space<vmem>>, vector<16xi32>,
    tpu.vector_store %swap3A_303[%swap3A_304], %add3A_299 {strides = array<i32>} : memref<128xi32, #tpu.memory_space<vmem>>, vector<16xi32>,
    %add3A_306 = arith.constant 187500 : i32
    %add3A_307 = vector.broadcast %add3A_306 : i32 to vector<16xi32>
    %add3A_308 = arith.addi %shift_right_arithmetic3A_278, %add3A_307 : vector<16xi32>
    %swap3A_309 = arith.constant 3 : i32
    %swap3A_310 = arith.constant 0 : i32
    %swap3A_311 = tpu.memref_slice %arg6[%swap3A_309, %swap3A_310] : memref<16x128xi32, #tpu.memory_space<vmem>> -> memref<1x128xi32, #tpu.memory_space<vmem>>
    %swap3A_312 = tpu.memref_squeeze %swap3A_311 : memref<1x128xi32, #tpu.memory_space<vmem>> -> memref<128xi32, #tpu.memory_space<vmem>>
    %swap3A_313 = arith.constant 96 : index
    %swap3A_314 = tpu.vector_load %swap3A_312[%swap3A_313] {strides = array<i32>} : memref<128xi32, #tpu.memory_space<vmem>>, vector<16xi32>,
    tpu.vector_store %swap3A_312[%swap3A_313], %add3A_308 {strides = array<i32>} : memref<128xi32, #tpu.memory_space<vmem>>, vector<16xi32>,
    %get3A_315 = arith.constant 0 : i32
    %get3A_316 = arith.constant 0 : i32
    %get3A_317 = tpu.memref_slice %arg5[%get3A_315, %get3A_316] : memref<4x128xi32, #tpu.memory_space<vmem>> -> memref<1x128xi32, #tpu.memory_space<vmem>>
    %get3A_318 = tpu.memref_squeeze %get3A_317 : memref<1x128xi32, #tpu.memory_space<vmem>> -> memref<128xi32, #tpu.memory_space<vmem>>
    %get3A_319 = arith.constant 112 : index
    %get3A_320 = tpu.vector_load %get3A_318[%get3A_319] {strides = array<i32>} : memref<128xi32, #tpu.memory_space<vmem>>, vector<16xi32>,
    %shift_right_arithmetic3A_321 = arith.constant 4 : i32
    %shift_right_arithmetic3A_322 = vector.broadcast %shift_right_arithmetic3A_321 : i32 to vector<16xi32>
    %shift_right_arithmetic3A_323 = arith.shrsi %get3A_320, %shift_right_arithmetic3A_322 : vector<16xi32>
    %add3A_324 = arith.constant 0 : i32
    %add3A_325 = vector.broadcast %add3A_324 : i32 to vector<16xi32>
    %add3A_326 = arith.addi %shift_right_arithmetic3A_323, %add3A_325 : vector<16xi32>
    %swap3A_327 = arith.constant 0 : i32
    %swap3A_328 = arith.constant 0 : i32
    %swap3A_329 = tpu.memref_slice %arg6[%swap3A_327, %swap3A_328] : memref<16x128xi32, #tpu.memory_space<vmem>> -> memref<1x128xi32, #tpu.memory_space<vmem>>
    %swap3A_330 = tpu.memref_squeeze %swap3A_329 : memref<1x128xi32, #tpu.memory_space<vmem>> -> memref<128xi32, #tpu.memory_space<vmem>>
    %swap3A_331 = arith.constant 112 : index
    %swap3A_332 = tpu.vector_load %swap3A_330[%swap3A_331] {strides = array<i32>} : memref<128xi32, #tpu.memory_space<vmem>>, vector<16xi32>,
    tpu.vector_store %swap3A_330[%swap3A_331], %add3A_326 {strides = array<i32>} : memref<128xi32, #tpu.memory_space<vmem>>, vector<16xi32>,
    %add3A_333 = arith.constant 62500 : i32
    %add3A_334 = vector.broadcast %add3A_333 : i32 to vector<16xi32>
    %add3A_335 = arith.addi %shift_right_arithmetic3A_323, %add3A_334 : vector<16xi32>
    %swap3A_336 = arith.constant 1 : i32
    %swap3A_337 = arith.constant 0 : i32
    %swap3A_338 = tpu.memref_slice %arg6[%swap3A_336, %swap3A_337] : memref<16x128xi32, #tpu.memory_space<vmem>> -> memref<1x128xi32, #tpu.memory_space<vmem>>
    %swap3A_339 = tpu.memref_squeeze %swap3A_338 : memref<1x128xi32, #tpu.memory_space<vmem>> -> memref<128xi32, #tpu.memory_space<vmem>>
    %swap3A_340 = arith.constant 112 : index
    %swap3A_341 = tpu.vector_load %swap3A_339[%swap3A_340] {strides = array<i32>} : memref<128xi32, #tpu.memory_space<vmem>>, vector<16xi32>,
    tpu.vector_store %swap3A_339[%swap3A_340], %add3A_335 {strides = array<i32>} : memref<128xi32, #tpu.memory_space<vmem>>, vector<16xi32>,
    %add3A_342 = arith.constant 125000 : i32
    %add3A_343 = vector.broadcast %add3A_342 : i32 to vector<16xi32>
    %add3A_344 = arith.addi %shift_right_arithmetic3A_323, %add3A_343 : vector<16xi32>
    %swap3A_345 = arith.constant 2 : i32
    %swap3A_346 = arith.constant 0 : i32
    %swap3A_347 = tpu.memref_slice %arg6[%swap3A_345, %swap3A_346] : memref<16x128xi32, #tpu.memory_space<vmem>> -> memref<1x128xi32, #tpu.memory_space<vmem>>
    %swap3A_348 = tpu.memref_squeeze %swap3A_347 : memref<1x128xi32, #tpu.memory_space<vmem>> -> memref<128xi32, #tpu.memory_space<vmem>>
    %swap3A_349 = arith.constant 112 : index
    %swap3A_350 = tpu.vector_load %swap3A_348[%swap3A_349] {strides = array<i32>} : memref<128xi32, #tpu.memory_space<vmem>>, vector<16xi32>,
    tpu.vector_store %swap3A_348[%swap3A_349], %add3A_344 {strides = array<i32>} : memref<128xi32, #tpu.memory_space<vmem>>, vector<16xi32>,
    %add3A_351 = arith.constant 187500 : i32
    %add3A_352 = vector.broadcast %add3A_351 : i32 to vector<16xi32>
    %add3A_353 = arith.addi %shift_right_arithmetic3A_323, %add3A_352 : vector<16xi32>
    %swap3A_354 = arith.constant 3 : i32
    %swap3A_355 = arith.constant 0 : i32
    %swap3A_356 = tpu.memref_slice %arg6[%swap3A_354, %swap3A_355] : memref<16x128xi32, #tpu.memory_space<vmem>> -> memref<1x128xi32, #tpu.memory_space<vmem>>
    %swap3A_357 = tpu.memref_squeeze %swap3A_356 : memref<1x128xi32, #tpu.memory_space<vmem>> -> memref<128xi32, #tpu.memory_space<vmem>>
    %swap3A_358 = arith.constant 112 : index
    %swap3A_359 = tpu.vector_load %swap3A_357[%swap3A_358] {strides = array<i32>} : memref<128xi32, #tpu.memory_space<vmem>>, vector<16xi32>,
    tpu.vector_store %swap3A_357[%swap3A_358], %add3A_353 {strides = array<i32>} : memref<128xi32, #tpu.memory_space<vmem>>, vector<16xi32>,
    %get3A_360 = arith.constant 1 : i32
    %get3A_361 = arith.constant 0 : i32
    %get3A_362 = tpu.memref_slice %arg5[%get3A_360, %get3A_361] : memref<4x128xi32, #tpu.memory_space<vmem>> -> memref<1x128xi32, #tpu.memory_space<vmem>>
    %get3A_363 = tpu.memref_squeeze %get3A_362 : memref<1x128xi32, #tpu.memory_space<vmem>> -> memref<128xi32, #tpu.memory_space<vmem>>
    %get3A_364 = arith.constant 0 : index
    %get3A_365 = tpu.vector_load %get3A_363[%get3A_364] {strides = array<i32>} : memref<128xi32, #tpu.memory_space<vmem>>, vector<16xi32>,
    %shift_right_arithmetic3A_366 = arith.constant 4 : i32
    %shift_right_arithmetic3A_367 = vector.broadcast %shift_right_arithmetic3A_366 : i32 to vector<16xi32>
    %shift_right_arithmetic3A_368 = arith.shrsi %get3A_365, %shift_right_arithmetic3A_367 : vector<16xi32>
    %add3A_369 = arith.constant 0 : i32
    %add3A_370 = vector.broadcast %add3A_369 : i32 to vector<16xi32>
    %add3A_371 = arith.addi %shift_right_arithmetic3A_368, %add3A_370 : vector<16xi32>
    %swap3A_372 = arith.constant 4 : i32
    %swap3A_373 = arith.constant 0 : i32
    %swap3A_374 = tpu.memref_slice %arg6[%swap3A_372, %swap3A_373] : memref<16x128xi32, #tpu.memory_space<vmem>> -> memref<1x128xi32, #tpu.memory_space<vmem>>
    %swap3A_375 = tpu.memref_squeeze %swap3A_374 : memref<1x128xi32, #tpu.memory_space<vmem>> -> memref<128xi32, #tpu.memory_space<vmem>>
    %swap3A_376 = arith.constant 0 : index
    %swap3A_377 = tpu.vector_load %swap3A_375[%swap3A_376] {strides = array<i32>} : memref<128xi32, #tpu.memory_space<vmem>>, vector<16xi32>,
    tpu.vector_store %swap3A_375[%swap3A_376], %add3A_371 {strides = array<i32>} : memref<128xi32, #tpu.memory_space<vmem>>, vector<16xi32>,
    %add3A_378 = arith.constant 62500 : i32
    %add3A_379 = vector.broadcast %add3A_378 : i32 to vector<16xi32>
    %add3A_380 = arith.addi %shift_right_arithmetic3A_368, %add3A_379 : vector<16xi32>
    %swap3A_381 = arith.constant 5 : i32
    %swap3A_382 = arith.constant 0 : i32
    %swap3A_383 = tpu.memref_slice %arg6[%swap3A_381, %swap3A_382] : memref<16x128xi32, #tpu.memory_space<vmem>> -> memref<1x128xi32, #tpu.memory_space<vmem>>
    %swap3A_384 = tpu.memref_squeeze %swap3A_383 : memref<1x128xi32, #tpu.memory_space<vmem>> -> memref<128xi32, #tpu.memory_space<vmem>>
    %swap3A_385 = arith.constant 0 : index
    %swap3A_386 = tpu.vector_load %swap3A_384[%swap3A_385] {strides = array<i32>} : memref<128xi32, #tpu.memory_space<vmem>>, vector<16xi32>,
    tpu.vector_store %swap3A_384[%swap3A_385], %add3A_380 {strides = array<i32>} : memref<128xi32, #tpu.memory_space<vmem>>, vector<16xi32>,
    %add3A_387 = arith.constant 125000 : i32
    %add3A_388 = vector.broadcast %add3A_387 : i32 to vector<16xi32>
    %add3A_389 = arith.addi %shift_right_arithmetic3A_368, %add3A_388 : vector<16xi32>
    %swap3A_390 = arith.constant 6 : i32
    %swap3A_391 = arith.constant 0 : i32
    %swap3A_392 = tpu.memref_slice %arg6[%swap3A_390, %swap3A_391] : memref<16x128xi32, #tpu.memory_space<vmem>> -> memref<1x128xi32, #tpu.memory_space<vmem>>
    %swap3A_393 = tpu.memref_squeeze %swap3A_392 : memref<1x128xi32, #tpu.memory_space<vmem>> -> memref<128xi32, #tpu.memory_space<vmem>>
    %swap3A_394 = arith.constant 0 : index
    %swap3A_395 = tpu.vector_load %swap3A_393[%swap3A_394] {strides = array<i32>} : memref<128xi32, #tpu.memory_space<vmem>>, vector<16xi32>,
    tpu.vector_store %swap3A_393[%swap3A_394], %add3A_389 {strides = array<i32>} : memref<128xi32, #tpu.memory_space<vmem>>, vector<16xi32>,
    %add3A_396 = arith.constant 187500 : i32
    %add3A_397 = vector.broadcast %add3A_396 : i32 to vector<16xi32>
    %add3A_398 = arith.addi %shift_right_arithmetic3A_368, %add3A_397 : vector<16xi32>
    %swap3A_399 = arith.constant 7 : i32
    %swap3A_400 = arith.constant 0 : i32
    %swap3A_401 = tpu.memref_slice %arg6[%swap3A_399, %swap3A_400] : memref<16x128xi32, #tpu.memory_space<vmem>> -> memref<1x128xi32, #tpu.memory_space<vmem>>
    %swap3A_402 = tpu.memref_squeeze %swap3A_401 : memref<1x128xi32, #tpu.memory_space<vmem>> -> memref<128xi32, #tpu.memory_space<vmem>>
    %swap3A_403 = arith.constant 0 : index
    %swap3A_404 = tpu.vector_load %swap3A_402[%swap3A_403] {strides = array<i32>} : memref<128xi32, #tpu.memory_space<vmem>>, vector<16xi32>,
    tpu.vector_store %swap3A_402[%swap3A_403], %add3A_398 {strides = array<i32>} : memref<128xi32, #tpu.memory_space<vmem>>, vector<16xi32>,
    %get3A_405 = arith.constant 1 : i32
    %get3A_406 = arith.constant 0 : i32
    %get3A_407 = tpu.memref_slice %arg5[%get3A_405, %get3A_406] : memref<4x128xi32, #tpu.memory_space<vmem>> -> memref<1x128xi32, #tpu.memory_space<vmem>>
    %get3A_408 = tpu.memref_squeeze %get3A_407 : memref<1x128xi32, #tpu.memory_space<vmem>> -> memref<128xi32, #tpu.memory_space<vmem>>
    %get3A_409 = arith.constant 16 : index
    %get3A_410 = tpu.vector_load %get3A_408[%get3A_409] {strides = array<i32>} : memref<128xi32, #tpu.memory_space<vmem>>, vector<16xi32>,
    %shift_right_arithmetic3A_411 = arith.constant 4 : i32
    %shift_right_arithmetic3A_412 = vector.broadcast %shift_right_arithmetic3A_411 : i32 to vector<16xi32>
    %shift_right_arithmetic3A_413 = arith.shrsi %get3A_410, %shift_right_arithmetic3A_412 : vector<16xi32>
    %add3A_414 = arith.constant 0 : i32
    %add3A_415 = vector.broadcast %add3A_414 : i32 to vector<16xi32>
    %add3A_416 = arith.addi %shift_right_arithmetic3A_413, %add3A_415 : vector<16xi32>
    %swap3A_417 = arith.constant 4 : i32
    %swap3A_418 = arith.constant 0 : i32
    %swap3A_419 = tpu.memref_slice %arg6[%swap3A_417, %swap3A_418] : memref<16x128xi32, #tpu.memory_space<vmem>> -> memref<1x128xi32, #tpu.memory_space<vmem>>
    %swap3A_420 = tpu.memref_squeeze %swap3A_419 : memref<1x128xi32, #tpu.memory_space<vmem>> -> memref<128xi32, #tpu.memory_space<vmem>>
    %swap3A_421 = arith.constant 16 : index
    %swap3A_422 = tpu.vector_load %swap3A_420[%swap3A_421] {strides = array<i32>} : memref<128xi32, #tpu.memory_space<vmem>>, vector<16xi32>,
    tpu.vector_store %swap3A_420[%swap3A_421], %add3A_416 {strides = array<i32>} : memref<128xi32, #tpu.memory_space<vmem>>, vector<16xi32>,
    %add3A_423 = arith.constant 62500 : i32
    %add3A_424 = vector.broadcast %add3A_423 : i32 to vector<16xi32>
    %add3A_425 = arith.addi %shift_right_arithmetic3A_413, %add3A_424 : vector<16xi32>
    %swap3A_426 = arith.constant 5 : i32
    %swap3A_427 = arith.constant 0 : i32
    %swap3A_428 = tpu.memref_slice %arg6[%swap3A_426, %swap3A_427] : memref<16x128xi32, #tpu.memory_space<vmem>> -> memref<1x128xi32, #tpu.memory_space<vmem>>
    %swap3A_429 = tpu.memref_squeeze %swap3A_428 : memref<1x128xi32, #tpu.memory_space<vmem>> -> memref<128xi32, #tpu.memory_space<vmem>>
    %swap3A_430 = arith.constant 16 : index
    %swap3A_431 = tpu.vector_load %swap3A_429[%swap3A_430] {strides = array<i32>} : memref<128xi32, #tpu.memory_space<vmem>>, vector<16xi32>,
    tpu.vector_store %swap3A_429[%swap3A_430], %add3A_425 {strides = array<i32>} : memref<128xi32, #tpu.memory_space<vmem>>, vector<16xi32>,
    %add3A_432 = arith.constant 125000 : i32
    %add3A_433 = vector.broadcast %add3A_432 : i32 to vector<16xi32>
    %add3A_434 = arith.addi %shift_right_arithmetic3A_413, %add3A_433 : vector<16xi32>
    %swap3A_435 = arith.constant 6 : i32
    %swap3A_436 = arith.constant 0 : i32
    %swap3A_437 = tpu.memref_slice %arg6[%swap3A_435, %swap3A_436] : memref<16x128xi32, #tpu.memory_space<vmem>> -> memref<1x128xi32, #tpu.memory_space<vmem>>
    %swap3A_438 = tpu.memref_squeeze %swap3A_437 : memref<1x128xi32, #tpu.memory_space<vmem>> -> memref<128xi32, #tpu.memory_space<vmem>>
    %swap3A_439 = arith.constant 16 : index
    %swap3A_440 = tpu.vector_load %swap3A_438[%swap3A_439] {strides = array<i32>} : memref<128xi32, #tpu.memory_space<vmem>>, vector<16xi32>,
    tpu.vector_store %swap3A_438[%swap3A_439], %add3A_434 {strides = array<i32>} : memref<128xi32, #tpu.memory_space<vmem>>, vector<16xi32>,
    %add3A_441 = arith.constant 187500 : i32
    %add3A_442 = vector.broadcast %add3A_441 : i32 to vector<16xi32>
    %add3A_443 = arith.addi %shift_right_arithmetic3A_413, %add3A_442 : vector<16xi32>
    %swap3A_444 = arith.constant 7 : i32
    %swap3A_445 = arith.constant 0 : i32
    %swap3A_446 = tpu.memref_slice %arg6[%swap3A_444, %swap3A_445] : memref<16x128xi32, #tpu.memory_space<vmem>> -> memref<1x128xi32, #tpu.memory_space<vmem>>
    %swap3A_447 = tpu.memref_squeeze %swap3A_446 : memref<1x128xi32, #tpu.memory_space<vmem>> -> memref<128xi32, #tpu.memory_space<vmem>>
    %swap3A_448 = arith.constant 16 : index
    %swap3A_449 = tpu.vector_load %swap3A_447[%swap3A_448] {strides = array<i32>} : memref<128xi32, #tpu.memory_space<vmem>>, vector<16xi32>,
    tpu.vector_store %swap3A_447[%swap3A_448], %add3A_443 {strides = array<i32>} : memref<128xi32, #tpu.memory_space<vmem>>, vector<16xi32>,
    %get3A_450 = arith.constant 1 : i32
    %get3A_451 = arith.constant 0 : i32
    %get3A_452 = tpu.memref_slice %arg5[%get3A_450, %get3A_451] : memref<4x128xi32, #tpu.memory_space<vmem>> -> memref<1x128xi32, #tpu.memory_space<vmem>>
    %get3A_453 = tpu.memref_squeeze %get3A_452 : memref<1x128xi32, #tpu.memory_space<vmem>> -> memref<128xi32, #tpu.memory_space<vmem>>
    %get3A_454 = arith.constant 32 : index
    %get3A_455 = tpu.vector_load %get3A_453[%get3A_454] {strides = array<i32>} : memref<128xi32, #tpu.memory_space<vmem>>, vector<16xi32>,
    %shift_right_arithmetic3A_456 = arith.constant 4 : i32
    %shift_right_arithmetic3A_457 = vector.broadcast %shift_right_arithmetic3A_456 : i32 to vector<16xi32>
    %shift_right_arithmetic3A_458 = arith.shrsi %get3A_455, %shift_right_arithmetic3A_457 : vector<16xi32>
    %add3A_459 = arith.constant 0 : i32
    %add3A_460 = vector.broadcast %add3A_459 : i32 to vector<16xi32>
    %add3A_461 = arith.addi %shift_right_arithmetic3A_458, %add3A_460 : vector<16xi32>
    %swap3A_462 = arith.constant 4 : i32
    %swap3A_463 = arith.constant 0 : i32
    %swap3A_464 = tpu.memref_slice %arg6[%swap3A_462, %swap3A_463] : memref<16x128xi32, #tpu.memory_space<vmem>> -> memref<1x128xi32, #tpu.memory_space<vmem>>
    %swap3A_465 = tpu.memref_squeeze %swap3A_464 : memref<1x128xi32, #tpu.memory_space<vmem>> -> memref<128xi32, #tpu.memory_space<vmem>>
    %swap3A_466 = arith.constant 32 : index
    %swap3A_467 = tpu.vector_load %swap3A_465[%swap3A_466] {strides = array<i32>} : memref<128xi32, #tpu.memory_space<vmem>>, vector<16xi32>,
    tpu.vector_store %swap3A_465[%swap3A_466], %add3A_461 {strides = array<i32>} : memref<128xi32, #tpu.memory_space<vmem>>, vector<16xi32>,
    %add3A_468 = arith.constant 62500 : i32
    %add3A_469 = vector.broadcast %add3A_468 : i32 to vector<16xi32>
    %add3A_470 = arith.addi %shift_right_arithmetic3A_458, %add3A_469 : vector<16xi32>
    %swap3A_471 = arith.constant 5 : i32
    %swap3A_472 = arith.constant 0 : i32
    %swap3A_473 = tpu.memref_slice %arg6[%swap3A_471, %swap3A_472] : memref<16x128xi32, #tpu.memory_space<vmem>> -> memref<1x128xi32, #tpu.memory_space<vmem>>
    %swap3A_474 = tpu.memref_squeeze %swap3A_473 : memref<1x128xi32, #tpu.memory_space<vmem>> -> memref<128xi32, #tpu.memory_space<vmem>>
    %swap3A_475 = arith.constant 32 : index
    %swap3A_476 = tpu.vector_load %swap3A_474[%swap3A_475] {strides = array<i32>} : memref<128xi32, #tpu.memory_space<vmem>>, vector<16xi32>,
    tpu.vector_store %swap3A_474[%swap3A_475], %add3A_470 {strides = array<i32>} : memref<128xi32, #tpu.memory_space<vmem>>, vector<16xi32>,
    %add3A_477 = arith.constant 125000 : i32
    %add3A_478 = vector.broadcast %add3A_477 : i32 to vector<16xi32>
    %add3A_479 = arith.addi %shift_right_arithmetic3A_458, %add3A_478 : vector<16xi32>
    %swap3A_480 = arith.constant 6 : i32
    %swap3A_481 = arith.constant 0 : i32
    %swap3A_482 = tpu.memref_slice %arg6[%swap3A_480, %swap3A_481] : memref<16x128xi32, #tpu.memory_space<vmem>> -> memref<1x128xi32, #tpu.memory_space<vmem>>
    %swap3A_483 = tpu.memref_squeeze %swap3A_482 : memref<1x128xi32, #tpu.memory_space<vmem>> -> memref<128xi32, #tpu.memory_space<vmem>>
    %swap3A_484 = arith.constant 32 : index
    %swap3A_485 = tpu.vector_load %swap3A_483[%swap3A_484] {strides = array<i32>} : memref<128xi32, #tpu.memory_space<vmem>>, vector<16xi32>,
    tpu.vector_store %swap3A_483[%swap3A_484], %add3A_479 {strides = array<i32>} : memref<128xi32, #tpu.memory_space<vmem>>, vector<16xi32>,
    %add3A_486 = arith.constant 187500 : i32
    %add3A_487 = vector.broadcast %add3A_486 : i32 to vector<16xi32>
    %add3A_488 = arith.addi %shift_right_arithmetic3A_458, %add3A_487 : vector<16xi32>
    %swap3A_489 = arith.constant 7 : i32
    %swap3A_490 = arith.constant 0 : i32
    %swap3A_491 = tpu.memref_slice %arg6[%swap3A_489, %swap3A_490] : memref<16x128xi32, #tpu.memory_space<vmem>> -> memref<1x128xi32, #tpu.memory_space<vmem>>
    %swap3A_492 = tpu.memref_squeeze %swap3A_491 : memref<1x128xi32, #tpu.memory_space<vmem>> -> memref<128xi32, #tpu.memory_space<vmem>>
    %swap3A_493 = arith.constant 32 : index
    %swap3A_494 = tpu.vector_load %swap3A_492[%swap3A_493] {strides = array<i32>} : memref<128xi32, #tpu.memory_space<vmem>>, vector<16xi32>,
    tpu.vector_store %swap3A_492[%swap3A_493], %add3A_488 {strides = array<i32>} : memref<128xi32, #tpu.memory_space<vmem>>, vector<16xi32>,
    %get3A_495 = arith.constant 1 : i32
    %get3A_496 = arith.constant 0 : i32
    %get3A_497 = tpu.memref_slice %arg5[%get3A_495, %get3A_496] : memref<4x128xi32, #tpu.memory_space<vmem>> -> memref<1x128xi32, #tpu.memory_space<vmem>>
    %get3A_498 = tpu.memref_squeeze %get3A_497 : memref<1x128xi32, #tpu.memory_space<vmem>> -> memref<128xi32, #tpu.memory_space<vmem>>
    %get3A_499 = arith.constant 48 : index
    %get3A_500 = tpu.vector_load %get3A_498[%get3A_499] {strides = array<i32>} : memref<128xi32, #tpu.memory_space<vmem>>, vector<16xi32>,
    %shift_right_arithmetic3A_501 = arith.constant 4 : i32
    %shift_right_arithmetic3A_502 = vector.broadcast %shift_right_arithmetic3A_501 : i32 to vector<16xi32>
    %shift_right_arithmetic3A_503 = arith.shrsi %get3A_500, %shift_right_arithmetic3A_502 : vector<16xi32>
    %add3A_504 = arith.constant 0 : i32
    %add3A_505 = vector.broadcast %add3A_504 : i32 to vector<16xi32>
    %add3A_506 = arith.addi %shift_right_arithmetic3A_503, %add3A_505 : vector<16xi32>
    %swap3A_507 = arith.constant 4 : i32
    %swap3A_508 = arith.constant 0 : i32
    %swap3A_509 = tpu.memref_slice %arg6[%swap3A_507, %swap3A_508] : memref<16x128xi32, #tpu.memory_space<vmem>> -> memref<1x128xi32, #tpu.memory_space<vmem>>
    %swap3A_510 = tpu.memref_squeeze %swap3A_509 : memref<1x128xi32, #tpu.memory_space<vmem>> -> memref<128xi32, #tpu.memory_space<vmem>>
    %swap3A_511 = arith.constant 48 : index
    %swap3A_512 = tpu.vector_load %swap3A_510[%swap3A_511] {strides = array<i32>} : memref<128xi32, #tpu.memory_space<vmem>>, vector<16xi32>,
    tpu.vector_store %swap3A_510[%swap3A_511], %add3A_506 {strides = array<i32>} : memref<128xi32, #tpu.memory_space<vmem>>, vector<16xi32>,
    %add3A_513 = arith.constant 62500 : i32
    %add3A_514 = vector.broadcast %add3A_513 : i32 to vector<16xi32>
    %add3A_515 = arith.addi %shift_right_arithmetic3A_503, %add3A_514 : vector<16xi32>
    %swap3A_516 = arith.constant 5 : i32
    %swap3A_517 = arith.constant 0 : i32
    %swap3A_518 = tpu.memref_slice %arg6[%swap3A_516, %swap3A_517] : memref<16x128xi32, #tpu.memory_space<vmem>> -> memref<1x128xi32, #tpu.memory_space<vmem>>
    %swap3A_519 = tpu.memref_squeeze %swap3A_518 : memref<1x128xi32, #tpu.memory_space<vmem>> -> memref<128xi32, #tpu.memory_space<vmem>>
    %swap3A_520 = arith.constant 48 : index
    %swap3A_521 = tpu.vector_load %swap3A_519[%swap3A_520] {strides = array<i32>} : memref<128xi32, #tpu.memory_space<vmem>>, vector<16xi32>,
    tpu.vector_store %swap3A_519[%swap3A_520], %add3A_515 {strides = array<i32>} : memref<128xi32, #tpu.memory_space<vmem>>, vector<16xi32>,
    %add3A_522 = arith.constant 125000 : i32
    %add3A_523 = vector.broadcast %add3A_522 : i32 to vector<16xi32>
    %add3A_524 = arith.addi %shift_right_arithmetic3A_503, %add3A_523 : vector<16xi32>
    %swap3A_525 = arith.constant 6 : i32
    %swap3A_526 = arith.constant 0 : i32
    %swap3A_527 = tpu.memref_slice %arg6[%swap3A_525, %swap3A_526] : memref<16x128xi32, #tpu.memory_space<vmem>> -> memref<1x128xi32, #tpu.memory_space<vmem>>
    %swap3A_528 = tpu.memref_squeeze %swap3A_527 : memref<1x128xi32, #tpu.memory_space<vmem>> -> memref<128xi32, #tpu.memory_space<vmem>>
    %swap3A_529 = arith.constant 48 : index
    %swap3A_530 = tpu.vector_load %swap3A_528[%swap3A_529] {strides = array<i32>} : memref<128xi32, #tpu.memory_space<vmem>>, vector<16xi32>,
    tpu.vector_store %swap3A_528[%swap3A_529], %add3A_524 {strides = array<i32>} : memref<128xi32, #tpu.memory_space<vmem>>, vector<16xi32>,
    %add3A_531 = arith.constant 187500 : i32
    %add3A_532 = vector.broadcast %add3A_531 : i32 to vector<16xi32>
    %add3A_533 = arith.addi %shift_right_arithmetic3A_503, %add3A_532 : vector<16xi32>
    %swap3A_534 = arith.constant 7 : i32
    %swap3A_535 = arith.constant 0 : i32
    %swap3A_536 = tpu.memref_slice %arg6[%swap3A_534, %swap3A_535] : memref<16x128xi32, #tpu.memory_space<vmem>> -> memref<1x128xi32, #tpu.memory_space<vmem>>
    %swap3A_537 = tpu.memref_squeeze %swap3A_536 : memref<1x128xi32, #tpu.memory_space<vmem>> -> memref<128xi32, #tpu.memory_space<vmem>>
    %swap3A_538 = arith.constant 48 : index
    %swap3A_539 = tpu.vector_load %swap3A_537[%swap3A_538] {strides = array<i32>} : memref<128xi32, #tpu.memory_space<vmem>>, vector<16xi32>,
    tpu.vector_store %swap3A_537[%swap3A_538], %add3A_533 {strides = array<i32>} : memref<128xi32, #tpu.memory_space<vmem>>, vector<16xi32>,
    %get3A_540 = arith.constant 1 : i32
    %get3A_541 = arith.constant 0 : i32
    %get3A_542 = tpu.memref_slice %arg5[%get3A_540, %get3A_541] : memref<4x128xi32, #tpu.memory_space<vmem>> -> memref<1x128xi32, #tpu.memory_space<vmem>>
    %get3A_543 = tpu.memref_squeeze %get3A_542 : memref<1x128xi32, #tpu.memory_space<vmem>> -> memref<128xi32, #tpu.memory_space<vmem>>
    %get3A_544 = arith.constant 64 : index
    %get3A_545 = tpu.vector_load %get3A_543[%get3A_544] {strides = array<i32>} : memref<128xi32, #tpu.memory_space<vmem>>, vector<16xi32>,
    %shift_right_arithmetic3A_546 = arith.constant 4 : i32
    %shift_right_arithmetic3A_547 = vector.broadcast %shift_right_arithmetic3A_546 : i32 to vector<16xi32>
    %shift_right_arithmetic3A_548 = arith.shrsi %get3A_545, %shift_right_arithmetic3A_547 : vector<16xi32>
    %add3A_549 = arith.constant 0 : i32
    %add3A_550 = vector.broadcast %add3A_549 : i32 to vector<16xi32>
    %add3A_551 = arith.addi %shift_right_arithmetic3A_548, %add3A_550 : vector<16xi32>
    %swap3A_552 = arith.constant 4 : i32
    %swap3A_553 = arith.constant 0 : i32
    %swap3A_554 = tpu.memref_slice %arg6[%swap3A_552, %swap3A_553] : memref<16x128xi32, #tpu.memory_space<vmem>> -> memref<1x128xi32, #tpu.memory_space<vmem>>
    %swap3A_555 = tpu.memref_squeeze %swap3A_554 : memref<1x128xi32, #tpu.memory_space<vmem>> -> memref<128xi32, #tpu.memory_space<vmem>>
    %swap3A_556 = arith.constant 64 : index
    %swap3A_557 = tpu.vector_load %swap3A_555[%swap3A_556] {strides = array<i32>} : memref<128xi32, #tpu.memory_space<vmem>>, vector<16xi32>,
    tpu.vector_store %swap3A_555[%swap3A_556], %add3A_551 {strides = array<i32>} : memref<128xi32, #tpu.memory_space<vmem>>, vector<16xi32>,
    %add3A_558 = arith.constant 62500 : i32
    %add3A_559 = vector.broadcast %add3A_558 : i32 to vector<16xi32>
    %add3A_560 = arith.addi %shift_right_arithmetic3A_548, %add3A_559 : vector<16xi32>
    %swap3A_561 = arith.constant 5 : i32
    %swap3A_562 = arith.constant 0 : i32
    %swap3A_563 = tpu.memref_slice %arg6[%swap3A_561, %swap3A_562] : memref<16x128xi32, #tpu.memory_space<vmem>> -> memref<1x128xi32, #tpu.memory_space<vmem>>
    %swap3A_564 = tpu.memref_squeeze %swap3A_563 : memref<1x128xi32, #tpu.memory_space<vmem>> -> memref<128xi32, #tpu.memory_space<vmem>>
    %swap3A_565 = arith.constant 64 : index
    %swap3A_566 = tpu.vector_load %swap3A_564[%swap3A_565] {strides = array<i32>} : memref<128xi32, #tpu.memory_space<vmem>>, vector<16xi32>,
    tpu.vector_store %swap3A_564[%swap3A_565], %add3A_560 {strides = array<i32>} : memref<128xi32, #tpu.memory_space<vmem>>, vector<16xi32>,
    %add3A_567 = arith.constant 125000 : i32
    %add3A_568 = vector.broadcast %add3A_567 : i32 to vector<16xi32>
    %add3A_569 = arith.addi %shift_right_arithmetic3A_548, %add3A_568 : vector<16xi32>
    %swap3A_570 = arith.constant 6 : i32
    %swap3A_571 = arith.constant 0 : i32
    %swap3A_572 = tpu.memref_slice %arg6[%swap3A_570, %swap3A_571] : memref<16x128xi32, #tpu.memory_space<vmem>> -> memref<1x128xi32, #tpu.memory_space<vmem>>
    %swap3A_573 = tpu.memref_squeeze %swap3A_572 : memref<1x128xi32, #tpu.memory_space<vmem>> -> memref<128xi32, #tpu.memory_space<vmem>>
    %swap3A_574 = arith.constant 64 : index
    %swap3A_575 = tpu.vector_load %swap3A_573[%swap3A_574] {strides = array<i32>} : memref<128xi32, #tpu.memory_space<vmem>>, vector<16xi32>,
    tpu.vector_store %swap3A_573[%swap3A_574], %add3A_569 {strides = array<i32>} : memref<128xi32, #tpu.memory_space<vmem>>, vector<16xi32>,
    %add3A_576 = arith.constant 187500 : i32
    %add3A_577 = vector.broadcast %add3A_576 : i32 to vector<16xi32>
    %add3A_578 = arith.addi %shift_right_arithmetic3A_548, %add3A_577 : vector<16xi32>
    %swap3A_579 = arith.constant 7 : i32
    %swap3A_580 = arith.constant 0 : i32
    %swap3A_581 = tpu.memref_slice %arg6[%swap3A_579, %swap3A_580] : memref<16x128xi32, #tpu.memory_space<vmem>> -> memref<1x128xi32, #tpu.memory_space<vmem>>
    %swap3A_582 = tpu.memref_squeeze %swap3A_581 : memref<1x128xi32, #tpu.memory_space<vmem>> -> memref<128xi32, #tpu.memory_space<vmem>>
    %swap3A_583 = arith.constant 64 : index
    %swap3A_584 = tpu.vector_load %swap3A_582[%swap3A_583] {strides = array<i32>} : memref<128xi32, #tpu.memory_space<vmem>>, vector<16xi32>,
    tpu.vector_store %swap3A_582[%swap3A_583], %add3A_578 {strides = array<i32>} : memref<128xi32, #tpu.memory_space<vmem>>, vector<16xi32>,
    %get3A_585 = arith.constant 1 : i32
    %get3A_586 = arith.constant 0 : i32
    %get3A_587 = tpu.memref_slice %arg5[%get3A_585, %get3A_586] : memref<4x128xi32, #tpu.memory_space<vmem>> -> memref<1x128xi32, #tpu.memory_space<vmem>>
    %get3A_588 = tpu.memref_squeeze %get3A_587 : memref<1x128xi32, #tpu.memory_space<vmem>> -> memref<128xi32, #tpu.memory_space<vmem>>
    %get3A_589 = arith.constant 80 : index
    %get3A_590 = tpu.vector_load %get3A_588[%get3A_589] {strides = array<i32>} : memref<128xi32, #tpu.memory_space<vmem>>, vector<16xi32>,
    %shift_right_arithmetic3A_591 = arith.constant 4 : i32
    %shift_right_arithmetic3A_592 = vector.broadcast %shift_right_arithmetic3A_591 : i32 to vector<16xi32>
    %shift_right_arithmetic3A_593 = arith.shrsi %get3A_590, %shift_right_arithmetic3A_592 : vector<16xi32>
    %add3A_594 = arith.constant 0 : i32
    %add3A_595 = vector.broadcast %add3A_594 : i32 to vector<16xi32>
    %add3A_596 = arith.addi %shift_right_arithmetic3A_593, %add3A_595 : vector<16xi32>
    %swap3A_597 = arith.constant 4 : i32
    %swap3A_598 = arith.constant 0 : i32
    %swap3A_599 = tpu.memref_slice %arg6[%swap3A_597, %swap3A_598] : memref<16x128xi32, #tpu.memory_space<vmem>> -> memref<1x128xi32, #tpu.memory_space<vmem>>
    %swap3A_600 = tpu.memref_squeeze %swap3A_599 : memref<1x128xi32, #tpu.memory_space<vmem>> -> memref<128xi32, #tpu.memory_space<vmem>>
    %swap3A_601 = arith.constant 80 : index
    %swap3A_602 = tpu.vector_load %swap3A_600[%swap3A_601] {strides = array<i32>} : memref<128xi32, #tpu.memory_space<vmem>>, vector<16xi32>,
    tpu.vector_store %swap3A_600[%swap3A_601], %add3A_596 {strides = array<i32>} : memref<128xi32, #tpu.memory_space<vmem>>, vector<16xi32>,
    %add3A_603 = arith.constant 62500 : i32
    %add3A_604 = vector.broadcast %add3A_603 : i32 to vector<16xi32>
    %add3A_605 = arith.addi %shift_right_arithmetic3A_593, %add3A_604 : vector<16xi32>
    %swap3A_606 = arith.constant 5 : i32
    %swap3A_607 = arith.constant 0 : i32
    %swap3A_608 = tpu.memref_slice %arg6[%swap3A_606, %swap3A_607] : memref<16x128xi32, #tpu.memory_space<vmem>> -> memref<1x128xi32, #tpu.memory_space<vmem>>
    %swap3A_609 = tpu.memref_squeeze %swap3A_608 : memref<1x128xi32, #tpu.memory_space<vmem>> -> memref<128xi32, #tpu.memory_space<vmem>>
    %swap3A_610 = arith.constant 80 : index
    %swap3A_611 = tpu.vector_load %swap3A_609[%swap3A_610] {strides = array<i32>} : memref<128xi32, #tpu.memory_space<vmem>>, vector<16xi32>,
    tpu.vector_store %swap3A_609[%swap3A_610], %add3A_605 {strides = array<i32>} : memref<128xi32, #tpu.memory_space<vmem>>, vector<16xi32>,
    %add3A_612 = arith.constant 125000 : i32
    %add3A_613 = vector.broadcast %add3A_612 : i32 to vector<16xi32>
    %add3A_614 = arith.addi %shift_right_arithmetic3A_593, %add3A_613 : vector<16xi32>
    %swap3A_615 = arith.constant 6 : i32
    %swap3A_616 = arith.constant 0 : i32
    %swap3A_617 = tpu.memref_slice %arg6[%swap3A_615, %swap3A_616] : memref<16x128xi32, #tpu.memory_space<vmem>> -> memref<1x128xi32, #tpu.memory_space<vmem>>
    %swap3A_618 = tpu.memref_squeeze %swap3A_617 : memref<1x128xi32, #tpu.memory_space<vmem>> -> memref<128xi32, #tpu.memory_space<vmem>>
    %swap3A_619 = arith.constant 80 : index
    %swap3A_620 = tpu.vector_load %swap3A_618[%swap3A_619] {strides = array<i32>} : memref<128xi32, #tpu.memory_space<vmem>>, vector<16xi32>,
    tpu.vector_store %swap3A_618[%swap3A_619], %add3A_614 {strides = array<i32>} : memref<128xi32, #tpu.memory_space<vmem>>, vector<16xi32>,
    %add3A_621 = arith.constant 187500 : i32
    %add3A_622 = vector.broadcast %add3A_621 : i32 to vector<16xi32>
    %add3A_623 = arith.addi %shift_right_arithmetic3A_593, %add3A_622 : vector<16xi32>
    %swap3A_624 = arith.constant 7 : i32
    %swap3A_625 = arith.constant 0 : i32
    %swap3A_626 = tpu.memref_slice %arg6[%swap3A_624, %swap3A_625] : memref<16x128xi32, #tpu.memory_space<vmem>> -> memref<1x128xi32, #tpu.memory_space<vmem>>
    %swap3A_627 = tpu.memref_squeeze %swap3A_626 : memref<1x128xi32, #tpu.memory_space<vmem>> -> memref<128xi32, #tpu.memory_space<vmem>>
    %swap3A_628 = arith.constant 80 : index
    %swap3A_629 = tpu.vector_load %swap3A_627[%swap3A_628] {strides = array<i32>} : memref<128xi32, #tpu.memory_space<vmem>>, vector<16xi32>,
    tpu.vector_store %swap3A_627[%swap3A_628], %add3A_623 {strides = array<i32>} : memref<128xi32, #tpu.memory_space<vmem>>, vector<16xi32>,
    %get3A_630 = arith.constant 1 : i32
    %get3A_631 = arith.constant 0 : i32
    %get3A_632 = tpu.memref_slice %arg5[%get3A_630, %get3A_631] : memref<4x128xi32, #tpu.memory_space<vmem>> -> memref<1x128xi32, #tpu.memory_space<vmem>>
    %get3A_633 = tpu.memref_squeeze %get3A_632 : memref<1x128xi32, #tpu.memory_space<vmem>> -> memref<128xi32, #tpu.memory_space<vmem>>
    %get3A_634 = arith.constant 96 : index
    %get3A_635 = tpu.vector_load %get3A_633[%get3A_634] {strides = array<i32>} : memref<128xi32, #tpu.memory_space<vmem>>, vector<16xi32>,
    %shift_right_arithmetic3A_636 = arith.constant 4 : i32
    %shift_right_arithmetic3A_637 = vector.broadcast %shift_right_arithmetic3A_636 : i32 to vector<16xi32>
    %shift_right_arithmetic3A_638 = arith.shrsi %get3A_635, %shift_right_arithmetic3A_637 : vector<16xi32>
    %add3A_639 = arith.constant 0 : i32
    %add3A_640 = vector.broadcast %add3A_639 : i32 to vector<16xi32>
    %add3A_641 = arith.addi %shift_right_arithmetic3A_638, %add3A_640 : vector<16xi32>
    %swap3A_642 = arith.constant 4 : i32
    %swap3A_643 = arith.constant 0 : i32
    %swap3A_644 = tpu.memref_slice %arg6[%swap3A_642, %swap3A_643] : memref<16x128xi32, #tpu.memory_space<vmem>> -> memref<1x128xi32, #tpu.memory_space<vmem>>
    %swap3A_645 = tpu.memref_squeeze %swap3A_644 : memref<1x128xi32, #tpu.memory_space<vmem>> -> memref<128xi32, #tpu.memory_space<vmem>>
    %swap3A_646 = arith.constant 96 : index
    %swap3A_647 = tpu.vector_load %swap3A_645[%swap3A_646] {strides = array<i32>} : memref<128xi32, #tpu.memory_space<vmem>>, vector<16xi32>,
    tpu.vector_store %swap3A_645[%swap3A_646], %add3A_641 {strides = array<i32>} : memref<128xi32, #tpu.memory_space<vmem>>, vector<16xi32>,
    %add3A_648 = arith.constant 62500 : i32
    %add3A_649 = vector.broadcast %add3A_648 : i32 to vector<16xi32>
    %add3A_650 = arith.addi %shift_right_arithmetic3A_638, %add3A_649 : vector<16xi32>
    %swap3A_651 = arith.constant 5 : i32
    %swap3A_652 = arith.constant 0 : i32
    %swap3A_653 = tpu.memref_slice %arg6[%swap3A_651, %swap3A_652] : memref<16x128xi32, #tpu.memory_space<vmem>> -> memref<1x128xi32, #tpu.memory_space<vmem>>
    %swap3A_654 = tpu.memref_squeeze %swap3A_653 : memref<1x128xi32, #tpu.memory_space<vmem>> -> memref<128xi32, #tpu.memory_space<vmem>>
    %swap3A_655 = arith.constant 96 : index
    %swap3A_656 = tpu.vector_load %swap3A_654[%swap3A_655] {strides = array<i32>} : memref<128xi32, #tpu.memory_space<vmem>>, vector<16xi32>,
    tpu.vector_store %swap3A_654[%swap3A_655], %add3A_650 {strides = array<i32>} : memref<128xi32, #tpu.memory_space<vmem>>, vector<16xi32>,
    %add3A_657 = arith.constant 125000 : i32
    %add3A_658 = vector.broadcast %add3A_657 : i32 to vector<16xi32>
    %add3A_659 = arith.addi %shift_right_arithmetic3A_638, %add3A_658 : vector<16xi32>
    %swap3A_660 = arith.constant 6 : i32
    %swap3A_661 = arith.constant 0 : i32
    %swap3A_662 = tpu.memref_slice %arg6[%swap3A_660, %swap3A_661] : memref<16x128xi32, #tpu.memory_space<vmem>> -> memref<1x128xi32, #tpu.memory_space<vmem>>
    %swap3A_663 = tpu.memref_squeeze %swap3A_662 : memref<1x128xi32, #tpu.memory_space<vmem>> -> memref<128xi32, #tpu.memory_space<vmem>>
    %swap3A_664 = arith.constant 96 : index
    %swap3A_665 = tpu.vector_load %swap3A_663[%swap3A_664] {strides = array<i32>} : memref<128xi32, #tpu.memory_space<vmem>>, vector<16xi32>,
    tpu.vector_store %swap3A_663[%swap3A_664], %add3A_659 {strides = array<i32>} : memref<128xi32, #tpu.memory_space<vmem>>, vector<16xi32>,
    %add3A_666 = arith.constant 187500 : i32
    %add3A_667 = vector.broadcast %add3A_666 : i32 to vector<16xi32>
    %add3A_668 = arith.addi %shift_right_arithmetic3A_638, %add3A_667 : vector<16xi32>
    %swap3A_669 = arith.constant 7 : i32
    %swap3A_670 = arith.constant 0 : i32
    %swap3A_671 = tpu.memref_slice %arg6[%swap3A_669, %swap3A_670] : memref<16x128xi32, #tpu.memory_space<vmem>> -> memref<1x128xi32, #tpu.memory_space<vmem>>
    %swap3A_672 = tpu.memref_squeeze %swap3A_671 : memref<1x128xi32, #tpu.memory_space<vmem>> -> memref<128xi32, #tpu.memory_space<vmem>>
    %swap3A_673 = arith.constant 96 : index
    %swap3A_674 = tpu.vector_load %swap3A_672[%swap3A_673] {strides = array<i32>} : memref<128xi32, #tpu.memory_space<vmem>>, vector<16xi32>,
    tpu.vector_store %swap3A_672[%swap3A_673], %add3A_668 {strides = array<i32>} : memref<128xi32, #tpu.memory_space<vmem>>, vector<16xi32>,
    %get3A_675 = arith.constant 1 : i32
    %get3A_676 = arith.constant 0 : i32
    %get3A_677 = tpu.memref_slice %arg5[%get3A_675, %get3A_676] : memref<4x128xi32, #tpu.memory_space<vmem>> -> memref<1x128xi32, #tpu.memory_space<vmem>>
    %get3A_678 = tpu.memref_squeeze %get3A_677 : memref<1x128xi32, #tpu.memory_space<vmem>> -> memref<128xi32, #tpu.memory_space<vmem>>
    %get3A_679 = arith.constant 112 : index
    %get3A_680 = tpu.vector_load %get3A_678[%get3A_679] {strides = array<i32>} : memref<128xi32, #tpu.memory_space<vmem>>, vector<16xi32>,
    %shift_right_arithmetic3A_681 = arith.constant 4 : i32
    %shift_right_arithmetic3A_682 = vector.broadcast %shift_right_arithmetic3A_681 : i32 to vector<16xi32>
    %shift_right_arithmetic3A_683 = arith.shrsi %get3A_680, %shift_right_arithmetic3A_682 : vector<16xi32>
    %add3A_684 = arith.constant 0 : i32
    %add3A_685 = vector.broadcast %add3A_684 : i32 to vector<16xi32>
    %add3A_686 = arith.addi %shift_right_arithmetic3A_683, %add3A_685 : vector<16xi32>
    %swap3A_687 = arith.constant 4 : i32
    %swap3A_688 = arith.constant 0 : i32
    %swap3A_689 = tpu.memref_slice %arg6[%swap3A_687, %swap3A_688] : memref<16x128xi32, #tpu.memory_space<vmem>> -> memref<1x128xi32, #tpu.memory_space<vmem>>
    %swap3A_690 = tpu.memref_squeeze %swap3A_689 : memref<1x128xi32, #tpu.memory_space<vmem>> -> memref<128xi32, #tpu.memory_space<vmem>>
    %swap3A_691 = arith.constant 112 : index
    %swap3A_692 = tpu.vector_load %swap3A_690[%swap3A_691] {strides = array<i32>} : memref<128xi32, #tpu.memory_space<vmem>>, vector<16xi32>,
    tpu.vector_store %swap3A_690[%swap3A_691], %add3A_686 {strides = array<i32>} : memref<128xi32, #tpu.memory_space<vmem>>, vector<16xi32>,
    %add3A_693 = arith.constant 62500 : i32
    %add3A_694 = vector.broadcast %add3A_693 : i32 to vector<16xi32>
    %add3A_695 = arith.addi %shift_right_arithmetic3A_683, %add3A_694 : vector<16xi32>
    %swap3A_696 = arith.constant 5 : i32
    %swap3A_697 = arith.constant 0 : i32
    %swap3A_698 = tpu.memref_slice %arg6[%swap3A_696, %swap3A_697] : memref<16x128xi32, #tpu.memory_space<vmem>> -> memref<1x128xi32, #tpu.memory_space<vmem>>
    %swap3A_699 = tpu.memref_squeeze %swap3A_698 : memref<1x128xi32, #tpu.memory_space<vmem>> -> memref<128xi32, #tpu.memory_space<vmem>>
    %swap3A_700 = arith.constant 112 : index
    %swap3A_701 = tpu.vector_load %swap3A_699[%swap3A_700] {strides = array<i32>} : memref<128xi32, #tpu.memory_space<vmem>>, vector<16xi32>,
    tpu.vector_store %swap3A_699[%swap3A_700], %add3A_695 {strides = array<i32>} : memref<128xi32, #tpu.memory_space<vmem>>, vector<16xi32>,
    %add3A_702 = arith.constant 125000 : i32
    %add3A_703 = vector.broadcast %add3A_702 : i32 to vector<16xi32>
    %add3A_704 = arith.addi %shift_right_arithmetic3A_683, %add3A_703 : vector<16xi32>
    %swap3A_705 = arith.constant 6 : i32
    %swap3A_706 = arith.constant 0 : i32
    %swap3A_707 = tpu.memref_slice %arg6[%swap3A_705, %swap3A_706] : memref<16x128xi32, #tpu.memory_space<vmem>> -> memref<1x128xi32, #tpu.memory_space<vmem>>
    %swap3A_708 = tpu.memref_squeeze %swap3A_707 : memref<1x128xi32, #tpu.memory_space<vmem>> -> memref<128xi32, #tpu.memory_space<vmem>>
    %swap3A_709 = arith.constant 112 : index
    %swap3A_710 = tpu.vector_load %swap3A_708[%swap3A_709] {strides = array<i32>} : memref<128xi32, #tpu.memory_space<vmem>>, vector<16xi32>,
    tpu.vector_store %swap3A_708[%swap3A_709], %add3A_704 {strides = array<i32>} : memref<128xi32, #tpu.memory_space<vmem>>, vector<16xi32>,
    %add3A_711 = arith.constant 187500 : i32
    %add3A_712 = vector.broadcast %add3A_711 : i32 to vector<16xi32>
    %add3A_713 = arith.addi %shift_right_arithmetic3A_683, %add3A_712 : vector<16xi32>
    %swap3A_714 = arith.constant 7 : i32
    %swap3A_715 = arith.constant 0 : i32
    %swap3A_716 = tpu.memref_slice %arg6[%swap3A_714, %swap3A_715] : memref<16x128xi32, #tpu.memory_space<vmem>> -> memref<1x128xi32, #tpu.memory_space<vmem>>
    %swap3A_717 = tpu.memref_squeeze %swap3A_716 : memref<1x128xi32, #tpu.memory_space<vmem>> -> memref<128xi32, #tpu.memory_space<vmem>>
    %swap3A_718 = arith.constant 112 : index
    %swap3A_719 = tpu.vector_load %swap3A_717[%swap3A_718] {strides = array<i32>} : memref<128xi32, #tpu.memory_space<vmem>>, vector<16xi32>,
    tpu.vector_store %swap3A_717[%swap3A_718], %add3A_713 {strides = array<i32>} : memref<128xi32, #tpu.memory_space<vmem>>, vector<16xi32>,
    %get3A_720 = arith.constant 2 : i32
    %get3A_721 = arith.constant 0 : i32
    %get3A_722 = tpu.memref_slice %arg5[%get3A_720, %get3A_721] : memref<4x128xi32, #tpu.memory_space<vmem>> -> memref<1x128xi32, #tpu.memory_space<vmem>>
    %get3A_723 = tpu.memref_squeeze %get3A_722 : memref<1x128xi32, #tpu.memory_space<vmem>> -> memref<128xi32, #tpu.memory_space<vmem>>
    %get3A_724 = arith.constant 0 : index
    %get3A_725 = tpu.vector_load %get3A_723[%get3A_724] {strides = array<i32>} : memref<128xi32, #tpu.memory_space<vmem>>, vector<16xi32>,
    %shift_right_arithmetic3A_726 = arith.constant 4 : i32
    %shift_right_arithmetic3A_727 = vector.broadcast %shift_right_arithmetic3A_726 : i32 to vector<16xi32>
    %shift_right_arithmetic3A_728 = arith.shrsi %get3A_725, %shift_right_arithmetic3A_727 : vector<16xi32>
    %add3A_729 = arith.constant 0 : i32
    %add3A_730 = vector.broadcast %add3A_729 : i32 to vector<16xi32>
    %add3A_731 = arith.addi %shift_right_arithmetic3A_728, %add3A_730 : vector<16xi32>
    %swap3A_732 = arith.constant 8 : i32
    %swap3A_733 = arith.constant 0 : i32
    %swap3A_734 = tpu.memref_slice %arg6[%swap3A_732, %swap3A_733] : memref<16x128xi32, #tpu.memory_space<vmem>> -> memref<1x128xi32, #tpu.memory_space<vmem>>
    %swap3A_735 = tpu.memref_squeeze %swap3A_734 : memref<1x128xi32, #tpu.memory_space<vmem>> -> memref<128xi32, #tpu.memory_space<vmem>>
    %swap3A_736 = arith.constant 0 : index
    %swap3A_737 = tpu.vector_load %swap3A_735[%swap3A_736] {strides = array<i32>} : memref<128xi32, #tpu.memory_space<vmem>>, vector<16xi32>,
    tpu.vector_store %swap3A_735[%swap3A_736], %add3A_731 {strides = array<i32>} : memref<128xi32, #tpu.memory_space<vmem>>, vector<16xi32>,
    %add3A_738 = arith.constant 62500 : i32
    %add3A_739 = vector.broadcast %add3A_738 : i32 to vector<16xi32>
    %add3A_740 = arith.addi %shift_right_arithmetic3A_728, %add3A_739 : vector<16xi32>
    %swap3A_741 = arith.constant 9 : i32
    %swap3A_742 = arith.constant 0 : i32
    %swap3A_743 = tpu.memref_slice %arg6[%swap3A_741, %swap3A_742] : memref<16x128xi32, #tpu.memory_space<vmem>> -> memref<1x128xi32, #tpu.memory_space<vmem>>
    %swap3A_744 = tpu.memref_squeeze %swap3A_743 : memref<1x128xi32, #tpu.memory_space<vmem>> -> memref<128xi32, #tpu.memory_space<vmem>>
    %swap3A_745 = arith.constant 0 : index
    %swap3A_746 = tpu.vector_load %swap3A_744[%swap3A_745] {strides = array<i32>} : memref<128xi32, #tpu.memory_space<vmem>>, vector<16xi32>,
    tpu.vector_store %swap3A_744[%swap3A_745], %add3A_740 {strides = array<i32>} : memref<128xi32, #tpu.memory_space<vmem>>, vector<16xi32>,
    %add3A_747 = arith.constant 125000 : i32
    %add3A_748 = vector.broadcast %add3A_747 : i32 to vector<16xi32>
    %add3A_749 = arith.addi %shift_right_arithmetic3A_728, %add3A_748 : vector<16xi32>
    %swap3A_750 = arith.constant 10 : i32
    %swap3A_751 = arith.constant 0 : i32
    %swap3A_752 = tpu.memref_slice %arg6[%swap3A_750, %swap3A_751] : memref<16x128xi32, #tpu.memory_space<vmem>> -> memref<1x128xi32, #tpu.memory_space<vmem>>
    %swap3A_753 = tpu.memref_squeeze %swap3A_752 : memref<1x128xi32, #tpu.memory_space<vmem>> -> memref<128xi32, #tpu.memory_space<vmem>>
    %swap3A_754 = arith.constant 0 : index
    %swap3A_755 = tpu.vector_load %swap3A_753[%swap3A_754] {strides = array<i32>} : memref<128xi32, #tpu.memory_space<vmem>>, vector<16xi32>,
    tpu.vector_store %swap3A_753[%swap3A_754], %add3A_749 {strides = array<i32>} : memref<128xi32, #tpu.memory_space<vmem>>, vector<16xi32>,
    %add3A_756 = arith.constant 187500 : i32
    %add3A_757 = vector.broadcast %add3A_756 : i32 to vector<16xi32>
    %add3A_758 = arith.addi %shift_right_arithmetic3A_728, %add3A_757 : vector<16xi32>
    %swap3A_759 = arith.constant 11 : i32
    %swap3A_760 = arith.constant 0 : i32
    %swap3A_761 = tpu.memref_slice %arg6[%swap3A_759, %swap3A_760] : memref<16x128xi32, #tpu.memory_space<vmem>> -> memref<1x128xi32, #tpu.memory_space<vmem>>
    %swap3A_762 = tpu.memref_squeeze %swap3A_761 : memref<1x128xi32, #tpu.memory_space<vmem>> -> memref<128xi32, #tpu.memory_space<vmem>>
    %swap3A_763 = arith.constant 0 : index
    %swap3A_764 = tpu.vector_load %swap3A_762[%swap3A_763] {strides = array<i32>} : memref<128xi32, #tpu.memory_space<vmem>>, vector<16xi32>,
    tpu.vector_store %swap3A_762[%swap3A_763], %add3A_758 {strides = array<i32>} : memref<128xi32, #tpu.memory_space<vmem>>, vector<16xi32>,
    %get3A_765 = arith.constant 2 : i32
    %get3A_766 = arith.constant 0 : i32
    %get3A_767 = tpu.memref_slice %arg5[%get3A_765, %get3A_766] : memref<4x128xi32, #tpu.memory_space<vmem>> -> memref<1x128xi32, #tpu.memory_space<vmem>>
    %get3A_768 = tpu.memref_squeeze %get3A_767 : memref<1x128xi32, #tpu.memory_space<vmem>> -> memref<128xi32, #tpu.memory_space<vmem>>
    %get3A_769 = arith.constant 16 : index
    %get3A_770 = tpu.vector_load %get3A_768[%get3A_769] {strides = array<i32>} : memref<128xi32, #tpu.memory_space<vmem>>, vector<16xi32>,
    %shift_right_arithmetic3A_771 = arith.constant 4 : i32
    %shift_right_arithmetic3A_772 = vector.broadcast %shift_right_arithmetic3A_771 : i32 to vector<16xi32>
    %shift_right_arithmetic3A_773 = arith.shrsi %get3A_770, %shift_right_arithmetic3A_772 : vector<16xi32>
    %add3A_774 = arith.constant 0 : i32
    %add3A_775 = vector.broadcast %add3A_774 : i32 to vector<16xi32>
    %add3A_776 = arith.addi %shift_right_arithmetic3A_773, %add3A_775 : vector<16xi32>
    %swap3A_777 = arith.constant 8 : i32
    %swap3A_778 = arith.constant 0 : i32
    %swap3A_779 = tpu.memref_slice %arg6[%swap3A_777, %swap3A_778] : memref<16x128xi32, #tpu.memory_space<vmem>> -> memref<1x128xi32, #tpu.memory_space<vmem>>
    %swap3A_780 = tpu.memref_squeeze %swap3A_779 : memref<1x128xi32, #tpu.memory_space<vmem>> -> memref<128xi32, #tpu.memory_space<vmem>>
    %swap3A_781 = arith.constant 16 : index
    %swap3A_782 = tpu.vector_load %swap3A_780[%swap3A_781] {strides = array<i32>} : memref<128xi32, #tpu.memory_space<vmem>>, vector<16xi32>,
    tpu.vector_store %swap3A_780[%swap3A_781], %add3A_776 {strides = array<i32>} : memref<128xi32, #tpu.memory_space<vmem>>, vector<16xi32>,
    %add3A_783 = arith.constant 62500 : i32
    %add3A_784 = vector.broadcast %add3A_783 : i32 to vector<16xi32>
    %add3A_785 = arith.addi %shift_right_arithmetic3A_773, %add3A_784 : vector<16xi32>
    %swap3A_786 = arith.constant 9 : i32
    %swap3A_787 = arith.constant 0 : i32
    %swap3A_788 = tpu.memref_slice %arg6[%swap3A_786, %swap3A_787] : memref<16x128xi32, #tpu.memory_space<vmem>> -> memref<1x128xi32, #tpu.memory_space<vmem>>
    %swap3A_789 = tpu.memref_squeeze %swap3A_788 : memref<1x128xi32, #tpu.memory_space<vmem>> -> memref<128xi32, #tpu.memory_space<vmem>>
    %swap3A_790 = arith.constant 16 : index
    %swap3A_791 = tpu.vector_load %swap3A_789[%swap3A_790] {strides = array<i32>} : memref<128xi32, #tpu.memory_space<vmem>>, vector<16xi32>,
    tpu.vector_store %swap3A_789[%swap3A_790], %add3A_785 {strides = array<i32>} : memref<128xi32, #tpu.memory_space<vmem>>, vector<16xi32>,
    %add3A_792 = arith.constant 125000 : i32
    %add3A_793 = vector.broadcast %add3A_792 : i32 to vector<16xi32>
    %add3A_794 = arith.addi %shift_right_arithmetic3A_773, %add3A_793 : vector<16xi32>
    %swap3A_795 = arith.constant 10 : i32
    %swap3A_796 = arith.constant 0 : i32
    %swap3A_797 = tpu.memref_slice %arg6[%swap3A_795, %swap3A_796] : memref<16x128xi32, #tpu.memory_space<vmem>> -> memref<1x128xi32, #tpu.memory_space<vmem>>
    %swap3A_798 = tpu.memref_squeeze %swap3A_797 : memref<1x128xi32, #tpu.memory_space<vmem>> -> memref<128xi32, #tpu.memory_space<vmem>>
    %swap3A_799 = arith.constant 16 : index
    %swap3A_800 = tpu.vector_load %swap3A_798[%swap3A_799] {strides = array<i32>} : memref<128xi32, #tpu.memory_space<vmem>>, vector<16xi32>,
    tpu.vector_store %swap3A_798[%swap3A_799], %add3A_794 {strides = array<i32>} : memref<128xi32, #tpu.memory_space<vmem>>, vector<16xi32>,
    %add3A_801 = arith.constant 187500 : i32
    %add3A_802 = vector.broadcast %add3A_801 : i32 to vector<16xi32>
    %add3A_803 = arith.addi %shift_right_arithmetic3A_773, %add3A_802 : vector<16xi32>
    %swap3A_804 = arith.constant 11 : i32
    %swap3A_805 = arith.constant 0 : i32
    %swap3A_806 = tpu.memref_slice %arg6[%swap3A_804, %swap3A_805] : memref<16x128xi32, #tpu.memory_space<vmem>> -> memref<1x128xi32, #tpu.memory_space<vmem>>
    %swap3A_807 = tpu.memref_squeeze %swap3A_806 : memref<1x128xi32, #tpu.memory_space<vmem>> -> memref<128xi32, #tpu.memory_space<vmem>>
    %swap3A_808 = arith.constant 16 : index
    %swap3A_809 = tpu.vector_load %swap3A_807[%swap3A_808] {strides = array<i32>} : memref<128xi32, #tpu.memory_space<vmem>>, vector<16xi32>,
    tpu.vector_store %swap3A_807[%swap3A_808], %add3A_803 {strides = array<i32>} : memref<128xi32, #tpu.memory_space<vmem>>, vector<16xi32>,
    %get3A_810 = arith.constant 2 : i32
    %get3A_811 = arith.constant 0 : i32
    %get3A_812 = tpu.memref_slice %arg5[%get3A_810, %get3A_811] : memref<4x128xi32, #tpu.memory_space<vmem>> -> memref<1x128xi32, #tpu.memory_space<vmem>>
    %get3A_813 = tpu.memref_squeeze %get3A_812 : memref<1x128xi32, #tpu.memory_space<vmem>> -> memref<128xi32, #tpu.memory_space<vmem>>
    %get3A_814 = arith.constant 32 : index
    %get3A_815 = tpu.vector_load %get3A_813[%get3A_814] {strides = array<i32>} : memref<128xi32, #tpu.memory_space<vmem>>, vector<16xi32>,
    %shift_right_arithmetic3A_816 = arith.constant 4 : i32
    %shift_right_arithmetic3A_817 = vector.broadcast %shift_right_arithmetic3A_816 : i32 to vector<16xi32>
    %shift_right_arithmetic3A_818 = arith.shrsi %get3A_815, %shift_right_arithmetic3A_817 : vector<16xi32>
    %add3A_819 = arith.constant 0 : i32
    %add3A_820 = vector.broadcast %add3A_819 : i32 to vector<16xi32>
    %add3A_821 = arith.addi %shift_right_arithmetic3A_818, %add3A_820 : vector<16xi32>
    %swap3A_822 = arith.constant 8 : i32
    %swap3A_823 = arith.constant 0 : i32
    %swap3A_824 = tpu.memref_slice %arg6[%swap3A_822, %swap3A_823] : memref<16x128xi32, #tpu.memory_space<vmem>> -> memref<1x128xi32, #tpu.memory_space<vmem>>
    %swap3A_825 = tpu.memref_squeeze %swap3A_824 : memref<1x128xi32, #tpu.memory_space<vmem>> -> memref<128xi32, #tpu.memory_space<vmem>>
    %swap3A_826 = arith.constant 32 : index
    %swap3A_827 = tpu.vector_load %swap3A_825[%swap3A_826] {strides = array<i32>} : memref<128xi32, #tpu.memory_space<vmem>>, vector<16xi32>,
    tpu.vector_store %swap3A_825[%swap3A_826], %add3A_821 {strides = array<i32>} : memref<128xi32, #tpu.memory_space<vmem>>, vector<16xi32>,
    %add3A_828 = arith.constant 62500 : i32
    %add3A_829 = vector.broadcast %add3A_828 : i32 to vector<16xi32>
    %add3A_830 = arith.addi %shift_right_arithmetic3A_818, %add3A_829 : vector<16xi32>
    %swap3A_831 = arith.constant 9 : i32
    %swap3A_832 = arith.constant 0 : i32
    %swap3A_833 = tpu.memref_slice %arg6[%swap3A_831, %swap3A_832] : memref<16x128xi32, #tpu.memory_space<vmem>> -> memref<1x128xi32, #tpu.memory_space<vmem>>
    %swap3A_834 = tpu.memref_squeeze %swap3A_833 : memref<1x128xi32, #tpu.memory_space<vmem>> -> memref<128xi32, #tpu.memory_space<vmem>>
    %swap3A_835 = arith.constant 32 : index
    %swap3A_836 = tpu.vector_load %swap3A_834[%swap3A_835] {strides = array<i32>} : memref<128xi32, #tpu.memory_space<vmem>>, vector<16xi32>,
    tpu.vector_store %swap3A_834[%swap3A_835], %add3A_830 {strides = array<i32>} : memref<128xi32, #tpu.memory_space<vmem>>, vector<16xi32>,
    %add3A_837 = arith.constant 125000 : i32
    %add3A_838 = vector.broadcast %add3A_837 : i32 to vector<16xi32>
    %add3A_839 = arith.addi %shift_right_arithmetic3A_818, %add3A_838 : vector<16xi32>
    %swap3A_840 = arith.constant 10 : i32
    %swap3A_841 = arith.constant 0 : i32
    %swap3A_842 = tpu.memref_slice %arg6[%swap3A_840, %swap3A_841] : memref<16x128xi32, #tpu.memory_space<vmem>> -> memref<1x128xi32, #tpu.memory_space<vmem>>
    %swap3A_843 = tpu.memref_squeeze %swap3A_842 : memref<1x128xi32, #tpu.memory_space<vmem>> -> memref<128xi32, #tpu.memory_space<vmem>>
    %swap3A_844 = arith.constant 32 : index
    %swap3A_845 = tpu.vector_load %swap3A_843[%swap3A_844] {strides = array<i32>} : memref<128xi32, #tpu.memory_space<vmem>>, vector<16xi32>,
    tpu.vector_store %swap3A_843[%swap3A_844], %add3A_839 {strides = array<i32>} : memref<128xi32, #tpu.memory_space<vmem>>, vector<16xi32>,
    %add3A_846 = arith.constant 187500 : i32
    %add3A_847 = vector.broadcast %add3A_846 : i32 to vector<16xi32>
    %add3A_848 = arith.addi %shift_right_arithmetic3A_818, %add3A_847 : vector<16xi32>
    %swap3A_849 = arith.constant 11 : i32
    %swap3A_850 = arith.constant 0 : i32
    %swap3A_851 = tpu.memref_slice %arg6[%swap3A_849, %swap3A_850] : memref<16x128xi32, #tpu.memory_space<vmem>> -> memref<1x128xi32, #tpu.memory_space<vmem>>
    %swap3A_852 = tpu.memref_squeeze %swap3A_851 : memref<1x128xi32, #tpu.memory_space<vmem>> -> memref<128xi32, #tpu.memory_space<vmem>>
    %swap3A_853 = arith.constant 32 : index
    %swap3A_854 = tpu.vector_load %swap3A_852[%swap3A_853] {strides = array<i32>} : memref<128xi32, #tpu.memory_space<vmem>>, vector<16xi32>,
    tpu.vector_store %swap3A_852[%swap3A_853], %add3A_848 {strides = array<i32>} : memref<128xi32, #tpu.memory_space<vmem>>, vector<16xi32>,
    %get3A_855 = arith.constant 2 : i32
    %get3A_856 = arith.constant 0 : i32
    %get3A_857 = tpu.memref_slice %arg5[%get3A_855, %get3A_856] : memref<4x128xi32, #tpu.memory_space<vmem>> -> memref<1x128xi32, #tpu.memory_space<vmem>>
    %get3A_858 = tpu.memref_squeeze %get3A_857 : memref<1x128xi32, #tpu.memory_space<vmem>> -> memref<128xi32, #tpu.memory_space<vmem>>
    %get3A_859 = arith.constant 48 : index
    %get3A_860 = tpu.vector_load %get3A_858[%get3A_859] {strides = array<i32>} : memref<128xi32, #tpu.memory_space<vmem>>, vector<16xi32>,
    %shift_right_arithmetic3A_861 = arith.constant 4 : i32
    %shift_right_arithmetic3A_862 = vector.broadcast %shift_right_arithmetic3A_861 : i32 to vector<16xi32>
    %shift_right_arithmetic3A_863 = arith.shrsi %get3A_860, %shift_right_arithmetic3A_862 : vector<16xi32>
    %add3A_864 = arith.constant 0 : i32
    %add3A_865 = vector.broadcast %add3A_864 : i32 to vector<16xi32>
    %add3A_866 = arith.addi %shift_right_arithmetic3A_863, %add3A_865 : vector<16xi32>
    %swap3A_867 = arith.constant 8 : i32
    %swap3A_868 = arith.constant 0 : i32
    %swap3A_869 = tpu.memref_slice %arg6[%swap3A_867, %swap3A_868] : memref<16x128xi32, #tpu.memory_space<vmem>> -> memref<1x128xi32, #tpu.memory_space<vmem>>
    %swap3A_870 = tpu.memref_squeeze %swap3A_869 : memref<1x128xi32, #tpu.memory_space<vmem>> -> memref<128xi32, #tpu.memory_space<vmem>>
    %swap3A_871 = arith.constant 48 : index
    %swap3A_872 = tpu.vector_load %swap3A_870[%swap3A_871] {strides = array<i32>} : memref<128xi32, #tpu.memory_space<vmem>>, vector<16xi32>,
    tpu.vector_store %swap3A_870[%swap3A_871], %add3A_866 {strides = array<i32>} : memref<128xi32, #tpu.memory_space<vmem>>, vector<16xi32>,
    %add3A_873 = arith.constant 62500 : i32
    %add3A_874 = vector.broadcast %add3A_873 : i32 to vector<16xi32>
    %add3A_875 = arith.addi %shift_right_arithmetic3A_863, %add3A_874 : vector<16xi32>
    %swap3A_876 = arith.constant 9 : i32
    %swap3A_877 = arith.constant 0 : i32
    %swap3A_878 = tpu.memref_slice %arg6[%swap3A_876, %swap3A_877] : memref<16x128xi32, #tpu.memory_space<vmem>> -> memref<1x128xi32, #tpu.memory_space<vmem>>
    %swap3A_879 = tpu.memref_squeeze %swap3A_878 : memref<1x128xi32, #tpu.memory_space<vmem>> -> memref<128xi32, #tpu.memory_space<vmem>>
    %swap3A_880 = arith.constant 48 : index
    %swap3A_881 = tpu.vector_load %swap3A_879[%swap3A_880] {strides = array<i32>} : memref<128xi32, #tpu.memory_space<vmem>>, vector<16xi32>,
    tpu.vector_store %swap3A_879[%swap3A_880], %add3A_875 {strides = array<i32>} : memref<128xi32, #tpu.memory_space<vmem>>, vector<16xi32>,
    %add3A_882 = arith.constant 125000 : i32
    %add3A_883 = vector.broadcast %add3A_882 : i32 to vector<16xi32>
    %add3A_884 = arith.addi %shift_right_arithmetic3A_863, %add3A_883 : vector<16xi32>
    %swap3A_885 = arith.constant 10 : i32
    %swap3A_886 = arith.constant 0 : i32
    %swap3A_887 = tpu.memref_slice %arg6[%swap3A_885, %swap3A_886] : memref<16x128xi32, #tpu.memory_space<vmem>> -> memref<1x128xi32, #tpu.memory_space<vmem>>
    %swap3A_888 = tpu.memref_squeeze %swap3A_887 : memref<1x128xi32, #tpu.memory_space<vmem>> -> memref<128xi32, #tpu.memory_space<vmem>>
    %swap3A_889 = arith.constant 48 : index
    %swap3A_890 = tpu.vector_load %swap3A_888[%swap3A_889] {strides = array<i32>} : memref<128xi32, #tpu.memory_space<vmem>>, vector<16xi32>,
    tpu.vector_store %swap3A_888[%swap3A_889], %add3A_884 {strides = array<i32>} : memref<128xi32, #tpu.memory_space<vmem>>, vector<16xi32>,
    %add3A_891 = arith.constant 187500 : i32
    %add3A_892 = vector.broadcast %add3A_891 : i32 to vector<16xi32>
    %add3A_893 = arith.addi %shift_right_arithmetic3A_863, %add3A_892 : vector<16xi32>
    %swap3A_894 = arith.constant 11 : i32
    %swap3A_895 = arith.constant 0 : i32
    %swap3A_896 = tpu.memref_slice %arg6[%swap3A_894, %swap3A_895] : memref<16x128xi32, #tpu.memory_space<vmem>> -> memref<1x128xi32, #tpu.memory_space<vmem>>
    %swap3A_897 = tpu.memref_squeeze %swap3A_896 : memref<1x128xi32, #tpu.memory_space<vmem>> -> memref<128xi32, #tpu.memory_space<vmem>>
    %swap3A_898 = arith.constant 48 : index
    %swap3A_899 = tpu.vector_load %swap3A_897[%swap3A_898] {strides = array<i32>} : memref<128xi32, #tpu.memory_space<vmem>>, vector<16xi32>,
    tpu.vector_store %swap3A_897[%swap3A_898], %add3A_893 {strides = array<i32>} : memref<128xi32, #tpu.memory_space<vmem>>, vector<16xi32>,
    %get3A_900 = arith.constant 2 : i32
    %get3A_901 = arith.constant 0 : i32
    %get3A_902 = tpu.memref_slice %arg5[%get3A_900, %get3A_901] : memref<4x128xi32, #tpu.memory_space<vmem>> -> memref<1x128xi32, #tpu.memory_space<vmem>>
    %get3A_903 = tpu.memref_squeeze %get3A_902 : memref<1x128xi32, #tpu.memory_space<vmem>> -> memref<128xi32, #tpu.memory_space<vmem>>
    %get3A_904 = arith.constant 64 : index
    %get3A_905 = tpu.vector_load %get3A_903[%get3A_904] {strides = array<i32>} : memref<128xi32, #tpu.memory_space<vmem>>, vector<16xi32>,
    %shift_right_arithmetic3A_906 = arith.constant 4 : i32
    %shift_right_arithmetic3A_907 = vector.broadcast %shift_right_arithmetic3A_906 : i32 to vector<16xi32>
    %shift_right_arithmetic3A_908 = arith.shrsi %get3A_905, %shift_right_arithmetic3A_907 : vector<16xi32>
    %add3A_909 = arith.constant 0 : i32
    %add3A_910 = vector.broadcast %add3A_909 : i32 to vector<16xi32>
    %add3A_911 = arith.addi %shift_right_arithmetic3A_908, %add3A_910 : vector<16xi32>
    %swap3A_912 = arith.constant 8 : i32
    %swap3A_913 = arith.constant 0 : i32
    %swap3A_914 = tpu.memref_slice %arg6[%swap3A_912, %swap3A_913] : memref<16x128xi32, #tpu.memory_space<vmem>> -> memref<1x128xi32, #tpu.memory_space<vmem>>
    %swap3A_915 = tpu.memref_squeeze %swap3A_914 : memref<1x128xi32, #tpu.memory_space<vmem>> -> memref<128xi32, #tpu.memory_space<vmem>>
    %swap3A_916 = arith.constant 64 : index
    %swap3A_917 = tpu.vector_load %swap3A_915[%swap3A_916] {strides = array<i32>} : memref<128xi32, #tpu.memory_space<vmem>>, vector<16xi32>,
    tpu.vector_store %swap3A_915[%swap3A_916], %add3A_911 {strides = array<i32>} : memref<128xi32, #tpu.memory_space<vmem>>, vector<16xi32>,
    %add3A_918 = arith.constant 62500 : i32
    %add3A_919 = vector.broadcast %add3A_918 : i32 to vector<16xi32>
    %add3A_920 = arith.addi %shift_right_arithmetic3A_908, %add3A_919 : vector<16xi32>
    %swap3A_921 = arith.constant 9 : i32
    %swap3A_922 = arith.constant 0 : i32
    %swap3A_923 = tpu.memref_slice %arg6[%swap3A_921, %swap3A_922] : memref<16x128xi32, #tpu.memory_space<vmem>> -> memref<1x128xi32, #tpu.memory_space<vmem>>
    %swap3A_924 = tpu.memref_squeeze %swap3A_923 : memref<1x128xi32, #tpu.memory_space<vmem>> -> memref<128xi32, #tpu.memory_space<vmem>>
    %swap3A_925 = arith.constant 64 : index
    %swap3A_926 = tpu.vector_load %swap3A_924[%swap3A_925] {strides = array<i32>} : memref<128xi32, #tpu.memory_space<vmem>>, vector<16xi32>,
    tpu.vector_store %swap3A_924[%swap3A_925], %add3A_920 {strides = array<i32>} : memref<128xi32, #tpu.memory_space<vmem>>, vector<16xi32>,
    %add3A_927 = arith.constant 125000 : i32
    %add3A_928 = vector.broadcast %add3A_927 : i32 to vector<16xi32>
    %add3A_929 = arith.addi %shift_right_arithmetic3A_908, %add3A_928 : vector<16xi32>
    %swap3A_930 = arith.constant 10 : i32
    %swap3A_931 = arith.constant 0 : i32
    %swap3A_932 = tpu.memref_slice %arg6[%swap3A_930, %swap3A_931] : memref<16x128xi32, #tpu.memory_space<vmem>> -> memref<1x128xi32, #tpu.memory_space<vmem>>
    %swap3A_933 = tpu.memref_squeeze %swap3A_932 : memref<1x128xi32, #tpu.memory_space<vmem>> -> memref<128xi32, #tpu.memory_space<vmem>>
    %swap3A_934 = arith.constant 64 : index
    %swap3A_935 = tpu.vector_load %swap3A_933[%swap3A_934] {strides = array<i32>} : memref<128xi32, #tpu.memory_space<vmem>>, vector<16xi32>,
    tpu.vector_store %swap3A_933[%swap3A_934], %add3A_929 {strides = array<i32>} : memref<128xi32, #tpu.memory_space<vmem>>, vector<16xi32>,
    %add3A_936 = arith.constant 187500 : i32
    %add3A_937 = vector.broadcast %add3A_936 : i32 to vector<16xi32>
    %add3A_938 = arith.addi %shift_right_arithmetic3A_908, %add3A_937 : vector<16xi32>
    %swap3A_939 = arith.constant 11 : i32
    %swap3A_940 = arith.constant 0 : i32
    %swap3A_941 = tpu.memref_slice %arg6[%swap3A_939, %swap3A_940] : memref<16x128xi32, #tpu.memory_space<vmem>> -> memref<1x128xi32, #tpu.memory_space<vmem>>
    %swap3A_942 = tpu.memref_squeeze %swap3A_941 : memref<1x128xi32, #tpu.memory_space<vmem>> -> memref<128xi32, #tpu.memory_space<vmem>>
    %swap3A_943 = arith.constant 64 : index
    %swap3A_944 = tpu.vector_load %swap3A_942[%swap3A_943] {strides = array<i32>} : memref<128xi32, #tpu.memory_space<vmem>>, vector<16xi32>,
    tpu.vector_store %swap3A_942[%swap3A_943], %add3A_938 {strides = array<i32>} : memref<128xi32, #tpu.memory_space<vmem>>, vector<16xi32>,
    %get3A_945 = arith.constant 2 : i32
    %get3A_946 = arith.constant 0 : i32
    %get3A_947 = tpu.memref_slice %arg5[%get3A_945, %get3A_946] : memref<4x128xi32, #tpu.memory_space<vmem>> -> memref<1x128xi32, #tpu.memory_space<vmem>>
    %get3A_948 = tpu.memref_squeeze %get3A_947 : memref<1x128xi32, #tpu.memory_space<vmem>> -> memref<128xi32, #tpu.memory_space<vmem>>
    %get3A_949 = arith.constant 80 : index
    %get3A_950 = tpu.vector_load %get3A_948[%get3A_949] {strides = array<i32>} : memref<128xi32, #tpu.memory_space<vmem>>, vector<16xi32>,
    %shift_right_arithmetic3A_951 = arith.constant 4 : i32
    %shift_right_arithmetic3A_952 = vector.broadcast %shift_right_arithmetic3A_951 : i32 to vector<16xi32>
    %shift_right_arithmetic3A_953 = arith.shrsi %get3A_950, %shift_right_arithmetic3A_952 : vector<16xi32>
    %add3A_954 = arith.constant 0 : i32
    %add3A_955 = vector.broadcast %add3A_954 : i32 to vector<16xi32>
    %add3A_956 = arith.addi %shift_right_arithmetic3A_953, %add3A_955 : vector<16xi32>
    %swap3A_957 = arith.constant 8 : i32
    %swap3A_958 = arith.constant 0 : i32
    %swap3A_959 = tpu.memref_slice %arg6[%swap3A_957, %swap3A_958] : memref<16x128xi32, #tpu.memory_space<vmem>> -> memref<1x128xi32, #tpu.memory_space<vmem>>
    %swap3A_960 = tpu.memref_squeeze %swap3A_959 : memref<1x128xi32, #tpu.memory_space<vmem>> -> memref<128xi32, #tpu.memory_space<vmem>>
    %swap3A_961 = arith.constant 80 : index
    %swap3A_962 = tpu.vector_load %swap3A_960[%swap3A_961] {strides = array<i32>} : memref<128xi32, #tpu.memory_space<vmem>>, vector<16xi32>,
    tpu.vector_store %swap3A_960[%swap3A_961], %add3A_956 {strides = array<i32>} : memref<128xi32, #tpu.memory_space<vmem>>, vector<16xi32>,
    %add3A_963 = arith.constant 62500 : i32
    %add3A_964 = vector.broadcast %add3A_963 : i32 to vector<16xi32>
    %add3A_965 = arith.addi %shift_right_arithmetic3A_953, %add3A_964 : vector<16xi32>
    %swap3A_966 = arith.constant 9 : i32
    %swap3A_967 = arith.constant 0 : i32
    %swap3A_968 = tpu.memref_slice %arg6[%swap3A_966, %swap3A_967] : memref<16x128xi32, #tpu.memory_space<vmem>> -> memref<1x128xi32, #tpu.memory_space<vmem>>
    %swap3A_969 = tpu.memref_squeeze %swap3A_968 : memref<1x128xi32, #tpu.memory_space<vmem>> -> memref<128xi32, #tpu.memory_space<vmem>>
    %swap3A_970 = arith.constant 80 : index
    %swap3A_971 = tpu.vector_load %swap3A_969[%swap3A_970] {strides = array<i32>} : memref<128xi32, #tpu.memory_space<vmem>>, vector<16xi32>,
    tpu.vector_store %swap3A_969[%swap3A_970], %add3A_965 {strides = array<i32>} : memref<128xi32, #tpu.memory_space<vmem>>, vector<16xi32>,
    %add3A_972 = arith.constant 125000 : i32
    %add3A_973 = vector.broadcast %add3A_972 : i32 to vector<16xi32>
    %add3A_974 = arith.addi %shift_right_arithmetic3A_953, %add3A_973 : vector<16xi32>
    %swap3A_975 = arith.constant 10 : i32
    %swap3A_976 = arith.constant 0 : i32
    %swap3A_977 = tpu.memref_slice %arg6[%swap3A_975, %swap3A_976] : memref<16x128xi32, #tpu.memory_space<vmem>> -> memref<1x128xi32, #tpu.memory_space<vmem>>
    %swap3A_978 = tpu.memref_squeeze %swap3A_977 : memref<1x128xi32, #tpu.memory_space<vmem>> -> memref<128xi32, #tpu.memory_space<vmem>>
    %swap3A_979 = arith.constant 80 : index
    %swap3A_980 = tpu.vector_load %swap3A_978[%swap3A_979] {strides = array<i32>} : memref<128xi32, #tpu.memory_space<vmem>>, vector<16xi32>,
    tpu.vector_store %swap3A_978[%swap3A_979], %add3A_974 {strides = array<i32>} : memref<128xi32, #tpu.memory_space<vmem>>, vector<16xi32>,
    %add3A_981 = arith.constant 187500 : i32
    %add3A_982 = vector.broadcast %add3A_981 : i32 to vector<16xi32>
    %add3A_983 = arith.addi %shift_right_arithmetic3A_953, %add3A_982 : vector<16xi32>
    %swap3A_984 = arith.constant 11 : i32
    %swap3A_985 = arith.constant 0 : i32
    %swap3A_986 = tpu.memref_slice %arg6[%swap3A_984, %swap3A_985] : memref<16x128xi32, #tpu.memory_space<vmem>> -> memref<1x128xi32, #tpu.memory_space<vmem>>
    %swap3A_987 = tpu.memref_squeeze %swap3A_986 : memref<1x128xi32, #tpu.memory_space<vmem>> -> memref<128xi32, #tpu.memory_space<vmem>>
    %swap3A_988 = arith.constant 80 : index
    %swap3A_989 = tpu.vector_load %swap3A_987[%swap3A_988] {strides = array<i32>} : memref<128xi32, #tpu.memory_space<vmem>>, vector<16xi32>,
    tpu.vector_store %swap3A_987[%swap3A_988], %add3A_983 {strides = array<i32>} : memref<128xi32, #tpu.memory_space<vmem>>, vector<16xi32>,
    %get3A_990 = arith.constant 2 : i32
    %get3A_991 = arith.constant 0 : i32
    %get3A_992 = tpu.memref_slice %arg5[%get3A_990, %get3A_991] : memref<4x128xi32, #tpu.memory_space<vmem>> -> memref<1x128xi32, #tpu.memory_space<vmem>>
    %get3A_993 = tpu.memref_squeeze %get3A_992 : memref<1x128xi32, #tpu.memory_space<vmem>> -> memref<128xi32, #tpu.memory_space<vmem>>
    %get3A_994 = arith.constant 96 : index
    %get3A_995 = tpu.vector_load %get3A_993[%get3A_994] {strides = array<i32>} : memref<128xi32, #tpu.memory_space<vmem>>, vector<16xi32>,
    %shift_right_arithmetic3A_996 = arith.constant 4 : i32
    %shift_right_arithmetic3A_997 = vector.broadcast %shift_right_arithmetic3A_996 : i32 to vector<16xi32>
    %shift_right_arithmetic3A_998 = arith.shrsi %get3A_995, %shift_right_arithmetic3A_997 : vector<16xi32>
    %add3A_999 = arith.constant 0 : i32
    %add3A_1000 = vector.broadcast %add3A_999 : i32 to vector<16xi32>
    %add3A_1001 = arith.addi %shift_right_arithmetic3A_998, %add3A_1000 : vector<16xi32>
    %swap3A_1002 = arith.constant 8 : i32
    %swap3A_1003 = arith.constant 0 : i32
    %swap3A_1004 = tpu.memref_slice %arg6[%swap3A_1002, %swap3A_1003] : memref<16x128xi32, #tpu.memory_space<vmem>> -> memref<1x128xi32, #tpu.memory_space<vmem>>
    %swap3A_1005 = tpu.memref_squeeze %swap3A_1004 : memref<1x128xi32, #tpu.memory_space<vmem>> -> memref<128xi32, #tpu.memory_space<vmem>>
    %swap3A_1006 = arith.constant 96 : index
    %swap3A_1007 = tpu.vector_load %swap3A_1005[%swap3A_1006] {strides = array<i32>} : memref<128xi32, #tpu.memory_space<vmem>>, vector<16xi32>,
    tpu.vector_store %swap3A_1005[%swap3A_1006], %add3A_1001 {strides = array<i32>} : memref<128xi32, #tpu.memory_space<vmem>>, vector<16xi32>,
    %add3A_1008 = arith.constant 62500 : i32
    %add3A_1009 = vector.broadcast %add3A_1008 : i32 to vector<16xi32>
    %add3A_1010 = arith.addi %shift_right_arithmetic3A_998, %add3A_1009 : vector<16xi32>
    %swap3A_1011 = arith.constant 9 : i32
    %swap3A_1012 = arith.constant 0 : i32
    %swap3A_1013 = tpu.memref_slice %arg6[%swap3A_1011, %swap3A_1012] : memref<16x128xi32, #tpu.memory_space<vmem>> -> memref<1x128xi32, #tpu.memory_space<vmem>>
    %swap3A_1014 = tpu.memref_squeeze %swap3A_1013 : memref<1x128xi32, #tpu.memory_space<vmem>> -> memref<128xi32, #tpu.memory_space<vmem>>
    %swap3A_1015 = arith.constant 96 : index
    %swap3A_1016 = tpu.vector_load %swap3A_1014[%swap3A_1015] {strides = array<i32>} : memref<128xi32, #tpu.memory_space<vmem>>, vector<16xi32>,
    tpu.vector_store %swap3A_1014[%swap3A_1015], %add3A_1010 {strides = array<i32>} : memref<128xi32, #tpu.memory_space<vmem>>, vector<16xi32>,
    %add3A_1017 = arith.constant 125000 : i32
    %add3A_1018 = vector.broadcast %add3A_1017 : i32 to vector<16xi32>
    %add3A_1019 = arith.addi %shift_right_arithmetic3A_998, %add3A_1018 : vector<16xi32>
    %swap3A_1020 = arith.constant 10 : i32
    %swap3A_1021 = arith.constant 0 : i32
    %swap3A_1022 = tpu.memref_slice %arg6[%swap3A_1020, %swap3A_1021] : memref<16x128xi32, #tpu.memory_space<vmem>> -> memref<1x128xi32, #tpu.memory_space<vmem>>
    %swap3A_1023 = tpu.memref_squeeze %swap3A_1022 : memref<1x128xi32, #tpu.memory_space<vmem>> -> memref<128xi32, #tpu.memory_space<vmem>>
    %swap3A_1024 = arith.constant 96 : index
    %swap3A_1025 = tpu.vector_load %swap3A_1023[%swap3A_1024] {strides = array<i32>} : memref<128xi32, #tpu.memory_space<vmem>>, vector<16xi32>,
    tpu.vector_store %swap3A_1023[%swap3A_1024], %add3A_1019 {strides = array<i32>} : memref<128xi32, #tpu.memory_space<vmem>>, vector<16xi32>,
    %add3A_1026 = arith.constant 187500 : i32
    %add3A_1027 = vector.broadcast %add3A_1026 : i32 to vector<16xi32>
    %add3A_1028 = arith.addi %shift_right_arithmetic3A_998, %add3A_1027 : vector<16xi32>
    %swap3A_1029 = arith.constant 11 : i32
    %swap3A_1030 = arith.constant 0 : i32
    %swap3A_1031 = tpu.memref_slice %arg6[%swap3A_1029, %swap3A_1030] : memref<16x128xi32, #tpu.memory_space<vmem>> -> memref<1x128xi32, #tpu.memory_space<vmem>>
    %swap3A_1032 = tpu.memref_squeeze %swap3A_1031 : memref<1x128xi32, #tpu.memory_space<vmem>> -> memref<128xi32, #tpu.memory_space<vmem>>
    %swap3A_1033 = arith.constant 96 : index
    %swap3A_1034 = tpu.vector_load %swap3A_1032[%swap3A_1033] {strides = array<i32>} : memref<128xi32, #tpu.memory_space<vmem>>, vector<16xi32>,
    tpu.vector_store %swap3A_1032[%swap3A_1033], %add3A_1028 {strides = array<i32>} : memref<128xi32, #tpu.memory_space<vmem>>, vector<16xi32>,
    %get3A_1035 = arith.constant 2 : i32
    %get3A_1036 = arith.constant 0 : i32
    %get3A_1037 = tpu.memref_slice %arg5[%get3A_1035, %get3A_1036] : memref<4x128xi32, #tpu.memory_space<vmem>> -> memref<1x128xi32, #tpu.memory_space<vmem>>
    %get3A_1038 = tpu.memref_squeeze %get3A_1037 : memref<1x128xi32, #tpu.memory_space<vmem>> -> memref<128xi32, #tpu.memory_space<vmem>>
    %get3A_1039 = arith.constant 112 : index
    %get3A_1040 = tpu.vector_load %get3A_1038[%get3A_1039] {strides = array<i32>} : memref<128xi32, #tpu.memory_space<vmem>>, vector<16xi32>,
    %shift_right_arithmetic3A_1041 = arith.constant 4 : i32
    %shift_right_arithmetic3A_1042 = vector.broadcast %shift_right_arithmetic3A_1041 : i32 to vector<16xi32>
    %shift_right_arithmetic3A_1043 = arith.shrsi %get3A_1040, %shift_right_arithmetic3A_1042 : vector<16xi32>
    %add3A_1044 = arith.constant 0 : i32
    %add3A_1045 = vector.broadcast %add3A_1044 : i32 to vector<16xi32>
    %add3A_1046 = arith.addi %shift_right_arithmetic3A_1043, %add3A_1045 : vector<16xi32>
    %swap3A_1047 = arith.constant 8 : i32
    %swap3A_1048 = arith.constant 0 : i32
    %swap3A_1049 = tpu.memref_slice %arg6[%swap3A_1047, %swap3A_1048] : memref<16x128xi32, #tpu.memory_space<vmem>> -> memref<1x128xi32, #tpu.memory_space<vmem>>
    %swap3A_1050 = tpu.memref_squeeze %swap3A_1049 : memref<1x128xi32, #tpu.memory_space<vmem>> -> memref<128xi32, #tpu.memory_space<vmem>>
    %swap3A_1051 = arith.constant 112 : index
    %swap3A_1052 = tpu.vector_load %swap3A_1050[%swap3A_1051] {strides = array<i32>} : memref<128xi32, #tpu.memory_space<vmem>>, vector<16xi32>,
    tpu.vector_store %swap3A_1050[%swap3A_1051], %add3A_1046 {strides = array<i32>} : memref<128xi32, #tpu.memory_space<vmem>>, vector<16xi32>,
    %add3A_1053 = arith.constant 62500 : i32
    %add3A_1054 = vector.broadcast %add3A_1053 : i32 to vector<16xi32>
    %add3A_1055 = arith.addi %shift_right_arithmetic3A_1043, %add3A_1054 : vector<16xi32>
    %swap3A_1056 = arith.constant 9 : i32
    %swap3A_1057 = arith.constant 0 : i32
    %swap3A_1058 = tpu.memref_slice %arg6[%swap3A_1056, %swap3A_1057] : memref<16x128xi32, #tpu.memory_space<vmem>> -> memref<1x128xi32, #tpu.memory_space<vmem>>
    %swap3A_1059 = tpu.memref_squeeze %swap3A_1058 : memref<1x128xi32, #tpu.memory_space<vmem>> -> memref<128xi32, #tpu.memory_space<vmem>>
    %swap3A_1060 = arith.constant 112 : index
    %swap3A_1061 = tpu.vector_load %swap3A_1059[%swap3A_1060] {strides = array<i32>} : memref<128xi32, #tpu.memory_space<vmem>>, vector<16xi32>,
    tpu.vector_store %swap3A_1059[%swap3A_1060], %add3A_1055 {strides = array<i32>} : memref<128xi32, #tpu.memory_space<vmem>>, vector<16xi32>,
    %add3A_1062 = arith.constant 125000 : i32
    %add3A_1063 = vector.broadcast %add3A_1062 : i32 to vector<16xi32>
    %add3A_1064 = arith.addi %shift_right_arithmetic3A_1043, %add3A_1063 : vector<16xi32>
    %swap3A_1065 = arith.constant 10 : i32
    %swap3A_1066 = arith.constant 0 : i32
    %swap3A_1067 = tpu.memref_slice %arg6[%swap3A_1065, %swap3A_1066] : memref<16x128xi32, #tpu.memory_space<vmem>> -> memref<1x128xi32, #tpu.memory_space<vmem>>
    %swap3A_1068 = tpu.memref_squeeze %swap3A_1067 : memref<1x128xi32, #tpu.memory_space<vmem>> -> memref<128xi32, #tpu.memory_space<vmem>>
    %swap3A_1069 = arith.constant 112 : index
    %swap3A_1070 = tpu.vector_load %swap3A_1068[%swap3A_1069] {strides = array<i32>} : memref<128xi32, #tpu.memory_space<vmem>>, vector<16xi32>,
    tpu.vector_store %swap3A_1068[%swap3A_1069], %add3A_1064 {strides = array<i32>} : memref<128xi32, #tpu.memory_space<vmem>>, vector<16xi32>,
    %add3A_1071 = arith.constant 187500 : i32
    %add3A_1072 = vector.broadcast %add3A_1071 : i32 to vector<16xi32>
    %add3A_1073 = arith.addi %shift_right_arithmetic3A_1043, %add3A_1072 : vector<16xi32>
    %swap3A_1074 = arith.constant 11 : i32
    %swap3A_1075 = arith.constant 0 : i32
    %swap3A_1076 = tpu.memref_slice %arg6[%swap3A_1074, %swap3A_1075] : memref<16x128xi32, #tpu.memory_space<vmem>> -> memref<1x128xi32, #tpu.memory_space<vmem>>
    %swap3A_1077 = tpu.memref_squeeze %swap3A_1076 : memref<1x128xi32, #tpu.memory_space<vmem>> -> memref<128xi32, #tpu.memory_space<vmem>>
    %swap3A_1078 = arith.constant 112 : index
    %swap3A_1079 = tpu.vector_load %swap3A_1077[%swap3A_1078] {strides = array<i32>} : memref<128xi32, #tpu.memory_space<vmem>>, vector<16xi32>,
    tpu.vector_store %swap3A_1077[%swap3A_1078], %add3A_1073 {strides = array<i32>} : memref<128xi32, #tpu.memory_space<vmem>>, vector<16xi32>,
    %get3A_1080 = arith.constant 3 : i32
    %get3A_1081 = arith.constant 0 : i32
    %get3A_1082 = tpu.memref_slice %arg5[%get3A_1080, %get3A_1081] : memref<4x128xi32, #tpu.memory_space<vmem>> -> memref<1x128xi32, #tpu.memory_space<vmem>>
    %get3A_1083 = tpu.memref_squeeze %get3A_1082 : memref<1x128xi32, #tpu.memory_space<vmem>> -> memref<128xi32, #tpu.memory_space<vmem>>
    %get3A_1084 = arith.constant 0 : index
    %get3A_1085 = tpu.vector_load %get3A_1083[%get3A_1084] {strides = array<i32>} : memref<128xi32, #tpu.memory_space<vmem>>, vector<16xi32>,
    %shift_right_arithmetic3A_1086 = arith.constant 4 : i32
    %shift_right_arithmetic3A_1087 = vector.broadcast %shift_right_arithmetic3A_1086 : i32 to vector<16xi32>
    %shift_right_arithmetic3A_1088 = arith.shrsi %get3A_1085, %shift_right_arithmetic3A_1087 : vector<16xi32>
    %add3A_1089 = arith.constant 0 : i32
    %add3A_1090 = vector.broadcast %add3A_1089 : i32 to vector<16xi32>
    %add3A_1091 = arith.addi %shift_right_arithmetic3A_1088, %add3A_1090 : vector<16xi32>
    %swap3A_1092 = arith.constant 12 : i32
    %swap3A_1093 = arith.constant 0 : i32
    %swap3A_1094 = tpu.memref_slice %arg6[%swap3A_1092, %swap3A_1093] : memref<16x128xi32, #tpu.memory_space<vmem>> -> memref<1x128xi32, #tpu.memory_space<vmem>>
    %swap3A_1095 = tpu.memref_squeeze %swap3A_1094 : memref<1x128xi32, #tpu.memory_space<vmem>> -> memref<128xi32, #tpu.memory_space<vmem>>
    %swap3A_1096 = arith.constant 0 : index
    %swap3A_1097 = tpu.vector_load %swap3A_1095[%swap3A_1096] {strides = array<i32>} : memref<128xi32, #tpu.memory_space<vmem>>, vector<16xi32>,
    tpu.vector_store %swap3A_1095[%swap3A_1096], %add3A_1091 {strides = array<i32>} : memref<128xi32, #tpu.memory_space<vmem>>, vector<16xi32>,
    %add3A_1098 = arith.constant 62500 : i32
    %add3A_1099 = vector.broadcast %add3A_1098 : i32 to vector<16xi32>
    %add3A_1100 = arith.addi %shift_right_arithmetic3A_1088, %add3A_1099 : vector<16xi32>
    %swap3A_1101 = arith.constant 13 : i32
    %swap3A_1102 = arith.constant 0 : i32
    %swap3A_1103 = tpu.memref_slice %arg6[%swap3A_1101, %swap3A_1102] : memref<16x128xi32, #tpu.memory_space<vmem>> -> memref<1x128xi32, #tpu.memory_space<vmem>>
    %swap3A_1104 = tpu.memref_squeeze %swap3A_1103 : memref<1x128xi32, #tpu.memory_space<vmem>> -> memref<128xi32, #tpu.memory_space<vmem>>
    %swap3A_1105 = arith.constant 0 : index
    %swap3A_1106 = tpu.vector_load %swap3A_1104[%swap3A_1105] {strides = array<i32>} : memref<128xi32, #tpu.memory_space<vmem>>, vector<16xi32>,
    tpu.vector_store %swap3A_1104[%swap3A_1105], %add3A_1100 {strides = array<i32>} : memref<128xi32, #tpu.memory_space<vmem>>, vector<16xi32>,
    %add3A_1107 = arith.constant 125000 : i32
    %add3A_1108 = vector.broadcast %add3A_1107 : i32 to vector<16xi32>
    %add3A_1109 = arith.addi %shift_right_arithmetic3A_1088, %add3A_1108 : vector<16xi32>
    %swap3A_1110 = arith.constant 14 : i32
    %swap3A_1111 = arith.constant 0 : i32
    %swap3A_1112 = tpu.memref_slice %arg6[%swap3A_1110, %swap3A_1111] : memref<16x128xi32, #tpu.memory_space<vmem>> -> memref<1x128xi32, #tpu.memory_space<vmem>>
    %swap3A_1113 = tpu.memref_squeeze %swap3A_1112 : memref<1x128xi32, #tpu.memory_space<vmem>> -> memref<128xi32, #tpu.memory_space<vmem>>
    %swap3A_1114 = arith.constant 0 : index
    %swap3A_1115 = tpu.vector_load %swap3A_1113[%swap3A_1114] {strides = array<i32>} : memref<128xi32, #tpu.memory_space<vmem>>, vector<16xi32>,
    tpu.vector_store %swap3A_1113[%swap3A_1114], %add3A_1109 {strides = array<i32>} : memref<128xi32, #tpu.memory_space<vmem>>, vector<16xi32>,
    %add3A_1116 = arith.constant 187500 : i32
    %add3A_1117 = vector.broadcast %add3A_1116 : i32 to vector<16xi32>
    %add3A_1118 = arith.addi %shift_right_arithmetic3A_1088, %add3A_1117 : vector<16xi32>
    %swap3A_1119 = arith.constant 15 : i32
    %swap3A_1120 = arith.constant 0 : i32
    %swap3A_1121 = tpu.memref_slice %arg6[%swap3A_1119, %swap3A_1120] : memref<16x128xi32, #tpu.memory_space<vmem>> -> memref<1x128xi32, #tpu.memory_space<vmem>>
    %swap3A_1122 = tpu.memref_squeeze %swap3A_1121 : memref<1x128xi32, #tpu.memory_space<vmem>> -> memref<128xi32, #tpu.memory_space<vmem>>
    %swap3A_1123 = arith.constant 0 : index
    %swap3A_1124 = tpu.vector_load %swap3A_1122[%swap3A_1123] {strides = array<i32>} : memref<128xi32, #tpu.memory_space<vmem>>, vector<16xi32>,
    tpu.vector_store %swap3A_1122[%swap3A_1123], %add3A_1118 {strides = array<i32>} : memref<128xi32, #tpu.memory_space<vmem>>, vector<16xi32>,
    %get3A_1125 = arith.constant 3 : i32
    %get3A_1126 = arith.constant 0 : i32
    %get3A_1127 = tpu.memref_slice %arg5[%get3A_1125, %get3A_1126] : memref<4x128xi32, #tpu.memory_space<vmem>> -> memref<1x128xi32, #tpu.memory_space<vmem>>
    %get3A_1128 = tpu.memref_squeeze %get3A_1127 : memref<1x128xi32, #tpu.memory_space<vmem>> -> memref<128xi32, #tpu.memory_space<vmem>>
    %get3A_1129 = arith.constant 16 : index
    %get3A_1130 = tpu.vector_load %get3A_1128[%get3A_1129] {strides = array<i32>} : memref<128xi32, #tpu.memory_space<vmem>>, vector<16xi32>,
    %shift_right_arithmetic3A_1131 = arith.constant 4 : i32
    %shift_right_arithmetic3A_1132 = vector.broadcast %shift_right_arithmetic3A_1131 : i32 to vector<16xi32>
    %shift_right_arithmetic3A_1133 = arith.shrsi %get3A_1130, %shift_right_arithmetic3A_1132 : vector<16xi32>
    %add3A_1134 = arith.constant 0 : i32
    %add3A_1135 = vector.broadcast %add3A_1134 : i32 to vector<16xi32>
    %add3A_1136 = arith.addi %shift_right_arithmetic3A_1133, %add3A_1135 : vector<16xi32>
    %swap3A_1137 = arith.constant 12 : i32
    %swap3A_1138 = arith.constant 0 : i32
    %swap3A_1139 = tpu.memref_slice %arg6[%swap3A_1137, %swap3A_1138] : memref<16x128xi32, #tpu.memory_space<vmem>> -> memref<1x128xi32, #tpu.memory_space<vmem>>
    %swap3A_1140 = tpu.memref_squeeze %swap3A_1139 : memref<1x128xi32, #tpu.memory_space<vmem>> -> memref<128xi32, #tpu.memory_space<vmem>>
    %swap3A_1141 = arith.constant 16 : index
    %swap3A_1142 = tpu.vector_load %swap3A_1140[%swap3A_1141] {strides = array<i32>} : memref<128xi32, #tpu.memory_space<vmem>>, vector<16xi32>,
    tpu.vector_store %swap3A_1140[%swap3A_1141], %add3A_1136 {strides = array<i32>} : memref<128xi32, #tpu.memory_space<vmem>>, vector<16xi32>,
    %add3A_1143 = arith.constant 62500 : i32
    %add3A_1144 = vector.broadcast %add3A_1143 : i32 to vector<16xi32>
    %add3A_1145 = arith.addi %shift_right_arithmetic3A_1133, %add3A_1144 : vector<16xi32>
    %swap3A_1146 = arith.constant 13 : i32
    %swap3A_1147 = arith.constant 0 : i32
    %swap3A_1148 = tpu.memref_slice %arg6[%swap3A_1146, %swap3A_1147] : memref<16x128xi32, #tpu.memory_space<vmem>> -> memref<1x128xi32, #tpu.memory_space<vmem>>
    %swap3A_1149 = tpu.memref_squeeze %swap3A_1148 : memref<1x128xi32, #tpu.memory_space<vmem>> -> memref<128xi32, #tpu.memory_space<vmem>>
    %swap3A_1150 = arith.constant 16 : index
    %swap3A_1151 = tpu.vector_load %swap3A_1149[%swap3A_1150] {strides = array<i32>} : memref<128xi32, #tpu.memory_space<vmem>>, vector<16xi32>,
    tpu.vector_store %swap3A_1149[%swap3A_1150], %add3A_1145 {strides = array<i32>} : memref<128xi32, #tpu.memory_space<vmem>>, vector<16xi32>,
    %add3A_1152 = arith.constant 125000 : i32
    %add3A_1153 = vector.broadcast %add3A_1152 : i32 to vector<16xi32>
    %add3A_1154 = arith.addi %shift_right_arithmetic3A_1133, %add3A_1153 : vector<16xi32>
    %swap3A_1155 = arith.constant 14 : i32
    %swap3A_1156 = arith.constant 0 : i32
    %swap3A_1157 = tpu.memref_slice %arg6[%swap3A_1155, %swap3A_1156] : memref<16x128xi32, #tpu.memory_space<vmem>> -> memref<1x128xi32, #tpu.memory_space<vmem>>
    %swap3A_1158 = tpu.memref_squeeze %swap3A_1157 : memref<1x128xi32, #tpu.memory_space<vmem>> -> memref<128xi32, #tpu.memory_space<vmem>>
    %swap3A_1159 = arith.constant 16 : index
    %swap3A_1160 = tpu.vector_load %swap3A_1158[%swap3A_1159] {strides = array<i32>} : memref<128xi32, #tpu.memory_space<vmem>>, vector<16xi32>,
    tpu.vector_store %swap3A_1158[%swap3A_1159], %add3A_1154 {strides = array<i32>} : memref<128xi32, #tpu.memory_space<vmem>>, vector<16xi32>,
    %add3A_1161 = arith.constant 187500 : i32
    %add3A_1162 = vector.broadcast %add3A_1161 : i32 to vector<16xi32>
    %add3A_1163 = arith.addi %shift_right_arithmetic3A_1133, %add3A_1162 : vector<16xi32>
    %swap3A_1164 = arith.constant 15 : i32
    %swap3A_1165 = arith.constant 0 : i32
    %swap3A_1166 = tpu.memref_slice %arg6[%swap3A_1164, %swap3A_1165] : memref<16x128xi32, #tpu.memory_space<vmem>> -> memref<1x128xi32, #tpu.memory_space<vmem>>
    %swap3A_1167 = tpu.memref_squeeze %swap3A_1166 : memref<1x128xi32, #tpu.memory_space<vmem>> -> memref<128xi32, #tpu.memory_space<vmem>>
    %swap3A_1168 = arith.constant 16 : index
    %swap3A_1169 = tpu.vector_load %swap3A_1167[%swap3A_1168] {strides = array<i32>} : memref<128xi32, #tpu.memory_space<vmem>>, vector<16xi32>,
    tpu.vector_store %swap3A_1167[%swap3A_1168], %add3A_1163 {strides = array<i32>} : memref<128xi32, #tpu.memory_space<vmem>>, vector<16xi32>,
    %get3A_1170 = arith.constant 3 : i32
    %get3A_1171 = arith.constant 0 : i32
    %get3A_1172 = tpu.memref_slice %arg5[%get3A_1170, %get3A_1171] : memref<4x128xi32, #tpu.memory_space<vmem>> -> memref<1x128xi32, #tpu.memory_space<vmem>>
    %get3A_1173 = tpu.memref_squeeze %get3A_1172 : memref<1x128xi32, #tpu.memory_space<vmem>> -> memref<128xi32, #tpu.memory_space<vmem>>
    %get3A_1174 = arith.constant 32 : index
    %get3A_1175 = tpu.vector_load %get3A_1173[%get3A_1174] {strides = array<i32>} : memref<128xi32, #tpu.memory_space<vmem>>, vector<16xi32>,
    %shift_right_arithmetic3A_1176 = arith.constant 4 : i32
    %shift_right_arithmetic3A_1177 = vector.broadcast %shift_right_arithmetic3A_1176 : i32 to vector<16xi32>
    %shift_right_arithmetic3A_1178 = arith.shrsi %get3A_1175, %shift_right_arithmetic3A_1177 : vector<16xi32>
    %add3A_1179 = arith.constant 0 : i32
    %add3A_1180 = vector.broadcast %add3A_1179 : i32 to vector<16xi32>
    %add3A_1181 = arith.addi %shift_right_arithmetic3A_1178, %add3A_1180 : vector<16xi32>
    %swap3A_1182 = arith.constant 12 : i32
    %swap3A_1183 = arith.constant 0 : i32
    %swap3A_1184 = tpu.memref_slice %arg6[%swap3A_1182, %swap3A_1183] : memref<16x128xi32, #tpu.memory_space<vmem>> -> memref<1x128xi32, #tpu.memory_space<vmem>>
    %swap3A_1185 = tpu.memref_squeeze %swap3A_1184 : memref<1x128xi32, #tpu.memory_space<vmem>> -> memref<128xi32, #tpu.memory_space<vmem>>
    %swap3A_1186 = arith.constant 32 : index
    %swap3A_1187 = tpu.vector_load %swap3A_1185[%swap3A_1186] {strides = array<i32>} : memref<128xi32, #tpu.memory_space<vmem>>, vector<16xi32>,
    tpu.vector_store %swap3A_1185[%swap3A_1186], %add3A_1181 {strides = array<i32>} : memref<128xi32, #tpu.memory_space<vmem>>, vector<16xi32>,
    %add3A_1188 = arith.constant 62500 : i32
    %add3A_1189 = vector.broadcast %add3A_1188 : i32 to vector<16xi32>
    %add3A_1190 = arith.addi %shift_right_arithmetic3A_1178, %add3A_1189 : vector<16xi32>
    %swap3A_1191 = arith.constant 13 : i32
    %swap3A_1192 = arith.constant 0 : i32
    %swap3A_1193 = tpu.memref_slice %arg6[%swap3A_1191, %swap3A_1192] : memref<16x128xi32, #tpu.memory_space<vmem>> -> memref<1x128xi32, #tpu.memory_space<vmem>>
    %swap3A_1194 = tpu.memref_squeeze %swap3A_1193 : memref<1x128xi32, #tpu.memory_space<vmem>> -> memref<128xi32, #tpu.memory_space<vmem>>
    %swap3A_1195 = arith.constant 32 : index
    %swap3A_1196 = tpu.vector_load %swap3A_1194[%swap3A_1195] {strides = array<i32>} : memref<128xi32, #tpu.memory_space<vmem>>, vector<16xi32>,
    tpu.vector_store %swap3A_1194[%swap3A_1195], %add3A_1190 {strides = array<i32>} : memref<128xi32, #tpu.memory_space<vmem>>, vector<16xi32>,
    %add3A_1197 = arith.constant 125000 : i32
    %add3A_1198 = vector.broadcast %add3A_1197 : i32 to vector<16xi32>
    %add3A_1199 = arith.addi %shift_right_arithmetic3A_1178, %add3A_1198 : vector<16xi32>
    %swap3A_1200 = arith.constant 14 : i32
    %swap3A_1201 = arith.constant 0 : i32
    %swap3A_1202 = tpu.memref_slice %arg6[%swap3A_1200, %swap3A_1201] : memref<16x128xi32, #tpu.memory_space<vmem>> -> memref<1x128xi32, #tpu.memory_space<vmem>>
    %swap3A_1203 = tpu.memref_squeeze %swap3A_1202 : memref<1x128xi32, #tpu.memory_space<vmem>> -> memref<128xi32, #tpu.memory_space<vmem>>
    %swap3A_1204 = arith.constant 32 : index
    %swap3A_1205 = tpu.vector_load %swap3A_1203[%swap3A_1204] {strides = array<i32>} : memref<128xi32, #tpu.memory_space<vmem>>, vector<16xi32>,
    tpu.vector_store %swap3A_1203[%swap3A_1204], %add3A_1199 {strides = array<i32>} : memref<128xi32, #tpu.memory_space<vmem>>, vector<16xi32>,
    %add3A_1206 = arith.constant 187500 : i32
    %add3A_1207 = vector.broadcast %add3A_1206 : i32 to vector<16xi32>
    %add3A_1208 = arith.addi %shift_right_arithmetic3A_1178, %add3A_1207 : vector<16xi32>
    %swap3A_1209 = arith.constant 15 : i32
    %swap3A_1210 = arith.constant 0 : i32
    %swap3A_1211 = tpu.memref_slice %arg6[%swap3A_1209, %swap3A_1210] : memref<16x128xi32, #tpu.memory_space<vmem>> -> memref<1x128xi32, #tpu.memory_space<vmem>>
    %swap3A_1212 = tpu.memref_squeeze %swap3A_1211 : memref<1x128xi32, #tpu.memory_space<vmem>> -> memref<128xi32, #tpu.memory_space<vmem>>
    %swap3A_1213 = arith.constant 32 : index
    %swap3A_1214 = tpu.vector_load %swap3A_1212[%swap3A_1213] {strides = array<i32>} : memref<128xi32, #tpu.memory_space<vmem>>, vector<16xi32>,
    tpu.vector_store %swap3A_1212[%swap3A_1213], %add3A_1208 {strides = array<i32>} : memref<128xi32, #tpu.memory_space<vmem>>, vector<16xi32>,
    %get3A_1215 = arith.constant 3 : i32
    %get3A_1216 = arith.constant 0 : i32
    %get3A_1217 = tpu.memref_slice %arg5[%get3A_1215, %get3A_1216] : memref<4x128xi32, #tpu.memory_space<vmem>> -> memref<1x128xi32, #tpu.memory_space<vmem>>
    %get3A_1218 = tpu.memref_squeeze %get3A_1217 : memref<1x128xi32, #tpu.memory_space<vmem>> -> memref<128xi32, #tpu.memory_space<vmem>>
    %get3A_1219 = arith.constant 48 : index
    %get3A_1220 = tpu.vector_load %get3A_1218[%get3A_1219] {strides = array<i32>} : memref<128xi32, #tpu.memory_space<vmem>>, vector<16xi32>,
    %shift_right_arithmetic3A_1221 = arith.constant 4 : i32
    %shift_right_arithmetic3A_1222 = vector.broadcast %shift_right_arithmetic3A_1221 : i32 to vector<16xi32>
    %shift_right_arithmetic3A_1223 = arith.shrsi %get3A_1220, %shift_right_arithmetic3A_1222 : vector<16xi32>
    %add3A_1224 = arith.constant 0 : i32
    %add3A_1225 = vector.broadcast %add3A_1224 : i32 to vector<16xi32>
    %add3A_1226 = arith.addi %shift_right_arithmetic3A_1223, %add3A_1225 : vector<16xi32>
    %swap3A_1227 = arith.constant 12 : i32
    %swap3A_1228 = arith.constant 0 : i32
    %swap3A_1229 = tpu.memref_slice %arg6[%swap3A_1227, %swap3A_1228] : memref<16x128xi32, #tpu.memory_space<vmem>> -> memref<1x128xi32, #tpu.memory_space<vmem>>
    %swap3A_1230 = tpu.memref_squeeze %swap3A_1229 : memref<1x128xi32, #tpu.memory_space<vmem>> -> memref<128xi32, #tpu.memory_space<vmem>>
    %swap3A_1231 = arith.constant 48 : index
    %swap3A_1232 = tpu.vector_load %swap3A_1230[%swap3A_1231] {strides = array<i32>} : memref<128xi32, #tpu.memory_space<vmem>>, vector<16xi32>,
    tpu.vector_store %swap3A_1230[%swap3A_1231], %add3A_1226 {strides = array<i32>} : memref<128xi32, #tpu.memory_space<vmem>>, vector<16xi32>,
    %add3A_1233 = arith.constant 62500 : i32
    %add3A_1234 = vector.broadcast %add3A_1233 : i32 to vector<16xi32>
    %add3A_1235 = arith.addi %shift_right_arithmetic3A_1223, %add3A_1234 : vector<16xi32>
    %swap3A_1236 = arith.constant 13 : i32
    %swap3A_1237 = arith.constant 0 : i32
    %swap3A_1238 = tpu.memref_slice %arg6[%swap3A_1236, %swap3A_1237] : memref<16x128xi32, #tpu.memory_space<vmem>> -> memref<1x128xi32, #tpu.memory_space<vmem>>
    %swap3A_1239 = tpu.memref_squeeze %swap3A_1238 : memref<1x128xi32, #tpu.memory_space<vmem>> -> memref<128xi32, #tpu.memory_space<vmem>>
    %swap3A_1240 = arith.constant 48 : index
    %swap3A_1241 = tpu.vector_load %swap3A_1239[%swap3A_1240] {strides = array<i32>} : memref<128xi32, #tpu.memory_space<vmem>>, vector<16xi32>,
    tpu.vector_store %swap3A_1239[%swap3A_1240], %add3A_1235 {strides = array<i32>} : memref<128xi32, #tpu.memory_space<vmem>>, vector<16xi32>,
    %add3A_1242 = arith.constant 125000 : i32
    %add3A_1243 = vector.broadcast %add3A_1242 : i32 to vector<16xi32>
    %add3A_1244 = arith.addi %shift_right_arithmetic3A_1223, %add3A_1243 : vector<16xi32>
    %swap3A_1245 = arith.constant 14 : i32
    %swap3A_1246 = arith.constant 0 : i32
    %swap3A_1247 = tpu.memref_slice %arg6[%swap3A_1245, %swap3A_1246] : memref<16x128xi32, #tpu.memory_space<vmem>> -> memref<1x128xi32, #tpu.memory_space<vmem>>
    %swap3A_1248 = tpu.memref_squeeze %swap3A_1247 : memref<1x128xi32, #tpu.memory_space<vmem>> -> memref<128xi32, #tpu.memory_space<vmem>>
    %swap3A_1249 = arith.constant 48 : index
    %swap3A_1250 = tpu.vector_load %swap3A_1248[%swap3A_1249] {strides = array<i32>} : memref<128xi32, #tpu.memory_space<vmem>>, vector<16xi32>,
    tpu.vector_store %swap3A_1248[%swap3A_1249], %add3A_1244 {strides = array<i32>} : memref<128xi32, #tpu.memory_space<vmem>>, vector<16xi32>,
    %add3A_1251 = arith.constant 187500 : i32
    %add3A_1252 = vector.broadcast %add3A_1251 : i32 to vector<16xi32>
    %add3A_1253 = arith.addi %shift_right_arithmetic3A_1223, %add3A_1252 : vector<16xi32>
    %swap3A_1254 = arith.constant 15 : i32
    %swap3A_1255 = arith.constant 0 : i32
    %swap3A_1256 = tpu.memref_slice %arg6[%swap3A_1254, %swap3A_1255] : memref<16x128xi32, #tpu.memory_space<vmem>> -> memref<1x128xi32, #tpu.memory_space<vmem>>
    %swap3A_1257 = tpu.memref_squeeze %swap3A_1256 : memref<1x128xi32, #tpu.memory_space<vmem>> -> memref<128xi32, #tpu.memory_space<vmem>>
    %swap3A_1258 = arith.constant 48 : index
    %swap3A_1259 = tpu.vector_load %swap3A_1257[%swap3A_1258] {strides = array<i32>} : memref<128xi32, #tpu.memory_space<vmem>>, vector<16xi32>,
    tpu.vector_store %swap3A_1257[%swap3A_1258], %add3A_1253 {strides = array<i32>} : memref<128xi32, #tpu.memory_space<vmem>>, vector<16xi32>,
    %get3A_1260 = arith.constant 3 : i32
    %get3A_1261 = arith.constant 0 : i32
    %get3A_1262 = tpu.memref_slice %arg5[%get3A_1260, %get3A_1261] : memref<4x128xi32, #tpu.memory_space<vmem>> -> memref<1x128xi32, #tpu.memory_space<vmem>>
    %get3A_1263 = tpu.memref_squeeze %get3A_1262 : memref<1x128xi32, #tpu.memory_space<vmem>> -> memref<128xi32, #tpu.memory_space<vmem>>
    %get3A_1264 = arith.constant 64 : index
    %get3A_1265 = tpu.vector_load %get3A_1263[%get3A_1264] {strides = array<i32>} : memref<128xi32, #tpu.memory_space<vmem>>, vector<16xi32>,
    %shift_right_arithmetic3A_1266 = arith.constant 4 : i32
    %shift_right_arithmetic3A_1267 = vector.broadcast %shift_right_arithmetic3A_1266 : i32 to vector<16xi32>
    %shift_right_arithmetic3A_1268 = arith.shrsi %get3A_1265, %shift_right_arithmetic3A_1267 : vector<16xi32>
    %add3A_1269 = arith.constant 0 : i32
    %add3A_1270 = vector.broadcast %add3A_1269 : i32 to vector<16xi32>
    %add3A_1271 = arith.addi %shift_right_arithmetic3A_1268, %add3A_1270 : vector<16xi32>
    %swap3A_1272 = arith.constant 12 : i32
    %swap3A_1273 = arith.constant 0 : i32
    %swap3A_1274 = tpu.memref_slice %arg6[%swap3A_1272, %swap3A_1273] : memref<16x128xi32, #tpu.memory_space<vmem>> -> memref<1x128xi32, #tpu.memory_space<vmem>>
    %swap3A_1275 = tpu.memref_squeeze %swap3A_1274 : memref<1x128xi32, #tpu.memory_space<vmem>> -> memref<128xi32, #tpu.memory_space<vmem>>
    %swap3A_1276 = arith.constant 64 : index
    %swap3A_1277 = tpu.vector_load %swap3A_1275[%swap3A_1276] {strides = array<i32>} : memref<128xi32, #tpu.memory_space<vmem>>, vector<16xi32>,
    tpu.vector_store %swap3A_1275[%swap3A_1276], %add3A_1271 {strides = array<i32>} : memref<128xi32, #tpu.memory_space<vmem>>, vector<16xi32>,
    %add3A_1278 = arith.constant 62500 : i32
    %add3A_1279 = vector.broadcast %add3A_1278 : i32 to vector<16xi32>
    %add3A_1280 = arith.addi %shift_right_arithmetic3A_1268, %add3A_1279 : vector<16xi32>
    %swap3A_1281 = arith.constant 13 : i32
    %swap3A_1282 = arith.constant 0 : i32
    %swap3A_1283 = tpu.memref_slice %arg6[%swap3A_1281, %swap3A_1282] : memref<16x128xi32, #tpu.memory_space<vmem>> -> memref<1x128xi32, #tpu.memory_space<vmem>>
    %swap3A_1284 = tpu.memref_squeeze %swap3A_1283 : memref<1x128xi32, #tpu.memory_space<vmem>> -> memref<128xi32, #tpu.memory_space<vmem>>
    %swap3A_1285 = arith.constant 64 : index
    %swap3A_1286 = tpu.vector_load %swap3A_1284[%swap3A_1285] {strides = array<i32>} : memref<128xi32, #tpu.memory_space<vmem>>, vector<16xi32>,
    tpu.vector_store %swap3A_1284[%swap3A_1285], %add3A_1280 {strides = array<i32>} : memref<128xi32, #tpu.memory_space<vmem>>, vector<16xi32>,
    %add3A_1287 = arith.constant 125000 : i32
    %add3A_1288 = vector.broadcast %add3A_1287 : i32 to vector<16xi32>
    %add3A_1289 = arith.addi %shift_right_arithmetic3A_1268, %add3A_1288 : vector<16xi32>
    %swap3A_1290 = arith.constant 14 : i32
    %swap3A_1291 = arith.constant 0 : i32
    %swap3A_1292 = tpu.memref_slice %arg6[%swap3A_1290, %swap3A_1291] : memref<16x128xi32, #tpu.memory_space<vmem>> -> memref<1x128xi32, #tpu.memory_space<vmem>>
    %swap3A_1293 = tpu.memref_squeeze %swap3A_1292 : memref<1x128xi32, #tpu.memory_space<vmem>> -> memref<128xi32, #tpu.memory_space<vmem>>
    %swap3A_1294 = arith.constant 64 : index
    %swap3A_1295 = tpu.vector_load %swap3A_1293[%swap3A_1294] {strides = array<i32>} : memref<128xi32, #tpu.memory_space<vmem>>, vector<16xi32>,
    tpu.vector_store %swap3A_1293[%swap3A_1294], %add3A_1289 {strides = array<i32>} : memref<128xi32, #tpu.memory_space<vmem>>, vector<16xi32>,
    %add3A_1296 = arith.constant 187500 : i32
    %add3A_1297 = vector.broadcast %add3A_1296 : i32 to vector<16xi32>
    %add3A_1298 = arith.addi %shift_right_arithmetic3A_1268, %add3A_1297 : vector<16xi32>
    %swap3A_1299 = arith.constant 15 : i32
    %swap3A_1300 = arith.constant 0 : i32
    %swap3A_1301 = tpu.memref_slice %arg6[%swap3A_1299, %swap3A_1300] : memref<16x128xi32, #tpu.memory_space<vmem>> -> memref<1x128xi32, #tpu.memory_space<vmem>>
    %swap3A_1302 = tpu.memref_squeeze %swap3A_1301 : memref<1x128xi32, #tpu.memory_space<vmem>> -> memref<128xi32, #tpu.memory_space<vmem>>
    %swap3A_1303 = arith.constant 64 : index
    %swap3A_1304 = tpu.vector_load %swap3A_1302[%swap3A_1303] {strides = array<i32>} : memref<128xi32, #tpu.memory_space<vmem>>, vector<16xi32>,
    tpu.vector_store %swap3A_1302[%swap3A_1303], %add3A_1298 {strides = array<i32>} : memref<128xi32, #tpu.memory_space<vmem>>, vector<16xi32>,
    %get3A_1305 = arith.constant 3 : i32
    %get3A_1306 = arith.constant 0 : i32
    %get3A_1307 = tpu.memref_slice %arg5[%get3A_1305, %get3A_1306] : memref<4x128xi32, #tpu.memory_space<vmem>> -> memref<1x128xi32, #tpu.memory_space<vmem>>
    %get3A_1308 = tpu.memref_squeeze %get3A_1307 : memref<1x128xi32, #tpu.memory_space<vmem>> -> memref<128xi32, #tpu.memory_space<vmem>>
    %get3A_1309 = arith.constant 80 : index
    %get3A_1310 = tpu.vector_load %get3A_1308[%get3A_1309] {strides = array<i32>} : memref<128xi32, #tpu.memory_space<vmem>>, vector<16xi32>,
    %shift_right_arithmetic3A_1311 = arith.constant 4 : i32
    %shift_right_arithmetic3A_1312 = vector.broadcast %shift_right_arithmetic3A_1311 : i32 to vector<16xi32>
    %shift_right_arithmetic3A_1313 = arith.shrsi %get3A_1310, %shift_right_arithmetic3A_1312 : vector<16xi32>
    %add3A_1314 = arith.constant 0 : i32
    %add3A_1315 = vector.broadcast %add3A_1314 : i32 to vector<16xi32>
    %add3A_1316 = arith.addi %shift_right_arithmetic3A_1313, %add3A_1315 : vector<16xi32>
    %swap3A_1317 = arith.constant 12 : i32
    %swap3A_1318 = arith.constant 0 : i32
    %swap3A_1319 = tpu.memref_slice %arg6[%swap3A_1317, %swap3A_1318] : memref<16x128xi32, #tpu.memory_space<vmem>> -> memref<1x128xi32, #tpu.memory_space<vmem>>
    %swap3A_1320 = tpu.memref_squeeze %swap3A_1319 : memref<1x128xi32, #tpu.memory_space<vmem>> -> memref<128xi32, #tpu.memory_space<vmem>>
    %swap3A_1321 = arith.constant 80 : index
    %swap3A_1322 = tpu.vector_load %swap3A_1320[%swap3A_1321] {strides = array<i32>} : memref<128xi32, #tpu.memory_space<vmem>>, vector<16xi32>,
    tpu.vector_store %swap3A_1320[%swap3A_1321], %add3A_1316 {strides = array<i32>} : memref<128xi32, #tpu.memory_space<vmem>>, vector<16xi32>,
    %add3A_1323 = arith.constant 62500 : i32
    %add3A_1324 = vector.broadcast %add3A_1323 : i32 to vector<16xi32>
    %add3A_1325 = arith.addi %shift_right_arithmetic3A_1313, %add3A_1324 : vector<16xi32>
    %swap3A_1326 = arith.constant 13 : i32
    %swap3A_1327 = arith.constant 0 : i32
    %swap3A_1328 = tpu.memref_slice %arg6[%swap3A_1326, %swap3A_1327] : memref<16x128xi32, #tpu.memory_space<vmem>> -> memref<1x128xi32, #tpu.memory_space<vmem>>
    %swap3A_1329 = tpu.memref_squeeze %swap3A_1328 : memref<1x128xi32, #tpu.memory_space<vmem>> -> memref<128xi32, #tpu.memory_space<vmem>>
    %swap3A_1330 = arith.constant 80 : index
    %swap3A_1331 = tpu.vector_load %swap3A_1329[%swap3A_1330] {strides = array<i32>} : memref<128xi32, #tpu.memory_space<vmem>>, vector<16xi32>,
    tpu.vector_store %swap3A_1329[%swap3A_1330], %add3A_1325 {strides = array<i32>} : memref<128xi32, #tpu.memory_space<vmem>>, vector<16xi32>,
    %add3A_1332 = arith.constant 125000 : i32
    %add3A_1333 = vector.broadcast %add3A_1332 : i32 to vector<16xi32>
    %add3A_1334 = arith.addi %shift_right_arithmetic3A_1313, %add3A_1333 : vector<16xi32>
    %swap3A_1335 = arith.constant 14 : i32
    %swap3A_1336 = arith.constant 0 : i32
    %swap3A_1337 = tpu.memref_slice %arg6[%swap3A_1335, %swap3A_1336] : memref<16x128xi32, #tpu.memory_space<vmem>> -> memref<1x128xi32, #tpu.memory_space<vmem>>
    %swap3A_1338 = tpu.memref_squeeze %swap3A_1337 : memref<1x128xi32, #tpu.memory_space<vmem>> -> memref<128xi32, #tpu.memory_space<vmem>>
    %swap3A_1339 = arith.constant 80 : index
    %swap3A_1340 = tpu.vector_load %swap3A_1338[%swap3A_1339] {strides = array<i32>} : memref<128xi32, #tpu.memory_space<vmem>>, vector<16xi32>,
    tpu.vector_store %swap3A_1338[%swap3A_1339], %add3A_1334 {strides = array<i32>} : memref<128xi32, #tpu.memory_space<vmem>>, vector<16xi32>,
    %add3A_1341 = arith.constant 187500 : i32
    %add3A_1342 = vector.broadcast %add3A_1341 : i32 to vector<16xi32>
    %add3A_1343 = arith.addi %shift_right_arithmetic3A_1313, %add3A_1342 : vector<16xi32>
    %swap3A_1344 = arith.constant 15 : i32
    %swap3A_1345 = arith.constant 0 : i32
    %swap3A_1346 = tpu.memref_slice %arg6[%swap3A_1344, %swap3A_1345] : memref<16x128xi32, #tpu.memory_space<vmem>> -> memref<1x128xi32, #tpu.memory_space<vmem>>
    %swap3A_1347 = tpu.memref_squeeze %swap3A_1346 : memref<1x128xi32, #tpu.memory_space<vmem>> -> memref<128xi32, #tpu.memory_space<vmem>>
    %swap3A_1348 = arith.constant 80 : index
    %swap3A_1349 = tpu.vector_load %swap3A_1347[%swap3A_1348] {strides = array<i32>} : memref<128xi32, #tpu.memory_space<vmem>>, vector<16xi32>,
    tpu.vector_store %swap3A_1347[%swap3A_1348], %add3A_1343 {strides = array<i32>} : memref<128xi32, #tpu.memory_space<vmem>>, vector<16xi32>,
    %get3A_1350 = arith.constant 3 : i32
    %get3A_1351 = arith.constant 0 : i32
    %get3A_1352 = tpu.memref_slice %arg5[%get3A_1350, %get3A_1351] : memref<4x128xi32, #tpu.memory_space<vmem>> -> memref<1x128xi32, #tpu.memory_space<vmem>>
    %get3A_1353 = tpu.memref_squeeze %get3A_1352 : memref<1x128xi32, #tpu.memory_space<vmem>> -> memref<128xi32, #tpu.memory_space<vmem>>
    %get3A_1354 = arith.constant 96 : index
    %get3A_1355 = tpu.vector_load %get3A_1353[%get3A_1354] {strides = array<i32>} : memref<128xi32, #tpu.memory_space<vmem>>, vector<16xi32>,
    %shift_right_arithmetic3A_1356 = arith.constant 4 : i32
    %shift_right_arithmetic3A_1357 = vector.broadcast %shift_right_arithmetic3A_1356 : i32 to vector<16xi32>
    %shift_right_arithmetic3A_1358 = arith.shrsi %get3A_1355, %shift_right_arithmetic3A_1357 : vector<16xi32>
    %add3A_1359 = arith.constant 0 : i32
    %add3A_1360 = vector.broadcast %add3A_1359 : i32 to vector<16xi32>
    %add3A_1361 = arith.addi %shift_right_arithmetic3A_1358, %add3A_1360 : vector<16xi32>
    %swap3A_1362 = arith.constant 12 : i32
    %swap3A_1363 = arith.constant 0 : i32
    %swap3A_1364 = tpu.memref_slice %arg6[%swap3A_1362, %swap3A_1363] : memref<16x128xi32, #tpu.memory_space<vmem>> -> memref<1x128xi32, #tpu.memory_space<vmem>>
    %swap3A_1365 = tpu.memref_squeeze %swap3A_1364 : memref<1x128xi32, #tpu.memory_space<vmem>> -> memref<128xi32, #tpu.memory_space<vmem>>
    %swap3A_1366 = arith.constant 96 : index
    %swap3A_1367 = tpu.vector_load %swap3A_1365[%swap3A_1366] {strides = array<i32>} : memref<128xi32, #tpu.memory_space<vmem>>, vector<16xi32>,
    tpu.vector_store %swap3A_1365[%swap3A_1366], %add3A_1361 {strides = array<i32>} : memref<128xi32, #tpu.memory_space<vmem>>, vector<16xi32>,
    %add3A_1368 = arith.constant 62500 : i32
    %add3A_1369 = vector.broadcast %add3A_1368 : i32 to vector<16xi32>
    %add3A_1370 = arith.addi %shift_right_arithmetic3A_1358, %add3A_1369 : vector<16xi32>
    %swap3A_1371 = arith.constant 13 : i32
    %swap3A_1372 = arith.constant 0 : i32
    %swap3A_1373 = tpu.memref_slice %arg6[%swap3A_1371, %swap3A_1372] : memref<16x128xi32, #tpu.memory_space<vmem>> -> memref<1x128xi32, #tpu.memory_space<vmem>>
    %swap3A_1374 = tpu.memref_squeeze %swap3A_1373 : memref<1x128xi32, #tpu.memory_space<vmem>> -> memref<128xi32, #tpu.memory_space<vmem>>
    %swap3A_1375 = arith.constant 96 : index
    %swap3A_1376 = tpu.vector_load %swap3A_1374[%swap3A_1375] {strides = array<i32>} : memref<128xi32, #tpu.memory_space<vmem>>, vector<16xi32>,
    tpu.vector_store %swap3A_1374[%swap3A_1375], %add3A_1370 {strides = array<i32>} : memref<128xi32, #tpu.memory_space<vmem>>, vector<16xi32>,
    %add3A_1377 = arith.constant 125000 : i32
    %add3A_1378 = vector.broadcast %add3A_1377 : i32 to vector<16xi32>
    %add3A_1379 = arith.addi %shift_right_arithmetic3A_1358, %add3A_1378 : vector<16xi32>
    %swap3A_1380 = arith.constant 14 : i32
    %swap3A_1381 = arith.constant 0 : i32
    %swap3A_1382 = tpu.memref_slice %arg6[%swap3A_1380, %swap3A_1381] : memref<16x128xi32, #tpu.memory_space<vmem>> -> memref<1x128xi32, #tpu.memory_space<vmem>>
    %swap3A_1383 = tpu.memref_squeeze %swap3A_1382 : memref<1x128xi32, #tpu.memory_space<vmem>> -> memref<128xi32, #tpu.memory_space<vmem>>
    %swap3A_1384 = arith.constant 96 : index
    %swap3A_1385 = tpu.vector_load %swap3A_1383[%swap3A_1384] {strides = array<i32>} : memref<128xi32, #tpu.memory_space<vmem>>, vector<16xi32>,
    tpu.vector_store %swap3A_1383[%swap3A_1384], %add3A_1379 {strides = array<i32>} : memref<128xi32, #tpu.memory_space<vmem>>, vector<16xi32>,
    %add3A_1386 = arith.constant 187500 : i32
    %add3A_1387 = vector.broadcast %add3A_1386 : i32 to vector<16xi32>
    %add3A_1388 = arith.addi %shift_right_arithmetic3A_1358, %add3A_1387 : vector<16xi32>
    %swap3A_1389 = arith.constant 15 : i32
    %swap3A_1390 = arith.constant 0 : i32
    %swap3A_1391 = tpu.memref_slice %arg6[%swap3A_1389, %swap3A_1390] : memref<16x128xi32, #tpu.memory_space<vmem>> -> memref<1x128xi32, #tpu.memory_space<vmem>>
    %swap3A_1392 = tpu.memref_squeeze %swap3A_1391 : memref<1x128xi32, #tpu.memory_space<vmem>> -> memref<128xi32, #tpu.memory_space<vmem>>
    %swap3A_1393 = arith.constant 96 : index
    %swap3A_1394 = tpu.vector_load %swap3A_1392[%swap3A_1393] {strides = array<i32>} : memref<128xi32, #tpu.memory_space<vmem>>, vector<16xi32>,
    tpu.vector_store %swap3A_1392[%swap3A_1393], %add3A_1388 {strides = array<i32>} : memref<128xi32, #tpu.memory_space<vmem>>, vector<16xi32>,
    %get3A_1395 = arith.constant 3 : i32
    %get3A_1396 = arith.constant 0 : i32
    %get3A_1397 = tpu.memref_slice %arg5[%get3A_1395, %get3A_1396] : memref<4x128xi32, #tpu.memory_space<vmem>> -> memref<1x128xi32, #tpu.memory_space<vmem>>
    %get3A_1398 = tpu.memref_squeeze %get3A_1397 : memref<1x128xi32, #tpu.memory_space<vmem>> -> memref<128xi32, #tpu.memory_space<vmem>>
    %get3A_1399 = arith.constant 112 : index
    %get3A_1400 = tpu.vector_load %get3A_1398[%get3A_1399] {strides = array<i32>} : memref<128xi32, #tpu.memory_space<vmem>>, vector<16xi32>,
    %shift_right_arithmetic3A_1401 = arith.constant 4 : i32
    %shift_right_arithmetic3A_1402 = vector.broadcast %shift_right_arithmetic3A_1401 : i32 to vector<16xi32>
    %shift_right_arithmetic3A_1403 = arith.shrsi %get3A_1400, %shift_right_arithmetic3A_1402 : vector<16xi32>
    %add3A_1404 = arith.constant 0 : i32
    %add3A_1405 = vector.broadcast %add3A_1404 : i32 to vector<16xi32>
    %add3A_1406 = arith.addi %shift_right_arithmetic3A_1403, %add3A_1405 : vector<16xi32>
    %swap3A_1407 = arith.constant 12 : i32
    %swap3A_1408 = arith.constant 0 : i32
    %swap3A_1409 = tpu.memref_slice %arg6[%swap3A_1407, %swap3A_1408] : memref<16x128xi32, #tpu.memory_space<vmem>> -> memref<1x128xi32, #tpu.memory_space<vmem>>
    %swap3A_1410 = tpu.memref_squeeze %swap3A_1409 : memref<1x128xi32, #tpu.memory_space<vmem>> -> memref<128xi32, #tpu.memory_space<vmem>>
    %swap3A_1411 = arith.constant 112 : index
    %swap3A_1412 = tpu.vector_load %swap3A_1410[%swap3A_1411] {strides = array<i32>} : memref<128xi32, #tpu.memory_space<vmem>>, vector<16xi32>,
    tpu.vector_store %swap3A_1410[%swap3A_1411], %add3A_1406 {strides = array<i32>} : memref<128xi32, #tpu.memory_space<vmem>>, vector<16xi32>,
    %add3A_1413 = arith.constant 62500 : i32
    %add3A_1414 = vector.broadcast %add3A_1413 : i32 to vector<16xi32>
    %add3A_1415 = arith.addi %shift_right_arithmetic3A_1403, %add3A_1414 : vector<16xi32>
    %swap3A_1416 = arith.constant 13 : i32
    %swap3A_1417 = arith.constant 0 : i32
    %swap3A_1418 = tpu.memref_slice %arg6[%swap3A_1416, %swap3A_1417] : memref<16x128xi32, #tpu.memory_space<vmem>> -> memref<1x128xi32, #tpu.memory_space<vmem>>
    %swap3A_1419 = tpu.memref_squeeze %swap3A_1418 : memref<1x128xi32, #tpu.memory_space<vmem>> -> memref<128xi32, #tpu.memory_space<vmem>>
    %swap3A_1420 = arith.constant 112 : index
    %swap3A_1421 = tpu.vector_load %swap3A_1419[%swap3A_1420] {strides = array<i32>} : memref<128xi32, #tpu.memory_space<vmem>>, vector<16xi32>,
    tpu.vector_store %swap3A_1419[%swap3A_1420], %add3A_1415 {strides = array<i32>} : memref<128xi32, #tpu.memory_space<vmem>>, vector<16xi32>,
    %add3A_1422 = arith.constant 125000 : i32
    %add3A_1423 = vector.broadcast %add3A_1422 : i32 to vector<16xi32>
    %add3A_1424 = arith.addi %shift_right_arithmetic3A_1403, %add3A_1423 : vector<16xi32>
    %swap3A_1425 = arith.constant 14 : i32
    %swap3A_1426 = arith.constant 0 : i32
    %swap3A_1427 = tpu.memref_slice %arg6[%swap3A_1425, %swap3A_1426] : memref<16x128xi32, #tpu.memory_space<vmem>> -> memref<1x128xi32, #tpu.memory_space<vmem>>
    %swap3A_1428 = tpu.memref_squeeze %swap3A_1427 : memref<1x128xi32, #tpu.memory_space<vmem>> -> memref<128xi32, #tpu.memory_space<vmem>>
    %swap3A_1429 = arith.constant 112 : index
    %swap3A_1430 = tpu.vector_load %swap3A_1428[%swap3A_1429] {strides = array<i32>} : memref<128xi32, #tpu.memory_space<vmem>>, vector<16xi32>,
    tpu.vector_store %swap3A_1428[%swap3A_1429], %add3A_1424 {strides = array<i32>} : memref<128xi32, #tpu.memory_space<vmem>>, vector<16xi32>,
    %add3A_1431 = arith.constant 187500 : i32
    %add3A_1432 = vector.broadcast %add3A_1431 : i32 to vector<16xi32>
    %add3A_1433 = arith.addi %shift_right_arithmetic3A_1403, %add3A_1432 : vector<16xi32>
    %swap3A_1434 = arith.constant 15 : i32
    %swap3A_1435 = arith.constant 0 : i32
    %swap3A_1436 = tpu.memref_slice %arg6[%swap3A_1434, %swap3A_1435] : memref<16x128xi32, #tpu.memory_space<vmem>> -> memref<1x128xi32, #tpu.memory_space<vmem>>
    %swap3A_1437 = tpu.memref_squeeze %swap3A_1436 : memref<1x128xi32, #tpu.memory_space<vmem>> -> memref<128xi32, #tpu.memory_space<vmem>>
    %swap3A_1438 = arith.constant 112 : index
    %swap3A_1439 = tpu.vector_load %swap3A_1437[%swap3A_1438] {strides = array<i32>} : memref<128xi32, #tpu.memory_space<vmem>>, vector<16xi32>,
    tpu.vector_store %swap3A_1437[%swap3A_1438], %add3A_1433 {strides = array<i32>} : memref<128xi32, #tpu.memory_space<vmem>>, vector<16xi32>,
    %dma_start3A = arith.constant 0 : i32
    %dma_start3A_1440 = arith.constant 0 : i32
    %dma_start3A_1441 = arith.constant 0 : i32
    %dma_start3A_1442 = tpu.memref_slice %arg7[%dma_start3A_1440, %dma_start3A_1441] : memref<2048x16xf32, #tpu.memory_space<vmem>> -> memref<128x16xf32, #tpu.memory_space<vmem>>
    %dma_start3A_1443 = arith.constant 0 : i32
    %dma_start3A_1444 = tpu.memref_slice %arg6[%dma_start3A, %dma_start3A_1443] : memref<16x128xi32, #tpu.memory_space<vmem>> -> memref<1x128xi32, #tpu.memory_space<vmem>>
    %dma_start3A_1445 = tpu.memref_squeeze %dma_start3A_1444 : memref<1x128xi32, #tpu.memory_space<vmem>> -> memref<128xi32, #tpu.memory_space<vmem>>
    %dma_start3A_1446 = arith.constant 0 : i32
    %dma_start3A_1447 = arith.constant 0 : i32
    %dma_start3A_1448 = tpu.memref_slice %arg2[%dma_start3A_1446, %dma_start3A_1447] : memref<250000x16xf32, #tpu.memory_space<hbm>> -> memref<250000x16xf32, #tpu.memory_space<hbm>>
    tpu.enqueue_indirect_dma source(%dma_start3A_1448 : memref<250000x16xf32, #tpu.memory_space<hbm>>) target(%dma_start3A_1442 : memref<128x16xf32, #tpu.memory_space<vmem>>) offsets(%dma_start3A_1445 : memref<128xi32, #tpu.memory_space<vmem>>) semaphore(%arg9 : memref<!tpu.dma_semaphore, #tpu.memory_space<semaphore_mem>>)
    %dma_start3A_1449 = arith.constant 1 : i32
    %dma_start3A_1450 = arith.constant 128 : i32
    %dma_start3A_1451 = arith.constant 0 : i32
    %dma_start3A_1452 = tpu.memref_slice %arg7[%dma_start3A_1450, %dma_start3A_1451] : memref<2048x16xf32, #tpu.memory_space<vmem>> -> memref<128x16xf32, #tpu.memory_space<vmem>>
    %dma_start3A_1453 = arith.constant 0 : i32
    %dma_start3A_1454 = tpu.memref_slice %arg6[%dma_start3A_1449, %dma_start3A_1453] : memref<16x128xi32, #tpu.memory_space<vmem>> -> memref<1x128xi32, #tpu.memory_space<vmem>>
    %dma_start3A_1455 = tpu.memref_squeeze %dma_start3A_1454 : memref<1x128xi32, #tpu.memory_space<vmem>> -> memref<128xi32, #tpu.memory_space<vmem>>
    %dma_start3A_1456 = arith.constant 0 : i32
    %dma_start3A_1457 = arith.constant 0 : i32
    %dma_start3A_1458 = tpu.memref_slice %arg2[%dma_start3A_1456, %dma_start3A_1457] : memref<250000x16xf32, #tpu.memory_space<hbm>> -> memref<250000x16xf32, #tpu.memory_space<hbm>>
    tpu.enqueue_indirect_dma source(%dma_start3A_1458 : memref<250000x16xf32, #tpu.memory_space<hbm>>) target(%dma_start3A_1452 : memref<128x16xf32, #tpu.memory_space<vmem>>) offsets(%dma_start3A_1455 : memref<128xi32, #tpu.memory_space<vmem>>) semaphore(%arg9 : memref<!tpu.dma_semaphore, #tpu.memory_space<semaphore_mem>>)
    %dma_start3A_1459 = arith.constant 2 : i32
    %dma_start3A_1460 = arith.constant 256 : i32
    %dma_start3A_1461 = arith.constant 0 : i32
    %dma_start3A_1462 = tpu.memref_slice %arg7[%dma_start3A_1460, %dma_start3A_1461] : memref<2048x16xf32, #tpu.memory_space<vmem>> -> memref<128x16xf32, #tpu.memory_space<vmem>>
    %dma_start3A_1463 = arith.constant 0 : i32
    %dma_start3A_1464 = tpu.memref_slice %arg6[%dma_start3A_1459, %dma_start3A_1463] : memref<16x128xi32, #tpu.memory_space<vmem>> -> memref<1x128xi32, #tpu.memory_space<vmem>>
    %dma_start3A_1465 = tpu.memref_squeeze %dma_start3A_1464 : memref<1x128xi32, #tpu.memory_space<vmem>> -> memref<128xi32, #tpu.memory_space<vmem>>
    %dma_start3A_1466 = arith.constant 0 : i32
    %dma_start3A_1467 = arith.constant 0 : i32
    %dma_start3A_1468 = tpu.memref_slice %arg2[%dma_start3A_1466, %dma_start3A_1467] : memref<250000x16xf32, #tpu.memory_space<hbm>> -> memref<250000x16xf32, #tpu.memory_space<hbm>>
    tpu.enqueue_indirect_dma source(%dma_start3A_1468 : memref<250000x16xf32, #tpu.memory_space<hbm>>) target(%dma_start3A_1462 : memref<128x16xf32, #tpu.memory_space<vmem>>) offsets(%dma_start3A_1465 : memref<128xi32, #tpu.memory_space<vmem>>) semaphore(%arg9 : memref<!tpu.dma_semaphore, #tpu.memory_space<semaphore_mem>>)
    %dma_start3A_1469 = arith.constant 3 : i32
    %dma_start3A_1470 = arith.constant 384 : i32
    %dma_start3A_1471 = arith.constant 0 : i32
    %dma_start3A_1472 = tpu.memref_slice %arg7[%dma_start3A_1470, %dma_start3A_1471] : memref<2048x16xf32, #tpu.memory_space<vmem>> -> memref<128x16xf32, #tpu.memory_space<vmem>>
    %dma_start3A_1473 = arith.constant 0 : i32
    %dma_start3A_1474 = tpu.memref_slice %arg6[%dma_start3A_1469, %dma_start3A_1473] : memref<16x128xi32, #tpu.memory_space<vmem>> -> memref<1x128xi32, #tpu.memory_space<vmem>>
    %dma_start3A_1475 = tpu.memref_squeeze %dma_start3A_1474 : memref<1x128xi32, #tpu.memory_space<vmem>> -> memref<128xi32, #tpu.memory_space<vmem>>
    %dma_start3A_1476 = arith.constant 0 : i32
    %dma_start3A_1477 = arith.constant 0 : i32
    %dma_start3A_1478 = tpu.memref_slice %arg2[%dma_start3A_1476, %dma_start3A_1477] : memref<250000x16xf32, #tpu.memory_space<hbm>> -> memref<250000x16xf32, #tpu.memory_space<hbm>>
    tpu.enqueue_indirect_dma source(%dma_start3A_1478 : memref<250000x16xf32, #tpu.memory_space<hbm>>) target(%dma_start3A_1472 : memref<128x16xf32, #tpu.memory_space<vmem>>) offsets(%dma_start3A_1475 : memref<128xi32, #tpu.memory_space<vmem>>) semaphore(%arg9 : memref<!tpu.dma_semaphore, #tpu.memory_space<semaphore_mem>>)
    %dma_start3A_1479 = arith.constant 4 : i32
    %dma_start3A_1480 = arith.constant 512 : i32
    %dma_start3A_1481 = arith.constant 0 : i32
    %dma_start3A_1482 = tpu.memref_slice %arg7[%dma_start3A_1480, %dma_start3A_1481] : memref<2048x16xf32, #tpu.memory_space<vmem>> -> memref<128x16xf32, #tpu.memory_space<vmem>>
    %dma_start3A_1483 = arith.constant 0 : i32
    %dma_start3A_1484 = tpu.memref_slice %arg6[%dma_start3A_1479, %dma_start3A_1483] : memref<16x128xi32, #tpu.memory_space<vmem>> -> memref<1x128xi32, #tpu.memory_space<vmem>>
    %dma_start3A_1485 = tpu.memref_squeeze %dma_start3A_1484 : memref<1x128xi32, #tpu.memory_space<vmem>> -> memref<128xi32, #tpu.memory_space<vmem>>
    %dma_start3A_1486 = arith.constant 0 : i32
    %dma_start3A_1487 = arith.constant 0 : i32
    %dma_start3A_1488 = tpu.memref_slice %arg2[%dma_start3A_1486, %dma_start3A_1487] : memref<250000x16xf32, #tpu.memory_space<hbm>> -> memref<250000x16xf32, #tpu.memory_space<hbm>>
    tpu.enqueue_indirect_dma source(%dma_start3A_1488 : memref<250000x16xf32, #tpu.memory_space<hbm>>) target(%dma_start3A_1482 : memref<128x16xf32, #tpu.memory_space<vmem>>) offsets(%dma_start3A_1485 : memref<128xi32, #tpu.memory_space<vmem>>) semaphore(%arg10 : memref<!tpu.dma_semaphore, #tpu.memory_space<semaphore_mem>>)
    %dma_start3A_1489 = arith.constant 5 : i32
    %dma_start3A_1490 = arith.constant 640 : i32
    %dma_start3A_1491 = arith.constant 0 : i32
    %dma_start3A_1492 = tpu.memref_slice %arg7[%dma_start3A_1490, %dma_start3A_1491] : memref<2048x16xf32, #tpu.memory_space<vmem>> -> memref<128x16xf32, #tpu.memory_space<vmem>>
    %dma_start3A_1493 = arith.constant 0 : i32
    %dma_start3A_1494 = tpu.memref_slice %arg6[%dma_start3A_1489, %dma_start3A_1493] : memref<16x128xi32, #tpu.memory_space<vmem>> -> memref<1x128xi32, #tpu.memory_space<vmem>>
    %dma_start3A_1495 = tpu.memref_squeeze %dma_start3A_1494 : memref<1x128xi32, #tpu.memory_space<vmem>> -> memref<128xi32, #tpu.memory_space<vmem>>
    %dma_start3A_1496 = arith.constant 0 : i32
    %dma_start3A_1497 = arith.constant 0 : i32
    %dma_start3A_1498 = tpu.memref_slice %arg2[%dma_start3A_1496, %dma_start3A_1497] : memref<250000x16xf32, #tpu.memory_space<hbm>> -> memref<250000x16xf32, #tpu.memory_space<hbm>>
    tpu.enqueue_indirect_dma source(%dma_start3A_1498 : memref<250000x16xf32, #tpu.memory_space<hbm>>) target(%dma_start3A_1492 : memref<128x16xf32, #tpu.memory_space<vmem>>) offsets(%dma_start3A_1495 : memref<128xi32, #tpu.memory_space<vmem>>) semaphore(%arg10 : memref<!tpu.dma_semaphore, #tpu.memory_space<semaphore_mem>>)
    %dma_start3A_1499 = arith.constant 6 : i32
    %dma_start3A_1500 = arith.constant 768 : i32
    %dma_start3A_1501 = arith.constant 0 : i32
    %dma_start3A_1502 = tpu.memref_slice %arg7[%dma_start3A_1500, %dma_start3A_1501] : memref<2048x16xf32, #tpu.memory_space<vmem>> -> memref<128x16xf32, #tpu.memory_space<vmem>>
    %dma_start3A_1503 = arith.constant 0 : i32
    %dma_start3A_1504 = tpu.memref_slice %arg6[%dma_start3A_1499, %dma_start3A_1503] : memref<16x128xi32, #tpu.memory_space<vmem>> -> memref<1x128xi32, #tpu.memory_space<vmem>>
    %dma_start3A_1505 = tpu.memref_squeeze %dma_start3A_1504 : memref<1x128xi32, #tpu.memory_space<vmem>> -> memref<128xi32, #tpu.memory_space<vmem>>
    %dma_start3A_1506 = arith.constant 0 : i32
    %dma_start3A_1507 = arith.constant 0 : i32
    %dma_start3A_1508 = tpu.memref_slice %arg2[%dma_start3A_1506, %dma_start3A_1507] : memref<250000x16xf32, #tpu.memory_space<hbm>> -> memref<250000x16xf32, #tpu.memory_space<hbm>>
    tpu.enqueue_indirect_dma source(%dma_start3A_1508 : memref<250000x16xf32, #tpu.memory_space<hbm>>) target(%dma_start3A_1502 : memref<128x16xf32, #tpu.memory_space<vmem>>) offsets(%dma_start3A_1505 : memref<128xi32, #tpu.memory_space<vmem>>) semaphore(%arg10 : memref<!tpu.dma_semaphore, #tpu.memory_space<semaphore_mem>>)
    %dma_start3A_1509 = arith.constant 7 : i32
    %dma_start3A_1510 = arith.constant 896 : i32
    %dma_start3A_1511 = arith.constant 0 : i32
    %dma_start3A_1512 = tpu.memref_slice %arg7[%dma_start3A_1510, %dma_start3A_1511] : memref<2048x16xf32, #tpu.memory_space<vmem>> -> memref<128x16xf32, #tpu.memory_space<vmem>>
    %dma_start3A_1513 = arith.constant 0 : i32
    %dma_start3A_1514 = tpu.memref_slice %arg6[%dma_start3A_1509, %dma_start3A_1513] : memref<16x128xi32, #tpu.memory_space<vmem>> -> memref<1x128xi32, #tpu.memory_space<vmem>>
    %dma_start3A_1515 = tpu.memref_squeeze %dma_start3A_1514 : memref<1x128xi32, #tpu.memory_space<vmem>> -> memref<128xi32, #tpu.memory_space<vmem>>
    %dma_start3A_1516 = arith.constant 0 : i32
    %dma_start3A_1517 = arith.constant 0 : i32
    %dma_start3A_1518 = tpu.memref_slice %arg2[%dma_start3A_1516, %dma_start3A_1517] : memref<250000x16xf32, #tpu.memory_space<hbm>> -> memref<250000x16xf32, #tpu.memory_space<hbm>>
    tpu.enqueue_indirect_dma source(%dma_start3A_1518 : memref<250000x16xf32, #tpu.memory_space<hbm>>) target(%dma_start3A_1512 : memref<128x16xf32, #tpu.memory_space<vmem>>) offsets(%dma_start3A_1515 : memref<128xi32, #tpu.memory_space<vmem>>) semaphore(%arg10 : memref<!tpu.dma_semaphore, #tpu.memory_space<semaphore_mem>>)
    %dma_start3A_1519 = arith.constant 8 : i32
    %dma_start3A_1520 = arith.constant 1024 : i32
    %dma_start3A_1521 = arith.constant 0 : i32
    %dma_start3A_1522 = tpu.memref_slice %arg7[%dma_start3A_1520, %dma_start3A_1521] : memref<2048x16xf32, #tpu.memory_space<vmem>> -> memref<128x16xf32, #tpu.memory_space<vmem>>
    %dma_start3A_1523 = arith.constant 0 : i32
    %dma_start3A_1524 = tpu.memref_slice %arg6[%dma_start3A_1519, %dma_start3A_1523] : memref<16x128xi32, #tpu.memory_space<vmem>> -> memref<1x128xi32, #tpu.memory_space<vmem>>
    %dma_start3A_1525 = tpu.memref_squeeze %dma_start3A_1524 : memref<1x128xi32, #tpu.memory_space<vmem>> -> memref<128xi32, #tpu.memory_space<vmem>>
    %dma_start3A_1526 = arith.constant 0 : i32
    %dma_start3A_1527 = arith.constant 0 : i32
    %dma_start3A_1528 = tpu.memref_slice %arg2[%dma_start3A_1526, %dma_start3A_1527] : memref<250000x16xf32, #tpu.memory_space<hbm>> -> memref<250000x16xf32, #tpu.memory_space<hbm>>
    tpu.enqueue_indirect_dma source(%dma_start3A_1528 : memref<250000x16xf32, #tpu.memory_space<hbm>>) target(%dma_start3A_1522 : memref<128x16xf32, #tpu.memory_space<vmem>>) offsets(%dma_start3A_1525 : memref<128xi32, #tpu.memory_space<vmem>>) semaphore(%arg11 : memref<!tpu.dma_semaphore, #tpu.memory_space<semaphore_mem>>)
    %dma_start3A_1529 = arith.constant 9 : i32
    %dma_start3A_1530 = arith.constant 1152 : i32
    %dma_start3A_1531 = arith.constant 0 : i32
    %dma_start3A_1532 = tpu.memref_slice %arg7[%dma_start3A_1530, %dma_start3A_1531] : memref<2048x16xf32, #tpu.memory_space<vmem>> -> memref<128x16xf32, #tpu.memory_space<vmem>>
    %dma_start3A_1533 = arith.constant 0 : i32
    %dma_start3A_1534 = tpu.memref_slice %arg6[%dma_start3A_1529, %dma_start3A_1533] : memref<16x128xi32, #tpu.memory_space<vmem>> -> memref<1x128xi32, #tpu.memory_space<vmem>>
    %dma_start3A_1535 = tpu.memref_squeeze %dma_start3A_1534 : memref<1x128xi32, #tpu.memory_space<vmem>> -> memref<128xi32, #tpu.memory_space<vmem>>
    %dma_start3A_1536 = arith.constant 0 : i32
    %dma_start3A_1537 = arith.constant 0 : i32
    %dma_start3A_1538 = tpu.memref_slice %arg2[%dma_start3A_1536, %dma_start3A_1537] : memref<250000x16xf32, #tpu.memory_space<hbm>> -> memref<250000x16xf32, #tpu.memory_space<hbm>>
    tpu.enqueue_indirect_dma source(%dma_start3A_1538 : memref<250000x16xf32, #tpu.memory_space<hbm>>) target(%dma_start3A_1532 : memref<128x16xf32, #tpu.memory_space<vmem>>) offsets(%dma_start3A_1535 : memref<128xi32, #tpu.memory_space<vmem>>) semaphore(%arg11 : memref<!tpu.dma_semaphore, #tpu.memory_space<semaphore_mem>>)
    %dma_start3A_1539 = arith.constant 10 : i32
    %dma_start3A_1540 = arith.constant 1280 : i32
    %dma_start3A_1541 = arith.constant 0 : i32
    %dma_start3A_1542 = tpu.memref_slice %arg7[%dma_start3A_1540, %dma_start3A_1541] : memref<2048x16xf32, #tpu.memory_space<vmem>> -> memref<128x16xf32, #tpu.memory_space<vmem>>
    %dma_start3A_1543 = arith.constant 0 : i32
    %dma_start3A_1544 = tpu.memref_slice %arg6[%dma_start3A_1539, %dma_start3A_1543] : memref<16x128xi32, #tpu.memory_space<vmem>> -> memref<1x128xi32, #tpu.memory_space<vmem>>
    %dma_start3A_1545 = tpu.memref_squeeze %dma_start3A_1544 : memref<1x128xi32, #tpu.memory_space<vmem>> -> memref<128xi32, #tpu.memory_space<vmem>>
    %dma_start3A_1546 = arith.constant 0 : i32
    %dma_start3A_1547 = arith.constant 0 : i32
    %dma_start3A_1548 = tpu.memref_slice %arg2[%dma_start3A_1546, %dma_start3A_1547] : memref<250000x16xf32, #tpu.memory_space<hbm>> -> memref<250000x16xf32, #tpu.memory_space<hbm>>
    tpu.enqueue_indirect_dma source(%dma_start3A_1548 : memref<250000x16xf32, #tpu.memory_space<hbm>>) target(%dma_start3A_1542 : memref<128x16xf32, #tpu.memory_space<vmem>>) offsets(%dma_start3A_1545 : memref<128xi32, #tpu.memory_space<vmem>>) semaphore(%arg11 : memref<!tpu.dma_semaphore, #tpu.memory_space<semaphore_mem>>)
    %dma_start3A_1549 = arith.constant 11 : i32
    %dma_start3A_1550 = arith.constant 1408 : i32
    %dma_start3A_1551 = arith.constant 0 : i32
    %dma_start3A_1552 = tpu.memref_slice %arg7[%dma_start3A_1550, %dma_start3A_1551] : memref<2048x16xf32, #tpu.memory_space<vmem>> -> memref<128x16xf32, #tpu.memory_space<vmem>>
    %dma_start3A_1553 = arith.constant 0 : i32
    %dma_start3A_1554 = tpu.memref_slice %arg6[%dma_start3A_1549, %dma_start3A_1553] : memref<16x128xi32, #tpu.memory_space<vmem>> -> memref<1x128xi32, #tpu.memory_space<vmem>>
    %dma_start3A_1555 = tpu.memref_squeeze %dma_start3A_1554 : memref<1x128xi32, #tpu.memory_space<vmem>> -> memref<128xi32, #tpu.memory_space<vmem>>
    %dma_start3A_1556 = arith.constant 0 : i32
    %dma_start3A_1557 = arith.constant 0 : i32
    %dma_start3A_1558 = tpu.memref_slice %arg2[%dma_start3A_1556, %dma_start3A_1557] : memref<250000x16xf32, #tpu.memory_space<hbm>> -> memref<250000x16xf32, #tpu.memory_space<hbm>>
    tpu.enqueue_indirect_dma source(%dma_start3A_1558 : memref<250000x16xf32, #tpu.memory_space<hbm>>) target(%dma_start3A_1552 : memref<128x16xf32, #tpu.memory_space<vmem>>) offsets(%dma_start3A_1555 : memref<128xi32, #tpu.memory_space<vmem>>) semaphore(%arg11 : memref<!tpu.dma_semaphore, #tpu.memory_space<semaphore_mem>>)
    %dma_start3A_1559 = arith.constant 12 : i32
    %dma_start3A_1560 = arith.constant 1536 : i32
    %dma_start3A_1561 = arith.constant 0 : i32
    %dma_start3A_1562 = tpu.memref_slice %arg7[%dma_start3A_1560, %dma_start3A_1561] : memref<2048x16xf32, #tpu.memory_space<vmem>> -> memref<128x16xf32, #tpu.memory_space<vmem>>
    %dma_start3A_1563 = arith.constant 0 : i32
    %dma_start3A_1564 = tpu.memref_slice %arg6[%dma_start3A_1559, %dma_start3A_1563] : memref<16x128xi32, #tpu.memory_space<vmem>> -> memref<1x128xi32, #tpu.memory_space<vmem>>
    %dma_start3A_1565 = tpu.memref_squeeze %dma_start3A_1564 : memref<1x128xi32, #tpu.memory_space<vmem>> -> memref<128xi32, #tpu.memory_space<vmem>>
    %dma_start3A_1566 = arith.constant 0 : i32
    %dma_start3A_1567 = arith.constant 0 : i32
    %dma_start3A_1568 = tpu.memref_slice %arg2[%dma_start3A_1566, %dma_start3A_1567] : memref<250000x16xf32, #tpu.memory_space<hbm>> -> memref<250000x16xf32, #tpu.memory_space<hbm>>
    tpu.enqueue_indirect_dma source(%dma_start3A_1568 : memref<250000x16xf32, #tpu.memory_space<hbm>>) target(%dma_start3A_1562 : memref<128x16xf32, #tpu.memory_space<vmem>>) offsets(%dma_start3A_1565 : memref<128xi32, #tpu.memory_space<vmem>>) semaphore(%arg12 : memref<!tpu.dma_semaphore, #tpu.memory_space<semaphore_mem>>)
    %dma_start3A_1569 = arith.constant 13 : i32
    %dma_start3A_1570 = arith.constant 1664 : i32
    %dma_start3A_1571 = arith.constant 0 : i32
    %dma_start3A_1572 = tpu.memref_slice %arg7[%dma_start3A_1570, %dma_start3A_1571] : memref<2048x16xf32, #tpu.memory_space<vmem>> -> memref<128x16xf32, #tpu.memory_space<vmem>>
    %dma_start3A_1573 = arith.constant 0 : i32
    %dma_start3A_1574 = tpu.memref_slice %arg6[%dma_start3A_1569, %dma_start3A_1573] : memref<16x128xi32, #tpu.memory_space<vmem>> -> memref<1x128xi32, #tpu.memory_space<vmem>>
    %dma_start3A_1575 = tpu.memref_squeeze %dma_start3A_1574 : memref<1x128xi32, #tpu.memory_space<vmem>> -> memref<128xi32, #tpu.memory_space<vmem>>
    %dma_start3A_1576 = arith.constant 0 : i32
    %dma_start3A_1577 = arith.constant 0 : i32
    %dma_start3A_1578 = tpu.memref_slice %arg2[%dma_start3A_1576, %dma_start3A_1577] : memref<250000x16xf32, #tpu.memory_space<hbm>> -> memref<250000x16xf32, #tpu.memory_space<hbm>>
    tpu.enqueue_indirect_dma source(%dma_start3A_1578 : memref<250000x16xf32, #tpu.memory_space<hbm>>) target(%dma_start3A_1572 : memref<128x16xf32, #tpu.memory_space<vmem>>) offsets(%dma_start3A_1575 : memref<128xi32, #tpu.memory_space<vmem>>) semaphore(%arg12 : memref<!tpu.dma_semaphore, #tpu.memory_space<semaphore_mem>>)
    %dma_start3A_1579 = arith.constant 14 : i32
    %dma_start3A_1580 = arith.constant 1792 : i32
    %dma_start3A_1581 = arith.constant 0 : i32
    %dma_start3A_1582 = tpu.memref_slice %arg7[%dma_start3A_1580, %dma_start3A_1581] : memref<2048x16xf32, #tpu.memory_space<vmem>> -> memref<128x16xf32, #tpu.memory_space<vmem>>
    %dma_start3A_1583 = arith.constant 0 : i32
    %dma_start3A_1584 = tpu.memref_slice %arg6[%dma_start3A_1579, %dma_start3A_1583] : memref<16x128xi32, #tpu.memory_space<vmem>> -> memref<1x128xi32, #tpu.memory_space<vmem>>
    %dma_start3A_1585 = tpu.memref_squeeze %dma_start3A_1584 : memref<1x128xi32, #tpu.memory_space<vmem>> -> memref<128xi32, #tpu.memory_space<vmem>>
    %dma_start3A_1586 = arith.constant 0 : i32
    %dma_start3A_1587 = arith.constant 0 : i32
    %dma_start3A_1588 = tpu.memref_slice %arg2[%dma_start3A_1586, %dma_start3A_1587] : memref<250000x16xf32, #tpu.memory_space<hbm>> -> memref<250000x16xf32, #tpu.memory_space<hbm>>
    tpu.enqueue_indirect_dma source(%dma_start3A_1588 : memref<250000x16xf32, #tpu.memory_space<hbm>>) target(%dma_start3A_1582 : memref<128x16xf32, #tpu.memory_space<vmem>>) offsets(%dma_start3A_1585 : memref<128xi32, #tpu.memory_space<vmem>>) semaphore(%arg12 : memref<!tpu.dma_semaphore, #tpu.memory_space<semaphore_mem>>)
    %dma_start3A_1589 = arith.constant 15 : i32
    %dma_start3A_1590 = arith.constant 1920 : i32
    %dma_start3A_1591 = arith.constant 0 : i32
    %dma_start3A_1592 = tpu.memref_slice %arg7[%dma_start3A_1590, %dma_start3A_1591] : memref<2048x16xf32, #tpu.memory_space<vmem>> -> memref<128x16xf32, #tpu.memory_space<vmem>>
    %dma_start3A_1593 = arith.constant 0 : i32
    %dma_start3A_1594 = tpu.memref_slice %arg6[%dma_start3A_1589, %dma_start3A_1593] : memref<16x128xi32, #tpu.memory_space<vmem>> -> memref<1x128xi32, #tpu.memory_space<vmem>>
    %dma_start3A_1595 = tpu.memref_squeeze %dma_start3A_1594 : memref<1x128xi32, #tpu.memory_space<vmem>> -> memref<128xi32, #tpu.memory_space<vmem>>
    %dma_start3A_1596 = arith.constant 0 : i32
    %dma_start3A_1597 = arith.constant 0 : i32
    %dma_start3A_1598 = tpu.memref_slice %arg2[%dma_start3A_1596, %dma_start3A_1597] : memref<250000x16xf32, #tpu.memory_space<hbm>> -> memref<250000x16xf32, #tpu.memory_space<hbm>>
    tpu.enqueue_indirect_dma source(%dma_start3A_1598 : memref<250000x16xf32, #tpu.memory_space<hbm>>) target(%dma_start3A_1592 : memref<128x16xf32, #tpu.memory_space<vmem>>) offsets(%dma_start3A_1595 : memref<128xi32, #tpu.memory_space<vmem>>) semaphore(%arg12 : memref<!tpu.dma_semaphore, #tpu.memory_space<semaphore_mem>>)
    %iota3A = tpu.iota {dimensions = array<i32: 0>} : vector<16xi32>
    %dma_wait3A = arith.constant 0 : i32
    %dma_wait3A_1599 = arith.constant 0 : i32
    %dma_wait3A_1600 = arith.constant 0 : i32
    %dma_wait3A_1601 = tpu.memref_slice %arg7[%dma_wait3A_1599, %dma_wait3A_1600] : memref<2048x16xf32, #tpu.memory_space<vmem>> -> memref<128x16xf32, #tpu.memory_space<vmem>>
    %dma_wait3A_1602 = arith.constant 0 : i32
    %dma_wait3A_1603 = tpu.memref_slice %arg6[%dma_wait3A, %dma_wait3A_1602] : memref<16x128xi32, #tpu.memory_space<vmem>> -> memref<1x128xi32, #tpu.memory_space<vmem>>
    %dma_wait3A_1604 = tpu.memref_squeeze %dma_wait3A_1603 : memref<1x128xi32, #tpu.memory_space<vmem>> -> memref<128xi32, #tpu.memory_space<vmem>>
    %dma_wait3A_1605 = arith.constant 0 : i32
    %dma_wait3A_1606 = arith.constant 0 : i32
    %dma_wait3A_1607 = tpu.memref_slice %arg2[%dma_wait3A_1605, %dma_wait3A_1606] : memref<250000x16xf32, #tpu.memory_space<hbm>> -> memref<250000x16xf32, #tpu.memory_space<hbm>>
    tpu.wait_indirect_dma semaphore(%arg9 : memref<!tpu.dma_semaphore, #tpu.memory_space<semaphore_mem>>) src(%dma_wait3A_1607 : memref<250000x16xf32, #tpu.memory_space<hbm>>) dst(%dma_wait3A_1601 : memref<128x16xf32, #tpu.memory_space<vmem>>)
    %dma_wait3A_1608 = arith.constant 1 : i32
    %dma_wait3A_1609 = arith.constant 128 : i32
    %dma_wait3A_1610 = arith.constant 0 : i32
    %dma_wait3A_1611 = tpu.memref_slice %arg7[%dma_wait3A_1609, %dma_wait3A_1610] : memref<2048x16xf32, #tpu.memory_space<vmem>> -> memref<128x16xf32, #tpu.memory_space<vmem>>
    %dma_wait3A_1612 = arith.constant 0 : i32
    %dma_wait3A_1613 = tpu.memref_slice %arg6[%dma_wait3A_1608, %dma_wait3A_1612] : memref<16x128xi32, #tpu.memory_space<vmem>> -> memref<1x128xi32, #tpu.memory_space<vmem>>
    %dma_wait3A_1614 = tpu.memref_squeeze %dma_wait3A_1613 : memref<1x128xi32, #tpu.memory_space<vmem>> -> memref<128xi32, #tpu.memory_space<vmem>>
    %dma_wait3A_1615 = arith.constant 0 : i32
    %dma_wait3A_1616 = arith.constant 0 : i32
    %dma_wait3A_1617 = tpu.memref_slice %arg2[%dma_wait3A_1615, %dma_wait3A_1616] : memref<250000x16xf32, #tpu.memory_space<hbm>> -> memref<250000x16xf32, #tpu.memory_space<hbm>>
    tpu.wait_indirect_dma semaphore(%arg9 : memref<!tpu.dma_semaphore, #tpu.memory_space<semaphore_mem>>) src(%dma_wait3A_1617 : memref<250000x16xf32, #tpu.memory_space<hbm>>) dst(%dma_wait3A_1611 : memref<128x16xf32, #tpu.memory_space<vmem>>)
    %dma_wait3A_1618 = arith.constant 2 : i32
    %dma_wait3A_1619 = arith.constant 256 : i32
    %dma_wait3A_1620 = arith.constant 0 : i32
    %dma_wait3A_1621 = tpu.memref_slice %arg7[%dma_wait3A_1619, %dma_wait3A_1620] : memref<2048x16xf32, #tpu.memory_space<vmem>> -> memref<128x16xf32, #tpu.memory_space<vmem>>
    %dma_wait3A_1622 = arith.constant 0 : i32
    %dma_wait3A_1623 = tpu.memref_slice %arg6[%dma_wait3A_1618, %dma_wait3A_1622] : memref<16x128xi32, #tpu.memory_space<vmem>> -> memref<1x128xi32, #tpu.memory_space<vmem>>
    %dma_wait3A_1624 = tpu.memref_squeeze %dma_wait3A_1623 : memref<1x128xi32, #tpu.memory_space<vmem>> -> memref<128xi32, #tpu.memory_space<vmem>>
    %dma_wait3A_1625 = arith.constant 0 : i32
    %dma_wait3A_1626 = arith.constant 0 : i32
    %dma_wait3A_1627 = tpu.memref_slice %arg2[%dma_wait3A_1625, %dma_wait3A_1626] : memref<250000x16xf32, #tpu.memory_space<hbm>> -> memref<250000x16xf32, #tpu.memory_space<hbm>>
    tpu.wait_indirect_dma semaphore(%arg9 : memref<!tpu.dma_semaphore, #tpu.memory_space<semaphore_mem>>) src(%dma_wait3A_1627 : memref<250000x16xf32, #tpu.memory_space<hbm>>) dst(%dma_wait3A_1621 : memref<128x16xf32, #tpu.memory_space<vmem>>)
    %dma_wait3A_1628 = arith.constant 3 : i32
    %dma_wait3A_1629 = arith.constant 384 : i32
    %dma_wait3A_1630 = arith.constant 0 : i32
    %dma_wait3A_1631 = tpu.memref_slice %arg7[%dma_wait3A_1629, %dma_wait3A_1630] : memref<2048x16xf32, #tpu.memory_space<vmem>> -> memref<128x16xf32, #tpu.memory_space<vmem>>
    %dma_wait3A_1632 = arith.constant 0 : i32
    %dma_wait3A_1633 = tpu.memref_slice %arg6[%dma_wait3A_1628, %dma_wait3A_1632] : memref<16x128xi32, #tpu.memory_space<vmem>> -> memref<1x128xi32, #tpu.memory_space<vmem>>
    %dma_wait3A_1634 = tpu.memref_squeeze %dma_wait3A_1633 : memref<1x128xi32, #tpu.memory_space<vmem>> -> memref<128xi32, #tpu.memory_space<vmem>>
    %dma_wait3A_1635 = arith.constant 0 : i32
    %dma_wait3A_1636 = arith.constant 0 : i32
    %dma_wait3A_1637 = tpu.memref_slice %arg2[%dma_wait3A_1635, %dma_wait3A_1636] : memref<250000x16xf32, #tpu.memory_space<hbm>> -> memref<250000x16xf32, #tpu.memory_space<hbm>>
    tpu.wait_indirect_dma semaphore(%arg9 : memref<!tpu.dma_semaphore, #tpu.memory_space<semaphore_mem>>) src(%dma_wait3A_1637 : memref<250000x16xf32, #tpu.memory_space<hbm>>) dst(%dma_wait3A_1631 : memref<128x16xf32, #tpu.memory_space<vmem>>)
    %parallel_loop3A = arith.constant 0 : i32
    %parallel_loop3A_1638 = arith.constant 32 : i32
    %parallel_loop3A_1639 = arith.constant 1 : i32
    scf.for %parallel_loop3A_1773 = %parallel_loop3A to %parallel_loop3A_1638 step %parallel_loop3A_1639  : i32 {
      %parallel_loop3A_1774 = arith.constant 7 : i32
      %parallel_loop3A_1775 = arith.andi %parallel_loop3A_1773, %parallel_loop3A_1774 : i32
      %parallel_loop3A_1776 = arith.constant 4 : i32
      %parallel_loop3A_1777 = arith.shli %parallel_loop3A_1775, %parallel_loop3A_1776 : i32
      %parallel_loop3A_1778 = arith.constant 0 : i32
      %parallel_loop3A_1779 = arith.constant 0 : i32
      %parallel_loop3A_1780 = tpu.memref_slice %arg5[%parallel_loop3A_1778, %parallel_loop3A_1779] : memref<4x128xi32, #tpu.memory_space<vmem>> -> memref<1x128xi32, #tpu.memory_space<vmem>>
      %parallel_loop3A_1781 = tpu.memref_squeeze %parallel_loop3A_1780 : memref<1x128xi32, #tpu.memory_space<vmem>> -> memref<128xi32, #tpu.memory_space<vmem>>
      %parallel_loop3A_1782 = arith.index_cast %parallel_loop3A_1777 : i32 to index
      %parallel_loop3A_1783 = tpu.vector_load %parallel_loop3A_1781[%parallel_loop3A_1782] {strides = array<i32>} : memref<128xi32, #tpu.memory_space<vmem>>, vector<16xi32>,
      %parallel_loop3A_1784 = arith.constant 16 : i32
      %parallel_loop3A_1785 = arith.muli %parallel_loop3A_1773, %parallel_loop3A_1784 : i32
      %parallel_loop3A_1786 = vector.broadcast %parallel_loop3A_1785 : i32 to vector<16xi32>
      %parallel_loop3A_1787 = arith.addi %parallel_loop3A_1786, %iota3A : vector<16xi32>
      %parallel_loop3A_1788 = arith.constant 15 : i32
      %parallel_loop3A_1789 = vector.broadcast %parallel_loop3A_1788 : i32 to vector<16xi32>
      %parallel_loop3A_1790 = arith.andi %parallel_loop3A_1783, %parallel_loop3A_1789 : vector<16xi32>
      %parallel_loop3A_1791 = tpu.vector_load_idx %arg7[%parallel_loop3A_1787, %parallel_loop3A_1790] : memref<2048x16xf32, #tpu.memory_space<vmem>>[vector<16xi32>, vector<16xi32>], vector<16xf32>,
      %parallel_loop3A_1792 = arith.constant 16 : i32
      %parallel_loop3A_1793 = arith.muli %parallel_loop3A_1773, %parallel_loop3A_1792 : i32
      %parallel_loop3A_1794 = arith.index_cast %parallel_loop3A_1793 : i32 to index
      %parallel_loop3A_1795 = tpu.vector_load %arg8[%parallel_loop3A_1794] {strides = array<i32>} : memref<2048xf32, #tpu.memory_space<vmem>>, vector<16xf32>,
      tpu.vector_store %arg8[%parallel_loop3A_1794], %parallel_loop3A_1791 {strides = array<i32>} : memref<2048xf32, #tpu.memory_space<vmem>>, vector<16xf32>,
    } {sc.loop_unroll_factor = 4 : i64, sc.parallel_access}
    %dma_wait3A_1640 = arith.constant 4 : i32
    %dma_wait3A_1641 = arith.constant 512 : i32
    %dma_wait3A_1642 = arith.constant 0 : i32
    %dma_wait3A_1643 = tpu.memref_slice %arg7[%dma_wait3A_1641, %dma_wait3A_1642] : memref<2048x16xf32, #tpu.memory_space<vmem>> -> memref<128x16xf32, #tpu.memory_space<vmem>>
    %dma_wait3A_1644 = arith.constant 0 : i32
    %dma_wait3A_1645 = tpu.memref_slice %arg6[%dma_wait3A_1640, %dma_wait3A_1644] : memref<16x128xi32, #tpu.memory_space<vmem>> -> memref<1x128xi32, #tpu.memory_space<vmem>>
    %dma_wait3A_1646 = tpu.memref_squeeze %dma_wait3A_1645 : memref<1x128xi32, #tpu.memory_space<vmem>> -> memref<128xi32, #tpu.memory_space<vmem>>
    %dma_wait3A_1647 = arith.constant 0 : i32
    %dma_wait3A_1648 = arith.constant 0 : i32
    %dma_wait3A_1649 = tpu.memref_slice %arg2[%dma_wait3A_1647, %dma_wait3A_1648] : memref<250000x16xf32, #tpu.memory_space<hbm>> -> memref<250000x16xf32, #tpu.memory_space<hbm>>
    tpu.wait_indirect_dma semaphore(%arg10 : memref<!tpu.dma_semaphore, #tpu.memory_space<semaphore_mem>>) src(%dma_wait3A_1649 : memref<250000x16xf32, #tpu.memory_space<hbm>>) dst(%dma_wait3A_1643 : memref<128x16xf32, #tpu.memory_space<vmem>>)
    %dma_wait3A_1650 = arith.constant 5 : i32
    %dma_wait3A_1651 = arith.constant 640 : i32
    %dma_wait3A_1652 = arith.constant 0 : i32
    %dma_wait3A_1653 = tpu.memref_slice %arg7[%dma_wait3A_1651, %dma_wait3A_1652] : memref<2048x16xf32, #tpu.memory_space<vmem>> -> memref<128x16xf32, #tpu.memory_space<vmem>>
    %dma_wait3A_1654 = arith.constant 0 : i32
    %dma_wait3A_1655 = tpu.memref_slice %arg6[%dma_wait3A_1650, %dma_wait3A_1654] : memref<16x128xi32, #tpu.memory_space<vmem>> -> memref<1x128xi32, #tpu.memory_space<vmem>>
    %dma_wait3A_1656 = tpu.memref_squeeze %dma_wait3A_1655 : memref<1x128xi32, #tpu.memory_space<vmem>> -> memref<128xi32, #tpu.memory_space<vmem>>
    %dma_wait3A_1657 = arith.constant 0 : i32
    %dma_wait3A_1658 = arith.constant 0 : i32
    %dma_wait3A_1659 = tpu.memref_slice %arg2[%dma_wait3A_1657, %dma_wait3A_1658] : memref<250000x16xf32, #tpu.memory_space<hbm>> -> memref<250000x16xf32, #tpu.memory_space<hbm>>
    tpu.wait_indirect_dma semaphore(%arg10 : memref<!tpu.dma_semaphore, #tpu.memory_space<semaphore_mem>>) src(%dma_wait3A_1659 : memref<250000x16xf32, #tpu.memory_space<hbm>>) dst(%dma_wait3A_1653 : memref<128x16xf32, #tpu.memory_space<vmem>>)
    %dma_wait3A_1660 = arith.constant 6 : i32
    %dma_wait3A_1661 = arith.constant 768 : i32
    %dma_wait3A_1662 = arith.constant 0 : i32
    %dma_wait3A_1663 = tpu.memref_slice %arg7[%dma_wait3A_1661, %dma_wait3A_1662] : memref<2048x16xf32, #tpu.memory_space<vmem>> -> memref<128x16xf32, #tpu.memory_space<vmem>>
    %dma_wait3A_1664 = arith.constant 0 : i32
    %dma_wait3A_1665 = tpu.memref_slice %arg6[%dma_wait3A_1660, %dma_wait3A_1664] : memref<16x128xi32, #tpu.memory_space<vmem>> -> memref<1x128xi32, #tpu.memory_space<vmem>>
    %dma_wait3A_1666 = tpu.memref_squeeze %dma_wait3A_1665 : memref<1x128xi32, #tpu.memory_space<vmem>> -> memref<128xi32, #tpu.memory_space<vmem>>
    %dma_wait3A_1667 = arith.constant 0 : i32
    %dma_wait3A_1668 = arith.constant 0 : i32
    %dma_wait3A_1669 = tpu.memref_slice %arg2[%dma_wait3A_1667, %dma_wait3A_1668] : memref<250000x16xf32, #tpu.memory_space<hbm>> -> memref<250000x16xf32, #tpu.memory_space<hbm>>
    tpu.wait_indirect_dma semaphore(%arg10 : memref<!tpu.dma_semaphore, #tpu.memory_space<semaphore_mem>>) src(%dma_wait3A_1669 : memref<250000x16xf32, #tpu.memory_space<hbm>>) dst(%dma_wait3A_1663 : memref<128x16xf32, #tpu.memory_space<vmem>>)
    %dma_wait3A_1670 = arith.constant 7 : i32
    %dma_wait3A_1671 = arith.constant 896 : i32
    %dma_wait3A_1672 = arith.constant 0 : i32
    %dma_wait3A_1673 = tpu.memref_slice %arg7[%dma_wait3A_1671, %dma_wait3A_1672] : memref<2048x16xf32, #tpu.memory_space<vmem>> -> memref<128x16xf32, #tpu.memory_space<vmem>>
    %dma_wait3A_1674 = arith.constant 0 : i32
    %dma_wait3A_1675 = tpu.memref_slice %arg6[%dma_wait3A_1670, %dma_wait3A_1674] : memref<16x128xi32, #tpu.memory_space<vmem>> -> memref<1x128xi32, #tpu.memory_space<vmem>>
    %dma_wait3A_1676 = tpu.memref_squeeze %dma_wait3A_1675 : memref<1x128xi32, #tpu.memory_space<vmem>> -> memref<128xi32, #tpu.memory_space<vmem>>
    %dma_wait3A_1677 = arith.constant 0 : i32
    %dma_wait3A_1678 = arith.constant 0 : i32
    %dma_wait3A_1679 = tpu.memref_slice %arg2[%dma_wait3A_1677, %dma_wait3A_1678] : memref<250000x16xf32, #tpu.memory_space<hbm>> -> memref<250000x16xf32, #tpu.memory_space<hbm>>
    tpu.wait_indirect_dma semaphore(%arg10 : memref<!tpu.dma_semaphore, #tpu.memory_space<semaphore_mem>>) src(%dma_wait3A_1679 : memref<250000x16xf32, #tpu.memory_space<hbm>>) dst(%dma_wait3A_1673 : memref<128x16xf32, #tpu.memory_space<vmem>>)
    %parallel_loop3A_1680 = arith.constant 32 : i32
    %parallel_loop3A_1681 = arith.constant 64 : i32
    %parallel_loop3A_1682 = arith.constant 1 : i32
    scf.for %parallel_loop3A_1773 = %parallel_loop3A_1680 to %parallel_loop3A_1681 step %parallel_loop3A_1682  : i32 {
      %parallel_loop3A_1774 = arith.constant 7 : i32
      %parallel_loop3A_1775 = arith.andi %parallel_loop3A_1773, %parallel_loop3A_1774 : i32
      %parallel_loop3A_1776 = arith.constant 4 : i32
      %parallel_loop3A_1777 = arith.shli %parallel_loop3A_1775, %parallel_loop3A_1776 : i32
      %parallel_loop3A_1778 = arith.constant 1 : i32
      %parallel_loop3A_1779 = arith.constant 0 : i32
      %parallel_loop3A_1780 = tpu.memref_slice %arg5[%parallel_loop3A_1778, %parallel_loop3A_1779] : memref<4x128xi32, #tpu.memory_space<vmem>> -> memref<1x128xi32, #tpu.memory_space<vmem>>
      %parallel_loop3A_1781 = tpu.memref_squeeze %parallel_loop3A_1780 : memref<1x128xi32, #tpu.memory_space<vmem>> -> memref<128xi32, #tpu.memory_space<vmem>>
      %parallel_loop3A_1782 = arith.index_cast %parallel_loop3A_1777 : i32 to index
      %parallel_loop3A_1783 = tpu.vector_load %parallel_loop3A_1781[%parallel_loop3A_1782] {strides = array<i32>} : memref<128xi32, #tpu.memory_space<vmem>>, vector<16xi32>,
      %parallel_loop3A_1784 = arith.constant 16 : i32
      %parallel_loop3A_1785 = arith.muli %parallel_loop3A_1773, %parallel_loop3A_1784 : i32
      %parallel_loop3A_1786 = vector.broadcast %parallel_loop3A_1785 : i32 to vector<16xi32>
      %parallel_loop3A_1787 = arith.addi %parallel_loop3A_1786, %iota3A : vector<16xi32>
      %parallel_loop3A_1788 = arith.constant 15 : i32
      %parallel_loop3A_1789 = vector.broadcast %parallel_loop3A_1788 : i32 to vector<16xi32>
      %parallel_loop3A_1790 = arith.andi %parallel_loop3A_1783, %parallel_loop3A_1789 : vector<16xi32>
      %parallel_loop3A_1791 = tpu.vector_load_idx %arg7[%parallel_loop3A_1787, %parallel_loop3A_1790] : memref<2048x16xf32, #tpu.memory_space<vmem>>[vector<16xi32>, vector<16xi32>], vector<16xf32>,
      %parallel_loop3A_1792 = arith.constant 16 : i32
      %parallel_loop3A_1793 = arith.muli %parallel_loop3A_1773, %parallel_loop3A_1792 : i32
      %parallel_loop3A_1794 = arith.index_cast %parallel_loop3A_1793 : i32 to index
      %parallel_loop3A_1795 = tpu.vector_load %arg8[%parallel_loop3A_1794] {strides = array<i32>} : memref<2048xf32, #tpu.memory_space<vmem>>, vector<16xf32>,
      tpu.vector_store %arg8[%parallel_loop3A_1794], %parallel_loop3A_1791 {strides = array<i32>} : memref<2048xf32, #tpu.memory_space<vmem>>, vector<16xf32>,
    } {sc.loop_unroll_factor = 4 : i64, sc.parallel_access}
    %dma_wait3A_1683 = arith.constant 8 : i32
    %dma_wait3A_1684 = arith.constant 1024 : i32
    %dma_wait3A_1685 = arith.constant 0 : i32
    %dma_wait3A_1686 = tpu.memref_slice %arg7[%dma_wait3A_1684, %dma_wait3A_1685] : memref<2048x16xf32, #tpu.memory_space<vmem>> -> memref<128x16xf32, #tpu.memory_space<vmem>>
    %dma_wait3A_1687 = arith.constant 0 : i32
    %dma_wait3A_1688 = tpu.memref_slice %arg6[%dma_wait3A_1683, %dma_wait3A_1687] : memref<16x128xi32, #tpu.memory_space<vmem>> -> memref<1x128xi32, #tpu.memory_space<vmem>>
    %dma_wait3A_1689 = tpu.memref_squeeze %dma_wait3A_1688 : memref<1x128xi32, #tpu.memory_space<vmem>> -> memref<128xi32, #tpu.memory_space<vmem>>
    %dma_wait3A_1690 = arith.constant 0 : i32
    %dma_wait3A_1691 = arith.constant 0 : i32
    %dma_wait3A_1692 = tpu.memref_slice %arg2[%dma_wait3A_1690, %dma_wait3A_1691] : memref<250000x16xf32, #tpu.memory_space<hbm>> -> memref<250000x16xf32, #tpu.memory_space<hbm>>
    tpu.wait_indirect_dma semaphore(%arg11 : memref<!tpu.dma_semaphore, #tpu.memory_space<semaphore_mem>>) src(%dma_wait3A_1692 : memref<250000x16xf32, #tpu.memory_space<hbm>>) dst(%dma_wait3A_1686 : memref<128x16xf32, #tpu.memory_space<vmem>>)
    %dma_wait3A_1693 = arith.constant 9 : i32
    %dma_wait3A_1694 = arith.constant 1152 : i32
    %dma_wait3A_1695 = arith.constant 0 : i32
    %dma_wait3A_1696 = tpu.memref_slice %arg7[%dma_wait3A_1694, %dma_wait3A_1695] : memref<2048x16xf32, #tpu.memory_space<vmem>> -> memref<128x16xf32, #tpu.memory_space<vmem>>
    %dma_wait3A_1697 = arith.constant 0 : i32
    %dma_wait3A_1698 = tpu.memref_slice %arg6[%dma_wait3A_1693, %dma_wait3A_1697] : memref<16x128xi32, #tpu.memory_space<vmem>> -> memref<1x128xi32, #tpu.memory_space<vmem>>
    %dma_wait3A_1699 = tpu.memref_squeeze %dma_wait3A_1698 : memref<1x128xi32, #tpu.memory_space<vmem>> -> memref<128xi32, #tpu.memory_space<vmem>>
    %dma_wait3A_1700 = arith.constant 0 : i32
    %dma_wait3A_1701 = arith.constant 0 : i32
    %dma_wait3A_1702 = tpu.memref_slice %arg2[%dma_wait3A_1700, %dma_wait3A_1701] : memref<250000x16xf32, #tpu.memory_space<hbm>> -> memref<250000x16xf32, #tpu.memory_space<hbm>>
    tpu.wait_indirect_dma semaphore(%arg11 : memref<!tpu.dma_semaphore, #tpu.memory_space<semaphore_mem>>) src(%dma_wait3A_1702 : memref<250000x16xf32, #tpu.memory_space<hbm>>) dst(%dma_wait3A_1696 : memref<128x16xf32, #tpu.memory_space<vmem>>)
    %dma_wait3A_1703 = arith.constant 10 : i32
    %dma_wait3A_1704 = arith.constant 1280 : i32
    %dma_wait3A_1705 = arith.constant 0 : i32
    %dma_wait3A_1706 = tpu.memref_slice %arg7[%dma_wait3A_1704, %dma_wait3A_1705] : memref<2048x16xf32, #tpu.memory_space<vmem>> -> memref<128x16xf32, #tpu.memory_space<vmem>>
    %dma_wait3A_1707 = arith.constant 0 : i32
    %dma_wait3A_1708 = tpu.memref_slice %arg6[%dma_wait3A_1703, %dma_wait3A_1707] : memref<16x128xi32, #tpu.memory_space<vmem>> -> memref<1x128xi32, #tpu.memory_space<vmem>>
    %dma_wait3A_1709 = tpu.memref_squeeze %dma_wait3A_1708 : memref<1x128xi32, #tpu.memory_space<vmem>> -> memref<128xi32, #tpu.memory_space<vmem>>
    %dma_wait3A_1710 = arith.constant 0 : i32
    %dma_wait3A_1711 = arith.constant 0 : i32
    %dma_wait3A_1712 = tpu.memref_slice %arg2[%dma_wait3A_1710, %dma_wait3A_1711] : memref<250000x16xf32, #tpu.memory_space<hbm>> -> memref<250000x16xf32, #tpu.memory_space<hbm>>
    tpu.wait_indirect_dma semaphore(%arg11 : memref<!tpu.dma_semaphore, #tpu.memory_space<semaphore_mem>>) src(%dma_wait3A_1712 : memref<250000x16xf32, #tpu.memory_space<hbm>>) dst(%dma_wait3A_1706 : memref<128x16xf32, #tpu.memory_space<vmem>>)
    %dma_wait3A_1713 = arith.constant 11 : i32
    %dma_wait3A_1714 = arith.constant 1408 : i32
    %dma_wait3A_1715 = arith.constant 0 : i32
    %dma_wait3A_1716 = tpu.memref_slice %arg7[%dma_wait3A_1714, %dma_wait3A_1715] : memref<2048x16xf32, #tpu.memory_space<vmem>> -> memref<128x16xf32, #tpu.memory_space<vmem>>
    %dma_wait3A_1717 = arith.constant 0 : i32
    %dma_wait3A_1718 = tpu.memref_slice %arg6[%dma_wait3A_1713, %dma_wait3A_1717] : memref<16x128xi32, #tpu.memory_space<vmem>> -> memref<1x128xi32, #tpu.memory_space<vmem>>
    %dma_wait3A_1719 = tpu.memref_squeeze %dma_wait3A_1718 : memref<1x128xi32, #tpu.memory_space<vmem>> -> memref<128xi32, #tpu.memory_space<vmem>>
    %dma_wait3A_1720 = arith.constant 0 : i32
    %dma_wait3A_1721 = arith.constant 0 : i32
    %dma_wait3A_1722 = tpu.memref_slice %arg2[%dma_wait3A_1720, %dma_wait3A_1721] : memref<250000x16xf32, #tpu.memory_space<hbm>> -> memref<250000x16xf32, #tpu.memory_space<hbm>>
    tpu.wait_indirect_dma semaphore(%arg11 : memref<!tpu.dma_semaphore, #tpu.memory_space<semaphore_mem>>) src(%dma_wait3A_1722 : memref<250000x16xf32, #tpu.memory_space<hbm>>) dst(%dma_wait3A_1716 : memref<128x16xf32, #tpu.memory_space<vmem>>)
    %parallel_loop3A_1723 = arith.constant 64 : i32
    %parallel_loop3A_1724 = arith.constant 96 : i32
    %parallel_loop3A_1725 = arith.constant 1 : i32
    scf.for %parallel_loop3A_1773 = %parallel_loop3A_1723 to %parallel_loop3A_1724 step %parallel_loop3A_1725  : i32 {
      %parallel_loop3A_1774 = arith.constant 7 : i32
      %parallel_loop3A_1775 = arith.andi %parallel_loop3A_1773, %parallel_loop3A_1774 : i32
      %parallel_loop3A_1776 = arith.constant 4 : i32
      %parallel_loop3A_1777 = arith.shli %parallel_loop3A_1775, %parallel_loop3A_1776 : i32
      %parallel_loop3A_1778 = arith.constant 2 : i32
      %parallel_loop3A_1779 = arith.constant 0 : i32
      %parallel_loop3A_1780 = tpu.memref_slice %arg5[%parallel_loop3A_1778, %parallel_loop3A_1779] : memref<4x128xi32, #tpu.memory_space<vmem>> -> memref<1x128xi32, #tpu.memory_space<vmem>>
      %parallel_loop3A_1781 = tpu.memref_squeeze %parallel_loop3A_1780 : memref<1x128xi32, #tpu.memory_space<vmem>> -> memref<128xi32, #tpu.memory_space<vmem>>
      %parallel_loop3A_1782 = arith.index_cast %parallel_loop3A_1777 : i32 to index
      %parallel_loop3A_1783 = tpu.vector_load %parallel_loop3A_1781[%parallel_loop3A_1782] {strides = array<i32>} : memref<128xi32, #tpu.memory_space<vmem>>, vector<16xi32>,
      %parallel_loop3A_1784 = arith.constant 16 : i32
      %parallel_loop3A_1785 = arith.muli %parallel_loop3A_1773, %parallel_loop3A_1784 : i32
      %parallel_loop3A_1786 = vector.broadcast %parallel_loop3A_1785 : i32 to vector<16xi32>
      %parallel_loop3A_1787 = arith.addi %parallel_loop3A_1786, %iota3A : vector<16xi32>
      %parallel_loop3A_1788 = arith.constant 15 : i32
      %parallel_loop3A_1789 = vector.broadcast %parallel_loop3A_1788 : i32 to vector<16xi32>
      %parallel_loop3A_1790 = arith.andi %parallel_loop3A_1783, %parallel_loop3A_1789 : vector<16xi32>
      %parallel_loop3A_1791 = tpu.vector_load_idx %arg7[%parallel_loop3A_1787, %parallel_loop3A_1790] : memref<2048x16xf32, #tpu.memory_space<vmem>>[vector<16xi32>, vector<16xi32>], vector<16xf32>,
      %parallel_loop3A_1792 = arith.constant 16 : i32
      %parallel_loop3A_1793 = arith.muli %parallel_loop3A_1773, %parallel_loop3A_1792 : i32
      %parallel_loop3A_1794 = arith.index_cast %parallel_loop3A_1793 : i32 to index
      %parallel_loop3A_1795 = tpu.vector_load %arg8[%parallel_loop3A_1794] {strides = array<i32>} : memref<2048xf32, #tpu.memory_space<vmem>>, vector<16xf32>,
      tpu.vector_store %arg8[%parallel_loop3A_1794], %parallel_loop3A_1791 {strides = array<i32>} : memref<2048xf32, #tpu.memory_space<vmem>>, vector<16xf32>,
    } {sc.loop_unroll_factor = 4 : i64, sc.parallel_access}
    %dma_wait3A_1726 = arith.constant 12 : i32
    %dma_wait3A_1727 = arith.constant 1536 : i32
    %dma_wait3A_1728 = arith.constant 0 : i32
    %dma_wait3A_1729 = tpu.memref_slice %arg7[%dma_wait3A_1727, %dma_wait3A_1728] : memref<2048x16xf32, #tpu.memory_space<vmem>> -> memref<128x16xf32, #tpu.memory_space<vmem>>
    %dma_wait3A_1730 = arith.constant 0 : i32
    %dma_wait3A_1731 = tpu.memref_slice %arg6[%dma_wait3A_1726, %dma_wait3A_1730] : memref<16x128xi32, #tpu.memory_space<vmem>> -> memref<1x128xi32, #tpu.memory_space<vmem>>
    %dma_wait3A_1732 = tpu.memref_squeeze %dma_wait3A_1731 : memref<1x128xi32, #tpu.memory_space<vmem>> -> memref<128xi32, #tpu.memory_space<vmem>>
    %dma_wait3A_1733 = arith.constant 0 : i32
    %dma_wait3A_1734 = arith.constant 0 : i32
    %dma_wait3A_1735 = tpu.memref_slice %arg2[%dma_wait3A_1733, %dma_wait3A_1734] : memref<250000x16xf32, #tpu.memory_space<hbm>> -> memref<250000x16xf32, #tpu.memory_space<hbm>>
    tpu.wait_indirect_dma semaphore(%arg12 : memref<!tpu.dma_semaphore, #tpu.memory_space<semaphore_mem>>) src(%dma_wait3A_1735 : memref<250000x16xf32, #tpu.memory_space<hbm>>) dst(%dma_wait3A_1729 : memref<128x16xf32, #tpu.memory_space<vmem>>)
    %dma_wait3A_1736 = arith.constant 13 : i32
    %dma_wait3A_1737 = arith.constant 1664 : i32
    %dma_wait3A_1738 = arith.constant 0 : i32
    %dma_wait3A_1739 = tpu.memref_slice %arg7[%dma_wait3A_1737, %dma_wait3A_1738] : memref<2048x16xf32, #tpu.memory_space<vmem>> -> memref<128x16xf32, #tpu.memory_space<vmem>>
    %dma_wait3A_1740 = arith.constant 0 : i32
    %dma_wait3A_1741 = tpu.memref_slice %arg6[%dma_wait3A_1736, %dma_wait3A_1740] : memref<16x128xi32, #tpu.memory_space<vmem>> -> memref<1x128xi32, #tpu.memory_space<vmem>>
    %dma_wait3A_1742 = tpu.memref_squeeze %dma_wait3A_1741 : memref<1x128xi32, #tpu.memory_space<vmem>> -> memref<128xi32, #tpu.memory_space<vmem>>
    %dma_wait3A_1743 = arith.constant 0 : i32
    %dma_wait3A_1744 = arith.constant 0 : i32
    %dma_wait3A_1745 = tpu.memref_slice %arg2[%dma_wait3A_1743, %dma_wait3A_1744] : memref<250000x16xf32, #tpu.memory_space<hbm>> -> memref<250000x16xf32, #tpu.memory_space<hbm>>
    tpu.wait_indirect_dma semaphore(%arg12 : memref<!tpu.dma_semaphore, #tpu.memory_space<semaphore_mem>>) src(%dma_wait3A_1745 : memref<250000x16xf32, #tpu.memory_space<hbm>>) dst(%dma_wait3A_1739 : memref<128x16xf32, #tpu.memory_space<vmem>>)
    %dma_wait3A_1746 = arith.constant 14 : i32
    %dma_wait3A_1747 = arith.constant 1792 : i32
    %dma_wait3A_1748 = arith.constant 0 : i32
    %dma_wait3A_1749 = tpu.memref_slice %arg7[%dma_wait3A_1747, %dma_wait3A_1748] : memref<2048x16xf32, #tpu.memory_space<vmem>> -> memref<128x16xf32, #tpu.memory_space<vmem>>
    %dma_wait3A_1750 = arith.constant 0 : i32
    %dma_wait3A_1751 = tpu.memref_slice %arg6[%dma_wait3A_1746, %dma_wait3A_1750] : memref<16x128xi32, #tpu.memory_space<vmem>> -> memref<1x128xi32, #tpu.memory_space<vmem>>
    %dma_wait3A_1752 = tpu.memref_squeeze %dma_wait3A_1751 : memref<1x128xi32, #tpu.memory_space<vmem>> -> memref<128xi32, #tpu.memory_space<vmem>>
    %dma_wait3A_1753 = arith.constant 0 : i32
    %dma_wait3A_1754 = arith.constant 0 : i32
    %dma_wait3A_1755 = tpu.memref_slice %arg2[%dma_wait3A_1753, %dma_wait3A_1754] : memref<250000x16xf32, #tpu.memory_space<hbm>> -> memref<250000x16xf32, #tpu.memory_space<hbm>>
    tpu.wait_indirect_dma semaphore(%arg12 : memref<!tpu.dma_semaphore, #tpu.memory_space<semaphore_mem>>) src(%dma_wait3A_1755 : memref<250000x16xf32, #tpu.memory_space<hbm>>) dst(%dma_wait3A_1749 : memref<128x16xf32, #tpu.memory_space<vmem>>)
    %dma_wait3A_1756 = arith.constant 15 : i32
    %dma_wait3A_1757 = arith.constant 1920 : i32
    %dma_wait3A_1758 = arith.constant 0 : i32
    %dma_wait3A_1759 = tpu.memref_slice %arg7[%dma_wait3A_1757, %dma_wait3A_1758] : memref<2048x16xf32, #tpu.memory_space<vmem>> -> memref<128x16xf32, #tpu.memory_space<vmem>>
    %dma_wait3A_1760 = arith.constant 0 : i32
    %dma_wait3A_1761 = tpu.memref_slice %arg6[%dma_wait3A_1756, %dma_wait3A_1760] : memref<16x128xi32, #tpu.memory_space<vmem>> -> memref<1x128xi32, #tpu.memory_space<vmem>>
    %dma_wait3A_1762 = tpu.memref_squeeze %dma_wait3A_1761 : memref<1x128xi32, #tpu.memory_space<vmem>> -> memref<128xi32, #tpu.memory_space<vmem>>
    %dma_wait3A_1763 = arith.constant 0 : i32
    %dma_wait3A_1764 = arith.constant 0 : i32
    %dma_wait3A_1765 = tpu.memref_slice %arg2[%dma_wait3A_1763, %dma_wait3A_1764] : memref<250000x16xf32, #tpu.memory_space<hbm>> -> memref<250000x16xf32, #tpu.memory_space<hbm>>
    tpu.wait_indirect_dma semaphore(%arg12 : memref<!tpu.dma_semaphore, #tpu.memory_space<semaphore_mem>>) src(%dma_wait3A_1765 : memref<250000x16xf32, #tpu.memory_space<hbm>>) dst(%dma_wait3A_1759 : memref<128x16xf32, #tpu.memory_space<vmem>>)
    %parallel_loop3A_1766 = arith.constant 96 : i32
    %parallel_loop3A_1767 = arith.constant 128 : i32
    %parallel_loop3A_1768 = arith.constant 1 : i32
    scf.for %parallel_loop3A_1773 = %parallel_loop3A_1766 to %parallel_loop3A_1767 step %parallel_loop3A_1768  : i32 {
      %parallel_loop3A_1774 = arith.constant 7 : i32
      %parallel_loop3A_1775 = arith.andi %parallel_loop3A_1773, %parallel_loop3A_1774 : i32
      %parallel_loop3A_1776 = arith.constant 4 : i32
      %parallel_loop3A_1777 = arith.shli %parallel_loop3A_1775, %parallel_loop3A_1776 : i32
      %parallel_loop3A_1778 = arith.constant 3 : i32
      %parallel_loop3A_1779 = arith.constant 0 : i32
      %parallel_loop3A_1780 = tpu.memref_slice %arg5[%parallel_loop3A_1778, %parallel_loop3A_1779] : memref<4x128xi32, #tpu.memory_space<vmem>> -> memref<1x128xi32, #tpu.memory_space<vmem>>
      %parallel_loop3A_1781 = tpu.memref_squeeze %parallel_loop3A_1780 : memref<1x128xi32, #tpu.memory_space<vmem>> -> memref<128xi32, #tpu.memory_space<vmem>>
      %parallel_loop3A_1782 = arith.index_cast %parallel_loop3A_1777 : i32 to index
      %parallel_loop3A_1783 = tpu.vector_load %parallel_loop3A_1781[%parallel_loop3A_1782] {strides = array<i32>} : memref<128xi32, #tpu.memory_space<vmem>>, vector<16xi32>,
      %parallel_loop3A_1784 = arith.constant 16 : i32
      %parallel_loop3A_1785 = arith.muli %parallel_loop3A_1773, %parallel_loop3A_1784 : i32
      %parallel_loop3A_1786 = vector.broadcast %parallel_loop3A_1785 : i32 to vector<16xi32>
      %parallel_loop3A_1787 = arith.addi %parallel_loop3A_1786, %iota3A : vector<16xi32>
      %parallel_loop3A_1788 = arith.constant 15 : i32
      %parallel_loop3A_1789 = vector.broadcast %parallel_loop3A_1788 : i32 to vector<16xi32>
      %parallel_loop3A_1790 = arith.andi %parallel_loop3A_1783, %parallel_loop3A_1789 : vector<16xi32>
      %parallel_loop3A_1791 = tpu.vector_load_idx %arg7[%parallel_loop3A_1787, %parallel_loop3A_1790] : memref<2048x16xf32, #tpu.memory_space<vmem>>[vector<16xi32>, vector<16xi32>], vector<16xf32>,
      %parallel_loop3A_1792 = arith.constant 16 : i32
      %parallel_loop3A_1793 = arith.muli %parallel_loop3A_1773, %parallel_loop3A_1792 : i32
      %parallel_loop3A_1794 = arith.index_cast %parallel_loop3A_1793 : i32 to index
      %parallel_loop3A_1795 = tpu.vector_load %arg8[%parallel_loop3A_1794] {strides = array<i32>} : memref<2048xf32, #tpu.memory_space<vmem>>, vector<16xf32>,
      tpu.vector_store %arg8[%parallel_loop3A_1794], %parallel_loop3A_1791 {strides = array<i32>} : memref<2048xf32, #tpu.memory_space<vmem>>, vector<16xf32>,
    } {sc.loop_unroll_factor = 4 : i64, sc.parallel_access}
    %mul3A_1769 = arith.constant 512 : i32
    %mul3A_1770 = arith.muli %add3A, %mul3A_1769 : i32
    %mul3A_1771 = arith.constant 4 : i32
    %mul3A_1772 = arith.muli %mul3A_1770, %mul3A_1771 : i32
    "tpu.region"() ({
      %run_scoped3A = tpu.sem_alloc : memref<!tpu.dma_semaphore, #tpu.memory_space<semaphore_mem>>
      %dma_start3A_1773 = tpu.memref_slice %arg4[%mul3A_1772] : memref<65536xf32, #tpu.memory_space<hbm>> -> memref<2048xf32, #tpu.memory_space<hbm>>
      %dma_start3A_1774 = tpu.memref_slice %arg4[%mul3A_1772] : memref<65536xf32, #tpu.memory_space<hbm>> -> memref<2048xf32, #tpu.memory_space<hbm>>
      tpu.enqueue_dma source(%arg8 : memref<2048xf32, #tpu.memory_space<vmem>>) target(%dma_start3A_1774 : memref<2048xf32, #tpu.memory_space<hbm>>) target_semaphore(%run_scoped3A : memref<!tpu.dma_semaphore, #tpu.memory_space<semaphore_mem>>)
      %dma_wait3A_1775 = tpu.memref_slice %arg4[%mul3A_1772] : memref<65536xf32, #tpu.memory_space<hbm>> -> memref<2048xf32, #tpu.memory_space<hbm>>
      %dma_wait3A_1776 = tpu.memref_slice %arg4[%mul3A_1772] : memref<65536xf32, #tpu.memory_space<hbm>> -> memref<2048xf32, #tpu.memory_space<hbm>>
      tpu.wait_dma2 semaphore(%run_scoped3A : memref<!tpu.dma_semaphore, #tpu.memory_space<semaphore_mem>>) src(%arg8 : memref<2048xf32, #tpu.memory_space<vmem>>) dst(%dma_wait3A_1776 : memref<2048xf32, #tpu.memory_space<hbm>>)
      tpu.yield
    }) : () -> ()
    return
  }
}

#map = affine_map<(d0, d1) -> (0, 0)>
#map1 = affine_map<(d0, d1) -> (0)>
module attributes {stable_mosaic.version = 14 : i64} {
  func.func @_gather(%arg0: i32, %arg1: i32, %arg2: memref<125000x16xf32, #tpu.memory_space<hbm>>, %arg3: memref<128x128xi32, #tpu.memory_space<hbm>>, %arg4: memref<32768xf32, #tpu.memory_space<hbm>>, %arg5: memref<4x128xi32, #tpu.memory_space<vmem>>, %arg6: memref<8x128xi32, #tpu.memory_space<vmem>>, %arg7: memref<1024x16xf32, #tpu.memory_space<vmem>>, %arg8: memref<1024xf32, #tpu.memory_space<vmem>>, %arg9: memref<!tpu.dma_semaphore, #tpu.memory_space<semaphore_mem>>, %arg10: memref<!tpu.dma_semaphore, #tpu.memory_space<semaphore_mem>>, %arg11: memref<!tpu.dma_semaphore, #tpu.memory_space<semaphore_mem>>, %arg12: memref<!tpu.dma_semaphore, #tpu.memory_space<semaphore_mem>>) attributes {dimension_semantics = [#tpu.dimension_semantics<core_parallel>, #tpu.dimension_semantics<subcore_parallel>], iteration_bounds = array<i64: 2, 16>, scalar_prefetch = 0 : i64, scratch_operands = 8 : i64, tpu.core_type = #tpu.core_type<sc_vector_subcore>, window_params = [{transform_indices = #map}, {transform_indices = #map}, {transform_indices = #map1}]} {
    %mul3A = arith.constant 2 : i32
    %mul3A_0 = arith.muli %arg1, %mul3A : i32
    %add3A = arith.addi %mul3A_0, %arg0 : i32
    %mul3A_1 = arith.constant 4 : i32
    %mul3A_2 = arith.muli %add3A, %mul3A_1 : i32
    "tpu.region"() ({
      %run_scoped3A = tpu.sem_alloc : memref<!tpu.dma_semaphore, #tpu.memory_space<semaphore_mem>>
      %dma_start3A_1037 = arith.constant 0 : i32
      %dma_start3A_1038 = tpu.memref_slice %arg3[%mul3A_2, %dma_start3A_1037] : memref<128x128xi32, #tpu.memory_space<hbm>> -> memref<4x128xi32, #tpu.memory_space<hbm>>
      %dma_start3A_1039 = arith.constant 0 : i32
      %dma_start3A_1040 = tpu.memref_slice %arg3[%mul3A_2, %dma_start3A_1039] : memref<128x128xi32, #tpu.memory_space<hbm>> -> memref<4x128xi32, #tpu.memory_space<hbm>>
      tpu.enqueue_dma source(%dma_start3A_1040 : memref<4x128xi32, #tpu.memory_space<hbm>>) target(%arg5 : memref<4x128xi32, #tpu.memory_space<vmem>>) target_semaphore(%run_scoped3A : memref<!tpu.dma_semaphore, #tpu.memory_space<semaphore_mem>>)
      %dma_wait3A_1041 = arith.constant 0 : i32
      %dma_wait3A_1042 = tpu.memref_slice %arg3[%mul3A_2, %dma_wait3A_1041] : memref<128x128xi32, #tpu.memory_space<hbm>> -> memref<4x128xi32, #tpu.memory_space<hbm>>
      %dma_wait3A_1043 = arith.constant 0 : i32
      %dma_wait3A_1044 = tpu.memref_slice %arg3[%mul3A_2, %dma_wait3A_1043] : memref<128x128xi32, #tpu.memory_space<hbm>> -> memref<4x128xi32, #tpu.memory_space<hbm>>
      tpu.wait_dma2 semaphore(%run_scoped3A : memref<!tpu.dma_semaphore, #tpu.memory_space<semaphore_mem>>) src(%dma_wait3A_1044 : memref<4x128xi32, #tpu.memory_space<hbm>>) dst(%arg5 : memref<4x128xi32, #tpu.memory_space<vmem>>)
      tpu.yield
    }) : () -> ()
    %get3A = arith.constant 0 : i32
    %get3A_3 = arith.constant 0 : i32
    %get3A_4 = tpu.memref_slice %arg5[%get3A, %get3A_3] : memref<4x128xi32, #tpu.memory_space<vmem>> -> memref<1x128xi32, #tpu.memory_space<vmem>>
    %get3A_5 = tpu.memref_squeeze %get3A_4 : memref<1x128xi32, #tpu.memory_space<vmem>> -> memref<128xi32, #tpu.memory_space<vmem>>
    %get3A_6 = arith.constant 0 : index
    %get3A_7 = tpu.vector_load %get3A_5[%get3A_6] {strides = array<i32>} : memref<128xi32, #tpu.memory_space<vmem>>, vector<16xi32>,
    %shift_right_arithmetic3A = arith.constant 4 : i32
    %shift_right_arithmetic3A_8 = vector.broadcast %shift_right_arithmetic3A : i32 to vector<16xi32>
    %shift_right_arithmetic3A_9 = arith.shrsi %get3A_7, %shift_right_arithmetic3A_8 : vector<16xi32>
    %add3A_10 = arith.constant 0 : i32
    %add3A_11 = vector.broadcast %add3A_10 : i32 to vector<16xi32>
    %add3A_12 = arith.addi %shift_right_arithmetic3A_9, %add3A_11 : vector<16xi32>
    %swap3A = arith.constant 0 : i32
    %swap3A_13 = arith.constant 0 : i32
    %swap3A_14 = tpu.memref_slice %arg6[%swap3A, %swap3A_13] : memref<8x128xi32, #tpu.memory_space<vmem>> -> memref<1x128xi32, #tpu.memory_space<vmem>>
    %swap3A_15 = tpu.memref_squeeze %swap3A_14 : memref<1x128xi32, #tpu.memory_space<vmem>> -> memref<128xi32, #tpu.memory_space<vmem>>
    %swap3A_16 = arith.constant 0 : index
    %swap3A_17 = tpu.vector_load %swap3A_15[%swap3A_16] {strides = array<i32>} : memref<128xi32, #tpu.memory_space<vmem>>, vector<16xi32>,
    tpu.vector_store %swap3A_15[%swap3A_16], %add3A_12 {strides = array<i32>} : memref<128xi32, #tpu.memory_space<vmem>>, vector<16xi32>,
    %add3A_18 = arith.constant 62500 : i32
    %add3A_19 = vector.broadcast %add3A_18 : i32 to vector<16xi32>
    %add3A_20 = arith.addi %shift_right_arithmetic3A_9, %add3A_19 : vector<16xi32>
    %swap3A_21 = arith.constant 1 : i32
    %swap3A_22 = arith.constant 0 : i32
    %swap3A_23 = tpu.memref_slice %arg6[%swap3A_21, %swap3A_22] : memref<8x128xi32, #tpu.memory_space<vmem>> -> memref<1x128xi32, #tpu.memory_space<vmem>>
    %swap3A_24 = tpu.memref_squeeze %swap3A_23 : memref<1x128xi32, #tpu.memory_space<vmem>> -> memref<128xi32, #tpu.memory_space<vmem>>
    %swap3A_25 = arith.constant 0 : index
    %swap3A_26 = tpu.vector_load %swap3A_24[%swap3A_25] {strides = array<i32>} : memref<128xi32, #tpu.memory_space<vmem>>, vector<16xi32>,
    tpu.vector_store %swap3A_24[%swap3A_25], %add3A_20 {strides = array<i32>} : memref<128xi32, #tpu.memory_space<vmem>>, vector<16xi32>,
    %get3A_27 = arith.constant 0 : i32
    %get3A_28 = arith.constant 0 : i32
    %get3A_29 = tpu.memref_slice %arg5[%get3A_27, %get3A_28] : memref<4x128xi32, #tpu.memory_space<vmem>> -> memref<1x128xi32, #tpu.memory_space<vmem>>
    %get3A_30 = tpu.memref_squeeze %get3A_29 : memref<1x128xi32, #tpu.memory_space<vmem>> -> memref<128xi32, #tpu.memory_space<vmem>>
    %get3A_31 = arith.constant 16 : index
    %get3A_32 = tpu.vector_load %get3A_30[%get3A_31] {strides = array<i32>} : memref<128xi32, #tpu.memory_space<vmem>>, vector<16xi32>,
    %shift_right_arithmetic3A_33 = arith.constant 4 : i32
    %shift_right_arithmetic3A_34 = vector.broadcast %shift_right_arithmetic3A_33 : i32 to vector<16xi32>
    %shift_right_arithmetic3A_35 = arith.shrsi %get3A_32, %shift_right_arithmetic3A_34 : vector<16xi32>
    %add3A_36 = arith.constant 0 : i32
    %add3A_37 = vector.broadcast %add3A_36 : i32 to vector<16xi32>
    %add3A_38 = arith.addi %shift_right_arithmetic3A_35, %add3A_37 : vector<16xi32>
    %swap3A_39 = arith.constant 0 : i32
    %swap3A_40 = arith.constant 0 : i32
    %swap3A_41 = tpu.memref_slice %arg6[%swap3A_39, %swap3A_40] : memref<8x128xi32, #tpu.memory_space<vmem>> -> memref<1x128xi32, #tpu.memory_space<vmem>>
    %swap3A_42 = tpu.memref_squeeze %swap3A_41 : memref<1x128xi32, #tpu.memory_space<vmem>> -> memref<128xi32, #tpu.memory_space<vmem>>
    %swap3A_43 = arith.constant 16 : index
    %swap3A_44 = tpu.vector_load %swap3A_42[%swap3A_43] {strides = array<i32>} : memref<128xi32, #tpu.memory_space<vmem>>, vector<16xi32>,
    tpu.vector_store %swap3A_42[%swap3A_43], %add3A_38 {strides = array<i32>} : memref<128xi32, #tpu.memory_space<vmem>>, vector<16xi32>,
    %add3A_45 = arith.constant 62500 : i32
    %add3A_46 = vector.broadcast %add3A_45 : i32 to vector<16xi32>
    %add3A_47 = arith.addi %shift_right_arithmetic3A_35, %add3A_46 : vector<16xi32>
    %swap3A_48 = arith.constant 1 : i32
    %swap3A_49 = arith.constant 0 : i32
    %swap3A_50 = tpu.memref_slice %arg6[%swap3A_48, %swap3A_49] : memref<8x128xi32, #tpu.memory_space<vmem>> -> memref<1x128xi32, #tpu.memory_space<vmem>>
    %swap3A_51 = tpu.memref_squeeze %swap3A_50 : memref<1x128xi32, #tpu.memory_space<vmem>> -> memref<128xi32, #tpu.memory_space<vmem>>
    %swap3A_52 = arith.constant 16 : index
    %swap3A_53 = tpu.vector_load %swap3A_51[%swap3A_52] {strides = array<i32>} : memref<128xi32, #tpu.memory_space<vmem>>, vector<16xi32>,
    tpu.vector_store %swap3A_51[%swap3A_52], %add3A_47 {strides = array<i32>} : memref<128xi32, #tpu.memory_space<vmem>>, vector<16xi32>,
    %get3A_54 = arith.constant 0 : i32
    %get3A_55 = arith.constant 0 : i32
    %get3A_56 = tpu.memref_slice %arg5[%get3A_54, %get3A_55] : memref<4x128xi32, #tpu.memory_space<vmem>> -> memref<1x128xi32, #tpu.memory_space<vmem>>
    %get3A_57 = tpu.memref_squeeze %get3A_56 : memref<1x128xi32, #tpu.memory_space<vmem>> -> memref<128xi32, #tpu.memory_space<vmem>>
    %get3A_58 = arith.constant 32 : index
    %get3A_59 = tpu.vector_load %get3A_57[%get3A_58] {strides = array<i32>} : memref<128xi32, #tpu.memory_space<vmem>>, vector<16xi32>,
    %shift_right_arithmetic3A_60 = arith.constant 4 : i32
    %shift_right_arithmetic3A_61 = vector.broadcast %shift_right_arithmetic3A_60 : i32 to vector<16xi32>
    %shift_right_arithmetic3A_62 = arith.shrsi %get3A_59, %shift_right_arithmetic3A_61 : vector<16xi32>
    %add3A_63 = arith.constant 0 : i32
    %add3A_64 = vector.broadcast %add3A_63 : i32 to vector<16xi32>
    %add3A_65 = arith.addi %shift_right_arithmetic3A_62, %add3A_64 : vector<16xi32>
    %swap3A_66 = arith.constant 0 : i32
    %swap3A_67 = arith.constant 0 : i32
    %swap3A_68 = tpu.memref_slice %arg6[%swap3A_66, %swap3A_67] : memref<8x128xi32, #tpu.memory_space<vmem>> -> memref<1x128xi32, #tpu.memory_space<vmem>>
    %swap3A_69 = tpu.memref_squeeze %swap3A_68 : memref<1x128xi32, #tpu.memory_space<vmem>> -> memref<128xi32, #tpu.memory_space<vmem>>
    %swap3A_70 = arith.constant 32 : index
    %swap3A_71 = tpu.vector_load %swap3A_69[%swap3A_70] {strides = array<i32>} : memref<128xi32, #tpu.memory_space<vmem>>, vector<16xi32>,
    tpu.vector_store %swap3A_69[%swap3A_70], %add3A_65 {strides = array<i32>} : memref<128xi32, #tpu.memory_space<vmem>>, vector<16xi32>,
    %add3A_72 = arith.constant 62500 : i32
    %add3A_73 = vector.broadcast %add3A_72 : i32 to vector<16xi32>
    %add3A_74 = arith.addi %shift_right_arithmetic3A_62, %add3A_73 : vector<16xi32>
    %swap3A_75 = arith.constant 1 : i32
    %swap3A_76 = arith.constant 0 : i32
    %swap3A_77 = tpu.memref_slice %arg6[%swap3A_75, %swap3A_76] : memref<8x128xi32, #tpu.memory_space<vmem>> -> memref<1x128xi32, #tpu.memory_space<vmem>>
    %swap3A_78 = tpu.memref_squeeze %swap3A_77 : memref<1x128xi32, #tpu.memory_space<vmem>> -> memref<128xi32, #tpu.memory_space<vmem>>
    %swap3A_79 = arith.constant 32 : index
    %swap3A_80 = tpu.vector_load %swap3A_78[%swap3A_79] {strides = array<i32>} : memref<128xi32, #tpu.memory_space<vmem>>, vector<16xi32>,
    tpu.vector_store %swap3A_78[%swap3A_79], %add3A_74 {strides = array<i32>} : memref<128xi32, #tpu.memory_space<vmem>>, vector<16xi32>,
    %get3A_81 = arith.constant 0 : i32
    %get3A_82 = arith.constant 0 : i32
    %get3A_83 = tpu.memref_slice %arg5[%get3A_81, %get3A_82] : memref<4x128xi32, #tpu.memory_space<vmem>> -> memref<1x128xi32, #tpu.memory_space<vmem>>
    %get3A_84 = tpu.memref_squeeze %get3A_83 : memref<1x128xi32, #tpu.memory_space<vmem>> -> memref<128xi32, #tpu.memory_space<vmem>>
    %get3A_85 = arith.constant 48 : index
    %get3A_86 = tpu.vector_load %get3A_84[%get3A_85] {strides = array<i32>} : memref<128xi32, #tpu.memory_space<vmem>>, vector<16xi32>,
    %shift_right_arithmetic3A_87 = arith.constant 4 : i32
    %shift_right_arithmetic3A_88 = vector.broadcast %shift_right_arithmetic3A_87 : i32 to vector<16xi32>
    %shift_right_arithmetic3A_89 = arith.shrsi %get3A_86, %shift_right_arithmetic3A_88 : vector<16xi32>
    %add3A_90 = arith.constant 0 : i32
    %add3A_91 = vector.broadcast %add3A_90 : i32 to vector<16xi32>
    %add3A_92 = arith.addi %shift_right_arithmetic3A_89, %add3A_91 : vector<16xi32>
    %swap3A_93 = arith.constant 0 : i32
    %swap3A_94 = arith.constant 0 : i32
    %swap3A_95 = tpu.memref_slice %arg6[%swap3A_93, %swap3A_94] : memref<8x128xi32, #tpu.memory_space<vmem>> -> memref<1x128xi32, #tpu.memory_space<vmem>>
    %swap3A_96 = tpu.memref_squeeze %swap3A_95 : memref<1x128xi32, #tpu.memory_space<vmem>> -> memref<128xi32, #tpu.memory_space<vmem>>
    %swap3A_97 = arith.constant 48 : index
    %swap3A_98 = tpu.vector_load %swap3A_96[%swap3A_97] {strides = array<i32>} : memref<128xi32, #tpu.memory_space<vmem>>, vector<16xi32>,
    tpu.vector_store %swap3A_96[%swap3A_97], %add3A_92 {strides = array<i32>} : memref<128xi32, #tpu.memory_space<vmem>>, vector<16xi32>,
    %add3A_99 = arith.constant 62500 : i32
    %add3A_100 = vector.broadcast %add3A_99 : i32 to vector<16xi32>
    %add3A_101 = arith.addi %shift_right_arithmetic3A_89, %add3A_100 : vector<16xi32>
    %swap3A_102 = arith.constant 1 : i32
    %swap3A_103 = arith.constant 0 : i32
    %swap3A_104 = tpu.memref_slice %arg6[%swap3A_102, %swap3A_103] : memref<8x128xi32, #tpu.memory_space<vmem>> -> memref<1x128xi32, #tpu.memory_space<vmem>>
    %swap3A_105 = tpu.memref_squeeze %swap3A_104 : memref<1x128xi32, #tpu.memory_space<vmem>> -> memref<128xi32, #tpu.memory_space<vmem>>
    %swap3A_106 = arith.constant 48 : index
    %swap3A_107 = tpu.vector_load %swap3A_105[%swap3A_106] {strides = array<i32>} : memref<128xi32, #tpu.memory_space<vmem>>, vector<16xi32>,
    tpu.vector_store %swap3A_105[%swap3A_106], %add3A_101 {strides = array<i32>} : memref<128xi32, #tpu.memory_space<vmem>>, vector<16xi32>,
    %get3A_108 = arith.constant 0 : i32
    %get3A_109 = arith.constant 0 : i32
    %get3A_110 = tpu.memref_slice %arg5[%get3A_108, %get3A_109] : memref<4x128xi32, #tpu.memory_space<vmem>> -> memref<1x128xi32, #tpu.memory_space<vmem>>
    %get3A_111 = tpu.memref_squeeze %get3A_110 : memref<1x128xi32, #tpu.memory_space<vmem>> -> memref<128xi32, #tpu.memory_space<vmem>>
    %get3A_112 = arith.constant 64 : index
    %get3A_113 = tpu.vector_load %get3A_111[%get3A_112] {strides = array<i32>} : memref<128xi32, #tpu.memory_space<vmem>>, vector<16xi32>,
    %shift_right_arithmetic3A_114 = arith.constant 4 : i32
    %shift_right_arithmetic3A_115 = vector.broadcast %shift_right_arithmetic3A_114 : i32 to vector<16xi32>
    %shift_right_arithmetic3A_116 = arith.shrsi %get3A_113, %shift_right_arithmetic3A_115 : vector<16xi32>
    %add3A_117 = arith.constant 0 : i32
    %add3A_118 = vector.broadcast %add3A_117 : i32 to vector<16xi32>
    %add3A_119 = arith.addi %shift_right_arithmetic3A_116, %add3A_118 : vector<16xi32>
    %swap3A_120 = arith.constant 0 : i32
    %swap3A_121 = arith.constant 0 : i32
    %swap3A_122 = tpu.memref_slice %arg6[%swap3A_120, %swap3A_121] : memref<8x128xi32, #tpu.memory_space<vmem>> -> memref<1x128xi32, #tpu.memory_space<vmem>>
    %swap3A_123 = tpu.memref_squeeze %swap3A_122 : memref<1x128xi32, #tpu.memory_space<vmem>> -> memref<128xi32, #tpu.memory_space<vmem>>
    %swap3A_124 = arith.constant 64 : index
    %swap3A_125 = tpu.vector_load %swap3A_123[%swap3A_124] {strides = array<i32>} : memref<128xi32, #tpu.memory_space<vmem>>, vector<16xi32>,
    tpu.vector_store %swap3A_123[%swap3A_124], %add3A_119 {strides = array<i32>} : memref<128xi32, #tpu.memory_space<vmem>>, vector<16xi32>,
    %add3A_126 = arith.constant 62500 : i32
    %add3A_127 = vector.broadcast %add3A_126 : i32 to vector<16xi32>
    %add3A_128 = arith.addi %shift_right_arithmetic3A_116, %add3A_127 : vector<16xi32>
    %swap3A_129 = arith.constant 1 : i32
    %swap3A_130 = arith.constant 0 : i32
    %swap3A_131 = tpu.memref_slice %arg6[%swap3A_129, %swap3A_130] : memref<8x128xi32, #tpu.memory_space<vmem>> -> memref<1x128xi32, #tpu.memory_space<vmem>>
    %swap3A_132 = tpu.memref_squeeze %swap3A_131 : memref<1x128xi32, #tpu.memory_space<vmem>> -> memref<128xi32, #tpu.memory_space<vmem>>
    %swap3A_133 = arith.constant 64 : index
    %swap3A_134 = tpu.vector_load %swap3A_132[%swap3A_133] {strides = array<i32>} : memref<128xi32, #tpu.memory_space<vmem>>, vector<16xi32>,
    tpu.vector_store %swap3A_132[%swap3A_133], %add3A_128 {strides = array<i32>} : memref<128xi32, #tpu.memory_space<vmem>>, vector<16xi32>,
    %get3A_135 = arith.constant 0 : i32
    %get3A_136 = arith.constant 0 : i32
    %get3A_137 = tpu.memref_slice %arg5[%get3A_135, %get3A_136] : memref<4x128xi32, #tpu.memory_space<vmem>> -> memref<1x128xi32, #tpu.memory_space<vmem>>
    %get3A_138 = tpu.memref_squeeze %get3A_137 : memref<1x128xi32, #tpu.memory_space<vmem>> -> memref<128xi32, #tpu.memory_space<vmem>>
    %get3A_139 = arith.constant 80 : index
    %get3A_140 = tpu.vector_load %get3A_138[%get3A_139] {strides = array<i32>} : memref<128xi32, #tpu.memory_space<vmem>>, vector<16xi32>,
    %shift_right_arithmetic3A_141 = arith.constant 4 : i32
    %shift_right_arithmetic3A_142 = vector.broadcast %shift_right_arithmetic3A_141 : i32 to vector<16xi32>
    %shift_right_arithmetic3A_143 = arith.shrsi %get3A_140, %shift_right_arithmetic3A_142 : vector<16xi32>
    %add3A_144 = arith.constant 0 : i32
    %add3A_145 = vector.broadcast %add3A_144 : i32 to vector<16xi32>
    %add3A_146 = arith.addi %shift_right_arithmetic3A_143, %add3A_145 : vector<16xi32>
    %swap3A_147 = arith.constant 0 : i32
    %swap3A_148 = arith.constant 0 : i32
    %swap3A_149 = tpu.memref_slice %arg6[%swap3A_147, %swap3A_148] : memref<8x128xi32, #tpu.memory_space<vmem>> -> memref<1x128xi32, #tpu.memory_space<vmem>>
    %swap3A_150 = tpu.memref_squeeze %swap3A_149 : memref<1x128xi32, #tpu.memory_space<vmem>> -> memref<128xi32, #tpu.memory_space<vmem>>
    %swap3A_151 = arith.constant 80 : index
    %swap3A_152 = tpu.vector_load %swap3A_150[%swap3A_151] {strides = array<i32>} : memref<128xi32, #tpu.memory_space<vmem>>, vector<16xi32>,
    tpu.vector_store %swap3A_150[%swap3A_151], %add3A_146 {strides = array<i32>} : memref<128xi32, #tpu.memory_space<vmem>>, vector<16xi32>,
    %add3A_153 = arith.constant 62500 : i32
    %add3A_154 = vector.broadcast %add3A_153 : i32 to vector<16xi32>
    %add3A_155 = arith.addi %shift_right_arithmetic3A_143, %add3A_154 : vector<16xi32>
    %swap3A_156 = arith.constant 1 : i32
    %swap3A_157 = arith.constant 0 : i32
    %swap3A_158 = tpu.memref_slice %arg6[%swap3A_156, %swap3A_157] : memref<8x128xi32, #tpu.memory_space<vmem>> -> memref<1x128xi32, #tpu.memory_space<vmem>>
    %swap3A_159 = tpu.memref_squeeze %swap3A_158 : memref<1x128xi32, #tpu.memory_space<vmem>> -> memref<128xi32, #tpu.memory_space<vmem>>
    %swap3A_160 = arith.constant 80 : index
    %swap3A_161 = tpu.vector_load %swap3A_159[%swap3A_160] {strides = array<i32>} : memref<128xi32, #tpu.memory_space<vmem>>, vector<16xi32>,
    tpu.vector_store %swap3A_159[%swap3A_160], %add3A_155 {strides = array<i32>} : memref<128xi32, #tpu.memory_space<vmem>>, vector<16xi32>,
    %get3A_162 = arith.constant 0 : i32
    %get3A_163 = arith.constant 0 : i32
    %get3A_164 = tpu.memref_slice %arg5[%get3A_162, %get3A_163] : memref<4x128xi32, #tpu.memory_space<vmem>> -> memref<1x128xi32, #tpu.memory_space<vmem>>
    %get3A_165 = tpu.memref_squeeze %get3A_164 : memref<1x128xi32, #tpu.memory_space<vmem>> -> memref<128xi32, #tpu.memory_space<vmem>>
    %get3A_166 = arith.constant 96 : index
    %get3A_167 = tpu.vector_load %get3A_165[%get3A_166] {strides = array<i32>} : memref<128xi32, #tpu.memory_space<vmem>>, vector<16xi32>,
    %shift_right_arithmetic3A_168 = arith.constant 4 : i32
    %shift_right_arithmetic3A_169 = vector.broadcast %shift_right_arithmetic3A_168 : i32 to vector<16xi32>
    %shift_right_arithmetic3A_170 = arith.shrsi %get3A_167, %shift_right_arithmetic3A_169 : vector<16xi32>
    %add3A_171 = arith.constant 0 : i32
    %add3A_172 = vector.broadcast %add3A_171 : i32 to vector<16xi32>
    %add3A_173 = arith.addi %shift_right_arithmetic3A_170, %add3A_172 : vector<16xi32>
    %swap3A_174 = arith.constant 0 : i32
    %swap3A_175 = arith.constant 0 : i32
    %swap3A_176 = tpu.memref_slice %arg6[%swap3A_174, %swap3A_175] : memref<8x128xi32, #tpu.memory_space<vmem>> -> memref<1x128xi32, #tpu.memory_space<vmem>>
    %swap3A_177 = tpu.memref_squeeze %swap3A_176 : memref<1x128xi32, #tpu.memory_space<vmem>> -> memref<128xi32, #tpu.memory_space<vmem>>
    %swap3A_178 = arith.constant 96 : index
    %swap3A_179 = tpu.vector_load %swap3A_177[%swap3A_178] {strides = array<i32>} : memref<128xi32, #tpu.memory_space<vmem>>, vector<16xi32>,
    tpu.vector_store %swap3A_177[%swap3A_178], %add3A_173 {strides = array<i32>} : memref<128xi32, #tpu.memory_space<vmem>>, vector<16xi32>,
    %add3A_180 = arith.constant 62500 : i32
    %add3A_181 = vector.broadcast %add3A_180 : i32 to vector<16xi32>
    %add3A_182 = arith.addi %shift_right_arithmetic3A_170, %add3A_181 : vector<16xi32>
    %swap3A_183 = arith.constant 1 : i32
    %swap3A_184 = arith.constant 0 : i32
    %swap3A_185 = tpu.memref_slice %arg6[%swap3A_183, %swap3A_184] : memref<8x128xi32, #tpu.memory_space<vmem>> -> memref<1x128xi32, #tpu.memory_space<vmem>>
    %swap3A_186 = tpu.memref_squeeze %swap3A_185 : memref<1x128xi32, #tpu.memory_space<vmem>> -> memref<128xi32, #tpu.memory_space<vmem>>
    %swap3A_187 = arith.constant 96 : index
    %swap3A_188 = tpu.vector_load %swap3A_186[%swap3A_187] {strides = array<i32>} : memref<128xi32, #tpu.memory_space<vmem>>, vector<16xi32>,
    tpu.vector_store %swap3A_186[%swap3A_187], %add3A_182 {strides = array<i32>} : memref<128xi32, #tpu.memory_space<vmem>>, vector<16xi32>,
    %get3A_189 = arith.constant 0 : i32
    %get3A_190 = arith.constant 0 : i32
    %get3A_191 = tpu.memref_slice %arg5[%get3A_189, %get3A_190] : memref<4x128xi32, #tpu.memory_space<vmem>> -> memref<1x128xi32, #tpu.memory_space<vmem>>
    %get3A_192 = tpu.memref_squeeze %get3A_191 : memref<1x128xi32, #tpu.memory_space<vmem>> -> memref<128xi32, #tpu.memory_space<vmem>>
    %get3A_193 = arith.constant 112 : index
    %get3A_194 = tpu.vector_load %get3A_192[%get3A_193] {strides = array<i32>} : memref<128xi32, #tpu.memory_space<vmem>>, vector<16xi32>,
    %shift_right_arithmetic3A_195 = arith.constant 4 : i32
    %shift_right_arithmetic3A_196 = vector.broadcast %shift_right_arithmetic3A_195 : i32 to vector<16xi32>
    %shift_right_arithmetic3A_197 = arith.shrsi %get3A_194, %shift_right_arithmetic3A_196 : vector<16xi32>
    %add3A_198 = arith.constant 0 : i32
    %add3A_199 = vector.broadcast %add3A_198 : i32 to vector<16xi32>
    %add3A_200 = arith.addi %shift_right_arithmetic3A_197, %add3A_199 : vector<16xi32>
    %swap3A_201 = arith.constant 0 : i32
    %swap3A_202 = arith.constant 0 : i32
    %swap3A_203 = tpu.memref_slice %arg6[%swap3A_201, %swap3A_202] : memref<8x128xi32, #tpu.memory_space<vmem>> -> memref<1x128xi32, #tpu.memory_space<vmem>>
    %swap3A_204 = tpu.memref_squeeze %swap3A_203 : memref<1x128xi32, #tpu.memory_space<vmem>> -> memref<128xi32, #tpu.memory_space<vmem>>
    %swap3A_205 = arith.constant 112 : index
    %swap3A_206 = tpu.vector_load %swap3A_204[%swap3A_205] {strides = array<i32>} : memref<128xi32, #tpu.memory_space<vmem>>, vector<16xi32>,
    tpu.vector_store %swap3A_204[%swap3A_205], %add3A_200 {strides = array<i32>} : memref<128xi32, #tpu.memory_space<vmem>>, vector<16xi32>,
    %add3A_207 = arith.constant 62500 : i32
    %add3A_208 = vector.broadcast %add3A_207 : i32 to vector<16xi32>
    %add3A_209 = arith.addi %shift_right_arithmetic3A_197, %add3A_208 : vector<16xi32>
    %swap3A_210 = arith.constant 1 : i32
    %swap3A_211 = arith.constant 0 : i32
    %swap3A_212 = tpu.memref_slice %arg6[%swap3A_210, %swap3A_211] : memref<8x128xi32, #tpu.memory_space<vmem>> -> memref<1x128xi32, #tpu.memory_space<vmem>>
    %swap3A_213 = tpu.memref_squeeze %swap3A_212 : memref<1x128xi32, #tpu.memory_space<vmem>> -> memref<128xi32, #tpu.memory_space<vmem>>
    %swap3A_214 = arith.constant 112 : index
    %swap3A_215 = tpu.vector_load %swap3A_213[%swap3A_214] {strides = array<i32>} : memref<128xi32, #tpu.memory_space<vmem>>, vector<16xi32>,
    tpu.vector_store %swap3A_213[%swap3A_214], %add3A_209 {strides = array<i32>} : memref<128xi32, #tpu.memory_space<vmem>>, vector<16xi32>,
    %get3A_216 = arith.constant 1 : i32
    %get3A_217 = arith.constant 0 : i32
    %get3A_218 = tpu.memref_slice %arg5[%get3A_216, %get3A_217] : memref<4x128xi32, #tpu.memory_space<vmem>> -> memref<1x128xi32, #tpu.memory_space<vmem>>
    %get3A_219 = tpu.memref_squeeze %get3A_218 : memref<1x128xi32, #tpu.memory_space<vmem>> -> memref<128xi32, #tpu.memory_space<vmem>>
    %get3A_220 = arith.constant 0 : index
    %get3A_221 = tpu.vector_load %get3A_219[%get3A_220] {strides = array<i32>} : memref<128xi32, #tpu.memory_space<vmem>>, vector<16xi32>,
    %shift_right_arithmetic3A_222 = arith.constant 4 : i32
    %shift_right_arithmetic3A_223 = vector.broadcast %shift_right_arithmetic3A_222 : i32 to vector<16xi32>
    %shift_right_arithmetic3A_224 = arith.shrsi %get3A_221, %shift_right_arithmetic3A_223 : vector<16xi32>
    %add3A_225 = arith.constant 0 : i32
    %add3A_226 = vector.broadcast %add3A_225 : i32 to vector<16xi32>
    %add3A_227 = arith.addi %shift_right_arithmetic3A_224, %add3A_226 : vector<16xi32>
    %swap3A_228 = arith.constant 2 : i32
    %swap3A_229 = arith.constant 0 : i32
    %swap3A_230 = tpu.memref_slice %arg6[%swap3A_228, %swap3A_229] : memref<8x128xi32, #tpu.memory_space<vmem>> -> memref<1x128xi32, #tpu.memory_space<vmem>>
    %swap3A_231 = tpu.memref_squeeze %swap3A_230 : memref<1x128xi32, #tpu.memory_space<vmem>> -> memref<128xi32, #tpu.memory_space<vmem>>
    %swap3A_232 = arith.constant 0 : index
    %swap3A_233 = tpu.vector_load %swap3A_231[%swap3A_232] {strides = array<i32>} : memref<128xi32, #tpu.memory_space<vmem>>, vector<16xi32>,
    tpu.vector_store %swap3A_231[%swap3A_232], %add3A_227 {strides = array<i32>} : memref<128xi32, #tpu.memory_space<vmem>>, vector<16xi32>,
    %add3A_234 = arith.constant 62500 : i32
    %add3A_235 = vector.broadcast %add3A_234 : i32 to vector<16xi32>
    %add3A_236 = arith.addi %shift_right_arithmetic3A_224, %add3A_235 : vector<16xi32>
    %swap3A_237 = arith.constant 3 : i32
    %swap3A_238 = arith.constant 0 : i32
    %swap3A_239 = tpu.memref_slice %arg6[%swap3A_237, %swap3A_238] : memref<8x128xi32, #tpu.memory_space<vmem>> -> memref<1x128xi32, #tpu.memory_space<vmem>>
    %swap3A_240 = tpu.memref_squeeze %swap3A_239 : memref<1x128xi32, #tpu.memory_space<vmem>> -> memref<128xi32, #tpu.memory_space<vmem>>
    %swap3A_241 = arith.constant 0 : index
    %swap3A_242 = tpu.vector_load %swap3A_240[%swap3A_241] {strides = array<i32>} : memref<128xi32, #tpu.memory_space<vmem>>, vector<16xi32>,
    tpu.vector_store %swap3A_240[%swap3A_241], %add3A_236 {strides = array<i32>} : memref<128xi32, #tpu.memory_space<vmem>>, vector<16xi32>,
    %get3A_243 = arith.constant 1 : i32
    %get3A_244 = arith.constant 0 : i32
    %get3A_245 = tpu.memref_slice %arg5[%get3A_243, %get3A_244] : memref<4x128xi32, #tpu.memory_space<vmem>> -> memref<1x128xi32, #tpu.memory_space<vmem>>
    %get3A_246 = tpu.memref_squeeze %get3A_245 : memref<1x128xi32, #tpu.memory_space<vmem>> -> memref<128xi32, #tpu.memory_space<vmem>>
    %get3A_247 = arith.constant 16 : index
    %get3A_248 = tpu.vector_load %get3A_246[%get3A_247] {strides = array<i32>} : memref<128xi32, #tpu.memory_space<vmem>>, vector<16xi32>,
    %shift_right_arithmetic3A_249 = arith.constant 4 : i32
    %shift_right_arithmetic3A_250 = vector.broadcast %shift_right_arithmetic3A_249 : i32 to vector<16xi32>
    %shift_right_arithmetic3A_251 = arith.shrsi %get3A_248, %shift_right_arithmetic3A_250 : vector<16xi32>
    %add3A_252 = arith.constant 0 : i32
    %add3A_253 = vector.broadcast %add3A_252 : i32 to vector<16xi32>
    %add3A_254 = arith.addi %shift_right_arithmetic3A_251, %add3A_253 : vector<16xi32>
    %swap3A_255 = arith.constant 2 : i32
    %swap3A_256 = arith.constant 0 : i32
    %swap3A_257 = tpu.memref_slice %arg6[%swap3A_255, %swap3A_256] : memref<8x128xi32, #tpu.memory_space<vmem>> -> memref<1x128xi32, #tpu.memory_space<vmem>>
    %swap3A_258 = tpu.memref_squeeze %swap3A_257 : memref<1x128xi32, #tpu.memory_space<vmem>> -> memref<128xi32, #tpu.memory_space<vmem>>
    %swap3A_259 = arith.constant 16 : index
    %swap3A_260 = tpu.vector_load %swap3A_258[%swap3A_259] {strides = array<i32>} : memref<128xi32, #tpu.memory_space<vmem>>, vector<16xi32>,
    tpu.vector_store %swap3A_258[%swap3A_259], %add3A_254 {strides = array<i32>} : memref<128xi32, #tpu.memory_space<vmem>>, vector<16xi32>,
    %add3A_261 = arith.constant 62500 : i32
    %add3A_262 = vector.broadcast %add3A_261 : i32 to vector<16xi32>
    %add3A_263 = arith.addi %shift_right_arithmetic3A_251, %add3A_262 : vector<16xi32>
    %swap3A_264 = arith.constant 3 : i32
    %swap3A_265 = arith.constant 0 : i32
    %swap3A_266 = tpu.memref_slice %arg6[%swap3A_264, %swap3A_265] : memref<8x128xi32, #tpu.memory_space<vmem>> -> memref<1x128xi32, #tpu.memory_space<vmem>>
    %swap3A_267 = tpu.memref_squeeze %swap3A_266 : memref<1x128xi32, #tpu.memory_space<vmem>> -> memref<128xi32, #tpu.memory_space<vmem>>
    %swap3A_268 = arith.constant 16 : index
    %swap3A_269 = tpu.vector_load %swap3A_267[%swap3A_268] {strides = array<i32>} : memref<128xi32, #tpu.memory_space<vmem>>, vector<16xi32>,
    tpu.vector_store %swap3A_267[%swap3A_268], %add3A_263 {strides = array<i32>} : memref<128xi32, #tpu.memory_space<vmem>>, vector<16xi32>,
    %get3A_270 = arith.constant 1 : i32
    %get3A_271 = arith.constant 0 : i32
    %get3A_272 = tpu.memref_slice %arg5[%get3A_270, %get3A_271] : memref<4x128xi32, #tpu.memory_space<vmem>> -> memref<1x128xi32, #tpu.memory_space<vmem>>
    %get3A_273 = tpu.memref_squeeze %get3A_272 : memref<1x128xi32, #tpu.memory_space<vmem>> -> memref<128xi32, #tpu.memory_space<vmem>>
    %get3A_274 = arith.constant 32 : index
    %get3A_275 = tpu.vector_load %get3A_273[%get3A_274] {strides = array<i32>} : memref<128xi32, #tpu.memory_space<vmem>>, vector<16xi32>,
    %shift_right_arithmetic3A_276 = arith.constant 4 : i32
    %shift_right_arithmetic3A_277 = vector.broadcast %shift_right_arithmetic3A_276 : i32 to vector<16xi32>
    %shift_right_arithmetic3A_278 = arith.shrsi %get3A_275, %shift_right_arithmetic3A_277 : vector<16xi32>
    %add3A_279 = arith.constant 0 : i32
    %add3A_280 = vector.broadcast %add3A_279 : i32 to vector<16xi32>
    %add3A_281 = arith.addi %shift_right_arithmetic3A_278, %add3A_280 : vector<16xi32>
    %swap3A_282 = arith.constant 2 : i32
    %swap3A_283 = arith.constant 0 : i32
    %swap3A_284 = tpu.memref_slice %arg6[%swap3A_282, %swap3A_283] : memref<8x128xi32, #tpu.memory_space<vmem>> -> memref<1x128xi32, #tpu.memory_space<vmem>>
    %swap3A_285 = tpu.memref_squeeze %swap3A_284 : memref<1x128xi32, #tpu.memory_space<vmem>> -> memref<128xi32, #tpu.memory_space<vmem>>
    %swap3A_286 = arith.constant 32 : index
    %swap3A_287 = tpu.vector_load %swap3A_285[%swap3A_286] {strides = array<i32>} : memref<128xi32, #tpu.memory_space<vmem>>, vector<16xi32>,
    tpu.vector_store %swap3A_285[%swap3A_286], %add3A_281 {strides = array<i32>} : memref<128xi32, #tpu.memory_space<vmem>>, vector<16xi32>,
    %add3A_288 = arith.constant 62500 : i32
    %add3A_289 = vector.broadcast %add3A_288 : i32 to vector<16xi32>
    %add3A_290 = arith.addi %shift_right_arithmetic3A_278, %add3A_289 : vector<16xi32>
    %swap3A_291 = arith.constant 3 : i32
    %swap3A_292 = arith.constant 0 : i32
    %swap3A_293 = tpu.memref_slice %arg6[%swap3A_291, %swap3A_292] : memref<8x128xi32, #tpu.memory_space<vmem>> -> memref<1x128xi32, #tpu.memory_space<vmem>>
    %swap3A_294 = tpu.memref_squeeze %swap3A_293 : memref<1x128xi32, #tpu.memory_space<vmem>> -> memref<128xi32, #tpu.memory_space<vmem>>
    %swap3A_295 = arith.constant 32 : index
    %swap3A_296 = tpu.vector_load %swap3A_294[%swap3A_295] {strides = array<i32>} : memref<128xi32, #tpu.memory_space<vmem>>, vector<16xi32>,
    tpu.vector_store %swap3A_294[%swap3A_295], %add3A_290 {strides = array<i32>} : memref<128xi32, #tpu.memory_space<vmem>>, vector<16xi32>,
    %get3A_297 = arith.constant 1 : i32
    %get3A_298 = arith.constant 0 : i32
    %get3A_299 = tpu.memref_slice %arg5[%get3A_297, %get3A_298] : memref<4x128xi32, #tpu.memory_space<vmem>> -> memref<1x128xi32, #tpu.memory_space<vmem>>
    %get3A_300 = tpu.memref_squeeze %get3A_299 : memref<1x128xi32, #tpu.memory_space<vmem>> -> memref<128xi32, #tpu.memory_space<vmem>>
    %get3A_301 = arith.constant 48 : index
    %get3A_302 = tpu.vector_load %get3A_300[%get3A_301] {strides = array<i32>} : memref<128xi32, #tpu.memory_space<vmem>>, vector<16xi32>,
    %shift_right_arithmetic3A_303 = arith.constant 4 : i32
    %shift_right_arithmetic3A_304 = vector.broadcast %shift_right_arithmetic3A_303 : i32 to vector<16xi32>
    %shift_right_arithmetic3A_305 = arith.shrsi %get3A_302, %shift_right_arithmetic3A_304 : vector<16xi32>
    %add3A_306 = arith.constant 0 : i32
    %add3A_307 = vector.broadcast %add3A_306 : i32 to vector<16xi32>
    %add3A_308 = arith.addi %shift_right_arithmetic3A_305, %add3A_307 : vector<16xi32>
    %swap3A_309 = arith.constant 2 : i32
    %swap3A_310 = arith.constant 0 : i32
    %swap3A_311 = tpu.memref_slice %arg6[%swap3A_309, %swap3A_310] : memref<8x128xi32, #tpu.memory_space<vmem>> -> memref<1x128xi32, #tpu.memory_space<vmem>>
    %swap3A_312 = tpu.memref_squeeze %swap3A_311 : memref<1x128xi32, #tpu.memory_space<vmem>> -> memref<128xi32, #tpu.memory_space<vmem>>
    %swap3A_313 = arith.constant 48 : index
    %swap3A_314 = tpu.vector_load %swap3A_312[%swap3A_313] {strides = array<i32>} : memref<128xi32, #tpu.memory_space<vmem>>, vector<16xi32>,
    tpu.vector_store %swap3A_312[%swap3A_313], %add3A_308 {strides = array<i32>} : memref<128xi32, #tpu.memory_space<vmem>>, vector<16xi32>,
    %add3A_315 = arith.constant 62500 : i32
    %add3A_316 = vector.broadcast %add3A_315 : i32 to vector<16xi32>
    %add3A_317 = arith.addi %shift_right_arithmetic3A_305, %add3A_316 : vector<16xi32>
    %swap3A_318 = arith.constant 3 : i32
    %swap3A_319 = arith.constant 0 : i32
    %swap3A_320 = tpu.memref_slice %arg6[%swap3A_318, %swap3A_319] : memref<8x128xi32, #tpu.memory_space<vmem>> -> memref<1x128xi32, #tpu.memory_space<vmem>>
    %swap3A_321 = tpu.memref_squeeze %swap3A_320 : memref<1x128xi32, #tpu.memory_space<vmem>> -> memref<128xi32, #tpu.memory_space<vmem>>
    %swap3A_322 = arith.constant 48 : index
    %swap3A_323 = tpu.vector_load %swap3A_321[%swap3A_322] {strides = array<i32>} : memref<128xi32, #tpu.memory_space<vmem>>, vector<16xi32>,
    tpu.vector_store %swap3A_321[%swap3A_322], %add3A_317 {strides = array<i32>} : memref<128xi32, #tpu.memory_space<vmem>>, vector<16xi32>,
    %get3A_324 = arith.constant 1 : i32
    %get3A_325 = arith.constant 0 : i32
    %get3A_326 = tpu.memref_slice %arg5[%get3A_324, %get3A_325] : memref<4x128xi32, #tpu.memory_space<vmem>> -> memref<1x128xi32, #tpu.memory_space<vmem>>
    %get3A_327 = tpu.memref_squeeze %get3A_326 : memref<1x128xi32, #tpu.memory_space<vmem>> -> memref<128xi32, #tpu.memory_space<vmem>>
    %get3A_328 = arith.constant 64 : index
    %get3A_329 = tpu.vector_load %get3A_327[%get3A_328] {strides = array<i32>} : memref<128xi32, #tpu.memory_space<vmem>>, vector<16xi32>,
    %shift_right_arithmetic3A_330 = arith.constant 4 : i32
    %shift_right_arithmetic3A_331 = vector.broadcast %shift_right_arithmetic3A_330 : i32 to vector<16xi32>
    %shift_right_arithmetic3A_332 = arith.shrsi %get3A_329, %shift_right_arithmetic3A_331 : vector<16xi32>
    %add3A_333 = arith.constant 0 : i32
    %add3A_334 = vector.broadcast %add3A_333 : i32 to vector<16xi32>
    %add3A_335 = arith.addi %shift_right_arithmetic3A_332, %add3A_334 : vector<16xi32>
    %swap3A_336 = arith.constant 2 : i32
    %swap3A_337 = arith.constant 0 : i32
    %swap3A_338 = tpu.memref_slice %arg6[%swap3A_336, %swap3A_337] : memref<8x128xi32, #tpu.memory_space<vmem>> -> memref<1x128xi32, #tpu.memory_space<vmem>>
    %swap3A_339 = tpu.memref_squeeze %swap3A_338 : memref<1x128xi32, #tpu.memory_space<vmem>> -> memref<128xi32, #tpu.memory_space<vmem>>
    %swap3A_340 = arith.constant 64 : index
    %swap3A_341 = tpu.vector_load %swap3A_339[%swap3A_340] {strides = array<i32>} : memref<128xi32, #tpu.memory_space<vmem>>, vector<16xi32>,
    tpu.vector_store %swap3A_339[%swap3A_340], %add3A_335 {strides = array<i32>} : memref<128xi32, #tpu.memory_space<vmem>>, vector<16xi32>,
    %add3A_342 = arith.constant 62500 : i32
    %add3A_343 = vector.broadcast %add3A_342 : i32 to vector<16xi32>
    %add3A_344 = arith.addi %shift_right_arithmetic3A_332, %add3A_343 : vector<16xi32>
    %swap3A_345 = arith.constant 3 : i32
    %swap3A_346 = arith.constant 0 : i32
    %swap3A_347 = tpu.memref_slice %arg6[%swap3A_345, %swap3A_346] : memref<8x128xi32, #tpu.memory_space<vmem>> -> memref<1x128xi32, #tpu.memory_space<vmem>>
    %swap3A_348 = tpu.memref_squeeze %swap3A_347 : memref<1x128xi32, #tpu.memory_space<vmem>> -> memref<128xi32, #tpu.memory_space<vmem>>
    %swap3A_349 = arith.constant 64 : index
    %swap3A_350 = tpu.vector_load %swap3A_348[%swap3A_349] {strides = array<i32>} : memref<128xi32, #tpu.memory_space<vmem>>, vector<16xi32>,
    tpu.vector_store %swap3A_348[%swap3A_349], %add3A_344 {strides = array<i32>} : memref<128xi32, #tpu.memory_space<vmem>>, vector<16xi32>,
    %get3A_351 = arith.constant 1 : i32
    %get3A_352 = arith.constant 0 : i32
    %get3A_353 = tpu.memref_slice %arg5[%get3A_351, %get3A_352] : memref<4x128xi32, #tpu.memory_space<vmem>> -> memref<1x128xi32, #tpu.memory_space<vmem>>
    %get3A_354 = tpu.memref_squeeze %get3A_353 : memref<1x128xi32, #tpu.memory_space<vmem>> -> memref<128xi32, #tpu.memory_space<vmem>>
    %get3A_355 = arith.constant 80 : index
    %get3A_356 = tpu.vector_load %get3A_354[%get3A_355] {strides = array<i32>} : memref<128xi32, #tpu.memory_space<vmem>>, vector<16xi32>,
    %shift_right_arithmetic3A_357 = arith.constant 4 : i32
    %shift_right_arithmetic3A_358 = vector.broadcast %shift_right_arithmetic3A_357 : i32 to vector<16xi32>
    %shift_right_arithmetic3A_359 = arith.shrsi %get3A_356, %shift_right_arithmetic3A_358 : vector<16xi32>
    %add3A_360 = arith.constant 0 : i32
    %add3A_361 = vector.broadcast %add3A_360 : i32 to vector<16xi32>
    %add3A_362 = arith.addi %shift_right_arithmetic3A_359, %add3A_361 : vector<16xi32>
    %swap3A_363 = arith.constant 2 : i32
    %swap3A_364 = arith.constant 0 : i32
    %swap3A_365 = tpu.memref_slice %arg6[%swap3A_363, %swap3A_364] : memref<8x128xi32, #tpu.memory_space<vmem>> -> memref<1x128xi32, #tpu.memory_space<vmem>>
    %swap3A_366 = tpu.memref_squeeze %swap3A_365 : memref<1x128xi32, #tpu.memory_space<vmem>> -> memref<128xi32, #tpu.memory_space<vmem>>
    %swap3A_367 = arith.constant 80 : index
    %swap3A_368 = tpu.vector_load %swap3A_366[%swap3A_367] {strides = array<i32>} : memref<128xi32, #tpu.memory_space<vmem>>, vector<16xi32>,
    tpu.vector_store %swap3A_366[%swap3A_367], %add3A_362 {strides = array<i32>} : memref<128xi32, #tpu.memory_space<vmem>>, vector<16xi32>,
    %add3A_369 = arith.constant 62500 : i32
    %add3A_370 = vector.broadcast %add3A_369 : i32 to vector<16xi32>
    %add3A_371 = arith.addi %shift_right_arithmetic3A_359, %add3A_370 : vector<16xi32>
    %swap3A_372 = arith.constant 3 : i32
    %swap3A_373 = arith.constant 0 : i32
    %swap3A_374 = tpu.memref_slice %arg6[%swap3A_372, %swap3A_373] : memref<8x128xi32, #tpu.memory_space<vmem>> -> memref<1x128xi32, #tpu.memory_space<vmem>>
    %swap3A_375 = tpu.memref_squeeze %swap3A_374 : memref<1x128xi32, #tpu.memory_space<vmem>> -> memref<128xi32, #tpu.memory_space<vmem>>
    %swap3A_376 = arith.constant 80 : index
    %swap3A_377 = tpu.vector_load %swap3A_375[%swap3A_376] {strides = array<i32>} : memref<128xi32, #tpu.memory_space<vmem>>, vector<16xi32>,
    tpu.vector_store %swap3A_375[%swap3A_376], %add3A_371 {strides = array<i32>} : memref<128xi32, #tpu.memory_space<vmem>>, vector<16xi32>,
    %get3A_378 = arith.constant 1 : i32
    %get3A_379 = arith.constant 0 : i32
    %get3A_380 = tpu.memref_slice %arg5[%get3A_378, %get3A_379] : memref<4x128xi32, #tpu.memory_space<vmem>> -> memref<1x128xi32, #tpu.memory_space<vmem>>
    %get3A_381 = tpu.memref_squeeze %get3A_380 : memref<1x128xi32, #tpu.memory_space<vmem>> -> memref<128xi32, #tpu.memory_space<vmem>>
    %get3A_382 = arith.constant 96 : index
    %get3A_383 = tpu.vector_load %get3A_381[%get3A_382] {strides = array<i32>} : memref<128xi32, #tpu.memory_space<vmem>>, vector<16xi32>,
    %shift_right_arithmetic3A_384 = arith.constant 4 : i32
    %shift_right_arithmetic3A_385 = vector.broadcast %shift_right_arithmetic3A_384 : i32 to vector<16xi32>
    %shift_right_arithmetic3A_386 = arith.shrsi %get3A_383, %shift_right_arithmetic3A_385 : vector<16xi32>
    %add3A_387 = arith.constant 0 : i32
    %add3A_388 = vector.broadcast %add3A_387 : i32 to vector<16xi32>
    %add3A_389 = arith.addi %shift_right_arithmetic3A_386, %add3A_388 : vector<16xi32>
    %swap3A_390 = arith.constant 2 : i32
    %swap3A_391 = arith.constant 0 : i32
    %swap3A_392 = tpu.memref_slice %arg6[%swap3A_390, %swap3A_391] : memref<8x128xi32, #tpu.memory_space<vmem>> -> memref<1x128xi32, #tpu.memory_space<vmem>>
    %swap3A_393 = tpu.memref_squeeze %swap3A_392 : memref<1x128xi32, #tpu.memory_space<vmem>> -> memref<128xi32, #tpu.memory_space<vmem>>
    %swap3A_394 = arith.constant 96 : index
    %swap3A_395 = tpu.vector_load %swap3A_393[%swap3A_394] {strides = array<i32>} : memref<128xi32, #tpu.memory_space<vmem>>, vector<16xi32>,
    tpu.vector_store %swap3A_393[%swap3A_394], %add3A_389 {strides = array<i32>} : memref<128xi32, #tpu.memory_space<vmem>>, vector<16xi32>,
    %add3A_396 = arith.constant 62500 : i32
    %add3A_397 = vector.broadcast %add3A_396 : i32 to vector<16xi32>
    %add3A_398 = arith.addi %shift_right_arithmetic3A_386, %add3A_397 : vector<16xi32>
    %swap3A_399 = arith.constant 3 : i32
    %swap3A_400 = arith.constant 0 : i32
    %swap3A_401 = tpu.memref_slice %arg6[%swap3A_399, %swap3A_400] : memref<8x128xi32, #tpu.memory_space<vmem>> -> memref<1x128xi32, #tpu.memory_space<vmem>>
    %swap3A_402 = tpu.memref_squeeze %swap3A_401 : memref<1x128xi32, #tpu.memory_space<vmem>> -> memref<128xi32, #tpu.memory_space<vmem>>
    %swap3A_403 = arith.constant 96 : index
    %swap3A_404 = tpu.vector_load %swap3A_402[%swap3A_403] {strides = array<i32>} : memref<128xi32, #tpu.memory_space<vmem>>, vector<16xi32>,
    tpu.vector_store %swap3A_402[%swap3A_403], %add3A_398 {strides = array<i32>} : memref<128xi32, #tpu.memory_space<vmem>>, vector<16xi32>,
    %get3A_405 = arith.constant 1 : i32
    %get3A_406 = arith.constant 0 : i32
    %get3A_407 = tpu.memref_slice %arg5[%get3A_405, %get3A_406] : memref<4x128xi32, #tpu.memory_space<vmem>> -> memref<1x128xi32, #tpu.memory_space<vmem>>
    %get3A_408 = tpu.memref_squeeze %get3A_407 : memref<1x128xi32, #tpu.memory_space<vmem>> -> memref<128xi32, #tpu.memory_space<vmem>>
    %get3A_409 = arith.constant 112 : index
    %get3A_410 = tpu.vector_load %get3A_408[%get3A_409] {strides = array<i32>} : memref<128xi32, #tpu.memory_space<vmem>>, vector<16xi32>,
    %shift_right_arithmetic3A_411 = arith.constant 4 : i32
    %shift_right_arithmetic3A_412 = vector.broadcast %shift_right_arithmetic3A_411 : i32 to vector<16xi32>
    %shift_right_arithmetic3A_413 = arith.shrsi %get3A_410, %shift_right_arithmetic3A_412 : vector<16xi32>
    %add3A_414 = arith.constant 0 : i32
    %add3A_415 = vector.broadcast %add3A_414 : i32 to vector<16xi32>
    %add3A_416 = arith.addi %shift_right_arithmetic3A_413, %add3A_415 : vector<16xi32>
    %swap3A_417 = arith.constant 2 : i32
    %swap3A_418 = arith.constant 0 : i32
    %swap3A_419 = tpu.memref_slice %arg6[%swap3A_417, %swap3A_418] : memref<8x128xi32, #tpu.memory_space<vmem>> -> memref<1x128xi32, #tpu.memory_space<vmem>>
    %swap3A_420 = tpu.memref_squeeze %swap3A_419 : memref<1x128xi32, #tpu.memory_space<vmem>> -> memref<128xi32, #tpu.memory_space<vmem>>
    %swap3A_421 = arith.constant 112 : index
    %swap3A_422 = tpu.vector_load %swap3A_420[%swap3A_421] {strides = array<i32>} : memref<128xi32, #tpu.memory_space<vmem>>, vector<16xi32>,
    tpu.vector_store %swap3A_420[%swap3A_421], %add3A_416 {strides = array<i32>} : memref<128xi32, #tpu.memory_space<vmem>>, vector<16xi32>,
    %add3A_423 = arith.constant 62500 : i32
    %add3A_424 = vector.broadcast %add3A_423 : i32 to vector<16xi32>
    %add3A_425 = arith.addi %shift_right_arithmetic3A_413, %add3A_424 : vector<16xi32>
    %swap3A_426 = arith.constant 3 : i32
    %swap3A_427 = arith.constant 0 : i32
    %swap3A_428 = tpu.memref_slice %arg6[%swap3A_426, %swap3A_427] : memref<8x128xi32, #tpu.memory_space<vmem>> -> memref<1x128xi32, #tpu.memory_space<vmem>>
    %swap3A_429 = tpu.memref_squeeze %swap3A_428 : memref<1x128xi32, #tpu.memory_space<vmem>> -> memref<128xi32, #tpu.memory_space<vmem>>
    %swap3A_430 = arith.constant 112 : index
    %swap3A_431 = tpu.vector_load %swap3A_429[%swap3A_430] {strides = array<i32>} : memref<128xi32, #tpu.memory_space<vmem>>, vector<16xi32>,
    tpu.vector_store %swap3A_429[%swap3A_430], %add3A_425 {strides = array<i32>} : memref<128xi32, #tpu.memory_space<vmem>>, vector<16xi32>,
    %get3A_432 = arith.constant 2 : i32
    %get3A_433 = arith.constant 0 : i32
    %get3A_434 = tpu.memref_slice %arg5[%get3A_432, %get3A_433] : memref<4x128xi32, #tpu.memory_space<vmem>> -> memref<1x128xi32, #tpu.memory_space<vmem>>
    %get3A_435 = tpu.memref_squeeze %get3A_434 : memref<1x128xi32, #tpu.memory_space<vmem>> -> memref<128xi32, #tpu.memory_space<vmem>>
    %get3A_436 = arith.constant 0 : index
    %get3A_437 = tpu.vector_load %get3A_435[%get3A_436] {strides = array<i32>} : memref<128xi32, #tpu.memory_space<vmem>>, vector<16xi32>,
    %shift_right_arithmetic3A_438 = arith.constant 4 : i32
    %shift_right_arithmetic3A_439 = vector.broadcast %shift_right_arithmetic3A_438 : i32 to vector<16xi32>
    %shift_right_arithmetic3A_440 = arith.shrsi %get3A_437, %shift_right_arithmetic3A_439 : vector<16xi32>
    %add3A_441 = arith.constant 0 : i32
    %add3A_442 = vector.broadcast %add3A_441 : i32 to vector<16xi32>
    %add3A_443 = arith.addi %shift_right_arithmetic3A_440, %add3A_442 : vector<16xi32>
    %swap3A_444 = arith.constant 4 : i32
    %swap3A_445 = arith.constant 0 : i32
    %swap3A_446 = tpu.memref_slice %arg6[%swap3A_444, %swap3A_445] : memref<8x128xi32, #tpu.memory_space<vmem>> -> memref<1x128xi32, #tpu.memory_space<vmem>>
    %swap3A_447 = tpu.memref_squeeze %swap3A_446 : memref<1x128xi32, #tpu.memory_space<vmem>> -> memref<128xi32, #tpu.memory_space<vmem>>
    %swap3A_448 = arith.constant 0 : index
    %swap3A_449 = tpu.vector_load %swap3A_447[%swap3A_448] {strides = array<i32>} : memref<128xi32, #tpu.memory_space<vmem>>, vector<16xi32>,
    tpu.vector_store %swap3A_447[%swap3A_448], %add3A_443 {strides = array<i32>} : memref<128xi32, #tpu.memory_space<vmem>>, vector<16xi32>,
    %add3A_450 = arith.constant 62500 : i32
    %add3A_451 = vector.broadcast %add3A_450 : i32 to vector<16xi32>
    %add3A_452 = arith.addi %shift_right_arithmetic3A_440, %add3A_451 : vector<16xi32>
    %swap3A_453 = arith.constant 5 : i32
    %swap3A_454 = arith.constant 0 : i32
    %swap3A_455 = tpu.memref_slice %arg6[%swap3A_453, %swap3A_454] : memref<8x128xi32, #tpu.memory_space<vmem>> -> memref<1x128xi32, #tpu.memory_space<vmem>>
    %swap3A_456 = tpu.memref_squeeze %swap3A_455 : memref<1x128xi32, #tpu.memory_space<vmem>> -> memref<128xi32, #tpu.memory_space<vmem>>
    %swap3A_457 = arith.constant 0 : index
    %swap3A_458 = tpu.vector_load %swap3A_456[%swap3A_457] {strides = array<i32>} : memref<128xi32, #tpu.memory_space<vmem>>, vector<16xi32>,
    tpu.vector_store %swap3A_456[%swap3A_457], %add3A_452 {strides = array<i32>} : memref<128xi32, #tpu.memory_space<vmem>>, vector<16xi32>,
    %get3A_459 = arith.constant 2 : i32
    %get3A_460 = arith.constant 0 : i32
    %get3A_461 = tpu.memref_slice %arg5[%get3A_459, %get3A_460] : memref<4x128xi32, #tpu.memory_space<vmem>> -> memref<1x128xi32, #tpu.memory_space<vmem>>
    %get3A_462 = tpu.memref_squeeze %get3A_461 : memref<1x128xi32, #tpu.memory_space<vmem>> -> memref<128xi32, #tpu.memory_space<vmem>>
    %get3A_463 = arith.constant 16 : index
    %get3A_464 = tpu.vector_load %get3A_462[%get3A_463] {strides = array<i32>} : memref<128xi32, #tpu.memory_space<vmem>>, vector<16xi32>,
    %shift_right_arithmetic3A_465 = arith.constant 4 : i32
    %shift_right_arithmetic3A_466 = vector.broadcast %shift_right_arithmetic3A_465 : i32 to vector<16xi32>
    %shift_right_arithmetic3A_467 = arith.shrsi %get3A_464, %shift_right_arithmetic3A_466 : vector<16xi32>
    %add3A_468 = arith.constant 0 : i32
    %add3A_469 = vector.broadcast %add3A_468 : i32 to vector<16xi32>
    %add3A_470 = arith.addi %shift_right_arithmetic3A_467, %add3A_469 : vector<16xi32>
    %swap3A_471 = arith.constant 4 : i32
    %swap3A_472 = arith.constant 0 : i32
    %swap3A_473 = tpu.memref_slice %arg6[%swap3A_471, %swap3A_472] : memref<8x128xi32, #tpu.memory_space<vmem>> -> memref<1x128xi32, #tpu.memory_space<vmem>>
    %swap3A_474 = tpu.memref_squeeze %swap3A_473 : memref<1x128xi32, #tpu.memory_space<vmem>> -> memref<128xi32, #tpu.memory_space<vmem>>
    %swap3A_475 = arith.constant 16 : index
    %swap3A_476 = tpu.vector_load %swap3A_474[%swap3A_475] {strides = array<i32>} : memref<128xi32, #tpu.memory_space<vmem>>, vector<16xi32>,
    tpu.vector_store %swap3A_474[%swap3A_475], %add3A_470 {strides = array<i32>} : memref<128xi32, #tpu.memory_space<vmem>>, vector<16xi32>,
    %add3A_477 = arith.constant 62500 : i32
    %add3A_478 = vector.broadcast %add3A_477 : i32 to vector<16xi32>
    %add3A_479 = arith.addi %shift_right_arithmetic3A_467, %add3A_478 : vector<16xi32>
    %swap3A_480 = arith.constant 5 : i32
    %swap3A_481 = arith.constant 0 : i32
    %swap3A_482 = tpu.memref_slice %arg6[%swap3A_480, %swap3A_481] : memref<8x128xi32, #tpu.memory_space<vmem>> -> memref<1x128xi32, #tpu.memory_space<vmem>>
    %swap3A_483 = tpu.memref_squeeze %swap3A_482 : memref<1x128xi32, #tpu.memory_space<vmem>> -> memref<128xi32, #tpu.memory_space<vmem>>
    %swap3A_484 = arith.constant 16 : index
    %swap3A_485 = tpu.vector_load %swap3A_483[%swap3A_484] {strides = array<i32>} : memref<128xi32, #tpu.memory_space<vmem>>, vector<16xi32>,
    tpu.vector_store %swap3A_483[%swap3A_484], %add3A_479 {strides = array<i32>} : memref<128xi32, #tpu.memory_space<vmem>>, vector<16xi32>,
    %get3A_486 = arith.constant 2 : i32
    %get3A_487 = arith.constant 0 : i32
    %get3A_488 = tpu.memref_slice %arg5[%get3A_486, %get3A_487] : memref<4x128xi32, #tpu.memory_space<vmem>> -> memref<1x128xi32, #tpu.memory_space<vmem>>
    %get3A_489 = tpu.memref_squeeze %get3A_488 : memref<1x128xi32, #tpu.memory_space<vmem>> -> memref<128xi32, #tpu.memory_space<vmem>>
    %get3A_490 = arith.constant 32 : index
    %get3A_491 = tpu.vector_load %get3A_489[%get3A_490] {strides = array<i32>} : memref<128xi32, #tpu.memory_space<vmem>>, vector<16xi32>,
    %shift_right_arithmetic3A_492 = arith.constant 4 : i32
    %shift_right_arithmetic3A_493 = vector.broadcast %shift_right_arithmetic3A_492 : i32 to vector<16xi32>
    %shift_right_arithmetic3A_494 = arith.shrsi %get3A_491, %shift_right_arithmetic3A_493 : vector<16xi32>
    %add3A_495 = arith.constant 0 : i32
    %add3A_496 = vector.broadcast %add3A_495 : i32 to vector<16xi32>
    %add3A_497 = arith.addi %shift_right_arithmetic3A_494, %add3A_496 : vector<16xi32>
    %swap3A_498 = arith.constant 4 : i32
    %swap3A_499 = arith.constant 0 : i32
    %swap3A_500 = tpu.memref_slice %arg6[%swap3A_498, %swap3A_499] : memref<8x128xi32, #tpu.memory_space<vmem>> -> memref<1x128xi32, #tpu.memory_space<vmem>>
    %swap3A_501 = tpu.memref_squeeze %swap3A_500 : memref<1x128xi32, #tpu.memory_space<vmem>> -> memref<128xi32, #tpu.memory_space<vmem>>
    %swap3A_502 = arith.constant 32 : index
    %swap3A_503 = tpu.vector_load %swap3A_501[%swap3A_502] {strides = array<i32>} : memref<128xi32, #tpu.memory_space<vmem>>, vector<16xi32>,
    tpu.vector_store %swap3A_501[%swap3A_502], %add3A_497 {strides = array<i32>} : memref<128xi32, #tpu.memory_space<vmem>>, vector<16xi32>,
    %add3A_504 = arith.constant 62500 : i32
    %add3A_505 = vector.broadcast %add3A_504 : i32 to vector<16xi32>
    %add3A_506 = arith.addi %shift_right_arithmetic3A_494, %add3A_505 : vector<16xi32>
    %swap3A_507 = arith.constant 5 : i32
    %swap3A_508 = arith.constant 0 : i32
    %swap3A_509 = tpu.memref_slice %arg6[%swap3A_507, %swap3A_508] : memref<8x128xi32, #tpu.memory_space<vmem>> -> memref<1x128xi32, #tpu.memory_space<vmem>>
    %swap3A_510 = tpu.memref_squeeze %swap3A_509 : memref<1x128xi32, #tpu.memory_space<vmem>> -> memref<128xi32, #tpu.memory_space<vmem>>
    %swap3A_511 = arith.constant 32 : index
    %swap3A_512 = tpu.vector_load %swap3A_510[%swap3A_511] {strides = array<i32>} : memref<128xi32, #tpu.memory_space<vmem>>, vector<16xi32>,
    tpu.vector_store %swap3A_510[%swap3A_511], %add3A_506 {strides = array<i32>} : memref<128xi32, #tpu.memory_space<vmem>>, vector<16xi32>,
    %get3A_513 = arith.constant 2 : i32
    %get3A_514 = arith.constant 0 : i32
    %get3A_515 = tpu.memref_slice %arg5[%get3A_513, %get3A_514] : memref<4x128xi32, #tpu.memory_space<vmem>> -> memref<1x128xi32, #tpu.memory_space<vmem>>
    %get3A_516 = tpu.memref_squeeze %get3A_515 : memref<1x128xi32, #tpu.memory_space<vmem>> -> memref<128xi32, #tpu.memory_space<vmem>>
    %get3A_517 = arith.constant 48 : index
    %get3A_518 = tpu.vector_load %get3A_516[%get3A_517] {strides = array<i32>} : memref<128xi32, #tpu.memory_space<vmem>>, vector<16xi32>,
    %shift_right_arithmetic3A_519 = arith.constant 4 : i32
    %shift_right_arithmetic3A_520 = vector.broadcast %shift_right_arithmetic3A_519 : i32 to vector<16xi32>
    %shift_right_arithmetic3A_521 = arith.shrsi %get3A_518, %shift_right_arithmetic3A_520 : vector<16xi32>
    %add3A_522 = arith.constant 0 : i32
    %add3A_523 = vector.broadcast %add3A_522 : i32 to vector<16xi32>
    %add3A_524 = arith.addi %shift_right_arithmetic3A_521, %add3A_523 : vector<16xi32>
    %swap3A_525 = arith.constant 4 : i32
    %swap3A_526 = arith.constant 0 : i32
    %swap3A_527 = tpu.memref_slice %arg6[%swap3A_525, %swap3A_526] : memref<8x128xi32, #tpu.memory_space<vmem>> -> memref<1x128xi32, #tpu.memory_space<vmem>>
    %swap3A_528 = tpu.memref_squeeze %swap3A_527 : memref<1x128xi32, #tpu.memory_space<vmem>> -> memref<128xi32, #tpu.memory_space<vmem>>
    %swap3A_529 = arith.constant 48 : index
    %swap3A_530 = tpu.vector_load %swap3A_528[%swap3A_529] {strides = array<i32>} : memref<128xi32, #tpu.memory_space<vmem>>, vector<16xi32>,
    tpu.vector_store %swap3A_528[%swap3A_529], %add3A_524 {strides = array<i32>} : memref<128xi32, #tpu.memory_space<vmem>>, vector<16xi32>,
    %add3A_531 = arith.constant 62500 : i32
    %add3A_532 = vector.broadcast %add3A_531 : i32 to vector<16xi32>
    %add3A_533 = arith.addi %shift_right_arithmetic3A_521, %add3A_532 : vector<16xi32>
    %swap3A_534 = arith.constant 5 : i32
    %swap3A_535 = arith.constant 0 : i32
    %swap3A_536 = tpu.memref_slice %arg6[%swap3A_534, %swap3A_535] : memref<8x128xi32, #tpu.memory_space<vmem>> -> memref<1x128xi32, #tpu.memory_space<vmem>>
    %swap3A_537 = tpu.memref_squeeze %swap3A_536 : memref<1x128xi32, #tpu.memory_space<vmem>> -> memref<128xi32, #tpu.memory_space<vmem>>
    %swap3A_538 = arith.constant 48 : index
    %swap3A_539 = tpu.vector_load %swap3A_537[%swap3A_538] {strides = array<i32>} : memref<128xi32, #tpu.memory_space<vmem>>, vector<16xi32>,
    tpu.vector_store %swap3A_537[%swap3A_538], %add3A_533 {strides = array<i32>} : memref<128xi32, #tpu.memory_space<vmem>>, vector<16xi32>,
    %get3A_540 = arith.constant 2 : i32
    %get3A_541 = arith.constant 0 : i32
    %get3A_542 = tpu.memref_slice %arg5[%get3A_540, %get3A_541] : memref<4x128xi32, #tpu.memory_space<vmem>> -> memref<1x128xi32, #tpu.memory_space<vmem>>
    %get3A_543 = tpu.memref_squeeze %get3A_542 : memref<1x128xi32, #tpu.memory_space<vmem>> -> memref<128xi32, #tpu.memory_space<vmem>>
    %get3A_544 = arith.constant 64 : index
    %get3A_545 = tpu.vector_load %get3A_543[%get3A_544] {strides = array<i32>} : memref<128xi32, #tpu.memory_space<vmem>>, vector<16xi32>,
    %shift_right_arithmetic3A_546 = arith.constant 4 : i32
    %shift_right_arithmetic3A_547 = vector.broadcast %shift_right_arithmetic3A_546 : i32 to vector<16xi32>
    %shift_right_arithmetic3A_548 = arith.shrsi %get3A_545, %shift_right_arithmetic3A_547 : vector<16xi32>
    %add3A_549 = arith.constant 0 : i32
    %add3A_550 = vector.broadcast %add3A_549 : i32 to vector<16xi32>
    %add3A_551 = arith.addi %shift_right_arithmetic3A_548, %add3A_550 : vector<16xi32>
    %swap3A_552 = arith.constant 4 : i32
    %swap3A_553 = arith.constant 0 : i32
    %swap3A_554 = tpu.memref_slice %arg6[%swap3A_552, %swap3A_553] : memref<8x128xi32, #tpu.memory_space<vmem>> -> memref<1x128xi32, #tpu.memory_space<vmem>>
    %swap3A_555 = tpu.memref_squeeze %swap3A_554 : memref<1x128xi32, #tpu.memory_space<vmem>> -> memref<128xi32, #tpu.memory_space<vmem>>
    %swap3A_556 = arith.constant 64 : index
    %swap3A_557 = tpu.vector_load %swap3A_555[%swap3A_556] {strides = array<i32>} : memref<128xi32, #tpu.memory_space<vmem>>, vector<16xi32>,
    tpu.vector_store %swap3A_555[%swap3A_556], %add3A_551 {strides = array<i32>} : memref<128xi32, #tpu.memory_space<vmem>>, vector<16xi32>,
    %add3A_558 = arith.constant 62500 : i32
    %add3A_559 = vector.broadcast %add3A_558 : i32 to vector<16xi32>
    %add3A_560 = arith.addi %shift_right_arithmetic3A_548, %add3A_559 : vector<16xi32>
    %swap3A_561 = arith.constant 5 : i32
    %swap3A_562 = arith.constant 0 : i32
    %swap3A_563 = tpu.memref_slice %arg6[%swap3A_561, %swap3A_562] : memref<8x128xi32, #tpu.memory_space<vmem>> -> memref<1x128xi32, #tpu.memory_space<vmem>>
    %swap3A_564 = tpu.memref_squeeze %swap3A_563 : memref<1x128xi32, #tpu.memory_space<vmem>> -> memref<128xi32, #tpu.memory_space<vmem>>
    %swap3A_565 = arith.constant 64 : index
    %swap3A_566 = tpu.vector_load %swap3A_564[%swap3A_565] {strides = array<i32>} : memref<128xi32, #tpu.memory_space<vmem>>, vector<16xi32>,
    tpu.vector_store %swap3A_564[%swap3A_565], %add3A_560 {strides = array<i32>} : memref<128xi32, #tpu.memory_space<vmem>>, vector<16xi32>,
    %get3A_567 = arith.constant 2 : i32
    %get3A_568 = arith.constant 0 : i32
    %get3A_569 = tpu.memref_slice %arg5[%get3A_567, %get3A_568] : memref<4x128xi32, #tpu.memory_space<vmem>> -> memref<1x128xi32, #tpu.memory_space<vmem>>
    %get3A_570 = tpu.memref_squeeze %get3A_569 : memref<1x128xi32, #tpu.memory_space<vmem>> -> memref<128xi32, #tpu.memory_space<vmem>>
    %get3A_571 = arith.constant 80 : index
    %get3A_572 = tpu.vector_load %get3A_570[%get3A_571] {strides = array<i32>} : memref<128xi32, #tpu.memory_space<vmem>>, vector<16xi32>,
    %shift_right_arithmetic3A_573 = arith.constant 4 : i32
    %shift_right_arithmetic3A_574 = vector.broadcast %shift_right_arithmetic3A_573 : i32 to vector<16xi32>
    %shift_right_arithmetic3A_575 = arith.shrsi %get3A_572, %shift_right_arithmetic3A_574 : vector<16xi32>
    %add3A_576 = arith.constant 0 : i32
    %add3A_577 = vector.broadcast %add3A_576 : i32 to vector<16xi32>
    %add3A_578 = arith.addi %shift_right_arithmetic3A_575, %add3A_577 : vector<16xi32>
    %swap3A_579 = arith.constant 4 : i32
    %swap3A_580 = arith.constant 0 : i32
    %swap3A_581 = tpu.memref_slice %arg6[%swap3A_579, %swap3A_580] : memref<8x128xi32, #tpu.memory_space<vmem>> -> memref<1x128xi32, #tpu.memory_space<vmem>>
    %swap3A_582 = tpu.memref_squeeze %swap3A_581 : memref<1x128xi32, #tpu.memory_space<vmem>> -> memref<128xi32, #tpu.memory_space<vmem>>
    %swap3A_583 = arith.constant 80 : index
    %swap3A_584 = tpu.vector_load %swap3A_582[%swap3A_583] {strides = array<i32>} : memref<128xi32, #tpu.memory_space<vmem>>, vector<16xi32>,
    tpu.vector_store %swap3A_582[%swap3A_583], %add3A_578 {strides = array<i32>} : memref<128xi32, #tpu.memory_space<vmem>>, vector<16xi32>,
    %add3A_585 = arith.constant 62500 : i32
    %add3A_586 = vector.broadcast %add3A_585 : i32 to vector<16xi32>
    %add3A_587 = arith.addi %shift_right_arithmetic3A_575, %add3A_586 : vector<16xi32>
    %swap3A_588 = arith.constant 5 : i32
    %swap3A_589 = arith.constant 0 : i32
    %swap3A_590 = tpu.memref_slice %arg6[%swap3A_588, %swap3A_589] : memref<8x128xi32, #tpu.memory_space<vmem>> -> memref<1x128xi32, #tpu.memory_space<vmem>>
    %swap3A_591 = tpu.memref_squeeze %swap3A_590 : memref<1x128xi32, #tpu.memory_space<vmem>> -> memref<128xi32, #tpu.memory_space<vmem>>
    %swap3A_592 = arith.constant 80 : index
    %swap3A_593 = tpu.vector_load %swap3A_591[%swap3A_592] {strides = array<i32>} : memref<128xi32, #tpu.memory_space<vmem>>, vector<16xi32>,
    tpu.vector_store %swap3A_591[%swap3A_592], %add3A_587 {strides = array<i32>} : memref<128xi32, #tpu.memory_space<vmem>>, vector<16xi32>,
    %get3A_594 = arith.constant 2 : i32
    %get3A_595 = arith.constant 0 : i32
    %get3A_596 = tpu.memref_slice %arg5[%get3A_594, %get3A_595] : memref<4x128xi32, #tpu.memory_space<vmem>> -> memref<1x128xi32, #tpu.memory_space<vmem>>
    %get3A_597 = tpu.memref_squeeze %get3A_596 : memref<1x128xi32, #tpu.memory_space<vmem>> -> memref<128xi32, #tpu.memory_space<vmem>>
    %get3A_598 = arith.constant 96 : index
    %get3A_599 = tpu.vector_load %get3A_597[%get3A_598] {strides = array<i32>} : memref<128xi32, #tpu.memory_space<vmem>>, vector<16xi32>,
    %shift_right_arithmetic3A_600 = arith.constant 4 : i32
    %shift_right_arithmetic3A_601 = vector.broadcast %shift_right_arithmetic3A_600 : i32 to vector<16xi32>
    %shift_right_arithmetic3A_602 = arith.shrsi %get3A_599, %shift_right_arithmetic3A_601 : vector<16xi32>
    %add3A_603 = arith.constant 0 : i32
    %add3A_604 = vector.broadcast %add3A_603 : i32 to vector<16xi32>
    %add3A_605 = arith.addi %shift_right_arithmetic3A_602, %add3A_604 : vector<16xi32>
    %swap3A_606 = arith.constant 4 : i32
    %swap3A_607 = arith.constant 0 : i32
    %swap3A_608 = tpu.memref_slice %arg6[%swap3A_606, %swap3A_607] : memref<8x128xi32, #tpu.memory_space<vmem>> -> memref<1x128xi32, #tpu.memory_space<vmem>>
    %swap3A_609 = tpu.memref_squeeze %swap3A_608 : memref<1x128xi32, #tpu.memory_space<vmem>> -> memref<128xi32, #tpu.memory_space<vmem>>
    %swap3A_610 = arith.constant 96 : index
    %swap3A_611 = tpu.vector_load %swap3A_609[%swap3A_610] {strides = array<i32>} : memref<128xi32, #tpu.memory_space<vmem>>, vector<16xi32>,
    tpu.vector_store %swap3A_609[%swap3A_610], %add3A_605 {strides = array<i32>} : memref<128xi32, #tpu.memory_space<vmem>>, vector<16xi32>,
    %add3A_612 = arith.constant 62500 : i32
    %add3A_613 = vector.broadcast %add3A_612 : i32 to vector<16xi32>
    %add3A_614 = arith.addi %shift_right_arithmetic3A_602, %add3A_613 : vector<16xi32>
    %swap3A_615 = arith.constant 5 : i32
    %swap3A_616 = arith.constant 0 : i32
    %swap3A_617 = tpu.memref_slice %arg6[%swap3A_615, %swap3A_616] : memref<8x128xi32, #tpu.memory_space<vmem>> -> memref<1x128xi32, #tpu.memory_space<vmem>>
    %swap3A_618 = tpu.memref_squeeze %swap3A_617 : memref<1x128xi32, #tpu.memory_space<vmem>> -> memref<128xi32, #tpu.memory_space<vmem>>
    %swap3A_619 = arith.constant 96 : index
    %swap3A_620 = tpu.vector_load %swap3A_618[%swap3A_619] {strides = array<i32>} : memref<128xi32, #tpu.memory_space<vmem>>, vector<16xi32>,
    tpu.vector_store %swap3A_618[%swap3A_619], %add3A_614 {strides = array<i32>} : memref<128xi32, #tpu.memory_space<vmem>>, vector<16xi32>,
    %get3A_621 = arith.constant 2 : i32
    %get3A_622 = arith.constant 0 : i32
    %get3A_623 = tpu.memref_slice %arg5[%get3A_621, %get3A_622] : memref<4x128xi32, #tpu.memory_space<vmem>> -> memref<1x128xi32, #tpu.memory_space<vmem>>
    %get3A_624 = tpu.memref_squeeze %get3A_623 : memref<1x128xi32, #tpu.memory_space<vmem>> -> memref<128xi32, #tpu.memory_space<vmem>>
    %get3A_625 = arith.constant 112 : index
    %get3A_626 = tpu.vector_load %get3A_624[%get3A_625] {strides = array<i32>} : memref<128xi32, #tpu.memory_space<vmem>>, vector<16xi32>,
    %shift_right_arithmetic3A_627 = arith.constant 4 : i32
    %shift_right_arithmetic3A_628 = vector.broadcast %shift_right_arithmetic3A_627 : i32 to vector<16xi32>
    %shift_right_arithmetic3A_629 = arith.shrsi %get3A_626, %shift_right_arithmetic3A_628 : vector<16xi32>
    %add3A_630 = arith.constant 0 : i32
    %add3A_631 = vector.broadcast %add3A_630 : i32 to vector<16xi32>
    %add3A_632 = arith.addi %shift_right_arithmetic3A_629, %add3A_631 : vector<16xi32>
    %swap3A_633 = arith.constant 4 : i32
    %swap3A_634 = arith.constant 0 : i32
    %swap3A_635 = tpu.memref_slice %arg6[%swap3A_633, %swap3A_634] : memref<8x128xi32, #tpu.memory_space<vmem>> -> memref<1x128xi32, #tpu.memory_space<vmem>>
    %swap3A_636 = tpu.memref_squeeze %swap3A_635 : memref<1x128xi32, #tpu.memory_space<vmem>> -> memref<128xi32, #tpu.memory_space<vmem>>
    %swap3A_637 = arith.constant 112 : index
    %swap3A_638 = tpu.vector_load %swap3A_636[%swap3A_637] {strides = array<i32>} : memref<128xi32, #tpu.memory_space<vmem>>, vector<16xi32>,
    tpu.vector_store %swap3A_636[%swap3A_637], %add3A_632 {strides = array<i32>} : memref<128xi32, #tpu.memory_space<vmem>>, vector<16xi32>,
    %add3A_639 = arith.constant 62500 : i32
    %add3A_640 = vector.broadcast %add3A_639 : i32 to vector<16xi32>
    %add3A_641 = arith.addi %shift_right_arithmetic3A_629, %add3A_640 : vector<16xi32>
    %swap3A_642 = arith.constant 5 : i32
    %swap3A_643 = arith.constant 0 : i32
    %swap3A_644 = tpu.memref_slice %arg6[%swap3A_642, %swap3A_643] : memref<8x128xi32, #tpu.memory_space<vmem>> -> memref<1x128xi32, #tpu.memory_space<vmem>>
    %swap3A_645 = tpu.memref_squeeze %swap3A_644 : memref<1x128xi32, #tpu.memory_space<vmem>> -> memref<128xi32, #tpu.memory_space<vmem>>
    %swap3A_646 = arith.constant 112 : index
    %swap3A_647 = tpu.vector_load %swap3A_645[%swap3A_646] {strides = array<i32>} : memref<128xi32, #tpu.memory_space<vmem>>, vector<16xi32>,
    tpu.vector_store %swap3A_645[%swap3A_646], %add3A_641 {strides = array<i32>} : memref<128xi32, #tpu.memory_space<vmem>>, vector<16xi32>,
    %get3A_648 = arith.constant 3 : i32
    %get3A_649 = arith.constant 0 : i32
    %get3A_650 = tpu.memref_slice %arg5[%get3A_648, %get3A_649] : memref<4x128xi32, #tpu.memory_space<vmem>> -> memref<1x128xi32, #tpu.memory_space<vmem>>
    %get3A_651 = tpu.memref_squeeze %get3A_650 : memref<1x128xi32, #tpu.memory_space<vmem>> -> memref<128xi32, #tpu.memory_space<vmem>>
    %get3A_652 = arith.constant 0 : index
    %get3A_653 = tpu.vector_load %get3A_651[%get3A_652] {strides = array<i32>} : memref<128xi32, #tpu.memory_space<vmem>>, vector<16xi32>,
    %shift_right_arithmetic3A_654 = arith.constant 4 : i32
    %shift_right_arithmetic3A_655 = vector.broadcast %shift_right_arithmetic3A_654 : i32 to vector<16xi32>
    %shift_right_arithmetic3A_656 = arith.shrsi %get3A_653, %shift_right_arithmetic3A_655 : vector<16xi32>
    %add3A_657 = arith.constant 0 : i32
    %add3A_658 = vector.broadcast %add3A_657 : i32 to vector<16xi32>
    %add3A_659 = arith.addi %shift_right_arithmetic3A_656, %add3A_658 : vector<16xi32>
    %swap3A_660 = arith.constant 6 : i32
    %swap3A_661 = arith.constant 0 : i32
    %swap3A_662 = tpu.memref_slice %arg6[%swap3A_660, %swap3A_661] : memref<8x128xi32, #tpu.memory_space<vmem>> -> memref<1x128xi32, #tpu.memory_space<vmem>>
    %swap3A_663 = tpu.memref_squeeze %swap3A_662 : memref<1x128xi32, #tpu.memory_space<vmem>> -> memref<128xi32, #tpu.memory_space<vmem>>
    %swap3A_664 = arith.constant 0 : index
    %swap3A_665 = tpu.vector_load %swap3A_663[%swap3A_664] {strides = array<i32>} : memref<128xi32, #tpu.memory_space<vmem>>, vector<16xi32>,
    tpu.vector_store %swap3A_663[%swap3A_664], %add3A_659 {strides = array<i32>} : memref<128xi32, #tpu.memory_space<vmem>>, vector<16xi32>,
    %add3A_666 = arith.constant 62500 : i32
    %add3A_667 = vector.broadcast %add3A_666 : i32 to vector<16xi32>
    %add3A_668 = arith.addi %shift_right_arithmetic3A_656, %add3A_667 : vector<16xi32>
    %swap3A_669 = arith.constant 7 : i32
    %swap3A_670 = arith.constant 0 : i32
    %swap3A_671 = tpu.memref_slice %arg6[%swap3A_669, %swap3A_670] : memref<8x128xi32, #tpu.memory_space<vmem>> -> memref<1x128xi32, #tpu.memory_space<vmem>>
    %swap3A_672 = tpu.memref_squeeze %swap3A_671 : memref<1x128xi32, #tpu.memory_space<vmem>> -> memref<128xi32, #tpu.memory_space<vmem>>
    %swap3A_673 = arith.constant 0 : index
    %swap3A_674 = tpu.vector_load %swap3A_672[%swap3A_673] {strides = array<i32>} : memref<128xi32, #tpu.memory_space<vmem>>, vector<16xi32>,
    tpu.vector_store %swap3A_672[%swap3A_673], %add3A_668 {strides = array<i32>} : memref<128xi32, #tpu.memory_space<vmem>>, vector<16xi32>,
    %get3A_675 = arith.constant 3 : i32
    %get3A_676 = arith.constant 0 : i32
    %get3A_677 = tpu.memref_slice %arg5[%get3A_675, %get3A_676] : memref<4x128xi32, #tpu.memory_space<vmem>> -> memref<1x128xi32, #tpu.memory_space<vmem>>
    %get3A_678 = tpu.memref_squeeze %get3A_677 : memref<1x128xi32, #tpu.memory_space<vmem>> -> memref<128xi32, #tpu.memory_space<vmem>>
    %get3A_679 = arith.constant 16 : index
    %get3A_680 = tpu.vector_load %get3A_678[%get3A_679] {strides = array<i32>} : memref<128xi32, #tpu.memory_space<vmem>>, vector<16xi32>,
    %shift_right_arithmetic3A_681 = arith.constant 4 : i32
    %shift_right_arithmetic3A_682 = vector.broadcast %shift_right_arithmetic3A_681 : i32 to vector<16xi32>
    %shift_right_arithmetic3A_683 = arith.shrsi %get3A_680, %shift_right_arithmetic3A_682 : vector<16xi32>
    %add3A_684 = arith.constant 0 : i32
    %add3A_685 = vector.broadcast %add3A_684 : i32 to vector<16xi32>
    %add3A_686 = arith.addi %shift_right_arithmetic3A_683, %add3A_685 : vector<16xi32>
    %swap3A_687 = arith.constant 6 : i32
    %swap3A_688 = arith.constant 0 : i32
    %swap3A_689 = tpu.memref_slice %arg6[%swap3A_687, %swap3A_688] : memref<8x128xi32, #tpu.memory_space<vmem>> -> memref<1x128xi32, #tpu.memory_space<vmem>>
    %swap3A_690 = tpu.memref_squeeze %swap3A_689 : memref<1x128xi32, #tpu.memory_space<vmem>> -> memref<128xi32, #tpu.memory_space<vmem>>
    %swap3A_691 = arith.constant 16 : index
    %swap3A_692 = tpu.vector_load %swap3A_690[%swap3A_691] {strides = array<i32>} : memref<128xi32, #tpu.memory_space<vmem>>, vector<16xi32>,
    tpu.vector_store %swap3A_690[%swap3A_691], %add3A_686 {strides = array<i32>} : memref<128xi32, #tpu.memory_space<vmem>>, vector<16xi32>,
    %add3A_693 = arith.constant 62500 : i32
    %add3A_694 = vector.broadcast %add3A_693 : i32 to vector<16xi32>
    %add3A_695 = arith.addi %shift_right_arithmetic3A_683, %add3A_694 : vector<16xi32>
    %swap3A_696 = arith.constant 7 : i32
    %swap3A_697 = arith.constant 0 : i32
    %swap3A_698 = tpu.memref_slice %arg6[%swap3A_696, %swap3A_697] : memref<8x128xi32, #tpu.memory_space<vmem>> -> memref<1x128xi32, #tpu.memory_space<vmem>>
    %swap3A_699 = tpu.memref_squeeze %swap3A_698 : memref<1x128xi32, #tpu.memory_space<vmem>> -> memref<128xi32, #tpu.memory_space<vmem>>
    %swap3A_700 = arith.constant 16 : index
    %swap3A_701 = tpu.vector_load %swap3A_699[%swap3A_700] {strides = array<i32>} : memref<128xi32, #tpu.memory_space<vmem>>, vector<16xi32>,
    tpu.vector_store %swap3A_699[%swap3A_700], %add3A_695 {strides = array<i32>} : memref<128xi32, #tpu.memory_space<vmem>>, vector<16xi32>,
    %get3A_702 = arith.constant 3 : i32
    %get3A_703 = arith.constant 0 : i32
    %get3A_704 = tpu.memref_slice %arg5[%get3A_702, %get3A_703] : memref<4x128xi32, #tpu.memory_space<vmem>> -> memref<1x128xi32, #tpu.memory_space<vmem>>
    %get3A_705 = tpu.memref_squeeze %get3A_704 : memref<1x128xi32, #tpu.memory_space<vmem>> -> memref<128xi32, #tpu.memory_space<vmem>>
    %get3A_706 = arith.constant 32 : index
    %get3A_707 = tpu.vector_load %get3A_705[%get3A_706] {strides = array<i32>} : memref<128xi32, #tpu.memory_space<vmem>>, vector<16xi32>,
    %shift_right_arithmetic3A_708 = arith.constant 4 : i32
    %shift_right_arithmetic3A_709 = vector.broadcast %shift_right_arithmetic3A_708 : i32 to vector<16xi32>
    %shift_right_arithmetic3A_710 = arith.shrsi %get3A_707, %shift_right_arithmetic3A_709 : vector<16xi32>
    %add3A_711 = arith.constant 0 : i32
    %add3A_712 = vector.broadcast %add3A_711 : i32 to vector<16xi32>
    %add3A_713 = arith.addi %shift_right_arithmetic3A_710, %add3A_712 : vector<16xi32>
    %swap3A_714 = arith.constant 6 : i32
    %swap3A_715 = arith.constant 0 : i32
    %swap3A_716 = tpu.memref_slice %arg6[%swap3A_714, %swap3A_715] : memref<8x128xi32, #tpu.memory_space<vmem>> -> memref<1x128xi32, #tpu.memory_space<vmem>>
    %swap3A_717 = tpu.memref_squeeze %swap3A_716 : memref<1x128xi32, #tpu.memory_space<vmem>> -> memref<128xi32, #tpu.memory_space<vmem>>
    %swap3A_718 = arith.constant 32 : index
    %swap3A_719 = tpu.vector_load %swap3A_717[%swap3A_718] {strides = array<i32>} : memref<128xi32, #tpu.memory_space<vmem>>, vector<16xi32>,
    tpu.vector_store %swap3A_717[%swap3A_718], %add3A_713 {strides = array<i32>} : memref<128xi32, #tpu.memory_space<vmem>>, vector<16xi32>,
    %add3A_720 = arith.constant 62500 : i32
    %add3A_721 = vector.broadcast %add3A_720 : i32 to vector<16xi32>
    %add3A_722 = arith.addi %shift_right_arithmetic3A_710, %add3A_721 : vector<16xi32>
    %swap3A_723 = arith.constant 7 : i32
    %swap3A_724 = arith.constant 0 : i32
    %swap3A_725 = tpu.memref_slice %arg6[%swap3A_723, %swap3A_724] : memref<8x128xi32, #tpu.memory_space<vmem>> -> memref<1x128xi32, #tpu.memory_space<vmem>>
    %swap3A_726 = tpu.memref_squeeze %swap3A_725 : memref<1x128xi32, #tpu.memory_space<vmem>> -> memref<128xi32, #tpu.memory_space<vmem>>
    %swap3A_727 = arith.constant 32 : index
    %swap3A_728 = tpu.vector_load %swap3A_726[%swap3A_727] {strides = array<i32>} : memref<128xi32, #tpu.memory_space<vmem>>, vector<16xi32>,
    tpu.vector_store %swap3A_726[%swap3A_727], %add3A_722 {strides = array<i32>} : memref<128xi32, #tpu.memory_space<vmem>>, vector<16xi32>,
    %get3A_729 = arith.constant 3 : i32
    %get3A_730 = arith.constant 0 : i32
    %get3A_731 = tpu.memref_slice %arg5[%get3A_729, %get3A_730] : memref<4x128xi32, #tpu.memory_space<vmem>> -> memref<1x128xi32, #tpu.memory_space<vmem>>
    %get3A_732 = tpu.memref_squeeze %get3A_731 : memref<1x128xi32, #tpu.memory_space<vmem>> -> memref<128xi32, #tpu.memory_space<vmem>>
    %get3A_733 = arith.constant 48 : index
    %get3A_734 = tpu.vector_load %get3A_732[%get3A_733] {strides = array<i32>} : memref<128xi32, #tpu.memory_space<vmem>>, vector<16xi32>,
    %shift_right_arithmetic3A_735 = arith.constant 4 : i32
    %shift_right_arithmetic3A_736 = vector.broadcast %shift_right_arithmetic3A_735 : i32 to vector<16xi32>
    %shift_right_arithmetic3A_737 = arith.shrsi %get3A_734, %shift_right_arithmetic3A_736 : vector<16xi32>
    %add3A_738 = arith.constant 0 : i32
    %add3A_739 = vector.broadcast %add3A_738 : i32 to vector<16xi32>
    %add3A_740 = arith.addi %shift_right_arithmetic3A_737, %add3A_739 : vector<16xi32>
    %swap3A_741 = arith.constant 6 : i32
    %swap3A_742 = arith.constant 0 : i32
    %swap3A_743 = tpu.memref_slice %arg6[%swap3A_741, %swap3A_742] : memref<8x128xi32, #tpu.memory_space<vmem>> -> memref<1x128xi32, #tpu.memory_space<vmem>>
    %swap3A_744 = tpu.memref_squeeze %swap3A_743 : memref<1x128xi32, #tpu.memory_space<vmem>> -> memref<128xi32, #tpu.memory_space<vmem>>
    %swap3A_745 = arith.constant 48 : index
    %swap3A_746 = tpu.vector_load %swap3A_744[%swap3A_745] {strides = array<i32>} : memref<128xi32, #tpu.memory_space<vmem>>, vector<16xi32>,
    tpu.vector_store %swap3A_744[%swap3A_745], %add3A_740 {strides = array<i32>} : memref<128xi32, #tpu.memory_space<vmem>>, vector<16xi32>,
    %add3A_747 = arith.constant 62500 : i32
    %add3A_748 = vector.broadcast %add3A_747 : i32 to vector<16xi32>
    %add3A_749 = arith.addi %shift_right_arithmetic3A_737, %add3A_748 : vector<16xi32>
    %swap3A_750 = arith.constant 7 : i32
    %swap3A_751 = arith.constant 0 : i32
    %swap3A_752 = tpu.memref_slice %arg6[%swap3A_750, %swap3A_751] : memref<8x128xi32, #tpu.memory_space<vmem>> -> memref<1x128xi32, #tpu.memory_space<vmem>>
    %swap3A_753 = tpu.memref_squeeze %swap3A_752 : memref<1x128xi32, #tpu.memory_space<vmem>> -> memref<128xi32, #tpu.memory_space<vmem>>
    %swap3A_754 = arith.constant 48 : index
    %swap3A_755 = tpu.vector_load %swap3A_753[%swap3A_754] {strides = array<i32>} : memref<128xi32, #tpu.memory_space<vmem>>, vector<16xi32>,
    tpu.vector_store %swap3A_753[%swap3A_754], %add3A_749 {strides = array<i32>} : memref<128xi32, #tpu.memory_space<vmem>>, vector<16xi32>,
    %get3A_756 = arith.constant 3 : i32
    %get3A_757 = arith.constant 0 : i32
    %get3A_758 = tpu.memref_slice %arg5[%get3A_756, %get3A_757] : memref<4x128xi32, #tpu.memory_space<vmem>> -> memref<1x128xi32, #tpu.memory_space<vmem>>
    %get3A_759 = tpu.memref_squeeze %get3A_758 : memref<1x128xi32, #tpu.memory_space<vmem>> -> memref<128xi32, #tpu.memory_space<vmem>>
    %get3A_760 = arith.constant 64 : index
    %get3A_761 = tpu.vector_load %get3A_759[%get3A_760] {strides = array<i32>} : memref<128xi32, #tpu.memory_space<vmem>>, vector<16xi32>,
    %shift_right_arithmetic3A_762 = arith.constant 4 : i32
    %shift_right_arithmetic3A_763 = vector.broadcast %shift_right_arithmetic3A_762 : i32 to vector<16xi32>
    %shift_right_arithmetic3A_764 = arith.shrsi %get3A_761, %shift_right_arithmetic3A_763 : vector<16xi32>
    %add3A_765 = arith.constant 0 : i32
    %add3A_766 = vector.broadcast %add3A_765 : i32 to vector<16xi32>
    %add3A_767 = arith.addi %shift_right_arithmetic3A_764, %add3A_766 : vector<16xi32>
    %swap3A_768 = arith.constant 6 : i32
    %swap3A_769 = arith.constant 0 : i32
    %swap3A_770 = tpu.memref_slice %arg6[%swap3A_768, %swap3A_769] : memref<8x128xi32, #tpu.memory_space<vmem>> -> memref<1x128xi32, #tpu.memory_space<vmem>>
    %swap3A_771 = tpu.memref_squeeze %swap3A_770 : memref<1x128xi32, #tpu.memory_space<vmem>> -> memref<128xi32, #tpu.memory_space<vmem>>
    %swap3A_772 = arith.constant 64 : index
    %swap3A_773 = tpu.vector_load %swap3A_771[%swap3A_772] {strides = array<i32>} : memref<128xi32, #tpu.memory_space<vmem>>, vector<16xi32>,
    tpu.vector_store %swap3A_771[%swap3A_772], %add3A_767 {strides = array<i32>} : memref<128xi32, #tpu.memory_space<vmem>>, vector<16xi32>,
    %add3A_774 = arith.constant 62500 : i32
    %add3A_775 = vector.broadcast %add3A_774 : i32 to vector<16xi32>
    %add3A_776 = arith.addi %shift_right_arithmetic3A_764, %add3A_775 : vector<16xi32>
    %swap3A_777 = arith.constant 7 : i32
    %swap3A_778 = arith.constant 0 : i32
    %swap3A_779 = tpu.memref_slice %arg6[%swap3A_777, %swap3A_778] : memref<8x128xi32, #tpu.memory_space<vmem>> -> memref<1x128xi32, #tpu.memory_space<vmem>>
    %swap3A_780 = tpu.memref_squeeze %swap3A_779 : memref<1x128xi32, #tpu.memory_space<vmem>> -> memref<128xi32, #tpu.memory_space<vmem>>
    %swap3A_781 = arith.constant 64 : index
    %swap3A_782 = tpu.vector_load %swap3A_780[%swap3A_781] {strides = array<i32>} : memref<128xi32, #tpu.memory_space<vmem>>, vector<16xi32>,
    tpu.vector_store %swap3A_780[%swap3A_781], %add3A_776 {strides = array<i32>} : memref<128xi32, #tpu.memory_space<vmem>>, vector<16xi32>,
    %get3A_783 = arith.constant 3 : i32
    %get3A_784 = arith.constant 0 : i32
    %get3A_785 = tpu.memref_slice %arg5[%get3A_783, %get3A_784] : memref<4x128xi32, #tpu.memory_space<vmem>> -> memref<1x128xi32, #tpu.memory_space<vmem>>
    %get3A_786 = tpu.memref_squeeze %get3A_785 : memref<1x128xi32, #tpu.memory_space<vmem>> -> memref<128xi32, #tpu.memory_space<vmem>>
    %get3A_787 = arith.constant 80 : index
    %get3A_788 = tpu.vector_load %get3A_786[%get3A_787] {strides = array<i32>} : memref<128xi32, #tpu.memory_space<vmem>>, vector<16xi32>,
    %shift_right_arithmetic3A_789 = arith.constant 4 : i32
    %shift_right_arithmetic3A_790 = vector.broadcast %shift_right_arithmetic3A_789 : i32 to vector<16xi32>
    %shift_right_arithmetic3A_791 = arith.shrsi %get3A_788, %shift_right_arithmetic3A_790 : vector<16xi32>
    %add3A_792 = arith.constant 0 : i32
    %add3A_793 = vector.broadcast %add3A_792 : i32 to vector<16xi32>
    %add3A_794 = arith.addi %shift_right_arithmetic3A_791, %add3A_793 : vector<16xi32>
    %swap3A_795 = arith.constant 6 : i32
    %swap3A_796 = arith.constant 0 : i32
    %swap3A_797 = tpu.memref_slice %arg6[%swap3A_795, %swap3A_796] : memref<8x128xi32, #tpu.memory_space<vmem>> -> memref<1x128xi32, #tpu.memory_space<vmem>>
    %swap3A_798 = tpu.memref_squeeze %swap3A_797 : memref<1x128xi32, #tpu.memory_space<vmem>> -> memref<128xi32, #tpu.memory_space<vmem>>
    %swap3A_799 = arith.constant 80 : index
    %swap3A_800 = tpu.vector_load %swap3A_798[%swap3A_799] {strides = array<i32>} : memref<128xi32, #tpu.memory_space<vmem>>, vector<16xi32>,
    tpu.vector_store %swap3A_798[%swap3A_799], %add3A_794 {strides = array<i32>} : memref<128xi32, #tpu.memory_space<vmem>>, vector<16xi32>,
    %add3A_801 = arith.constant 62500 : i32
    %add3A_802 = vector.broadcast %add3A_801 : i32 to vector<16xi32>
    %add3A_803 = arith.addi %shift_right_arithmetic3A_791, %add3A_802 : vector<16xi32>
    %swap3A_804 = arith.constant 7 : i32
    %swap3A_805 = arith.constant 0 : i32
    %swap3A_806 = tpu.memref_slice %arg6[%swap3A_804, %swap3A_805] : memref<8x128xi32, #tpu.memory_space<vmem>> -> memref<1x128xi32, #tpu.memory_space<vmem>>
    %swap3A_807 = tpu.memref_squeeze %swap3A_806 : memref<1x128xi32, #tpu.memory_space<vmem>> -> memref<128xi32, #tpu.memory_space<vmem>>
    %swap3A_808 = arith.constant 80 : index
    %swap3A_809 = tpu.vector_load %swap3A_807[%swap3A_808] {strides = array<i32>} : memref<128xi32, #tpu.memory_space<vmem>>, vector<16xi32>,
    tpu.vector_store %swap3A_807[%swap3A_808], %add3A_803 {strides = array<i32>} : memref<128xi32, #tpu.memory_space<vmem>>, vector<16xi32>,
    %get3A_810 = arith.constant 3 : i32
    %get3A_811 = arith.constant 0 : i32
    %get3A_812 = tpu.memref_slice %arg5[%get3A_810, %get3A_811] : memref<4x128xi32, #tpu.memory_space<vmem>> -> memref<1x128xi32, #tpu.memory_space<vmem>>
    %get3A_813 = tpu.memref_squeeze %get3A_812 : memref<1x128xi32, #tpu.memory_space<vmem>> -> memref<128xi32, #tpu.memory_space<vmem>>
    %get3A_814 = arith.constant 96 : index
    %get3A_815 = tpu.vector_load %get3A_813[%get3A_814] {strides = array<i32>} : memref<128xi32, #tpu.memory_space<vmem>>, vector<16xi32>,
    %shift_right_arithmetic3A_816 = arith.constant 4 : i32
    %shift_right_arithmetic3A_817 = vector.broadcast %shift_right_arithmetic3A_816 : i32 to vector<16xi32>
    %shift_right_arithmetic3A_818 = arith.shrsi %get3A_815, %shift_right_arithmetic3A_817 : vector<16xi32>
    %add3A_819 = arith.constant 0 : i32
    %add3A_820 = vector.broadcast %add3A_819 : i32 to vector<16xi32>
    %add3A_821 = arith.addi %shift_right_arithmetic3A_818, %add3A_820 : vector<16xi32>
    %swap3A_822 = arith.constant 6 : i32
    %swap3A_823 = arith.constant 0 : i32
    %swap3A_824 = tpu.memref_slice %arg6[%swap3A_822, %swap3A_823] : memref<8x128xi32, #tpu.memory_space<vmem>> -> memref<1x128xi32, #tpu.memory_space<vmem>>
    %swap3A_825 = tpu.memref_squeeze %swap3A_824 : memref<1x128xi32, #tpu.memory_space<vmem>> -> memref<128xi32, #tpu.memory_space<vmem>>
    %swap3A_826 = arith.constant 96 : index
    %swap3A_827 = tpu.vector_load %swap3A_825[%swap3A_826] {strides = array<i32>} : memref<128xi32, #tpu.memory_space<vmem>>, vector<16xi32>,
    tpu.vector_store %swap3A_825[%swap3A_826], %add3A_821 {strides = array<i32>} : memref<128xi32, #tpu.memory_space<vmem>>, vector<16xi32>,
    %add3A_828 = arith.constant 62500 : i32
    %add3A_829 = vector.broadcast %add3A_828 : i32 to vector<16xi32>
    %add3A_830 = arith.addi %shift_right_arithmetic3A_818, %add3A_829 : vector<16xi32>
    %swap3A_831 = arith.constant 7 : i32
    %swap3A_832 = arith.constant 0 : i32
    %swap3A_833 = tpu.memref_slice %arg6[%swap3A_831, %swap3A_832] : memref<8x128xi32, #tpu.memory_space<vmem>> -> memref<1x128xi32, #tpu.memory_space<vmem>>
    %swap3A_834 = tpu.memref_squeeze %swap3A_833 : memref<1x128xi32, #tpu.memory_space<vmem>> -> memref<128xi32, #tpu.memory_space<vmem>>
    %swap3A_835 = arith.constant 96 : index
    %swap3A_836 = tpu.vector_load %swap3A_834[%swap3A_835] {strides = array<i32>} : memref<128xi32, #tpu.memory_space<vmem>>, vector<16xi32>,
    tpu.vector_store %swap3A_834[%swap3A_835], %add3A_830 {strides = array<i32>} : memref<128xi32, #tpu.memory_space<vmem>>, vector<16xi32>,
    %get3A_837 = arith.constant 3 : i32
    %get3A_838 = arith.constant 0 : i32
    %get3A_839 = tpu.memref_slice %arg5[%get3A_837, %get3A_838] : memref<4x128xi32, #tpu.memory_space<vmem>> -> memref<1x128xi32, #tpu.memory_space<vmem>>
    %get3A_840 = tpu.memref_squeeze %get3A_839 : memref<1x128xi32, #tpu.memory_space<vmem>> -> memref<128xi32, #tpu.memory_space<vmem>>
    %get3A_841 = arith.constant 112 : index
    %get3A_842 = tpu.vector_load %get3A_840[%get3A_841] {strides = array<i32>} : memref<128xi32, #tpu.memory_space<vmem>>, vector<16xi32>,
    %shift_right_arithmetic3A_843 = arith.constant 4 : i32
    %shift_right_arithmetic3A_844 = vector.broadcast %shift_right_arithmetic3A_843 : i32 to vector<16xi32>
    %shift_right_arithmetic3A_845 = arith.shrsi %get3A_842, %shift_right_arithmetic3A_844 : vector<16xi32>
    %add3A_846 = arith.constant 0 : i32
    %add3A_847 = vector.broadcast %add3A_846 : i32 to vector<16xi32>
    %add3A_848 = arith.addi %shift_right_arithmetic3A_845, %add3A_847 : vector<16xi32>
    %swap3A_849 = arith.constant 6 : i32
    %swap3A_850 = arith.constant 0 : i32
    %swap3A_851 = tpu.memref_slice %arg6[%swap3A_849, %swap3A_850] : memref<8x128xi32, #tpu.memory_space<vmem>> -> memref<1x128xi32, #tpu.memory_space<vmem>>
    %swap3A_852 = tpu.memref_squeeze %swap3A_851 : memref<1x128xi32, #tpu.memory_space<vmem>> -> memref<128xi32, #tpu.memory_space<vmem>>
    %swap3A_853 = arith.constant 112 : index
    %swap3A_854 = tpu.vector_load %swap3A_852[%swap3A_853] {strides = array<i32>} : memref<128xi32, #tpu.memory_space<vmem>>, vector<16xi32>,
    tpu.vector_store %swap3A_852[%swap3A_853], %add3A_848 {strides = array<i32>} : memref<128xi32, #tpu.memory_space<vmem>>, vector<16xi32>,
    %add3A_855 = arith.constant 62500 : i32
    %add3A_856 = vector.broadcast %add3A_855 : i32 to vector<16xi32>
    %add3A_857 = arith.addi %shift_right_arithmetic3A_845, %add3A_856 : vector<16xi32>
    %swap3A_858 = arith.constant 7 : i32
    %swap3A_859 = arith.constant 0 : i32
    %swap3A_860 = tpu.memref_slice %arg6[%swap3A_858, %swap3A_859] : memref<8x128xi32, #tpu.memory_space<vmem>> -> memref<1x128xi32, #tpu.memory_space<vmem>>
    %swap3A_861 = tpu.memref_squeeze %swap3A_860 : memref<1x128xi32, #tpu.memory_space<vmem>> -> memref<128xi32, #tpu.memory_space<vmem>>
    %swap3A_862 = arith.constant 112 : index
    %swap3A_863 = tpu.vector_load %swap3A_861[%swap3A_862] {strides = array<i32>} : memref<128xi32, #tpu.memory_space<vmem>>, vector<16xi32>,
    tpu.vector_store %swap3A_861[%swap3A_862], %add3A_857 {strides = array<i32>} : memref<128xi32, #tpu.memory_space<vmem>>, vector<16xi32>,
    %dma_start3A = arith.constant 0 : i32
    %dma_start3A_864 = arith.constant 0 : i32
    %dma_start3A_865 = arith.constant 0 : i32
    %dma_start3A_866 = tpu.memref_slice %arg7[%dma_start3A_864, %dma_start3A_865] : memref<1024x16xf32, #tpu.memory_space<vmem>> -> memref<128x16xf32, #tpu.memory_space<vmem>>
    %dma_start3A_867 = arith.constant 0 : i32
    %dma_start3A_868 = tpu.memref_slice %arg6[%dma_start3A, %dma_start3A_867] : memref<8x128xi32, #tpu.memory_space<vmem>> -> memref<1x128xi32, #tpu.memory_space<vmem>>
    %dma_start3A_869 = tpu.memref_squeeze %dma_start3A_868 : memref<1x128xi32, #tpu.memory_space<vmem>> -> memref<128xi32, #tpu.memory_space<vmem>>
    %dma_start3A_870 = arith.constant 0 : i32
    %dma_start3A_871 = arith.constant 0 : i32
    %dma_start3A_872 = tpu.memref_slice %arg2[%dma_start3A_870, %dma_start3A_871] : memref<125000x16xf32, #tpu.memory_space<hbm>> -> memref<125000x16xf32, #tpu.memory_space<hbm>>
    tpu.enqueue_indirect_dma source(%dma_start3A_872 : memref<125000x16xf32, #tpu.memory_space<hbm>>) target(%dma_start3A_866 : memref<128x16xf32, #tpu.memory_space<vmem>>) offsets(%dma_start3A_869 : memref<128xi32, #tpu.memory_space<vmem>>) semaphore(%arg9 : memref<!tpu.dma_semaphore, #tpu.memory_space<semaphore_mem>>)
    %dma_start3A_873 = arith.constant 1 : i32
    %dma_start3A_874 = arith.constant 128 : i32
    %dma_start3A_875 = arith.constant 0 : i32
    %dma_start3A_876 = tpu.memref_slice %arg7[%dma_start3A_874, %dma_start3A_875] : memref<1024x16xf32, #tpu.memory_space<vmem>> -> memref<128x16xf32, #tpu.memory_space<vmem>>
    %dma_start3A_877 = arith.constant 0 : i32
    %dma_start3A_878 = tpu.memref_slice %arg6[%dma_start3A_873, %dma_start3A_877] : memref<8x128xi32, #tpu.memory_space<vmem>> -> memref<1x128xi32, #tpu.memory_space<vmem>>
    %dma_start3A_879 = tpu.memref_squeeze %dma_start3A_878 : memref<1x128xi32, #tpu.memory_space<vmem>> -> memref<128xi32, #tpu.memory_space<vmem>>
    %dma_start3A_880 = arith.constant 0 : i32
    %dma_start3A_881 = arith.constant 0 : i32
    %dma_start3A_882 = tpu.memref_slice %arg2[%dma_start3A_880, %dma_start3A_881] : memref<125000x16xf32, #tpu.memory_space<hbm>> -> memref<125000x16xf32, #tpu.memory_space<hbm>>
    tpu.enqueue_indirect_dma source(%dma_start3A_882 : memref<125000x16xf32, #tpu.memory_space<hbm>>) target(%dma_start3A_876 : memref<128x16xf32, #tpu.memory_space<vmem>>) offsets(%dma_start3A_879 : memref<128xi32, #tpu.memory_space<vmem>>) semaphore(%arg9 : memref<!tpu.dma_semaphore, #tpu.memory_space<semaphore_mem>>)
    %dma_start3A_883 = arith.constant 2 : i32
    %dma_start3A_884 = arith.constant 256 : i32
    %dma_start3A_885 = arith.constant 0 : i32
    %dma_start3A_886 = tpu.memref_slice %arg7[%dma_start3A_884, %dma_start3A_885] : memref<1024x16xf32, #tpu.memory_space<vmem>> -> memref<128x16xf32, #tpu.memory_space<vmem>>
    %dma_start3A_887 = arith.constant 0 : i32
    %dma_start3A_888 = tpu.memref_slice %arg6[%dma_start3A_883, %dma_start3A_887] : memref<8x128xi32, #tpu.memory_space<vmem>> -> memref<1x128xi32, #tpu.memory_space<vmem>>
    %dma_start3A_889 = tpu.memref_squeeze %dma_start3A_888 : memref<1x128xi32, #tpu.memory_space<vmem>> -> memref<128xi32, #tpu.memory_space<vmem>>
    %dma_start3A_890 = arith.constant 0 : i32
    %dma_start3A_891 = arith.constant 0 : i32
    %dma_start3A_892 = tpu.memref_slice %arg2[%dma_start3A_890, %dma_start3A_891] : memref<125000x16xf32, #tpu.memory_space<hbm>> -> memref<125000x16xf32, #tpu.memory_space<hbm>>
    tpu.enqueue_indirect_dma source(%dma_start3A_892 : memref<125000x16xf32, #tpu.memory_space<hbm>>) target(%dma_start3A_886 : memref<128x16xf32, #tpu.memory_space<vmem>>) offsets(%dma_start3A_889 : memref<128xi32, #tpu.memory_space<vmem>>) semaphore(%arg10 : memref<!tpu.dma_semaphore, #tpu.memory_space<semaphore_mem>>)
    %dma_start3A_893 = arith.constant 3 : i32
    %dma_start3A_894 = arith.constant 384 : i32
    %dma_start3A_895 = arith.constant 0 : i32
    %dma_start3A_896 = tpu.memref_slice %arg7[%dma_start3A_894, %dma_start3A_895] : memref<1024x16xf32, #tpu.memory_space<vmem>> -> memref<128x16xf32, #tpu.memory_space<vmem>>
    %dma_start3A_897 = arith.constant 0 : i32
    %dma_start3A_898 = tpu.memref_slice %arg6[%dma_start3A_893, %dma_start3A_897] : memref<8x128xi32, #tpu.memory_space<vmem>> -> memref<1x128xi32, #tpu.memory_space<vmem>>
    %dma_start3A_899 = tpu.memref_squeeze %dma_start3A_898 : memref<1x128xi32, #tpu.memory_space<vmem>> -> memref<128xi32, #tpu.memory_space<vmem>>
    %dma_start3A_900 = arith.constant 0 : i32
    %dma_start3A_901 = arith.constant 0 : i32
    %dma_start3A_902 = tpu.memref_slice %arg2[%dma_start3A_900, %dma_start3A_901] : memref<125000x16xf32, #tpu.memory_space<hbm>> -> memref<125000x16xf32, #tpu.memory_space<hbm>>
    tpu.enqueue_indirect_dma source(%dma_start3A_902 : memref<125000x16xf32, #tpu.memory_space<hbm>>) target(%dma_start3A_896 : memref<128x16xf32, #tpu.memory_space<vmem>>) offsets(%dma_start3A_899 : memref<128xi32, #tpu.memory_space<vmem>>) semaphore(%arg10 : memref<!tpu.dma_semaphore, #tpu.memory_space<semaphore_mem>>)
    %dma_start3A_903 = arith.constant 4 : i32
    %dma_start3A_904 = arith.constant 512 : i32
    %dma_start3A_905 = arith.constant 0 : i32
    %dma_start3A_906 = tpu.memref_slice %arg7[%dma_start3A_904, %dma_start3A_905] : memref<1024x16xf32, #tpu.memory_space<vmem>> -> memref<128x16xf32, #tpu.memory_space<vmem>>
    %dma_start3A_907 = arith.constant 0 : i32
    %dma_start3A_908 = tpu.memref_slice %arg6[%dma_start3A_903, %dma_start3A_907] : memref<8x128xi32, #tpu.memory_space<vmem>> -> memref<1x128xi32, #tpu.memory_space<vmem>>
    %dma_start3A_909 = tpu.memref_squeeze %dma_start3A_908 : memref<1x128xi32, #tpu.memory_space<vmem>> -> memref<128xi32, #tpu.memory_space<vmem>>
    %dma_start3A_910 = arith.constant 0 : i32
    %dma_start3A_911 = arith.constant 0 : i32
    %dma_start3A_912 = tpu.memref_slice %arg2[%dma_start3A_910, %dma_start3A_911] : memref<125000x16xf32, #tpu.memory_space<hbm>> -> memref<125000x16xf32, #tpu.memory_space<hbm>>
    tpu.enqueue_indirect_dma source(%dma_start3A_912 : memref<125000x16xf32, #tpu.memory_space<hbm>>) target(%dma_start3A_906 : memref<128x16xf32, #tpu.memory_space<vmem>>) offsets(%dma_start3A_909 : memref<128xi32, #tpu.memory_space<vmem>>) semaphore(%arg11 : memref<!tpu.dma_semaphore, #tpu.memory_space<semaphore_mem>>)
    %dma_start3A_913 = arith.constant 5 : i32
    %dma_start3A_914 = arith.constant 640 : i32
    %dma_start3A_915 = arith.constant 0 : i32
    %dma_start3A_916 = tpu.memref_slice %arg7[%dma_start3A_914, %dma_start3A_915] : memref<1024x16xf32, #tpu.memory_space<vmem>> -> memref<128x16xf32, #tpu.memory_space<vmem>>
    %dma_start3A_917 = arith.constant 0 : i32
    %dma_start3A_918 = tpu.memref_slice %arg6[%dma_start3A_913, %dma_start3A_917] : memref<8x128xi32, #tpu.memory_space<vmem>> -> memref<1x128xi32, #tpu.memory_space<vmem>>
    %dma_start3A_919 = tpu.memref_squeeze %dma_start3A_918 : memref<1x128xi32, #tpu.memory_space<vmem>> -> memref<128xi32, #tpu.memory_space<vmem>>
    %dma_start3A_920 = arith.constant 0 : i32
    %dma_start3A_921 = arith.constant 0 : i32
    %dma_start3A_922 = tpu.memref_slice %arg2[%dma_start3A_920, %dma_start3A_921] : memref<125000x16xf32, #tpu.memory_space<hbm>> -> memref<125000x16xf32, #tpu.memory_space<hbm>>
    tpu.enqueue_indirect_dma source(%dma_start3A_922 : memref<125000x16xf32, #tpu.memory_space<hbm>>) target(%dma_start3A_916 : memref<128x16xf32, #tpu.memory_space<vmem>>) offsets(%dma_start3A_919 : memref<128xi32, #tpu.memory_space<vmem>>) semaphore(%arg11 : memref<!tpu.dma_semaphore, #tpu.memory_space<semaphore_mem>>)
    %dma_start3A_923 = arith.constant 6 : i32
    %dma_start3A_924 = arith.constant 768 : i32
    %dma_start3A_925 = arith.constant 0 : i32
    %dma_start3A_926 = tpu.memref_slice %arg7[%dma_start3A_924, %dma_start3A_925] : memref<1024x16xf32, #tpu.memory_space<vmem>> -> memref<128x16xf32, #tpu.memory_space<vmem>>
    %dma_start3A_927 = arith.constant 0 : i32
    %dma_start3A_928 = tpu.memref_slice %arg6[%dma_start3A_923, %dma_start3A_927] : memref<8x128xi32, #tpu.memory_space<vmem>> -> memref<1x128xi32, #tpu.memory_space<vmem>>
    %dma_start3A_929 = tpu.memref_squeeze %dma_start3A_928 : memref<1x128xi32, #tpu.memory_space<vmem>> -> memref<128xi32, #tpu.memory_space<vmem>>
    %dma_start3A_930 = arith.constant 0 : i32
    %dma_start3A_931 = arith.constant 0 : i32
    %dma_start3A_932 = tpu.memref_slice %arg2[%dma_start3A_930, %dma_start3A_931] : memref<125000x16xf32, #tpu.memory_space<hbm>> -> memref<125000x16xf32, #tpu.memory_space<hbm>>
    tpu.enqueue_indirect_dma source(%dma_start3A_932 : memref<125000x16xf32, #tpu.memory_space<hbm>>) target(%dma_start3A_926 : memref<128x16xf32, #tpu.memory_space<vmem>>) offsets(%dma_start3A_929 : memref<128xi32, #tpu.memory_space<vmem>>) semaphore(%arg12 : memref<!tpu.dma_semaphore, #tpu.memory_space<semaphore_mem>>)
    %dma_start3A_933 = arith.constant 7 : i32
    %dma_start3A_934 = arith.constant 896 : i32
    %dma_start3A_935 = arith.constant 0 : i32
    %dma_start3A_936 = tpu.memref_slice %arg7[%dma_start3A_934, %dma_start3A_935] : memref<1024x16xf32, #tpu.memory_space<vmem>> -> memref<128x16xf32, #tpu.memory_space<vmem>>
    %dma_start3A_937 = arith.constant 0 : i32
    %dma_start3A_938 = tpu.memref_slice %arg6[%dma_start3A_933, %dma_start3A_937] : memref<8x128xi32, #tpu.memory_space<vmem>> -> memref<1x128xi32, #tpu.memory_space<vmem>>
    %dma_start3A_939 = tpu.memref_squeeze %dma_start3A_938 : memref<1x128xi32, #tpu.memory_space<vmem>> -> memref<128xi32, #tpu.memory_space<vmem>>
    %dma_start3A_940 = arith.constant 0 : i32
    %dma_start3A_941 = arith.constant 0 : i32
    %dma_start3A_942 = tpu.memref_slice %arg2[%dma_start3A_940, %dma_start3A_941] : memref<125000x16xf32, #tpu.memory_space<hbm>> -> memref<125000x16xf32, #tpu.memory_space<hbm>>
    tpu.enqueue_indirect_dma source(%dma_start3A_942 : memref<125000x16xf32, #tpu.memory_space<hbm>>) target(%dma_start3A_936 : memref<128x16xf32, #tpu.memory_space<vmem>>) offsets(%dma_start3A_939 : memref<128xi32, #tpu.memory_space<vmem>>) semaphore(%arg12 : memref<!tpu.dma_semaphore, #tpu.memory_space<semaphore_mem>>)
    %iota3A = tpu.iota {dimensions = array<i32: 0>} : vector<16xi32>
    %dma_wait3A = arith.constant 0 : i32
    %dma_wait3A_943 = arith.constant 0 : i32
    %dma_wait3A_944 = arith.constant 0 : i32
    %dma_wait3A_945 = tpu.memref_slice %arg7[%dma_wait3A_943, %dma_wait3A_944] : memref<1024x16xf32, #tpu.memory_space<vmem>> -> memref<128x16xf32, #tpu.memory_space<vmem>>
    %dma_wait3A_946 = arith.constant 0 : i32
    %dma_wait3A_947 = tpu.memref_slice %arg6[%dma_wait3A, %dma_wait3A_946] : memref<8x128xi32, #tpu.memory_space<vmem>> -> memref<1x128xi32, #tpu.memory_space<vmem>>
    %dma_wait3A_948 = tpu.memref_squeeze %dma_wait3A_947 : memref<1x128xi32, #tpu.memory_space<vmem>> -> memref<128xi32, #tpu.memory_space<vmem>>
    %dma_wait3A_949 = arith.constant 0 : i32
    %dma_wait3A_950 = arith.constant 0 : i32
    %dma_wait3A_951 = tpu.memref_slice %arg2[%dma_wait3A_949, %dma_wait3A_950] : memref<125000x16xf32, #tpu.memory_space<hbm>> -> memref<125000x16xf32, #tpu.memory_space<hbm>>
    tpu.wait_indirect_dma semaphore(%arg9 : memref<!tpu.dma_semaphore, #tpu.memory_space<semaphore_mem>>) src(%dma_wait3A_951 : memref<125000x16xf32, #tpu.memory_space<hbm>>) dst(%dma_wait3A_945 : memref<128x16xf32, #tpu.memory_space<vmem>>)
    %dma_wait3A_952 = arith.constant 1 : i32
    %dma_wait3A_953 = arith.constant 128 : i32
    %dma_wait3A_954 = arith.constant 0 : i32
    %dma_wait3A_955 = tpu.memref_slice %arg7[%dma_wait3A_953, %dma_wait3A_954] : memref<1024x16xf32, #tpu.memory_space<vmem>> -> memref<128x16xf32, #tpu.memory_space<vmem>>
    %dma_wait3A_956 = arith.constant 0 : i32
    %dma_wait3A_957 = tpu.memref_slice %arg6[%dma_wait3A_952, %dma_wait3A_956] : memref<8x128xi32, #tpu.memory_space<vmem>> -> memref<1x128xi32, #tpu.memory_space<vmem>>
    %dma_wait3A_958 = tpu.memref_squeeze %dma_wait3A_957 : memref<1x128xi32, #tpu.memory_space<vmem>> -> memref<128xi32, #tpu.memory_space<vmem>>
    %dma_wait3A_959 = arith.constant 0 : i32
    %dma_wait3A_960 = arith.constant 0 : i32
    %dma_wait3A_961 = tpu.memref_slice %arg2[%dma_wait3A_959, %dma_wait3A_960] : memref<125000x16xf32, #tpu.memory_space<hbm>> -> memref<125000x16xf32, #tpu.memory_space<hbm>>
    tpu.wait_indirect_dma semaphore(%arg9 : memref<!tpu.dma_semaphore, #tpu.memory_space<semaphore_mem>>) src(%dma_wait3A_961 : memref<125000x16xf32, #tpu.memory_space<hbm>>) dst(%dma_wait3A_955 : memref<128x16xf32, #tpu.memory_space<vmem>>)
    %parallel_loop3A = arith.constant 0 : i32
    %parallel_loop3A_962 = arith.constant 16 : i32
    %parallel_loop3A_963 = arith.constant 1 : i32
    scf.for %parallel_loop3A_1037 = %parallel_loop3A to %parallel_loop3A_962 step %parallel_loop3A_963  : i32 {
      %parallel_loop3A_1038 = arith.constant 7 : i32
      %parallel_loop3A_1039 = arith.andi %parallel_loop3A_1037, %parallel_loop3A_1038 : i32
      %parallel_loop3A_1040 = arith.constant 4 : i32
      %parallel_loop3A_1041 = arith.shli %parallel_loop3A_1039, %parallel_loop3A_1040 : i32
      %parallel_loop3A_1042 = arith.constant 0 : i32
      %parallel_loop3A_1043 = arith.constant 0 : i32
      %parallel_loop3A_1044 = tpu.memref_slice %arg5[%parallel_loop3A_1042, %parallel_loop3A_1043] : memref<4x128xi32, #tpu.memory_space<vmem>> -> memref<1x128xi32, #tpu.memory_space<vmem>>
      %parallel_loop3A_1045 = tpu.memref_squeeze %parallel_loop3A_1044 : memref<1x128xi32, #tpu.memory_space<vmem>> -> memref<128xi32, #tpu.memory_space<vmem>>
      %parallel_loop3A_1046 = arith.index_cast %parallel_loop3A_1041 : i32 to index
      %parallel_loop3A_1047 = tpu.vector_load %parallel_loop3A_1045[%parallel_loop3A_1046] {strides = array<i32>} : memref<128xi32, #tpu.memory_space<vmem>>, vector<16xi32>,
      %parallel_loop3A_1048 = arith.constant 16 : i32
      %parallel_loop3A_1049 = arith.muli %parallel_loop3A_1037, %parallel_loop3A_1048 : i32
      %parallel_loop3A_1050 = vector.broadcast %parallel_loop3A_1049 : i32 to vector<16xi32>
      %parallel_loop3A_1051 = arith.addi %parallel_loop3A_1050, %iota3A : vector<16xi32>
      %parallel_loop3A_1052 = arith.constant 15 : i32
      %parallel_loop3A_1053 = vector.broadcast %parallel_loop3A_1052 : i32 to vector<16xi32>
      %parallel_loop3A_1054 = arith.andi %parallel_loop3A_1047, %parallel_loop3A_1053 : vector<16xi32>
      %parallel_loop3A_1055 = tpu.vector_load_idx %arg7[%parallel_loop3A_1051, %parallel_loop3A_1054] : memref<1024x16xf32, #tpu.memory_space<vmem>>[vector<16xi32>, vector<16xi32>], vector<16xf32>,
      %parallel_loop3A_1056 = arith.constant 16 : i32
      %parallel_loop3A_1057 = arith.muli %parallel_loop3A_1037, %parallel_loop3A_1056 : i32
      %parallel_loop3A_1058 = arith.index_cast %parallel_loop3A_1057 : i32 to index
      %parallel_loop3A_1059 = tpu.vector_load %arg8[%parallel_loop3A_1058] {strides = array<i32>} : memref<1024xf32, #tpu.memory_space<vmem>>, vector<16xf32>,
      tpu.vector_store %arg8[%parallel_loop3A_1058], %parallel_loop3A_1055 {strides = array<i32>} : memref<1024xf32, #tpu.memory_space<vmem>>, vector<16xf32>,
    } {sc.loop_unroll_factor = 4 : i64, sc.parallel_access}
    %dma_wait3A_964 = arith.constant 2 : i32
    %dma_wait3A_965 = arith.constant 256 : i32
    %dma_wait3A_966 = arith.constant 0 : i32
    %dma_wait3A_967 = tpu.memref_slice %arg7[%dma_wait3A_965, %dma_wait3A_966] : memref<1024x16xf32, #tpu.memory_space<vmem>> -> memref<128x16xf32, #tpu.memory_space<vmem>>
    %dma_wait3A_968 = arith.constant 0 : i32
    %dma_wait3A_969 = tpu.memref_slice %arg6[%dma_wait3A_964, %dma_wait3A_968] : memref<8x128xi32, #tpu.memory_space<vmem>> -> memref<1x128xi32, #tpu.memory_space<vmem>>
    %dma_wait3A_970 = tpu.memref_squeeze %dma_wait3A_969 : memref<1x128xi32, #tpu.memory_space<vmem>> -> memref<128xi32, #tpu.memory_space<vmem>>
    %dma_wait3A_971 = arith.constant 0 : i32
    %dma_wait3A_972 = arith.constant 0 : i32
    %dma_wait3A_973 = tpu.memref_slice %arg2[%dma_wait3A_971, %dma_wait3A_972] : memref<125000x16xf32, #tpu.memory_space<hbm>> -> memref<125000x16xf32, #tpu.memory_space<hbm>>
    tpu.wait_indirect_dma semaphore(%arg10 : memref<!tpu.dma_semaphore, #tpu.memory_space<semaphore_mem>>) src(%dma_wait3A_973 : memref<125000x16xf32, #tpu.memory_space<hbm>>) dst(%dma_wait3A_967 : memref<128x16xf32, #tpu.memory_space<vmem>>)
    %dma_wait3A_974 = arith.constant 3 : i32
    %dma_wait3A_975 = arith.constant 384 : i32
    %dma_wait3A_976 = arith.constant 0 : i32
    %dma_wait3A_977 = tpu.memref_slice %arg7[%dma_wait3A_975, %dma_wait3A_976] : memref<1024x16xf32, #tpu.memory_space<vmem>> -> memref<128x16xf32, #tpu.memory_space<vmem>>
    %dma_wait3A_978 = arith.constant 0 : i32
    %dma_wait3A_979 = tpu.memref_slice %arg6[%dma_wait3A_974, %dma_wait3A_978] : memref<8x128xi32, #tpu.memory_space<vmem>> -> memref<1x128xi32, #tpu.memory_space<vmem>>
    %dma_wait3A_980 = tpu.memref_squeeze %dma_wait3A_979 : memref<1x128xi32, #tpu.memory_space<vmem>> -> memref<128xi32, #tpu.memory_space<vmem>>
    %dma_wait3A_981 = arith.constant 0 : i32
    %dma_wait3A_982 = arith.constant 0 : i32
    %dma_wait3A_983 = tpu.memref_slice %arg2[%dma_wait3A_981, %dma_wait3A_982] : memref<125000x16xf32, #tpu.memory_space<hbm>> -> memref<125000x16xf32, #tpu.memory_space<hbm>>
    tpu.wait_indirect_dma semaphore(%arg10 : memref<!tpu.dma_semaphore, #tpu.memory_space<semaphore_mem>>) src(%dma_wait3A_983 : memref<125000x16xf32, #tpu.memory_space<hbm>>) dst(%dma_wait3A_977 : memref<128x16xf32, #tpu.memory_space<vmem>>)
    %parallel_loop3A_984 = arith.constant 16 : i32
    %parallel_loop3A_985 = arith.constant 32 : i32
    %parallel_loop3A_986 = arith.constant 1 : i32
    scf.for %parallel_loop3A_1037 = %parallel_loop3A_984 to %parallel_loop3A_985 step %parallel_loop3A_986  : i32 {
      %parallel_loop3A_1038 = arith.constant 7 : i32
      %parallel_loop3A_1039 = arith.andi %parallel_loop3A_1037, %parallel_loop3A_1038 : i32
      %parallel_loop3A_1040 = arith.constant 4 : i32
      %parallel_loop3A_1041 = arith.shli %parallel_loop3A_1039, %parallel_loop3A_1040 : i32
      %parallel_loop3A_1042 = arith.constant 1 : i32
      %parallel_loop3A_1043 = arith.constant 0 : i32
      %parallel_loop3A_1044 = tpu.memref_slice %arg5[%parallel_loop3A_1042, %parallel_loop3A_1043] : memref<4x128xi32, #tpu.memory_space<vmem>> -> memref<1x128xi32, #tpu.memory_space<vmem>>
      %parallel_loop3A_1045 = tpu.memref_squeeze %parallel_loop3A_1044 : memref<1x128xi32, #tpu.memory_space<vmem>> -> memref<128xi32, #tpu.memory_space<vmem>>
      %parallel_loop3A_1046 = arith.index_cast %parallel_loop3A_1041 : i32 to index
      %parallel_loop3A_1047 = tpu.vector_load %parallel_loop3A_1045[%parallel_loop3A_1046] {strides = array<i32>} : memref<128xi32, #tpu.memory_space<vmem>>, vector<16xi32>,
      %parallel_loop3A_1048 = arith.constant 16 : i32
      %parallel_loop3A_1049 = arith.muli %parallel_loop3A_1037, %parallel_loop3A_1048 : i32
      %parallel_loop3A_1050 = vector.broadcast %parallel_loop3A_1049 : i32 to vector<16xi32>
      %parallel_loop3A_1051 = arith.addi %parallel_loop3A_1050, %iota3A : vector<16xi32>
      %parallel_loop3A_1052 = arith.constant 15 : i32
      %parallel_loop3A_1053 = vector.broadcast %parallel_loop3A_1052 : i32 to vector<16xi32>
      %parallel_loop3A_1054 = arith.andi %parallel_loop3A_1047, %parallel_loop3A_1053 : vector<16xi32>
      %parallel_loop3A_1055 = tpu.vector_load_idx %arg7[%parallel_loop3A_1051, %parallel_loop3A_1054] : memref<1024x16xf32, #tpu.memory_space<vmem>>[vector<16xi32>, vector<16xi32>], vector<16xf32>,
      %parallel_loop3A_1056 = arith.constant 16 : i32
      %parallel_loop3A_1057 = arith.muli %parallel_loop3A_1037, %parallel_loop3A_1056 : i32
      %parallel_loop3A_1058 = arith.index_cast %parallel_loop3A_1057 : i32 to index
      %parallel_loop3A_1059 = tpu.vector_load %arg8[%parallel_loop3A_1058] {strides = array<i32>} : memref<1024xf32, #tpu.memory_space<vmem>>, vector<16xf32>,
      tpu.vector_store %arg8[%parallel_loop3A_1058], %parallel_loop3A_1055 {strides = array<i32>} : memref<1024xf32, #tpu.memory_space<vmem>>, vector<16xf32>,
    } {sc.loop_unroll_factor = 4 : i64, sc.parallel_access}
    %dma_wait3A_987 = arith.constant 4 : i32
    %dma_wait3A_988 = arith.constant 512 : i32
    %dma_wait3A_989 = arith.constant 0 : i32
    %dma_wait3A_990 = tpu.memref_slice %arg7[%dma_wait3A_988, %dma_wait3A_989] : memref<1024x16xf32, #tpu.memory_space<vmem>> -> memref<128x16xf32, #tpu.memory_space<vmem>>
    %dma_wait3A_991 = arith.constant 0 : i32
    %dma_wait3A_992 = tpu.memref_slice %arg6[%dma_wait3A_987, %dma_wait3A_991] : memref<8x128xi32, #tpu.memory_space<vmem>> -> memref<1x128xi32, #tpu.memory_space<vmem>>
    %dma_wait3A_993 = tpu.memref_squeeze %dma_wait3A_992 : memref<1x128xi32, #tpu.memory_space<vmem>> -> memref<128xi32, #tpu.memory_space<vmem>>
    %dma_wait3A_994 = arith.constant 0 : i32
    %dma_wait3A_995 = arith.constant 0 : i32
    %dma_wait3A_996 = tpu.memref_slice %arg2[%dma_wait3A_994, %dma_wait3A_995] : memref<125000x16xf32, #tpu.memory_space<hbm>> -> memref<125000x16xf32, #tpu.memory_space<hbm>>
    tpu.wait_indirect_dma semaphore(%arg11 : memref<!tpu.dma_semaphore, #tpu.memory_space<semaphore_mem>>) src(%dma_wait3A_996 : memref<125000x16xf32, #tpu.memory_space<hbm>>) dst(%dma_wait3A_990 : memref<128x16xf32, #tpu.memory_space<vmem>>)
    %dma_wait3A_997 = arith.constant 5 : i32
    %dma_wait3A_998 = arith.constant 640 : i32
    %dma_wait3A_999 = arith.constant 0 : i32
    %dma_wait3A_1000 = tpu.memref_slice %arg7[%dma_wait3A_998, %dma_wait3A_999] : memref<1024x16xf32, #tpu.memory_space<vmem>> -> memref<128x16xf32, #tpu.memory_space<vmem>>
    %dma_wait3A_1001 = arith.constant 0 : i32
    %dma_wait3A_1002 = tpu.memref_slice %arg6[%dma_wait3A_997, %dma_wait3A_1001] : memref<8x128xi32, #tpu.memory_space<vmem>> -> memref<1x128xi32, #tpu.memory_space<vmem>>
    %dma_wait3A_1003 = tpu.memref_squeeze %dma_wait3A_1002 : memref<1x128xi32, #tpu.memory_space<vmem>> -> memref<128xi32, #tpu.memory_space<vmem>>
    %dma_wait3A_1004 = arith.constant 0 : i32
    %dma_wait3A_1005 = arith.constant 0 : i32
    %dma_wait3A_1006 = tpu.memref_slice %arg2[%dma_wait3A_1004, %dma_wait3A_1005] : memref<125000x16xf32, #tpu.memory_space<hbm>> -> memref<125000x16xf32, #tpu.memory_space<hbm>>
    tpu.wait_indirect_dma semaphore(%arg11 : memref<!tpu.dma_semaphore, #tpu.memory_space<semaphore_mem>>) src(%dma_wait3A_1006 : memref<125000x16xf32, #tpu.memory_space<hbm>>) dst(%dma_wait3A_1000 : memref<128x16xf32, #tpu.memory_space<vmem>>)
    %parallel_loop3A_1007 = arith.constant 32 : i32
    %parallel_loop3A_1008 = arith.constant 48 : i32
    %parallel_loop3A_1009 = arith.constant 1 : i32
    scf.for %parallel_loop3A_1037 = %parallel_loop3A_1007 to %parallel_loop3A_1008 step %parallel_loop3A_1009  : i32 {
      %parallel_loop3A_1038 = arith.constant 7 : i32
      %parallel_loop3A_1039 = arith.andi %parallel_loop3A_1037, %parallel_loop3A_1038 : i32
      %parallel_loop3A_1040 = arith.constant 4 : i32
      %parallel_loop3A_1041 = arith.shli %parallel_loop3A_1039, %parallel_loop3A_1040 : i32
      %parallel_loop3A_1042 = arith.constant 2 : i32
      %parallel_loop3A_1043 = arith.constant 0 : i32
      %parallel_loop3A_1044 = tpu.memref_slice %arg5[%parallel_loop3A_1042, %parallel_loop3A_1043] : memref<4x128xi32, #tpu.memory_space<vmem>> -> memref<1x128xi32, #tpu.memory_space<vmem>>
      %parallel_loop3A_1045 = tpu.memref_squeeze %parallel_loop3A_1044 : memref<1x128xi32, #tpu.memory_space<vmem>> -> memref<128xi32, #tpu.memory_space<vmem>>
      %parallel_loop3A_1046 = arith.index_cast %parallel_loop3A_1041 : i32 to index
      %parallel_loop3A_1047 = tpu.vector_load %parallel_loop3A_1045[%parallel_loop3A_1046] {strides = array<i32>} : memref<128xi32, #tpu.memory_space<vmem>>, vector<16xi32>,
      %parallel_loop3A_1048 = arith.constant 16 : i32
      %parallel_loop3A_1049 = arith.muli %parallel_loop3A_1037, %parallel_loop3A_1048 : i32
      %parallel_loop3A_1050 = vector.broadcast %parallel_loop3A_1049 : i32 to vector<16xi32>
      %parallel_loop3A_1051 = arith.addi %parallel_loop3A_1050, %iota3A : vector<16xi32>
      %parallel_loop3A_1052 = arith.constant 15 : i32
      %parallel_loop3A_1053 = vector.broadcast %parallel_loop3A_1052 : i32 to vector<16xi32>
      %parallel_loop3A_1054 = arith.andi %parallel_loop3A_1047, %parallel_loop3A_1053 : vector<16xi32>
      %parallel_loop3A_1055 = tpu.vector_load_idx %arg7[%parallel_loop3A_1051, %parallel_loop3A_1054] : memref<1024x16xf32, #tpu.memory_space<vmem>>[vector<16xi32>, vector<16xi32>], vector<16xf32>,
      %parallel_loop3A_1056 = arith.constant 16 : i32
      %parallel_loop3A_1057 = arith.muli %parallel_loop3A_1037, %parallel_loop3A_1056 : i32
      %parallel_loop3A_1058 = arith.index_cast %parallel_loop3A_1057 : i32 to index
      %parallel_loop3A_1059 = tpu.vector_load %arg8[%parallel_loop3A_1058] {strides = array<i32>} : memref<1024xf32, #tpu.memory_space<vmem>>, vector<16xf32>,
      tpu.vector_store %arg8[%parallel_loop3A_1058], %parallel_loop3A_1055 {strides = array<i32>} : memref<1024xf32, #tpu.memory_space<vmem>>, vector<16xf32>,
    } {sc.loop_unroll_factor = 4 : i64, sc.parallel_access}
    %dma_wait3A_1010 = arith.constant 6 : i32
    %dma_wait3A_1011 = arith.constant 768 : i32
    %dma_wait3A_1012 = arith.constant 0 : i32
    %dma_wait3A_1013 = tpu.memref_slice %arg7[%dma_wait3A_1011, %dma_wait3A_1012] : memref<1024x16xf32, #tpu.memory_space<vmem>> -> memref<128x16xf32, #tpu.memory_space<vmem>>
    %dma_wait3A_1014 = arith.constant 0 : i32
    %dma_wait3A_1015 = tpu.memref_slice %arg6[%dma_wait3A_1010, %dma_wait3A_1014] : memref<8x128xi32, #tpu.memory_space<vmem>> -> memref<1x128xi32, #tpu.memory_space<vmem>>
    %dma_wait3A_1016 = tpu.memref_squeeze %dma_wait3A_1015 : memref<1x128xi32, #tpu.memory_space<vmem>> -> memref<128xi32, #tpu.memory_space<vmem>>
    %dma_wait3A_1017 = arith.constant 0 : i32
    %dma_wait3A_1018 = arith.constant 0 : i32
    %dma_wait3A_1019 = tpu.memref_slice %arg2[%dma_wait3A_1017, %dma_wait3A_1018] : memref<125000x16xf32, #tpu.memory_space<hbm>> -> memref<125000x16xf32, #tpu.memory_space<hbm>>
    tpu.wait_indirect_dma semaphore(%arg12 : memref<!tpu.dma_semaphore, #tpu.memory_space<semaphore_mem>>) src(%dma_wait3A_1019 : memref<125000x16xf32, #tpu.memory_space<hbm>>) dst(%dma_wait3A_1013 : memref<128x16xf32, #tpu.memory_space<vmem>>)
    %dma_wait3A_1020 = arith.constant 7 : i32
    %dma_wait3A_1021 = arith.constant 896 : i32
    %dma_wait3A_1022 = arith.constant 0 : i32
    %dma_wait3A_1023 = tpu.memref_slice %arg7[%dma_wait3A_1021, %dma_wait3A_1022] : memref<1024x16xf32, #tpu.memory_space<vmem>> -> memref<128x16xf32, #tpu.memory_space<vmem>>
    %dma_wait3A_1024 = arith.constant 0 : i32
    %dma_wait3A_1025 = tpu.memref_slice %arg6[%dma_wait3A_1020, %dma_wait3A_1024] : memref<8x128xi32, #tpu.memory_space<vmem>> -> memref<1x128xi32, #tpu.memory_space<vmem>>
    %dma_wait3A_1026 = tpu.memref_squeeze %dma_wait3A_1025 : memref<1x128xi32, #tpu.memory_space<vmem>> -> memref<128xi32, #tpu.memory_space<vmem>>
    %dma_wait3A_1027 = arith.constant 0 : i32
    %dma_wait3A_1028 = arith.constant 0 : i32
    %dma_wait3A_1029 = tpu.memref_slice %arg2[%dma_wait3A_1027, %dma_wait3A_1028] : memref<125000x16xf32, #tpu.memory_space<hbm>> -> memref<125000x16xf32, #tpu.memory_space<hbm>>
    tpu.wait_indirect_dma semaphore(%arg12 : memref<!tpu.dma_semaphore, #tpu.memory_space<semaphore_mem>>) src(%dma_wait3A_1029 : memref<125000x16xf32, #tpu.memory_space<hbm>>) dst(%dma_wait3A_1023 : memref<128x16xf32, #tpu.memory_space<vmem>>)
    %parallel_loop3A_1030 = arith.constant 48 : i32
    %parallel_loop3A_1031 = arith.constant 64 : i32
    %parallel_loop3A_1032 = arith.constant 1 : i32
    scf.for %parallel_loop3A_1037 = %parallel_loop3A_1030 to %parallel_loop3A_1031 step %parallel_loop3A_1032  : i32 {
      %parallel_loop3A_1038 = arith.constant 7 : i32
      %parallel_loop3A_1039 = arith.andi %parallel_loop3A_1037, %parallel_loop3A_1038 : i32
      %parallel_loop3A_1040 = arith.constant 4 : i32
      %parallel_loop3A_1041 = arith.shli %parallel_loop3A_1039, %parallel_loop3A_1040 : i32
      %parallel_loop3A_1042 = arith.constant 3 : i32
      %parallel_loop3A_1043 = arith.constant 0 : i32
      %parallel_loop3A_1044 = tpu.memref_slice %arg5[%parallel_loop3A_1042, %parallel_loop3A_1043] : memref<4x128xi32, #tpu.memory_space<vmem>> -> memref<1x128xi32, #tpu.memory_space<vmem>>
      %parallel_loop3A_1045 = tpu.memref_squeeze %parallel_loop3A_1044 : memref<1x128xi32, #tpu.memory_space<vmem>> -> memref<128xi32, #tpu.memory_space<vmem>>
      %parallel_loop3A_1046 = arith.index_cast %parallel_loop3A_1041 : i32 to index
      %parallel_loop3A_1047 = tpu.vector_load %parallel_loop3A_1045[%parallel_loop3A_1046] {strides = array<i32>} : memref<128xi32, #tpu.memory_space<vmem>>, vector<16xi32>,
      %parallel_loop3A_1048 = arith.constant 16 : i32
      %parallel_loop3A_1049 = arith.muli %parallel_loop3A_1037, %parallel_loop3A_1048 : i32
      %parallel_loop3A_1050 = vector.broadcast %parallel_loop3A_1049 : i32 to vector<16xi32>
      %parallel_loop3A_1051 = arith.addi %parallel_loop3A_1050, %iota3A : vector<16xi32>
      %parallel_loop3A_1052 = arith.constant 15 : i32
      %parallel_loop3A_1053 = vector.broadcast %parallel_loop3A_1052 : i32 to vector<16xi32>
      %parallel_loop3A_1054 = arith.andi %parallel_loop3A_1047, %parallel_loop3A_1053 : vector<16xi32>
      %parallel_loop3A_1055 = tpu.vector_load_idx %arg7[%parallel_loop3A_1051, %parallel_loop3A_1054] : memref<1024x16xf32, #tpu.memory_space<vmem>>[vector<16xi32>, vector<16xi32>], vector<16xf32>,
      %parallel_loop3A_1056 = arith.constant 16 : i32
      %parallel_loop3A_1057 = arith.muli %parallel_loop3A_1037, %parallel_loop3A_1056 : i32
      %parallel_loop3A_1058 = arith.index_cast %parallel_loop3A_1057 : i32 to index
      %parallel_loop3A_1059 = tpu.vector_load %arg8[%parallel_loop3A_1058] {strides = array<i32>} : memref<1024xf32, #tpu.memory_space<vmem>>, vector<16xf32>,
      tpu.vector_store %arg8[%parallel_loop3A_1058], %parallel_loop3A_1055 {strides = array<i32>} : memref<1024xf32, #tpu.memory_space<vmem>>, vector<16xf32>,
    } {sc.loop_unroll_factor = 4 : i64, sc.parallel_access}
    %mul3A_1033 = arith.constant 512 : i32
    %mul3A_1034 = arith.muli %add3A, %mul3A_1033 : i32
    %mul3A_1035 = arith.constant 2 : i32
    %mul3A_1036 = arith.muli %mul3A_1034, %mul3A_1035 : i32
    "tpu.region"() ({
      %run_scoped3A = tpu.sem_alloc : memref<!tpu.dma_semaphore, #tpu.memory_space<semaphore_mem>>
      %dma_start3A_1037 = tpu.memref_slice %arg4[%mul3A_1036] : memref<32768xf32, #tpu.memory_space<hbm>> -> memref<1024xf32, #tpu.memory_space<hbm>>
      %dma_start3A_1038 = tpu.memref_slice %arg4[%mul3A_1036] : memref<32768xf32, #tpu.memory_space<hbm>> -> memref<1024xf32, #tpu.memory_space<hbm>>
      tpu.enqueue_dma source(%arg8 : memref<1024xf32, #tpu.memory_space<vmem>>) target(%dma_start3A_1038 : memref<1024xf32, #tpu.memory_space<hbm>>) target_semaphore(%run_scoped3A : memref<!tpu.dma_semaphore, #tpu.memory_space<semaphore_mem>>)
      %dma_wait3A_1039 = tpu.memref_slice %arg4[%mul3A_1036] : memref<32768xf32, #tpu.memory_space<hbm>> -> memref<1024xf32, #tpu.memory_space<hbm>>
      %dma_wait3A_1040 = tpu.memref_slice %arg4[%mul3A_1036] : memref<32768xf32, #tpu.memory_space<hbm>> -> memref<1024xf32, #tpu.memory_space<hbm>>
      tpu.wait_dma2 semaphore(%run_scoped3A : memref<!tpu.dma_semaphore, #tpu.memory_space<semaphore_mem>>) src(%arg8 : memref<1024xf32, #tpu.memory_space<vmem>>) dst(%dma_wait3A_1040 : memref<1024xf32, #tpu.memory_space<hbm>>)
      tpu.yield
    }) : () -> ()
    return
  }
}

</mosaic_0001>

<sc_bundles>
// kernel: kernel.4.cloned.1.call-start
scs
__scs_entry_jumppad:
0x0: {  	(pc) =	sbr.rel $0x88, $3  }
0x1: {  	(tag) =	ssettag $0x0;
	lr =	simm.s32 $0x1  }
0x2: {  	[smem:$0x3F9E] =	sst lr;
	_ =	strace $0xD0000000  }
0x3: {  	_ = 	snop  }
0x4: {  	_ = 	snop  }
0x5: {  	_ = 	snop  }
0x6: {  	_ = 	snop  }
0x7: {  	_ = 	snop  }
__scs_overlays_trampoline_lowered:
0x8: {  	[smem:$0x3FAD] =	sst s0  }
0x9: {  	[smem:$0x3FAE] =	sst s1  }
0xa: {  	[smem:$0x3FAF] =	sst s2  }
0xb: {  	[smem:$0x3FB0] =	sst s3  }
0xc: {  	[smem:$0x3FB1] =	sst s4  }
0xd: {  	[smem:$0x3FB2] =	sst s5  }
0xe: {  	[smem:$0x3FB3] =	sst s6  }
0xf: {  	[smem:$0x3FB4] =	sst s7  }
0x10: {  	[smem:$0x3FB5] =	sst s8  }
0x11: {  	[smem:$0x3FB6] =	sst s9;
	s0 =	simm.s32 @!p0 $0x0  }
0x12: {  	s1 =	sld [smem:$0x3F9C];
	s0 =	simm.s32 @p0 $0x1  }
0x13: {  	[smem:$0x3FB7] =	sst s0;
	s0 =	simm.s32 @!p1 $0x0  }
0x14: {  	s2 =	sld [smem:$0x3F9B];
	s0 =	simm.s32 @p1 $0x1  }
0x15: {  	[smem:$0x3FB8] =	sst s0;
	s0 =	simm.s32 @!p2 $0x0  }
0x16: {  	s3 =	sld [smem:$0x3FDB];
	s0 =	simm.s32 @p2 $0x1  }
0x17: {  	s4 =	simm.s32 $0x1BF5;
	[smem:$0x3FBA] =	sst s0  }
0x18: {  	s0 =	sld [smem:$0x3F9D];
	_ =	swait.ge [sflag:s4], $0x0  }
0x19: {  	s7 =	sld [smem:$0x3F9E]  }
0x1a: {  	s8 =	sadd.s32 $0xFFFFE003, lr  }
0x1b: {  	s9 =	sadd.s32 $0xFFFFFEF7, lr;
	s5 =	simm.s32 $0xFFFFFFFF;
	p2 =	slt.u32 s8, $0xFFFFF086  }
0x1c: {  	p1 =	slt.u32 s9, $0xF7A;
	s5 =	simm.s32 @!p2 $0x0  }
0x1d: {  	s5 =	simm.s32 @p1 $0x1;
	p0 =	seq.s32 s7, s2  }
0x1e: {  	s7 =	smul.u32 @!p0 $0xF7A, s2;
	p2 =	seq.s32 @!p0 s5, $0x0  }
0x1f: {  	s9 =	smul.u32 $0xF7A, s1;
	s8 =	simm.s32 @!p0 $0x1BF5;
	p2 =	por !p2, p0  }
0x20: {  	[sflag:s8] =	ssyncset.s32 @!p0 $0xFFFFF086;
	s6 =	sadd.s32 @!p0 s3, s7;
	s7 =	simm.s32 @!p0 $0x108  }
0x21: {  	s3 =	sadd.s32 s3, s9;
	s6 =	sadd.s32 @!p0 $0x88, s6;
	s7 =	simm.s32 @p2 $0x1082  }
0x22: {  	[simem:s7], [sflag:s8] =	dma.local @!p0 [hbm:s6], $0xF7A  }
0x23: {  	s9 =	sor.u32 $0xD0000000, s2;
	s6 =	simm.s32 $0x108;
	_ =	swait.ge @!p0 [sflag:s8], $0x0  }
0x24: {  	s3 =	sadd.s32 $0x88, s3;
	s6 =	simm.s32 @!p1 $0x1082;
	[sflag:s4] =	ssyncset.s32 $0xFFFFF086  }
0x25: {  	[simem:s6], [sflag:s4] =	dma.local [hbm:s3], $0xF7A  }
0x26: {  	[smem:$0x3F9E] =	sst s1;
	(tag) =	ssettag s2;
	_ =	strace s9  }
0x27: {  	s1 =	sld [smem:$0x3FAE]  }
0x28: {  	s2 =	sld [smem:$0x3FAF]  }
0x29: {  	s4 =	sld [smem:$0x3FB1]  }
0x2a: {  	p0 =	seq.s32 s5, $0x0;
	s5 =	sld [smem:$0x3FB2]  }
0x2b: {  	s6 =	sld [smem:$0x3FB3]  }
0x2c: {  	s7 =	sld [smem:$0x3FB4]  }
0x2d: {  	s3 =	simm.s32 $0x108;
	s8 =	sld [smem:$0x3FB5]  }
0x2e: {  	s3 =	simm.s32 @!p0 $0x1082;
	s9 =	sld [smem:$0x3FB6]  }
0x2f: {  	lr =	sadd.s32 s0, s3;
	s0 =	sld [smem:$0x3FAD]  }
0x30: {  	s3 =	sld [smem:$0x3FB0]  }
0x31: {  	[smem:$0x3FB9] =	sst s10  }
0x32: {  	s10 =	sld [smem:$0x3FB7];
	_ =	sdelay $0x3  }
0x33: {  	p0 =	seq.s32 s10, $0x1;
	s10 =	sld [smem:$0x3FB9];
	_ =	sdelay $0x3  }
0x34: {  	[smem:$0x3FB9] =	sst s10  }
0x35: {  	s10 =	sld [smem:$0x3FB8];
	_ =	sdelay $0x3  }
0x36: {  	p1 =	seq.s32 s10, $0x1;
	s10 =	sld [smem:$0x3FB9];
	_ =	sdelay $0x3  }
0x37: {  	[smem:$0x3FB9] =	sst s10  }
0x38: {  	s10 =	sld [smem:$0x3FBA]  }
0x39: {  	_ = 	snop;
	(pc) =	sbr.ind lr, $3  }
0x3a: {  	_ = 	snop  }
0x3b: {  	_ = 	snop  }
0x3c: {  	p2 =	seq.s32 s10, $0x1;
	s10 =	sld [smem:$0x3FB9]  }
0x3d: {  	_ =	shalt  }
0x3e: {  	_ =	shalt  }
0x3f: {  	_ =	shalt  }
0x40: {  	_ =	shalt  }
0x41: {  	_ =	shalt  }
0x42: {  	_ =	shalt  }
0x43: {  	_ =	shalt  }
0x44: {  	_ =	shalt  }
0x45: {  	_ =	shalt  }
0x46: {  	_ =	shalt  }
0x47: {  	_ =	shalt  }
0x48: {  	_ =	shalt  }
0x49: {  	_ =	shalt  }
0x4a: {  	_ =	shalt  }
0x4b: {  	_ =	shalt  }
0x4c: {  	_ =	shalt  }
0x4d: {  	_ =	shalt  }
0x4e: {  	_ =	shalt  }
0x4f: {  	_ =	shalt  }
0x50: {  	_ =	shalt  }
0x51: {  	_ =	shalt  }
0x52: {  	_ =	shalt  }
0x53: {  	_ =	shalt  }
0x54: {  	_ =	shalt  }
0x55: {  	_ =	shalt  }
0x56: {  	_ =	shalt  }
0x57: {  	_ =	shalt  }
0x58: {  	_ =	shalt  }
0x59: {  	_ =	shalt  }
0x5a: {  	_ =	shalt  }
0x5b: {  	_ =	shalt  }
0x5c: {  	_ =	shalt  }
0x5d: {  	_ =	shalt  }
0x5e: {  	_ =	shalt  }
0x5f: {  	_ =	shalt  }
0x60: {  	_ =	shalt  }
0x61: {  	_ =	shalt  }
0x62: {  	_ =	shalt  }
0x63: {  	_ =	shalt  }
0x64: {  	_ =	shalt  }
0x65: {  	_ =	shalt  }
0x66: {  	_ =	shalt  }
0x67: {  	_ =	shalt  }
0x68: {  	_ =	shalt  }
0x69: {  	_ =	shalt  }
0x6a: {  	_ =	shalt  }
0x6b: {  	_ =	shalt  }
0x6c: {  	_ =	shalt  }
0x6d: {  	_ =	shalt  }
0x6e: {  	_ =	shalt  }
0x6f: {  	_ =	shalt  }
0x70: {  	_ =	shalt  }
0x71: {  	_ =	shalt  }
0x72: {  	_ =	shalt  }
0x73: {  	_ =	shalt  }
0x74: {  	_ =	shalt  }
0x75: {  	_ =	shalt  }
0x76: {  	_ =	shalt  }
0x77: {  	_ =	shalt  }
0x78: {  	_ =	shalt  }
0x79: {  	_ =	shalt  }
0x7a: {  	_ =	shalt  }
0x7b: {  	_ =	shalt  }
0x7c: {  	_ =	shalt  }
0x7d: {  	_ =	shalt  }
0x7e: {  	_ =	shalt  }
0x7f: {  	_ =	shalt  }
0x80: {  	_ =	shalt  }
0x81: {  	_ =	shalt  }
0x82: {  	_ =	shalt  }
0x83: {  	_ =	shalt  }
0x84: {  	_ =	shalt  }
0x85: {  	_ =	shalt  }
0x86: {  	_ =	shalt  }
0x87: {  	_ =	shalt  }
.Lfunc_end0:
.L_simem_size_0:
called_computation_lowered:
.L_overlay_start_0:
0x88: {  	s2 =	sld [smem:$0x3FD9]  }
0x89: {  	s3 =	sld [smem:$0x3FFE];
	_ =	sdelay $0x1  }
0x8a: {  	s1 =	srdreg.scid  }
0x8b: {  	s0 =	sand.u32 $0x1, s1  }
0x8c: {  	s15 =	sshll.u32 s0, $0xA;
	s2 =	sadd.s32 s3, s2  }
0x8d: {  	s2 =	sadd.s32 s2, s15  }
0x8e: {  	[smem:$0x3FC5] =	sst s2  }
0x8f: {  	_ = 	snop  }
0x90: {  	s16 =	sld [smem:$0x3FD0];
	_ =	sdelay $0x2  }
0x91: {  	s4 =	simm.s32 $0xB;
	s5 =	simm.s32 $0x10;
	s2 =	sld [smem:$0x3FC7]  }
0x92: {  	[smem:s5], [sflag:s4] =	dma.local [hbm:s16], $0x1  }
0x93: {  	_ =	swait.eq [sflag:s4], $0x1  }
0x94: {  	[sflag:s4] =	ssyncset.done $0x0  }
0x95: {  	[sflag:s4] =	ssyncadd.s32 $0xFFFFFFFF  }
0x96: {  	s17 =	sld [smem:$0x11];
	(tm) =	ssettm $0x1  }
0x97: {  	s18 =	sld [smem:$0x3FFB];
	_ =	sdelay $0x3  }
0x98: {  	_ =	strace s18  }
0x99: {  	s3 =	sld [smem:$0x3FFC];
	_ =	sdelay $0x3  }
0x9a: {  	_ =	strace s3  }
0x9b: {  	s3 =	sld [smem:$0x3FFD];
	_ =	sdelay $0x3  }
0x9c: {  	_ =	strace s3  }
0x9d: {  	_ =	strace $0x8FFFFFFF  }
0x9e: {  	s19 =	sld [smem:$0x3FDB];
	_ =	sdelay $0x1  }
0x9f: {  	s20 =	simm.s32 $_scs_section_size  }
0xa0: {  	s6 =	simm.s32 $_size__tile_overlayer_lowered;
	s7 =	simm.s32 $_tile_overlayer_lowered  }
0xa1: {  	s8 =	simm.s32 $0x1BFF;
	s21 =	sshll.u32 s7, $0x1;
	s5 =	sadd.s32 s20, s19  }
0xa2: {  	s22 =	simm.s32 $0x0;
	s6 =	sshll.u32 s6, $0x1;
	s7 =	sadd.s32 s21, s5  }
0xa3: {  	[timem:s22], [sflag:s8] =	dma.local [hbm:s7], s6  }
0xa4: {  	_ =	swait.ge [sflag:s8], s6  }
0xa5: {  	s6 =	ssub.s32 $0x0, s6;
	[sflag:s8] =	ssyncset.done $0x0  }
0xa6: {  	[sflag:s8] =	ssyncadd.s32 s6;
	_ =	sdelay $0x1  }
0xa7: {  	s23 =	simm.s32 $0x1B8B  }
0xa8: {  	_ =	swait.ge [sflag:s23], $0x1  }
0xa9: {  	[sflag:s23] =	ssyncset.done $0x0  }
0xaa: {  	[sflag:s23] =	ssyncadd.s32 $0xFFFFFFFF  }
0xab: {  	s6 =	sld [smem:$0x0]  }
0xac: {  	s7 =	sand.u32 $0xFFFFFFFE, s1  }
0xad: {  	p0 =	sne.s32 s1, s7  }
0xae: {  	s7 =	sshll.u32 @p0 s7, $0xE  }
0xaf: {  	s7 =	sadd.s32 @p0 $0x11B8D, s7;
	s8 =	sshll.u32 @p0 s6, $0x11  }
0xb0: {  	s7 =	sor.u32 @p0 s8, s7  }
0xb1: {  	[sflag:s7] =	ssyncadd.remote.s32 @p0 $0x1;
	_ =	sdelay $0x1  }
0xb2: {  	s7 =	simm.s32 @p0 $0x1B8D  }
0xb3: {  	_ =	swait.eq @p0 [sflag:s7], $0x1  }
0xb4: {  	[sflag:s7] =	ssyncadd.s32 @p0 $0xFFFFFFFF  }
0xb5: {  	s8 =	sshll.u32 @!p0 s1, $0xE  }
0xb6: {  	s8 =	sor.u32 @!p0 $0x4000, s8;
	s7 =	simm.s32 @!p0 $0x1B8D  }
0xb7: {  	s6 =	sshll.u32 @!p0 s6, $0x11;
	s8 =	sadd.s32 @!p0 $0x11B8D, s8;
	_ =	swait.eq @!p0 [sflag:s7], $0x1  }
0xb8: {  	s6 =	sor.u32 @!p0 s6, s8;
	[sflag:s7] =	ssyncadd.s32 @!p0 $0xFFFFFFFF  }
0xb9: {  	s25 =	simm.s32 $0x1B8E;
	s24 =	sld [smem:$0x3FFE];
	[sflag:s6] =	ssyncadd.remote.s32 @!p0 $0x1  }
0xba: {  	s26 =	simm.s32 $execute0_lowered;
	[smem:$0x3FD2] =	sst s25  }
0xbb: {  	s7 =	sshll.u32 s26, $0x1;
	_ =	strace $0x80000049;
	[dreg:$0x1] =	wrdreg $0xFFFFFFFF  }
0xbc: {  	s28 =	simm.s32 $_size_execute0_lowered;
	s5 =	sadd.s32 s5, s7;
	[dreg:$0x0] =	wrdreg $0x0  }
0xbd: {  	s7 =	sshll.u32 s28, $0x1;
	[dreg:$0x2] =	wrdreg s5  }
0xbe: {  	[dreg:$0x3] =	wrdreg s7  }
0xbf: {  	[dreg:$0x4] =	wrdreg $0xC0  }
0xc0: {  	_ =	task [dreg:s22], $0x5FFFF  }
0xc1: {  	[dreg:$0x1] =	wrdreg $0xFFFFFFFF  }
0xc2: {  	[dreg:$0x0] =	wrdreg $0x60  }
0xc3: {  	[dreg:$0x2] =	wrdreg s24  }
0xc4: {  	[dreg:$0x3] =	wrdreg s2  }
0xc5: {  	[dreg:$0x4] =	wrdreg s17  }
0xc6: {  	[dreg:$0x5] =	wrdreg $0x9  }
0xc7: {  	_ =	task.clear_ibuf [dreg:s22], $0x6FFFF;
	_ =	strace $0x90000049  }
0xc8: {  	s29 =	simm.s32 $0x9;
	_ =	strace $0x8000004B  }
0xc9: {  	_ =	swait.ge [sflag:s29], $0x1  }
0xca: {  	[sflag:s29] =	ssyncadd.s32 $0xFFFFFFFF  }
0xcb: {  	_ =	strace $0x9000004B  }
0xcc: {  	_ =	sfence  }
0xcd: {  	s30 =	sld [smem:$0x0];
	_ =	sdelay $0x2  }
0xce: {  	s31 =	sshll.u32 s1, $0xD;
	s1 =	sshrl.u32 s1, $0x2  }
0xcf: {  	s4 =	sand.u32 $0x4000, s31;
	s1 =	sadd.s32 s1, s30  }
0xd0: {  	s0 =	sor.u32 s4, s0;
	s1 =	sshll.u32 s1, $0x11  }
0xd1: {  	s0 =	sor.u32 s1, s0  }
0xd2: {  	s0 =	sadd.s32 $0x8F2B, s0  }
0xd3: {  	[sflag:s0] =	ssyncadd.remote.s32 $0x1  }
0xd4: {  	_ =	sfence.sel $0xFFFF  }
0xd5: {  	[dreg:$0x0] =	wrdreg $0xFFFFFFFF;
	(pc) =	sbr.abs _section_cstart, $3  }
0xd6: {  	[dreg:$0x1] =	wrdreg $0xFFFFFFFF  }
0xd7: {  	_ =	task.clear_ibuf [dreg:s22], $0x2FFFF;
	_ =	strace $0x9FFFFFFF  }
0xd8: {  	(tm) =	ssettm $0x7FFFFFFF  }
0xd9: {  	_ =	shalt  }
tec
execute0_lowered:
.L_overlay_start_1:
0x0: {  	(tag) =	ssettag $0x1  }
0x1: {  	s0 =	rddreg [dreg:$0x0]  }
0x2: {  	s1 =	rddreg [dreg:$0x1]  }
0x3: {  	s5 =	rddreg [dreg:$0x2];
	s2 =	simm.s32 $0x0  }
0x4: {  	s3 =	srdreg.scid;
	s7 =	stileid.u32;
	s8 =	simm.s32 $0x80  }
0x5: {  	s10 =	simm.s32 $0x600;
	s17 =	simm.s32 $0x400;
	s18 =	simm.s32 $0x2600  }
0x6: {  	s19 =	simm.s32 $0x480;
	s20 =	simm.s32 $0x2E00;
	s21 =	simm.s32 $0x500  }
0x7: {  	s22 =	simm.s32 $0x3600;
	s23 =	simm.s32 $0x580;
	s24 =	simm.s32 $0x3E00  }
0x8: {  	s28 =	simm.s32 $0x3;
	s29 =	simm.s32 $0x4;
	s30 =	simm.s32 $0x4600  }
0x9: {  	s31 =	simm.s32 $0x0;
	[smem:$0x7FF] =	sst s2;
	s4 =	sand.u32 $0x1, s3  }
0xa: {  	s7 =	sshll.u32 s7, $0x1;
	s3 =	sadd.s32 $0x7B200, s0;
	s6 =	ssub.s32 $0x2, s4  }
0xb: {  	_ =	strace $0x8000004A;
	s4 =	sor.u32 s4, s7;
	s25 =	sshrl.u32 s6, $0x1  }
0xc: {  	s26 =	sshll.u32 s4, $0x6;
	s7 =	sshll.u32 s4, $0x7;
	s0 =	ssub.s32 s6, s25  }
0xd: {  	v0 =	vlaneseq.u32;
	s4 =	sadd.s32 s1, s26;
	s5 =	sadd.s32 s5, s7;
	s7 =	simm.s32 $0x5  }
0xe: {  	v0 =	vmul.u32 $0x10, v0;
	s25 =	simm.s32 $0x1;
	s26 =	simm.s32 $0x2;
	s6 =	smax.u32 s0, $0x1  }
.LBB2_1:
0xf: {  	[tilespmem:s2], [sflag:$0x5] =	stream.linear.gather [hbm4b:s4+s2], $0x200, $0x38;
	[tilespmem:$0x4A00] =	vst v63  }
0x10: {  	_ =	swait.ge [sflag:s7], $0x200  }
0x11: {  	[sflag:s7] =	ssyncset.done $0x0  }
0x12: {  	[sflag:s7] =	ssyncadd.s32 $0xFFFFFE00  }
0x13: {  	v1 =	vld [tilespmem:$0x0];
	_ =	sdelay $0x1  }
0x14: {  	v2 =	vld [tilespmem:$0x10];
	_ =	sdelay $0x1  }
0x15: {  	v3 =	vld [tilespmem:$0x20]  }
0x16: {  	v1 =	vshra.s32 v1, $0x4  }
0x17: {  	v4 =	vld [tilespmem:$0x30];
	[tilespmem:$0x200] =	vst v1;
	v1 =	vadd.s32 $0xF424, v1  }
0x18: {  	[tilespmem:$0x280] =	vst v1;
	v1 =	vshra.s32 v2, $0x4  }
0x19: {  	v2 =	vld [tilespmem:$0x40];
	[tilespmem:$0x210] =	vst v1;
	v1 =	vadd.s32 $0xF424, v1  }
0x1a: {  	[tilespmem:$0x290] =	vst v1;
	v1 =	vshra.s32 v3, $0x4  }
0x1b: {  	v3 =	vld [tilespmem:$0x50];
	[tilespmem:$0x220] =	vst v1;
	v1 =	vadd.s32 $0xF424, v1  }
0x1c: {  	[tilespmem:$0x2A0] =	vst v1;
	v1 =	vshra.s32 v4, $0x4  }
0x1d: {  	v4 =	vld [tilespmem:$0x60];
	[tilespmem:$0x230] =	vst v1;
	v1 =	vadd.s32 $0xF424, v1  }
0x1e: {  	[tilespmem:$0x2B0] =	vst v1;
	v1 =	vshra.s32 v2, $0x4  }
0x1f: {  	v2 =	vld [tilespmem:$0x70];
	[tilespmem:$0x240] =	vst v1;
	v1 =	vadd.s32 $0xF424, v1  }
0x20: {  	[tilespmem:$0x2C0] =	vst v1;
	v1 =	vshra.s32 v3, $0x4  }
0x21: {  	v3 =	vld [tilespmem:$0x80];
	[tilespmem:$0x250] =	vst v1;
	v1 =	vadd.s32 $0xF424, v1  }
0x22: {  	[tilespmem:$0x2D0] =	vst v1;
	v1 =	vshra.s32 v4, $0x4  }
0x23: {  	v4 =	vld [tilespmem:$0x90];
	[tilespmem:$0x260] =	vst v1;
	v1 =	vadd.s32 $0xF424, v1  }
0x24: {  	[tilespmem:$0x2E0] =	vst v1;
	v1 =	vshra.s32 v2, $0x4  }
0x25: {  	v2 =	vld [tilespmem:$0xA0];
	[tilespmem:$0x270] =	vst v1;
	v1 =	vadd.s32 $0xF424, v1  }
0x26: {  	[tilespmem:$0x2F0] =	vst v1;
	v1 =	vshra.s32 v3, $0x4  }
0x27: {  	v3 =	vld [tilespmem:$0xB0];
	[tilespmem:$0x300] =	vst v1;
	v1 =	vadd.s32 $0xF424, v1  }
0x28: {  	[tilespmem:$0x380] =	vst v1;
	v1 =	vshra.s32 v4, $0x4  }
0x29: {  	v4 =	vld [tilespmem:$0xC0];
	[tilespmem:$0x310] =	vst v1;
	v1 =	vadd.s32 $0xF424, v1  }
0x2a: {  	[tilespmem:$0x390] =	vst v1;
	v1 =	vshra.s32 v2, $0x4  }
0x2b: {  	v2 =	vld [tilespmem:$0xD0];
	[tilespmem:$0x320] =	vst v1;
	v1 =	vadd.s32 $0xF424, v1  }
0x2c: {  	[tilespmem:$0x3A0] =	vst v1;
	v1 =	vshra.s32 v3, $0x4  }
0x2d: {  	v3 =	vld [tilespmem:$0xE0];
	[tilespmem:$0x330] =	vst v1;
	v1 =	vadd.s32 $0xF424, v1  }
0x2e: {  	[tilespmem:$0x3B0] =	vst v1;
	v1 =	vshra.s32 v4, $0x4  }
0x2f: {  	v4 =	vld [tilespmem:$0xF0];
	[tilespmem:$0x340] =	vst v1;
	v1 =	vadd.s32 $0xF424, v1  }
0x30: {  	[tilespmem:$0x3C0] =	vst v1;
	v1 =	vshra.s32 v2, $0x4  }
0x31: {  	v2 =	vld [tilespmem:$0x100];
	[tilespmem:$0x350] =	vst v1;
	v1 =	vadd.s32 $0xF424, v1  }
0x32: {  	[tilespmem:$0x3D0] =	vst v1;
	v1 =	vshra.s32 v3, $0x4  }
0x33: {  	v3 =	vld [tilespmem:$0x110];
	[tilespmem:$0x360] =	vst v1;
	v1 =	vadd.s32 $0xF424, v1  }
0x34: {  	[tilespmem:$0x3E0] =	vst v1;
	v1 =	vshra.s32 v4, $0x4  }
0x35: {  	v4 =	vld [tilespmem:$0x120];
	[tilespmem:$0x370] =	vst v1;
	v1 =	vadd.s32 $0xF424, v1  }
0x36: {  	[tilespmem:$0x3F0] =	vst v1;
	v1 =	vshra.s32 v2, $0x4  }
0x37: {  	v2 =	vld [tilespmem:$0x130];
	[tilespmem:$0x400] =	vst v1;
	v1 =	vadd.s32 $0xF424, v1  }
0x38: {  	[tilespmem:$0x480] =	vst v1;
	v1 =	vshra.s32 v3, $0x4  }
0x39: {  	v3 =	vld [tilespmem:$0x140];
	[tilespmem:$0x410] =	vst v1;
	v1 =	vadd.s32 $0xF424, v1  }
0x3a: {  	[tilespmem:$0x490] =	vst v1;
	v1 =	vshra.s32 v4, $0x4  }
0x3b: {  	v4 =	vld [tilespmem:$0x150];
	[tilespmem:$0x420] =	vst v1;
	v1 =	vadd.s32 $0xF424, v1  }
0x3c: {  	[tilespmem:$0x4A0] =	vst v1;
	v1 =	vshra.s32 v2, $0x4  }
0x3d: {  	v2 =	vld [tilespmem:$0x160];
	[tilespmem:$0x430] =	vst v1;
	v1 =	vadd.s32 $0xF424, v1  }
0x3e: {  	[tilespmem:$0x4B0] =	vst v1;
	v1 =	vshra.s32 v3, $0x4  }
0x3f: {  	v3 =	vld [tilespmem:$0x170];
	[tilespmem:$0x440] =	vst v1;
	v1 =	vadd.s32 $0xF424, v1  }
0x40: {  	[tilespmem:$0x4C0] =	vst v1;
	v1 =	vshra.s32 v4, $0x4  }
0x41: {  	v4 =	vld [tilespmem:$0x180];
	[tilespmem:$0x450] =	vst v1;
	v1 =	vadd.s32 $0xF424, v1  }
0x42: {  	[tilespmem:$0x4D0] =	vst v1;
	v1 =	vshra.s32 v2, $0x4  }
0x43: {  	v2 =	vld [tilespmem:$0x190];
	[tilespmem:$0x460] =	vst v1;
	v1 =	vadd.s32 $0xF424, v1  }
0x44: {  	[tilespmem:$0x4E0] =	vst v1;
	v1 =	vshra.s32 v3, $0x4  }
0x45: {  	v3 =	vld [tilespmem:$0x1A0];
	[tilespmem:$0x470] =	vst v1;
	v1 =	vadd.s32 $0xF424, v1  }
0x46: {  	[tilespmem:$0x4F0] =	vst v1;
	v1 =	vshra.s32 v4, $0x4  }
0x47: {  	v4 =	vld [tilespmem:$0x1B0];
	[tilespmem:$0x500] =	vst v1;
	v1 =	vadd.s32 $0xF424, v1  }
0x48: {  	[tilespmem:$0x580] =	vst v1;
	v1 =	vshra.s32 v2, $0x4  }
0x49: {  	v2 =	vld [tilespmem:$0x1C0];
	[tilespmem:$0x510] =	vst v1;
	v1 =	vadd.s32 $0xF424, v1  }
0x4a: {  	[tilespmem:$0x590] =	vst v1;
	v1 =	vshra.s32 v3, $0x4  }
0x4b: {  	v3 =	vld [tilespmem:$0x1D0];
	[tilespmem:$0x520] =	vst v1;
	v1 =	vadd.s32 $0xF424, v1  }
0x4c: {  	[tilespmem:$0x5A0] =	vst v1;
	v1 =	vshra.s32 v4, $0x4  }
0x4d: {  	v4 =	vld [tilespmem:$0x1E0];
	[tilespmem:$0x530] =	vst v1;
	v1 =	vadd.s32 $0xF424, v1  }
0x4e: {  	[tilespmem:$0x5B0] =	vst v1;
	v1 =	vshra.s32 v2, $0x4  }
0x4f: {  	v2 =	vld [tilespmem:$0x1F0];
	[tilespmem:$0x540] =	vst v1;
	v1 =	vadd.s32 $0xF424, v1  }
0x50: {  	[tilespmem:$0x5C0] =	vst v1;
	v1 =	vshra.s32 v3, $0x4  }
0x51: {  	[tilespmem:$0x550] =	vst v1;
	v1 =	vadd.s32 $0xF424, v1  }
0x52: {  	[tilespmem:$0x5D0] =	vst v1;
	v1 =	vshra.s32 v4, $0x4  }
0x53: {  	[tilespmem:$0x560] =	vst v1;
	v1 =	vadd.s32 $0xF424, v1  }
0x54: {  	[tilespmem:$0x5E0] =	vst v1;
	v1 =	vshra.s32 v2, $0x4  }
0x55: {  	[tilespmem:$0x570] =	vst v1;
	v1 =	vadd.s32 $0xF424, v1  }
0x56: {  	s0 =	simm.s32 $0x200;
	[tilespmem:$0x5F0] =	vst v1  }
0x57: {  	[tilespmem:s10], [sflag:$0x1] =	stream.indirect.gather [hbm4b:s3+s8], $0x10, s0, s8, $0xb8;
	[tilespmem:$0x4A00] =	vst v63  }
0x58: {  	s16 =	simm.s32 $0x280;
	s1 =	simm.s32 $0xE00  }
0x59: {  	[tilespmem:s1], [sflag:$0x1] =	stream.indirect.gather [hbm4b:s3+s8], $0x10, s16, s8, $0xb8;
	[tilespmem:$0x4A00] =	vst v63  }
0x5a: {  	s9 =	simm.s32 $0x300;
	s11 =	simm.s32 $0x1600  }
0x5b: {  	[tilespmem:s11], [sflag:$0x2] =	stream.indirect.gather [hbm4b:s3+s8], $0x10, s9, s8, $0xb8;
	[tilespmem:$0x4A00] =	vst v63  }
0x5c: {  	s12 =	simm.s32 $0x380;
	s13 =	simm.s32 $0x1E00  }
0x5d: {  	[tilespmem:s13], [sflag:$0x2] =	stream.indirect.gather [hbm4b:s3+s8], $0x10, s12, s8, $0xb8;
	[tilespmem:$0x4A00] =	vst v63  }
0x5e: {  	_ = 	snop  }
0x5f: {  	[tilespmem:s18], [sflag:$0x3] =	stream.indirect.gather [hbm4b:s3+s8], $0x10, s17, s8, $0xb8;
	[tilespmem:$0x4A00] =	vst v63  }
0x60: {  	_ = 	snop  }
0x61: {  	[tilespmem:s20], [sflag:$0x3] =	stream.indirect.gather [hbm4b:s3+s8], $0x10, s19, s8, $0xb8;
	[tilespmem:$0x4A00] =	vst v63  }
0x62: {  	_ = 	snop  }
0x63: {  	[tilespmem:s22], [sflag:$0x4] =	stream.indirect.gather [hbm4b:s3+s8], $0x10, s21, s8, $0xb8;
	[tilespmem:$0x4A00] =	vst v63  }
0x64: {  	_ = 	snop  }
0x65: {  	[tilespmem:s24], [sflag:$0x4] =	stream.indirect.gather [hbm4b:s3+s8], $0x10, s23, s8, $0xb8;
	[tilespmem:$0x4A00] =	vst v63  }
0x66: {  	_ =	swait.ge [sflag:s25], $0x800  }
0x67: {  	[sflag:s25] =	ssyncset.done $0x0  }
0x68: {  	[sflag:s25] =	ssyncadd.s32 $0xFFFFF800  }
0x69: {  	_ =	swait.ge [sflag:s25], $0x800  }
0x6a: {  	s14 =	simm.s32 $0x20;
	[sflag:s25] =	ssyncset.done $0x0  }
0x6b: {  	s15 =	sand.u32 $0x60, s14;
	[sflag:s25] =	ssyncadd.s32 $0xFFFFF800  }
0x6c: {  	v7 =	vmov s14;
	s14 =	simm.s32 $0x70;
	s9 =	simm.s32 $0x0;
	v1 =	vld [tilespmem:s15+$0x0]  }
0x6d: {  	v7 =	vshll.u32 v7, $0x4;
	v9 =	vmov s14;
	s16 =	simm.s32 $0x30;
	s12 =	sand.u32 $0x40, s9  }
0x6e: {  	v7 =	vor.u32 v0, v7;
	v9 =	vshll.u32 v9, $0x4;
	s1 =	sand.u32 $0x70, s16;
	s11 =	simm.s32 $0x10;
	v2 =	vld [tilespmem:s12+$0x0]  }
0x6f: {  	v13 =	vor.u32 v0, v9;
	v3 =	vmov s16;
	s16 =	simm.s32 $0x40;
	v4 =	vmov s11;
	s11 =	sand.u32 $0x50, s11;
	s12 =	simm.s32 $0x60  }
0x70: {  	v3 =	vshll.u32 v3, $0x4;
	v11 =	vmov s16;
	v5 =	vmov s9;
	v6 =	vld [tilespmem:s11+$0x0];
	s15 =	simm.s32 $0x50;
	s13 =	sand.u32 $0x60, s12  }
0x71: {  	v3 =	vor.u32 v0, v3;
	v9 =	vshll.u32 v11, $0x4;
	s9 =	sand.u32 $0x50, s15;
	v8 =	vld [tilespmem:s13+$0x0];
	v1 =	vand.u32 $0xF, v1  }
0x72: {  	v4 =	vshll.u32 v4, $0x4;
	v5 =	vshll.u32 v5, $0x4;
	v11 =	vld [tilespmem:s9+$0x0];
	v1 =	vor.u32 v7, v1  }
0x73: {  	v9 =	vor.u32 v0, v9;
	v5 =	vor.u32 v0, v5;
	v2 =	vand.u32 $0xF, v2;
	v7 =	vld [tilespmem:s1+$0x0];
	s1 =	sand.u32 $0x40, s16  }
0x74: {  	v4 =	vor.u32 v0, v4;
	s11 =	sand.u32 $0x70, s14;
	v10 =	vmov s15;
	v2 =	vor.u32 v5, v2;
	v12 =	vld [tilespmem:s1+$0x0]  }
0x75: {  	v15 =	vld [tilespmem:s11+$0x0];
	v10 =	vshll.u32 v10, $0x4;
	v6 =	vand.u32 $0xF, v6;
	v5 =	vmov s12  }
0x76: {  	s15 =	simm.s32 $0x90;
	v10 =	vor.u32 v0, v10;
	s12 =	simm.s32 $0xA0;
	v16 =	vor.u32 v4, v6;
	v5 =	vshll.u32 v5, $0x4  }
0x77: {  	v6 =	vmov s15;
	s14 =	sand.u32 $0x60, s12;
	v14 =	vld.idx.msk [tilespmem:v1+s10+$0x0], $0xffff;
	v1 =	vor.u32 v0, v5;
	v5 =	vand.u32 $0xF, v8  }
0x78: {  	s13 =	simm.s32 $0xB0;
	s16 =	simm.s32 $0x80;
	v11 =	vand.u32 $0xF, v11;
	v17 =	vld [tilespmem:s14+$0x0];
	v7 =	vand.u32 $0xF, v7;
	v5 =	vor.u32 v1, v5  }
0x79: {  	s0 =	sand.u32 $0x40, s16;
	v18 =	vld.idx.msk [tilespmem:v2+s10+$0x0], $0xffff;
	v1 =	vor.u32 v3, v7;
	v3 =	vmov s13;
	v4 =	vand.u32 $0xF, v12  }
0x7a: {  	s11 =	sand.u32 $0x50, s15;
	v8 =	vld [tilespmem:s0+$0x0];
	v7 =	vmov s16;
	v12 =	vand.u32 $0xF, v15;
	v2 =	vshll.u32 v3, $0x4  }
0x7b: {  	s9 =	sand.u32 $0x70, s13;
	v3 =	vshll.u32 v6, $0x4;
	v6 =	vshll.u32 v7, $0x4;
	v7 =	vld [tilespmem:s11+$0x0];
	v9 =	vor.u32 v9, v4  }
0x7c: {  	s0 =	simm.s32 $0x4620;
	v15 =	vmov s12;
	v4 =	vor.u32 v10, v11;
	v11 =	vld [tilespmem:s9+$0x0];
	v12 =	vor.u32 v13, v12  }
0x7d: {  	v10 =	vshll.u32 v15, $0x4;
	v2 =	vor.u32 v0, v2;
	v3 =	vor.u32 v0, v3;
	[tilespmem:s0+$0x0] =	vst v14;
	v5 =	vld.idx.msk [tilespmem:v5+s10+$0x0], $0xffff  }
0x7e: {  	s1 =	simm.s32 $0x4620;
	s9 =	simm.s32 $0x8;
	s11 =	simm.s32 $0xF0;
	v6 =	vor.u32 v0, v6;
	v13 =	vor.u32 v0, v10;
	v10 =	vld.idx.msk [tilespmem:v16+s10+$0x0], $0xffff;
	v14 =	vand.u32 $0xF, v17;
	[tilespmem:s0+$0xFFFFFFE0] =	vst v18  }
.LBB2_2:
0x7f: {  	s12 =	sadd.s32 $0xFFFFFFE0, s11;
	s13 =	sadd.s32 $0xFFFFFFF0, s11;
	v15 =	vmov s11;
	s9 =	sadd.s32 $0x4, s9;
	v16 =	vand.u32 $0xF, v8;
	v13 =	vor.u32 v13, v14;
	v14 =	vld.idx.msk [tilespmem:v1+s10+$0x0], $0xffff;
	v1 =	vmovc v12  }
0x80: {  	s14 =	sadd.s32 $0xFFFFFFD0, s11;
	v8 =	vmov s12;
	s15 =	sand.u32 $0x60, s13;
	v12 =	vshll.u32 v15, $0x4;
	p0 =	slt.u32 s9, $0xC;
	v15 =	vand.u32 $0xF, v7;
	v17 =	vld.idx.msk [tilespmem:v9+s10+$0x0], $0xffff  }
0x81: {  	s0 =	sadd.s32 $0x40, s0;
	s16 =	sand.u32 $0x40, s14;
	v7 =	vmov s14;
	s12 =	sand.u32 $0x50, s12;
	v9 =	vshll.u32 v8, $0x4;
	v18 =	vld [tilespmem:s15+$0x0];
	v19 =	vor.u32 v0, v12  }
.Ltmp0:
0x82: {  	s14 =	sand.u32 $0x70, s11;
	v12 =	vshll.u32 v7, $0x4;
	v8 =	vld [tilespmem:s16+$0x0];
	v20 =	vor.u32 v0, v9;
	v11 =	vand.u32 $0xF, v11;
	[tilespmem:s0+$0x0] =	vst v5;
	(pc) =	sbr.rel @p0 .LBB2_2-.Ltmp0, $4  }
0x83: {  	v15 =	vor.u32 v3, v15;
	v9 =	vor.u32 v6, v16;
	v6 =	vor.u32 v0, v12;
	v7 =	vld [tilespmem:s12+$0x0];
	v3 =	vmovc v20  }
0x84: {  	v16 =	vmov s13;
	v12 =	vor.u32 v2, v11;
	v2 =	vmov v19;
	v5 =	vld.idx.msk [tilespmem:v13+s10+$0x0], $0xffff;
	[tilespmem:s1+$0xFFFFFFF0] =	vst v10  }
0x85: {  	v10 =	vshll.u32 v16, $0x4;
	v11 =	vld [tilespmem:s14+$0x0];
	[tilespmem:s1+$0x10] =	vst v14;
	s1 =	smov.u32 s0  }
0x86: {  	s11 =	sadd.s32 $0x40, s11;
	v13 =	vor.u32 v0, v10;
	v14 =	vand.u32 $0xF, v18;
	[tilespmem:s0+$0xFFFFFFE0] =	vst v17;
	v10 =	vld.idx.msk [tilespmem:v4+s10+$0x0], $0xffff;
	v4 =	vmov v15  }
0x87: {  	_ =	sdelay $0x3  }
0x88: {  	v13 =	vor.u32 v13, v14;
	v8 =	vand.u32 $0xF, v8;
	v1 =	vld.idx.msk [tilespmem:v1+s10+$0x0], $0xffff  }
0x89: {  	v4 =	vld.idx.msk [tilespmem:v4+s10+$0x0], $0xffff;
	v7 =	vand.u32 $0xF, v7;
	v6 =	vor.u32 v6, v8  }
0x8a: {  	v8 =	vld.idx.msk [tilespmem:v9+s10+$0x0], $0xffff;
	v3 =	vor.u32 v3, v7;
	v9 =	vand.u32 $0xF, v11  }
0x8b: {  	s0 =	sadd.s32 $0x40, s0;
	v2 =	vor.u32 v2, v9  }
0x8c: {  	[tilespmem:s0+$0x0] =	vst v5;
	v5 =	vld.idx.msk [tilespmem:v12+s10+$0x0], $0xffff  }
0x8d: {  	[tilespmem:s1+$0xFFFFFFF0] =	vst v10;
	v7 =	vld.idx.msk [tilespmem:v13+s10+$0x0], $0xffff  }
0x8e: {  	[tilespmem:s1+$0x10] =	vst v1;
	v1 =	vld.idx.msk [tilespmem:v6+s10+$0x0], $0xffff  }
0x8f: {  	[tilespmem:s0+$0xFFFFFFF0] =	vst v4;
	v3 =	vld.idx.msk [tilespmem:v3+s10+$0x0], $0xffff  }
0x90: {  	[tilespmem:s0+$0xFFFFFFE0] =	vst v8;
	v2 =	vld.idx.msk [tilespmem:v2+s10+$0x0], $0xffff  }
0x91: {  	s13 =	sadd.s32 $0x40, s0;
	[tilespmem:s0+$0x10] =	vst v5  }
0x92: {  	[tilespmem:s13+$0x0] =	vst v7  }
0x93: {  	[tilespmem:s13+$0xFFFFFFE0] =	vst v1  }
0x94: {  	[tilespmem:s13+$0xFFFFFFF0] =	vst v3  }
0x95: {  	[tilespmem:s13+$0x10] =	vst v2  }
0x96: {  	_ =	swait.ge [sflag:s26], $0x800  }
0x97: {  	[sflag:s26] =	ssyncset.done $0x0  }
0x98: {  	[sflag:s26] =	ssyncadd.s32 $0xFFFFF800  }
0x99: {  	_ =	swait.ge [sflag:s26], $0x800  }
0x9a: {  	s14 =	simm.s32 $0x120;
	[sflag:s26] =	ssyncset.done $0x0  }
0x9b: {  	s9 =	simm.s32 $0x100;
	s15 =	sand.u32 $0x60, s14;
	[sflag:s26] =	ssyncadd.s32 $0xFFFFF800  }
0x9c: {  	v5 =	vmov s9;
	v1 =	vld [tilespmem:s15+$0x80]  }
0x9d: {  	s12 =	sand.u32 $0x40, s9;
	s9 =	simm.s32 $0x1A0;
	v5 =	vshll.u32 v5, $0x4  }
0x9e: {  	s11 =	simm.s32 $0x110;
	v19 =	vmov s9;
	v5 =	vor.u32 v0, v5;
	v7 =	vmov s14;
	s14 =	simm.s32 $0x150;
	v4 =	vld [tilespmem:s12+$0x80]  }
0x9f: {  	s16 =	simm.s32 $0x130;
	v7 =	vshll.u32 v7, $0x4;
	v10 =	vmov s14;
	v3 =	vmov s11;
	s11 =	sand.u32 $0x50, s11  }
0xa0: {  	s1 =	sand.u32 $0x70, s16;
	v7 =	vor.u32 v0, v7;
	v10 =	vshll.u32 v10, $0x4;
	v3 =	vshll.u32 v3, $0x4;
	v6 =	vld [tilespmem:s11+$0x80];
	s11 =	simm.s32 $0x160  }
0xa1: {  	v10 =	vor.u32 v0, v10;
	v2 =	vmov s16;
	v8 =	vld [tilespmem:s1+$0x80];
	s12 =	sand.u32 $0x60, s11;
	v1 =	vand.u32 $0xF, v1  }
0xa2: {  	v3 =	vor.u32 v0, v3;
	s13 =	simm.s32 $0x170;
	v2 =	vshll.u32 v2, $0x4;
	s15 =	simm.s32 $0x140;
	v1 =	vor.u32 v7, v1;
	v7 =	vld [tilespmem:s12+$0x80]  }
0xa3: {  	v9 =	vmov s13;
	v2 =	vor.u32 v0, v2;
	s16 =	sand.u32 $0x40, s15;
	v4 =	vand.u32 $0xF, v4  }
0xa4: {  	v9 =	vshll.u32 v9, $0x4;
	v12 =	vmov s11;
	v11 =	vld [tilespmem:s16+$0x80];
	s16 =	sand.u32 $0x60, s9;
	v4 =	vor.u32 v5, v4  }
0xa5: {  	v13 =	vor.u32 v0, v9;
	v12 =	vshll.u32 v12, $0x4;
	v18 =	vld [tilespmem:s16+$0x80];
	v6 =	vand.u32 $0xF, v6;
	s12 =	sand.u32 $0x50, s14  }
0xa6: {  	v8 =	vand.u32 $0xF, v8;
	v5 =	vmov s15;
	v16 =	vor.u32 v3, v6;
	v9 =	vld [tilespmem:s12+$0x80]  }
0xa7: {  	s13 =	sand.u32 $0x70, s13;
	s14 =	simm.s32 $0x190;
	s15 =	simm.s32 $0x180;
	v5 =	vshll.u32 v5, $0x4;
	v14 =	vld.idx.msk [tilespmem:v1+s10+$0x0], $0xffff;
	v1 =	vor.u32 v0, v12;
	v7 =	vand.u32 $0xF, v7  }
0xa8: {  	v3 =	vmov s14;
	v6 =	vmov s15;
	v12 =	vld [tilespmem:s13+$0x80];
	v15 =	vor.u32 v1, v7  }
0xa9: {  	v5 =	vor.u32 v0, v5;
	v3 =	vshll.u32 v3, $0x4;
	v6 =	vshll.u32 v6, $0x4;
	v17 =	vld.idx.msk [tilespmem:v4+s10+$0x0], $0xffff;
	s13 =	sand.u32 $0x40, s15  }
0xaa: {  	s1 =	simm.s32 $0x1B0;
	s0 =	sand.u32 $0x50, s14;
	v3 =	vor.u32 v0, v3;
	v4 =	vand.u32 $0xF, v11;
	v1 =	vor.u32 v2, v8;
	v8 =	vld [tilespmem:s13+$0x80]  }
0xab: {  	v2 =	vmov s1;
	v11 =	vand.u32 $0xF, v9;
	v7 =	vld [tilespmem:s0+$0x80];
	s1 =	sand.u32 $0x70, s1;
	v9 =	vor.u32 v5, v4  }
0xac: {  	v6 =	vor.u32 v0, v6;
	s0 =	simm.s32 $0x4730;
	v2 =	vshll.u32 v2, $0x4;
	v4 =	vor.u32 v10, v11;
	v11 =	vld [tilespmem:s1+$0x80]  }
0xad: {  	v10 =	vshll.u32 v19, $0x4;
	v2 =	vor.u32 v0, v2;
	v12 =	vand.u32 $0xF, v12;
	[tilespmem:s0+$0xFFFFFFF0] =	vst v14;
	v5 =	vld.idx.msk [tilespmem:v15+s10+$0x0], $0xffff  }
0xae: {  	s11 =	simm.s32 $0x1F0;
	s9 =	simm.s32 $0x18;
	s1 =	simm.s32 $0x4730;
	v14 =	vand.u32 $0xF, v18;
	[tilespmem:s0+$0xFFFFFFD0] =	vst v17;
	v12 =	vor.u32 v13, v12;
	v13 =	vor.u32 v0, v10;
	v10 =	vld.idx.msk [tilespmem:v16+s10+$0x0], $0xffff  }
.LBB2_4:
0xaf: {  	s12 =	sadd.s32 $0xFFFFFFE0, s11;
	s13 =	sadd.s32 $0xFFFFFFF0, s11;
	v15 =	vmov s11;
	s9 =	sadd.s32 $0x4, s9;
	v16 =	vand.u32 $0xF, v8;
	v13 =	vor.u32 v13, v14;
	v14 =	vld.idx.msk [tilespmem:v1+s10+$0x0], $0xffff;
	v1 =	vmovc v12  }
0xb0: {  	s14 =	sadd.s32 $0xFFFFFFD0, s11;
	v8 =	vmov s12;
	s15 =	sand.u32 $0x60, s13;
	v12 =	vshll.u32 v15, $0x4;
	p0 =	slt.u32 s9, $0x1C;
	v15 =	vand.u32 $0xF, v7;
	v17 =	vld.idx.msk [tilespmem:v9+s10+$0x0], $0xffff  }
0xb1: {  	s0 =	sadd.s32 $0x40, s0;
	s16 =	sand.u32 $0x40, s14;
	v7 =	vmov s14;
	s12 =	sand.u32 $0x50, s12;
	v9 =	vshll.u32 v8, $0x4;
	v18 =	vld [tilespmem:s15+$0x80];
	v19 =	vor.u32 v0, v12  }
.Ltmp1:
0xb2: {  	s14 =	sand.u32 $0x70, s11;
	v12 =	vshll.u32 v7, $0x4;
	v8 =	vld [tilespmem:s16+$0x80];
	v20 =	vor.u32 v0, v9;
	v11 =	vand.u32 $0xF, v11;
	[tilespmem:s0+$0xFFFFFFF0] =	vst v5;
	(pc) =	sbr.rel @p0 .LBB2_4-.Ltmp1, $4  }
0xb3: {  	v15 =	vor.u32 v3, v15;
	v9 =	vor.u32 v6, v16;
	v6 =	vor.u32 v0, v12;
	v7 =	vld [tilespmem:s12+$0x80];
	v3 =	vmovc v20  }
0xb4: {  	v16 =	vmov s13;
	v12 =	vor.u32 v2, v11;
	v2 =	vmov v19;
	v5 =	vld.idx.msk [tilespmem:v13+s10+$0x0], $0xffff;
	[tilespmem:s1+$0xFFFFFFE0] =	vst v10  }
0xb5: {  	v10 =	vshll.u32 v16, $0x4;
	v11 =	vld [tilespmem:s14+$0x80];
	[tilespmem:s1+$0x0] =	vst v14;
	s1 =	smov.u32 s0  }
0xb6: {  	s11 =	sadd.s32 $0x40, s11;
	v13 =	vor.u32 v0, v10;
	v14 =	vand.u32 $0xF, v18;
	[tilespmem:s0+$0xFFFFFFD0] =	vst v17;
	v10 =	vld.idx.msk [tilespmem:v4+s10+$0x0], $0xffff;
	v4 =	vmov v15  }
0xb7: {  	_ =	sdelay $0x3  }
0xb8: {  	v13 =	vor.u32 v13, v14;
	v8 =	vand.u32 $0xF, v8;
	v1 =	vld.idx.msk [tilespmem:v1+s10+$0x0], $0xffff  }
0xb9: {  	v4 =	vld.idx.msk [tilespmem:v4+s10+$0x0], $0xffff;
	v7 =	vand.u32 $0xF, v7;
	v6 =	vor.u32 v6, v8  }
0xba: {  	v8 =	vld.idx.msk [tilespmem:v9+s10+$0x0], $0xffff;
	v3 =	vor.u32 v3, v7;
	v9 =	vand.u32 $0xF, v11  }
0xbb: {  	s0 =	sadd.s32 $0x40, s0;
	v2 =	vor.u32 v2, v9  }
0xbc: {  	[tilespmem:s0+$0xFFFFFFF0] =	vst v5;
	v5 =	vld.idx.msk [tilespmem:v12+s10+$0x0], $0xffff  }
0xbd: {  	[tilespmem:s1+$0xFFFFFFE0] =	vst v10;
	v7 =	vld.idx.msk [tilespmem:v13+s10+$0x0], $0xffff  }
0xbe: {  	[tilespmem:s1+$0x0] =	vst v1;
	v1 =	vld.idx.msk [tilespmem:v6+s10+$0x0], $0xffff  }
0xbf: {  	[tilespmem:s0+$0xFFFFFFE0] =	vst v4;
	v3 =	vld.idx.msk [tilespmem:v3+s10+$0x0], $0xffff  }
0xc0: {  	[tilespmem:s0+$0xFFFFFFD0] =	vst v8;
	v2 =	vld.idx.msk [tilespmem:v2+s10+$0x0], $0xffff  }
0xc1: {  	s13 =	sadd.s32 $0x40, s0;
	[tilespmem:s0+$0x0] =	vst v5  }
0xc2: {  	[tilespmem:s13+$0xFFFFFFF0] =	vst v7  }
0xc3: {  	[tilespmem:s13+$0xFFFFFFD0] =	vst v1  }
0xc4: {  	[tilespmem:s13+$0xFFFFFFE0] =	vst v3  }
0xc5: {  	[tilespmem:s13+$0x0] =	vst v2  }
0xc6: {  	_ =	swait.ge [sflag:s28], $0x800  }
0xc7: {  	[sflag:s28] =	ssyncset.done $0x0  }
0xc8: {  	[sflag:s28] =	ssyncadd.s32 $0xFFFFF800  }
0xc9: {  	_ =	swait.ge [sflag:s28], $0x800  }
0xca: {  	s14 =	simm.s32 $0x220;
	[sflag:s28] =	ssyncset.done $0x0  }
0xcb: {  	s9 =	simm.s32 $0x200;
	s15 =	sand.u32 $0x60, s14;
	[sflag:s28] =	ssyncadd.s32 $0xFFFFF800  }
0xcc: {  	v5 =	vmov s9;
	v1 =	vld [tilespmem:s15+$0x100]  }
0xcd: {  	s12 =	sand.u32 $0x40, s9;
	s9 =	simm.s32 $0x2A0;
	v5 =	vshll.u32 v5, $0x4  }
0xce: {  	s11 =	simm.s32 $0x210;
	v19 =	vmov s9;
	v5 =	vor.u32 v0, v5;
	v7 =	vmov s14;
	s14 =	simm.s32 $0x250;
	v4 =	vld [tilespmem:s12+$0x100]  }
0xcf: {  	s16 =	simm.s32 $0x230;
	v7 =	vshll.u32 v7, $0x4;
	v10 =	vmov s14;
	v3 =	vmov s11;
	s11 =	sand.u32 $0x50, s11  }
0xd0: {  	s1 =	sand.u32 $0x70, s16;
	v7 =	vor.u32 v0, v7;
	v10 =	vshll.u32 v10, $0x4;
	v3 =	vshll.u32 v3, $0x4;
	v6 =	vld [tilespmem:s11+$0x100];
	s11 =	simm.s32 $0x260  }
0xd1: {  	v10 =	vor.u32 v0, v10;
	v2 =	vmov s16;
	v8 =	vld [tilespmem:s1+$0x100];
	s12 =	sand.u32 $0x60, s11;
	v1 =	vand.u32 $0xF, v1  }
0xd2: {  	v3 =	vor.u32 v0, v3;
	s13 =	simm.s32 $0x270;
	v2 =	vshll.u32 v2, $0x4;
	s15 =	simm.s32 $0x240;
	v1 =	vor.u32 v7, v1;
	v7 =	vld [tilespmem:s12+$0x100]  }
0xd3: {  	v9 =	vmov s13;
	v2 =	vor.u32 v0, v2;
	s16 =	sand.u32 $0x40, s15;
	v4 =	vand.u32 $0xF, v4  }
0xd4: {  	v9 =	vshll.u32 v9, $0x4;
	v12 =	vmov s11;
	v11 =	vld [tilespmem:s16+$0x100];
	s16 =	sand.u32 $0x60, s9;
	v4 =	vor.u32 v5, v4  }
0xd5: {  	v13 =	vor.u32 v0, v9;
	v12 =	vshll.u32 v12, $0x4;
	v18 =	vld [tilespmem:s16+$0x100];
	v6 =	vand.u32 $0xF, v6;
	s12 =	sand.u32 $0x50, s14  }
0xd6: {  	v8 =	vand.u32 $0xF, v8;
	v5 =	vmov s15;
	v16 =	vor.u32 v3, v6;
	v9 =	vld [tilespmem:s12+$0x100]  }
0xd7: {  	s13 =	sand.u32 $0x70, s13;
	s14 =	simm.s32 $0x290;
	s15 =	simm.s32 $0x280;
	v5 =	vshll.u32 v5, $0x4;
	v14 =	vld.idx.msk [tilespmem:v1+s10+$0x0], $0xffff;
	v1 =	vor.u32 v0, v12;
	v7 =	vand.u32 $0xF, v7  }
0xd8: {  	v3 =	vmov s14;
	v6 =	vmov s15;
	v12 =	vld [tilespmem:s13+$0x100];
	v15 =	vor.u32 v1, v7  }
0xd9: {  	v5 =	vor.u32 v0, v5;
	v3 =	vshll.u32 v3, $0x4;
	v6 =	vshll.u32 v6, $0x4;
	v17 =	vld.idx.msk [tilespmem:v4+s10+$0x0], $0xffff;
	s13 =	sand.u32 $0x40, s15  }
0xda: {  	s1 =	simm.s32 $0x2B0;
	s0 =	sand.u32 $0x50, s14;
	v3 =	vor.u32 v0, v3;
	v4 =	vand.u32 $0xF, v11;
	v1 =	vor.u32 v2, v8;
	v8 =	vld [tilespmem:s13+$0x100]  }
0xdb: {  	v2 =	vmov s1;
	v11 =	vand.u32 $0xF, v9;
	v7 =	vld [tilespmem:s0+$0x100];
	s1 =	sand.u32 $0x70, s1;
	v9 =	vor.u32 v5, v4  }
0xdc: {  	v6 =	vor.u32 v0, v6;
	s0 =	simm.s32 $0x4830;
	v2 =	vshll.u32 v2, $0x4;
	v4 =	vor.u32 v10, v11;
	v11 =	vld [tilespmem:s1+$0x100]  }
0xdd: {  	v10 =	vshll.u32 v19, $0x4;
	v2 =	vor.u32 v0, v2;
	v12 =	vand.u32 $0xF, v12;
	[tilespmem:s0+$0xFFFFFFF0] =	vst v14;
	v5 =	vld.idx.msk [tilespmem:v15+s10+$0x0], $0xffff  }
0xde: {  	s11 =	simm.s32 $0x2F0;
	s9 =	simm.s32 $0x28;
	s1 =	simm.s32 $0x4830;
	v14 =	vand.u32 $0xF, v18;
	[tilespmem:s0+$0xFFFFFFD0] =	vst v17;
	v12 =	vor.u32 v13, v12;
	v13 =	vor.u32 v0, v10;
	v10 =	vld.idx.msk [tilespmem:v16+s10+$0x0], $0xffff  }
.LBB2_6:
0xdf: {  	s12 =	sadd.s32 $0xFFFFFFE0, s11;
	s13 =	sadd.s32 $0xFFFFFFF0, s11;
	v15 =	vmov s11;
	s9 =	sadd.s32 $0x4, s9;
	v16 =	vand.u32 $0xF, v8;
	v13 =	vor.u32 v13, v14;
	v14 =	vld.idx.msk [tilespmem:v1+s10+$0x0], $0xffff;
	v1 =	vmovc v12  }
0xe0: {  	s14 =	sadd.s32 $0xFFFFFFD0, s11;
	v8 =	vmov s12;
	s15 =	sand.u32 $0x60, s13;
	v12 =	vshll.u32 v15, $0x4;
	p0 =	slt.u32 s9, $0x2C;
	v15 =	vand.u32 $0xF, v7;
	v17 =	vld.idx.msk [tilespmem:v9+s10+$0x0], $0xffff  }
0xe1: {  	s0 =	sadd.s32 $0x40, s0;
	s16 =	sand.u32 $0x40, s14;
	v7 =	vmov s14;
	s12 =	sand.u32 $0x50, s12;
	v9 =	vshll.u32 v8, $0x4;
	v18 =	vld [tilespmem:s15+$0x100];
	v19 =	vor.u32 v0, v12  }
.Ltmp2:
0xe2: {  	s14 =	sand.u32 $0x70, s11;
	v12 =	vshll.u32 v7, $0x4;
	v8 =	vld [tilespmem:s16+$0x100];
	v20 =	vor.u32 v0, v9;
	v11 =	vand.u32 $0xF, v11;
	[tilespmem:s0+$0xFFFFFFF0] =	vst v5;
	(pc) =	sbr.rel @p0 .LBB2_6-.Ltmp2, $4  }
0xe3: {  	v15 =	vor.u32 v3, v15;
	v9 =	vor.u32 v6, v16;
	v6 =	vor.u32 v0, v12;
	v7 =	vld [tilespmem:s12+$0x100];
	v3 =	vmovc v20  }
0xe4: {  	v16 =	vmov s13;
	v12 =	vor.u32 v2, v11;
	v2 =	vmov v19;
	v5 =	vld.idx.msk [tilespmem:v13+s10+$0x0], $0xffff;
	[tilespmem:s1+$0xFFFFFFE0] =	vst v10  }
0xe5: {  	v10 =	vshll.u32 v16, $0x4;
	v11 =	vld [tilespmem:s14+$0x100];
	[tilespmem:s1+$0x0] =	vst v14;
	s1 =	smov.u32 s0  }
0xe6: {  	s11 =	sadd.s32 $0x40, s11;
	v13 =	vor.u32 v0, v10;
	v14 =	vand.u32 $0xF, v18;
	[tilespmem:s0+$0xFFFFFFD0] =	vst v17;
	v10 =	vld.idx.msk [tilespmem:v4+s10+$0x0], $0xffff;
	v4 =	vmov v15  }
0xe7: {  	_ =	sdelay $0x3  }
0xe8: {  	v13 =	vor.u32 v13, v14;
	v8 =	vand.u32 $0xF, v8;
	v1 =	vld.idx.msk [tilespmem:v1+s10+$0x0], $0xffff  }
0xe9: {  	v4 =	vld.idx.msk [tilespmem:v4+s10+$0x0], $0xffff;
	v7 =	vand.u32 $0xF, v7;
	v6 =	vor.u32 v6, v8  }
0xea: {  	v8 =	vld.idx.msk [tilespmem:v9+s10+$0x0], $0xffff;
	v3 =	vor.u32 v3, v7;
	v9 =	vand.u32 $0xF, v11  }
0xeb: {  	s0 =	sadd.s32 $0x40, s0;
	v2 =	vor.u32 v2, v9  }
0xec: {  	[tilespmem:s0+$0xFFFFFFF0] =	vst v5;
	v5 =	vld.idx.msk [tilespmem:v12+s10+$0x0], $0xffff  }
0xed: {  	[tilespmem:s1+$0xFFFFFFE0] =	vst v10;
	v7 =	vld.idx.msk [tilespmem:v13+s10+$0x0], $0xffff  }
0xee: {  	[tilespmem:s1+$0x0] =	vst v1;
	v1 =	vld.idx.msk [tilespmem:v6+s10+$0x0], $0xffff  }
0xef: {  	[tilespmem:s0+$0xFFFFFFE0] =	vst v4;
	v3 =	vld.idx.msk [tilespmem:v3+s10+$0x0], $0xffff  }
0xf0: {  	[tilespmem:s0+$0xFFFFFFD0] =	vst v8;
	v2 =	vld.idx.msk [tilespmem:v2+s10+$0x0], $0xffff  }
0xf1: {  	s13 =	sadd.s32 $0x40, s0;
	[tilespmem:s0+$0x0] =	vst v5  }
0xf2: {  	[tilespmem:s13+$0xFFFFFFF0] =	vst v7  }
0xf3: {  	[tilespmem:s13+$0xFFFFFFD0] =	vst v1  }
0xf4: {  	[tilespmem:s13+$0xFFFFFFE0] =	vst v3  }
0xf5: {  	[tilespmem:s13+$0x0] =	vst v2  }
0xf6: {  	_ =	swait.ge [sflag:s29], $0x800  }
0xf7: {  	[sflag:s29] =	ssyncset.done $0x0  }
0xf8: {  	[sflag:s29] =	ssyncadd.s32 $0xFFFFF800  }
0xf9: {  	_ =	swait.ge [sflag:s29], $0x800  }
0xfa: {  	s14 =	simm.s32 $0x320;
	[sflag:s29] =	ssyncset.done $0x0  }
0xfb: {  	s9 =	simm.s32 $0x300;
	s15 =	sand.u32 $0x60, s14;
	[sflag:s29] =	ssyncadd.s32 $0xFFFFF800  }
0xfc: {  	v5 =	vmov s9;
	v1 =	vld [tilespmem:s15+$0x180]  }
0xfd: {  	s12 =	sand.u32 $0x40, s9;
	s9 =	simm.s32 $0x3A0;
	v5 =	vshll.u32 v5, $0x4  }
0xfe: {  	s11 =	simm.s32 $0x310;
	v19 =	vmov s9;
	v5 =	vor.u32 v0, v5;
	v7 =	vmov s14;
	s14 =	simm.s32 $0x350;
	v4 =	vld [tilespmem:s12+$0x180]  }
0xff: {  	s16 =	simm.s32 $0x330;
	v7 =	vshll.u32 v7, $0x4;
	v10 =	vmov s14;
	v3 =	vmov s11;
	s11 =	sand.u32 $0x50, s11  }
0x100: {  	s1 =	sand.u32 $0x70, s16;
	v7 =	vor.u32 v0, v7;
	v10 =	vshll.u32 v10, $0x4;
	v3 =	vshll.u32 v3, $0x4;
	v6 =	vld [tilespmem:s11+$0x180];
	s11 =	simm.s32 $0x360  }
0x101: {  	v10 =	vor.u32 v0, v10;
	v2 =	vmov s16;
	v8 =	vld [tilespmem:s1+$0x180];
	s12 =	sand.u32 $0x60, s11;
	v1 =	vand.u32 $0xF, v1  }
0x102: {  	v3 =	vor.u32 v0, v3;
	s13 =	simm.s32 $0x370;
	v2 =	vshll.u32 v2, $0x4;
	s15 =	simm.s32 $0x340;
	v1 =	vor.u32 v7, v1;
	v7 =	vld [tilespmem:s12+$0x180]  }
0x103: {  	v9 =	vmov s13;
	v2 =	vor.u32 v0, v2;
	s16 =	sand.u32 $0x40, s15;
	v4 =	vand.u32 $0xF, v4  }
0x104: {  	v9 =	vshll.u32 v9, $0x4;
	v12 =	vmov s11;
	v11 =	vld [tilespmem:s16+$0x180];
	s16 =	sand.u32 $0x60, s9;
	v4 =	vor.u32 v5, v4  }
0x105: {  	v13 =	vor.u32 v0, v9;
	v12 =	vshll.u32 v12, $0x4;
	v18 =	vld [tilespmem:s16+$0x180];
	v6 =	vand.u32 $0xF, v6;
	s12 =	sand.u32 $0x50, s14  }
0x106: {  	v8 =	vand.u32 $0xF, v8;
	v5 =	vmov s15;
	v16 =	vor.u32 v3, v6;
	v9 =	vld [tilespmem:s12+$0x180]  }
0x107: {  	s13 =	sand.u32 $0x70, s13;
	s14 =	simm.s32 $0x390;
	s15 =	simm.s32 $0x380;
	v5 =	vshll.u32 v5, $0x4;
	v14 =	vld.idx.msk [tilespmem:v1+s10+$0x0], $0xffff;
	v1 =	vor.u32 v0, v12;
	v7 =	vand.u32 $0xF, v7  }
0x108: {  	v3 =	vmov s14;
	v6 =	vmov s15;
	v12 =	vld [tilespmem:s13+$0x180];
	v15 =	vor.u32 v1, v7  }
0x109: {  	v5 =	vor.u32 v0, v5;
	v3 =	vshll.u32 v3, $0x4;
	v6 =	vshll.u32 v6, $0x4;
	v17 =	vld.idx.msk [tilespmem:v4+s10+$0x0], $0xffff;
	s13 =	sand.u32 $0x40, s15  }
0x10a: {  	s1 =	simm.s32 $0x3B0;
	s0 =	sand.u32 $0x50, s14;
	v3 =	vor.u32 v0, v3;
	v4 =	vand.u32 $0xF, v11;
	v1 =	vor.u32 v2, v8;
	v8 =	vld [tilespmem:s13+$0x180]  }
0x10b: {  	v2 =	vmov s1;
	v11 =	vand.u32 $0xF, v9;
	v7 =	vld [tilespmem:s0+$0x180];
	s1 =	sand.u32 $0x70, s1;
	v9 =	vor.u32 v5, v4  }
0x10c: {  	v6 =	vor.u32 v0, v6;
	s0 =	simm.s32 $0x4930;
	v2 =	vshll.u32 v2, $0x4;
	v4 =	vor.u32 v10, v11;
	v11 =	vld [tilespmem:s1+$0x180]  }
0x10d: {  	v10 =	vshll.u32 v19, $0x4;
	v2 =	vor.u32 v0, v2;
	v12 =	vand.u32 $0xF, v12;
	[tilespmem:s0+$0xFFFFFFF0] =	vst v14;
	v5 =	vld.idx.msk [tilespmem:v15+s10+$0x0], $0xffff  }
0x10e: {  	s11 =	simm.s32 $0x3F0;
	s9 =	simm.s32 $0x38;
	s1 =	simm.s32 $0x4930;
	v14 =	vand.u32 $0xF, v18;
	[tilespmem:s0+$0xFFFFFFD0] =	vst v17;
	v12 =	vor.u32 v13, v12;
	v13 =	vor.u32 v0, v10;
	v10 =	vld.idx.msk [tilespmem:v16+s10+$0x0], $0xffff  }
.LBB2_8:
0x10f: {  	s12 =	sadd.s32 $0xFFFFFFE0, s11;
	s13 =	sadd.s32 $0xFFFFFFF0, s11;
	v15 =	vmov s11;
	s9 =	sadd.s32 $0x4, s9;
	v16 =	vand.u32 $0xF, v8;
	v13 =	vor.u32 v13, v14;
	v14 =	vld.idx.msk [tilespmem:v1+s10+$0x0], $0xffff;
	v1 =	vmovc v12  }
0x110: {  	s14 =	sadd.s32 $0xFFFFFFD0, s11;
	v8 =	vmov s12;
	s15 =	sand.u32 $0x60, s13;
	v12 =	vshll.u32 v15, $0x4;
	p0 =	slt.u32 s9, $0x3C;
	v15 =	vand.u32 $0xF, v7;
	v17 =	vld.idx.msk [tilespmem:v9+s10+$0x0], $0xffff  }
0x111: {  	s0 =	sadd.s32 $0x40, s0;
	s16 =	sand.u32 $0x40, s14;
	v7 =	vmov s14;
	s12 =	sand.u32 $0x50, s12;
	v9 =	vshll.u32 v8, $0x4;
	v18 =	vld [tilespmem:s15+$0x180];
	v19 =	vor.u32 v0, v12  }
.Ltmp3:
0x112: {  	s14 =	sand.u32 $0x70, s11;
	v12 =	vshll.u32 v7, $0x4;
	v8 =	vld [tilespmem:s16+$0x180];
	v20 =	vor.u32 v0, v9;
	v11 =	vand.u32 $0xF, v11;
	[tilespmem:s0+$0xFFFFFFF0] =	vst v5;
	(pc) =	sbr.rel @p0 .LBB2_8-.Ltmp3, $4  }
0x113: {  	v15 =	vor.u32 v3, v15;
	v9 =	vor.u32 v6, v16;
	v6 =	vor.u32 v0, v12;
	v7 =	vld [tilespmem:s12+$0x180];
	v3 =	vmovc v20  }
0x114: {  	v16 =	vmov s13;
	v12 =	vor.u32 v2, v11;
	v2 =	vmov v19;
	v5 =	vld.idx.msk [tilespmem:v13+s10+$0x0], $0xffff;
	[tilespmem:s1+$0xFFFFFFE0] =	vst v10  }
0x115: {  	v10 =	vshll.u32 v16, $0x4;
	v11 =	vld [tilespmem:s14+$0x180];
	[tilespmem:s1+$0x0] =	vst v14;
	s1 =	smov.u32 s0  }
0x116: {  	s11 =	sadd.s32 $0x40, s11;
	v13 =	vor.u32 v0, v10;
	v14 =	vand.u32 $0xF, v18;
	[tilespmem:s0+$0xFFFFFFD0] =	vst v17;
	v10 =	vld.idx.msk [tilespmem:v4+s10+$0x0], $0xffff;
	v4 =	vmov v15  }
0x117: {  	_ =	sdelay $0x2  }
0x118: {  	v13 =	vor.u32 v13, v14;
	v8 =	vand.u32 $0xF, v8  }
0x119: {  	v1 =	vld.idx.msk [tilespmem:v1+s10+$0x0], $0xffff;
	v7 =	vand.u32 $0xF, v7;
	v6 =	vor.u32 v6, v8  }
0x11a: {  	v60 =	vld.idx.msk [tilespmem:v9+s10+$0x0], $0xffff;
	v3 =	vor.u32 v3, v7;
	v61 =	vand.u32 $0xF, v11  }
0x11b: {  	s0 =	sadd.s32 $0x40, s0;
	v4 =	vld.idx.msk [tilespmem:v4+s10+$0x0], $0xffff;
	v2 =	vor.u32 v2, v61  }
0x11c: {  	v63 =	vld.idx.msk [tilespmem:v12+s10+$0x0], $0xffff;
	[tilespmem:s0+$0xFFFFFFF0] =	vst v5  }
0x11d: {  	[tilespmem:s1+$0xFFFFFFE0] =	vst v10;
	v62 =	vld.idx.msk [tilespmem:v13+s10+$0x0], $0xffff  }
0x11e: {  	[tilespmem:s1+$0x0] =	vst v1;
	v1 =	vld.idx.msk [tilespmem:v6+s10+$0x0], $0xffff  }
0x11f: {  	[tilespmem:s0+$0xFFFFFFD0] =	vst v60;
	v3 =	vld.idx.msk [tilespmem:v3+s10+$0x0], $0xffff  }
0x120: {  	[tilespmem:s0+$0xFFFFFFE0] =	vst v4;
	v2 =	vld.idx.msk [tilespmem:v2+s10+$0x0], $0xffff  }
0x121: {  	s16 =	sadd.s32 $0x40, s0;
	[tilespmem:s0+$0x0] =	vst v63  }
0x122: {  	[tilespmem:s16+$0xFFFFFFF0] =	vst v62  }
0x123: {  	s31 =	sadd.s32 $0x1, s31;
	[tilespmem:s16+$0xFFFFFFD0] =	vst v1  }
0x124: {  	p0 =	sne.s32 s31, s6;
	[tilespmem:s16+$0xFFFFFFE0] =	vst v3  }
.Ltmp4:
0x125: {  	[tilespmem:s16+$0x0] =	vst v2;
	(pc) =	sbr.rel @p0 .LBB2_1-.Ltmp4, $4  }
0x126: {  	[hbm4b:s5+s2] =	stream.linear.scatter [tilespmem:s30], [sflag:$0x5], $0x400, $0x38;
	[tilespmem:$0x4A00] =	vst v63  }
0x127: {  	_ =	swait.ge [sflag:s7], $0x400  }
0x128: {  	[sflag:s7] =	ssyncset.done $0x0  }
0x129: {  	[sflag:s7] =	ssyncadd.s32 $0xFFFFFC00  }
0x12a: {  	_ =	sfence.sel $0x180000  }
0x12b: {  	[bflag:$0x0] =	sbarrier.arrive $0xFFFF  }
0x12c: {  	_ =	strace $0x9000004A  }
0x12d: {  	s0 =	stileid.u32;
	[bflag:$0x2] =	sbarrier.arrive $0xFFFF  }
0x12e: {  	p0 =	sne.s32 s0, $0x0;
	s0 =	rddreg [dreg:$0x3]  }
0x12f: {  	s0 =	sadd.s32 @!p0 $0x100000, s0  }
0x130: {  	[sflag:s0] =	ssyncadd.tile.s32 @!p0 $0x1;
	_ =	shalt  }
.Lfunc_end2:
_tile_overlayer_lowered:
.L_overlay_start_2:
0x131: {  	(tag) =	ssettag $0x2  }
0x132: {  	s0 =	rddreg [dreg:$0x0];
	s2 =	stileid.u32  }
0x133: {  	s1 =	rddreg [dreg:$0x1];
	p0 =	sne.s32 s2, $0x0  }
0x134: {  	s3 =	rddreg [dreg:$0x2];
	[bflag:$0x3] =	sbarrier.arrive $0xFFFF;
	s2 =	simm.s32 @!p0 $0x1C05  }
0x135: {  	[timem:s3], [sflag:s2] =	dma.local @!p0 [hbm:s0], s1  }
0x136: {  	s0 =	simm.s32 @!p0 $0x5  }
0x137: {  	_ =	swait.ge @!p0 [sflag:s0], s1  }
0x138: {  	s1 =	ssub.s32 @!p0 $0x0, s1;
	[sflag:s0] =	ssyncset.done @!p0 $0x0  }
0x139: {  	[sflag:s0] =	ssyncadd.s32 @!p0 s1  }
0x13a: {  	[bflag:$0x3] =	sbarrier.arrive $0xFFFF  }
0x13b: {  	_ =	shalt  }

// kernel: kernel.7.cloned.1.call-start
scs
__scs_entry_jumppad:
0x0: {  	(pc) =	sbr.rel $0x88, $3  }
0x1: {  	(tag) =	ssettag $0x0;
	lr =	simm.s32 $0x1  }
0x2: {  	[smem:$0x3F9E] =	sst lr;
	_ =	strace $0xD0000000  }
0x3: {  	_ = 	snop  }
0x4: {  	_ = 	snop  }
0x5: {  	_ = 	snop  }
0x6: {  	_ = 	snop  }
0x7: {  	_ = 	snop  }
__scs_overlays_trampoline_lowered:
0x8: {  	[smem:$0x3FAD] =	sst s0  }
0x9: {  	[smem:$0x3FAE] =	sst s1  }
0xa: {  	[smem:$0x3FAF] =	sst s2  }
0xb: {  	[smem:$0x3FB0] =	sst s3  }
0xc: {  	[smem:$0x3FB1] =	sst s4  }
0xd: {  	[smem:$0x3FB2] =	sst s5  }
0xe: {  	[smem:$0x3FB3] =	sst s6  }
0xf: {  	[smem:$0x3FB4] =	sst s7  }
0x10: {  	[smem:$0x3FB5] =	sst s8  }
0x11: {  	[smem:$0x3FB6] =	sst s9;
	s0 =	simm.s32 @!p0 $0x0  }
0x12: {  	s1 =	sld [smem:$0x3F9C];
	s0 =	simm.s32 @p0 $0x1  }
0x13: {  	[smem:$0x3FB7] =	sst s0;
	s0 =	simm.s32 @!p1 $0x0  }
0x14: {  	s2 =	sld [smem:$0x3F9B];
	s0 =	simm.s32 @p1 $0x1  }
0x15: {  	[smem:$0x3FB8] =	sst s0;
	s0 =	simm.s32 @!p2 $0x0  }
0x16: {  	s3 =	sld [smem:$0x3FDB];
	s0 =	simm.s32 @p2 $0x1  }
0x17: {  	s4 =	simm.s32 $0x1BF5;
	[smem:$0x3FBA] =	sst s0  }
0x18: {  	s0 =	sld [smem:$0x3F9D];
	_ =	swait.ge [sflag:s4], $0x0  }
0x19: {  	s7 =	sld [smem:$0x3F9E]  }
0x1a: {  	s8 =	sadd.s32 $0xFFFFE003, lr  }
0x1b: {  	s9 =	sadd.s32 $0xFFFFFEF7, lr;
	s5 =	simm.s32 $0xFFFFFFFF;
	p2 =	slt.u32 s8, $0xFFFFF086  }
0x1c: {  	p1 =	slt.u32 s9, $0xF7A;
	s5 =	simm.s32 @!p2 $0x0  }
0x1d: {  	s5 =	simm.s32 @p1 $0x1;
	p0 =	seq.s32 s7, s2  }
0x1e: {  	s7 =	smul.u32 @!p0 $0xF7A, s2;
	p2 =	seq.s32 @!p0 s5, $0x0  }
0x1f: {  	s9 =	smul.u32 $0xF7A, s1;
	s8 =	simm.s32 @!p0 $0x1BF5;
	p2 =	por !p2, p0  }
0x20: {  	[sflag:s8] =	ssyncset.s32 @!p0 $0xFFFFF086;
	s6 =	sadd.s32 @!p0 s3, s7;
	s7 =	simm.s32 @!p0 $0x108  }
0x21: {  	s3 =	sadd.s32 s3, s9;
	s6 =	sadd.s32 @!p0 $0x88, s6;
	s7 =	simm.s32 @p2 $0x1082  }
0x22: {  	[simem:s7], [sflag:s8] =	dma.local @!p0 [hbm:s6], $0xF7A  }
0x23: {  	s9 =	sor.u32 $0xD0000000, s2;
	s6 =	simm.s32 $0x108;
	_ =	swait.ge @!p0 [sflag:s8], $0x0  }
0x24: {  	s3 =	sadd.s32 $0x88, s3;
	s6 =	simm.s32 @!p1 $0x1082;
	[sflag:s4] =	ssyncset.s32 $0xFFFFF086  }
0x25: {  	[simem:s6], [sflag:s4] =	dma.local [hbm:s3], $0xF7A  }
0x26: {  	[smem:$0x3F9E] =	sst s1;
	(tag) =	ssettag s2;
	_ =	strace s9  }
0x27: {  	s1 =	sld [smem:$0x3FAE]  }
0x28: {  	s2 =	sld [smem:$0x3FAF]  }
0x29: {  	s4 =	sld [smem:$0x3FB1]  }
0x2a: {  	p0 =	seq.s32 s5, $0x0;
	s5 =	sld [smem:$0x3FB2]  }
0x2b: {  	s6 =	sld [smem:$0x3FB3]  }
0x2c: {  	s7 =	sld [smem:$0x3FB4]  }
0x2d: {  	s3 =	simm.s32 $0x108;
	s8 =	sld [smem:$0x3FB5]  }
0x2e: {  	s3 =	simm.s32 @!p0 $0x1082;
	s9 =	sld [smem:$0x3FB6]  }
0x2f: {  	lr =	sadd.s32 s0, s3;
	s0 =	sld [smem:$0x3FAD]  }
0x30: {  	s3 =	sld [smem:$0x3FB0]  }
0x31: {  	[smem:$0x3FB9] =	sst s10  }
0x32: {  	s10 =	sld [smem:$0x3FB7];
	_ =	sdelay $0x3  }
0x33: {  	p0 =	seq.s32 s10, $0x1;
	s10 =	sld [smem:$0x3FB9];
	_ =	sdelay $0x3  }
0x34: {  	[smem:$0x3FB9] =	sst s10  }
0x35: {  	s10 =	sld [smem:$0x3FB8];
	_ =	sdelay $0x3  }
0x36: {  	p1 =	seq.s32 s10, $0x1;
	s10 =	sld [smem:$0x3FB9];
	_ =	sdelay $0x3  }
0x37: {  	[smem:$0x3FB9] =	sst s10  }
0x38: {  	s10 =	sld [smem:$0x3FBA]  }
0x39: {  	_ = 	snop;
	(pc) =	sbr.ind lr, $3  }
0x3a: {  	_ = 	snop  }
0x3b: {  	_ = 	snop  }
0x3c: {  	p2 =	seq.s32 s10, $0x1;
	s10 =	sld [smem:$0x3FB9]  }
0x3d: {  	_ =	shalt  }
0x3e: {  	_ =	shalt  }
0x3f: {  	_ =	shalt  }
0x40: {  	_ =	shalt  }
0x41: {  	_ =	shalt  }
0x42: {  	_ =	shalt  }
0x43: {  	_ =	shalt  }
0x44: {  	_ =	shalt  }
0x45: {  	_ =	shalt  }
0x46: {  	_ =	shalt  }
0x47: {  	_ =	shalt  }
0x48: {  	_ =	shalt  }
0x49: {  	_ =	shalt  }
0x4a: {  	_ =	shalt  }
0x4b: {  	_ =	shalt  }
0x4c: {  	_ =	shalt  }
0x4d: {  	_ =	shalt  }
0x4e: {  	_ =	shalt  }
0x4f: {  	_ =	shalt  }
0x50: {  	_ =	shalt  }
0x51: {  	_ =	shalt  }
0x52: {  	_ =	shalt  }
0x53: {  	_ =	shalt  }
0x54: {  	_ =	shalt  }
0x55: {  	_ =	shalt  }
0x56: {  	_ =	shalt  }
0x57: {  	_ =	shalt  }
0x58: {  	_ =	shalt  }
0x59: {  	_ =	shalt  }
0x5a: {  	_ =	shalt  }
0x5b: {  	_ =	shalt  }
0x5c: {  	_ =	shalt  }
0x5d: {  	_ =	shalt  }
0x5e: {  	_ =	shalt  }
0x5f: {  	_ =	shalt  }
0x60: {  	_ =	shalt  }
0x61: {  	_ =	shalt  }
0x62: {  	_ =	shalt  }
0x63: {  	_ =	shalt  }
0x64: {  	_ =	shalt  }
0x65: {  	_ =	shalt  }
0x66: {  	_ =	shalt  }
0x67: {  	_ =	shalt  }
0x68: {  	_ =	shalt  }
0x69: {  	_ =	shalt  }
0x6a: {  	_ =	shalt  }
0x6b: {  	_ =	shalt  }
0x6c: {  	_ =	shalt  }
0x6d: {  	_ =	shalt  }
0x6e: {  	_ =	shalt  }
0x6f: {  	_ =	shalt  }
0x70: {  	_ =	shalt  }
0x71: {  	_ =	shalt  }
0x72: {  	_ =	shalt  }
0x73: {  	_ =	shalt  }
0x74: {  	_ =	shalt  }
0x75: {  	_ =	shalt  }
0x76: {  	_ =	shalt  }
0x77: {  	_ =	shalt  }
0x78: {  	_ =	shalt  }
0x79: {  	_ =	shalt  }
0x7a: {  	_ =	shalt  }
0x7b: {  	_ =	shalt  }
0x7c: {  	_ =	shalt  }
0x7d: {  	_ =	shalt  }
0x7e: {  	_ =	shalt  }
0x7f: {  	_ =	shalt  }
0x80: {  	_ =	shalt  }
0x81: {  	_ =	shalt  }
0x82: {  	_ =	shalt  }
0x83: {  	_ =	shalt  }
0x84: {  	_ =	shalt  }
0x85: {  	_ =	shalt  }
0x86: {  	_ =	shalt  }
0x87: {  	_ =	shalt  }
.Lfunc_end0:
.L_simem_size_0:
called_computation.1_lowered:
.L_overlay_start_0:
0x88: {  	s2 =	sld [smem:$0x3FD9]  }
0x89: {  	s3 =	sld [smem:$0x3FFE];
	_ =	sdelay $0x1  }
0x8a: {  	s1 =	srdreg.scid  }
0x8b: {  	s0 =	sand.u32 $0x1, s1  }
0x8c: {  	s14 =	sshll.u32 s0, $0xA;
	s2 =	sadd.s32 s3, s2  }
0x8d: {  	s2 =	sadd.s32 s2, s14  }
0x8e: {  	[smem:$0x3FC5] =	sst s2  }
0x8f: {  	_ = 	snop  }
0x90: {  	s2 =	sld [smem:$0x3FD0];
	_ =	sdelay $0x2  }
0x91: {  	s4 =	simm.s32 $0xB;
	s5 =	simm.s32 $0x10;
	s15 =	sld [smem:$0x3FC7]  }
0x92: {  	[smem:s5], [sflag:s4] =	dma.local [hbm:s2], $0x1  }
0x93: {  	_ =	swait.eq [sflag:s4], $0x1  }
0x94: {  	[sflag:s4] =	ssyncset.done $0x0  }
0x95: {  	[sflag:s4] =	ssyncadd.s32 $0xFFFFFFFF  }
0x96: {  	s16 =	sld [smem:$0x10];
	(tm) =	ssettm $0x1  }
0x97: {  	s17 =	sld [smem:$0x3FFB];
	_ =	sdelay $0x3  }
0x98: {  	_ =	strace s17  }
0x99: {  	s4 =	sld [smem:$0x3FFC];
	_ =	sdelay $0x3  }
0x9a: {  	_ =	strace s4  }
0x9b: {  	s4 =	sld [smem:$0x3FFD];
	_ =	sdelay $0x3  }
0x9c: {  	_ =	strace s4  }
0x9d: {  	_ =	strace $0x8FFFFFFF  }
0x9e: {  	s18 =	sld [smem:$0x3FDB];
	_ =	sdelay $0x1  }
0x9f: {  	s19 =	simm.s32 $_scs_section_size  }
0xa0: {  	s6 =	simm.s32 $_size__tile_overlayer_lowered;
	s7 =	simm.s32 $_tile_overlayer_lowered  }
0xa1: {  	s22 =	simm.s32 $0x1BFF;
	s21 =	sshll.u32 s7, $0x1;
	s4 =	sadd.s32 s19, s18  }
0xa2: {  	s8 =	simm.s32 $0x0;
	s20 =	sshll.u32 s6, $0x1;
	s6 =	sadd.s32 s21, s4  }
0xa3: {  	[timem:s8], [sflag:s22] =	dma.local [hbm:s6], s20  }
0xa4: {  	_ =	swait.ge [sflag:s22], s20  }
0xa5: {  	s5 =	ssub.s32 $0x0, s20;
	[sflag:s22] =	ssyncset.done $0x0  }
0xa6: {  	[sflag:s22] =	ssyncadd.s32 s5;
	_ =	sdelay $0x1  }
0xa7: {  	s23 =	simm.s32 $0x1B8B  }
0xa8: {  	_ =	swait.ge [sflag:s23], $0x1  }
0xa9: {  	[sflag:s23] =	ssyncset.done $0x0  }
0xaa: {  	s25 =	simm.s32 $0x1B8E;
	s24 =	sld [smem:$0x3FFE];
	[sflag:s23] =	ssyncadd.s32 $0xFFFFFFFF  }
0xab: {  	s26 =	simm.s32 $execute0_lowered;
	[smem:$0x3FD2] =	sst s25  }
0xac: {  	s6 =	sshll.u32 s26, $0x1;
	_ =	strace $0x80000046;
	[dreg:$0x1] =	wrdreg $0xFFFFFFFF  }
0xad: {  	s28 =	simm.s32 $_size_execute0_lowered;
	s4 =	sadd.s32 s4, s6;
	[dreg:$0x0] =	wrdreg $0x0  }
0xae: {  	s6 =	sshll.u32 s28, $0x1;
	[dreg:$0x2] =	wrdreg s4  }
0xaf: {  	[dreg:$0x3] =	wrdreg s6  }
0xb0: {  	[dreg:$0x4] =	wrdreg $0xC0  }
0xb1: {  	_ =	task [dreg:s8], $0x5FFFF  }
0xb2: {  	[dreg:$0x1] =	wrdreg $0xFFFFFFFF  }
0xb3: {  	[dreg:$0x0] =	wrdreg $0x60  }
0xb4: {  	[dreg:$0x2] =	wrdreg s24  }
0xb5: {  	[dreg:$0x3] =	wrdreg s15  }
0xb6: {  	[dreg:$0x4] =	wrdreg s16  }
0xb7: {  	[dreg:$0x5] =	wrdreg $0xA  }
0xb8: {  	_ =	task.clear_ibuf [dreg:s8], $0x6FFFF;
	_ =	strace $0x90000046  }
0xb9: {  	s29 =	simm.s32 $0xA;
	_ =	strace $0x80000048  }
0xba: {  	_ =	swait.ge [sflag:s29], $0x1  }
0xbb: {  	[sflag:s29] =	ssyncadd.s32 $0xFFFFFFFF  }
0xbc: {  	_ =	strace $0x90000048  }
0xbd: {  	_ =	sfence  }
0xbe: {  	s30 =	sld [smem:$0x0];
	_ =	sdelay $0x2  }
0xbf: {  	s31 =	sshll.u32 s1, $0xD;
	s1 =	sshrl.u32 s1, $0x2  }
0xc0: {  	s3 =	sand.u32 $0x4000, s31;
	s1 =	sadd.s32 s1, s30  }
0xc1: {  	s0 =	sor.u32 s3, s0;
	s1 =	sshll.u32 s1, $0x11  }
0xc2: {  	s0 =	sor.u32 s1, s0  }
0xc3: {  	s0 =	sadd.s32 $0x8F2B, s0  }
0xc4: {  	[sflag:s0] =	ssyncadd.remote.s32 $0x1  }
0xc5: {  	_ =	sfence.sel $0xFFFF  }
0xc6: {  	[dreg:$0x0] =	wrdreg $0xFFFFFFFF;
	(pc) =	sbr.abs _section_cstart, $3  }
0xc7: {  	[dreg:$0x1] =	wrdreg $0xFFFFFFFF  }
0xc8: {  	_ =	task.clear_ibuf [dreg:s8], $0x2FFFF;
	_ =	strace $0x9FFFFFFF  }
0xc9: {  	(tm) =	ssettm $0x7FFFFFFF  }
tec
execute0_lowered:
.L_overlay_start_1:
0x0: {  	(tag) =	ssettag $0x1  }
0x1: {  	s0 =	rddreg [dreg:$0x0]  }
0x2: {  	s1 =	rddreg [dreg:$0x1]  }
0x3: {  	s5 =	rddreg [dreg:$0x2];
	s2 =	simm.s32 $0x0  }
0x4: {  	s3 =	srdreg.scid;
	s4 =	stileid.u32;
	s8 =	simm.s32 $0x80  }
0x5: {  	s10 =	simm.s32 $0xA00;
	s9 =	simm.s32 $0x800;
	s11 =	simm.s32 $0x6A00  }
0x6: {  	s12 =	simm.s32 $0x880;
	s13 =	simm.s32 $0x7200;
	s14 =	simm.s32 $0x900  }
0x7: {  	s15 =	simm.s32 $0x7A00;
	s16 =	simm.s32 $0x980;
	s17 =	simm.s32 $0x8200  }
0x8: {  	s18 =	simm.s32 $0x1;
	s19 =	simm.s32 $0x2;
	s20 =	simm.s32 $0x3  }
0x9: {  	s21 =	simm.s32 $0x4;
	s22 =	simm.s32 $0x8A00;
	s23 =	simm.s32 $0x0  }
0xa: {  	[smem:$0x7FF] =	sst s2;
	s3 =	sand.u32 $0x1, s3;
	s4 =	sshll.u32 s4, $0x1  }
0xb: {  	_ =	strace $0x80000047;
	s6 =	ssub.s32 $0x2, s3;
	s7 =	sor.u32 s3, s4  }
0xc: {  	s3 =	sadd.s32 $0x1000, s0;
	s30 =	sshrl.u32 s6, $0x1;
	s4 =	sshll.u32 s7, $0x6  }
0xd: {  	v0 =	vlaneseq.u32;
	s31 =	sshll.u32 s7, $0x8;
	s7 =	simm.s32 $0x5;
	s0 =	ssub.s32 s6, s30  }
0xe: {  	v0 =	vmul.u32 $0x10, v0;
	s4 =	sadd.s32 s1, s4;
	s5 =	sadd.s32 s5, s31;
	s6 =	smax.u32 s0, $0x1  }
.LBB2_1:
0xf: {  	[tilespmem:s2], [sflag:$0x5] =	stream.linear.gather [hbm4b:s4+s2], $0x200, $0x38;
	[tilespmem:$0x9200] =	vst v63  }
0x10: {  	_ =	swait.ge [sflag:s7], $0x200  }
0x11: {  	[sflag:s7] =	ssyncset.done $0x0  }
0x12: {  	[sflag:s7] =	ssyncadd.s32 $0xFFFFFE00  }
0x13: {  	v1 =	vld [tilespmem:$0x0];
	_ =	sdelay $0x3  }
0x14: {  	v2 =	vld [tilespmem:$0x10]  }
0x15: {  	v1 =	vshra.s32 v1, $0x4  }
0x16: {  	[tilespmem:$0x200] =	vst v1;
	v3 =	vadd.s32 $0xF424, v1  }
0x17: {  	[tilespmem:$0x280] =	vst v3;
	v3 =	vadd.s32 $0x1E848, v1  }
0x18: {  	v1 =	vadd.s32 $0x2DC6C, v1;
	[tilespmem:$0x300] =	vst v3;
	v3 =	vld [tilespmem:$0x20]  }
0x19: {  	[tilespmem:$0x380] =	vst v1;
	v1 =	vshra.s32 v2, $0x4  }
0x1a: {  	[tilespmem:$0x210] =	vst v1;
	v2 =	vadd.s32 $0xF424, v1  }
0x1b: {  	[tilespmem:$0x290] =	vst v2;
	v2 =	vadd.s32 $0x1E848, v1  }
0x1c: {  	v1 =	vadd.s32 $0x2DC6C, v1;
	[tilespmem:$0x310] =	vst v2;
	v2 =	vld [tilespmem:$0x30]  }
0x1d: {  	[tilespmem:$0x390] =	vst v1;
	v1 =	vshra.s32 v3, $0x4  }
0x1e: {  	[tilespmem:$0x220] =	vst v1;
	v3 =	vadd.s32 $0xF424, v1  }
0x1f: {  	[tilespmem:$0x2A0] =	vst v3;
	v3 =	vadd.s32 $0x1E848, v1  }
0x20: {  	v1 =	vadd.s32 $0x2DC6C, v1;
	[tilespmem:$0x320] =	vst v3;
	v3 =	vld [tilespmem:$0x40]  }
0x21: {  	[tilespmem:$0x3A0] =	vst v1;
	v1 =	vshra.s32 v2, $0x4  }
0x22: {  	[tilespmem:$0x230] =	vst v1;
	v2 =	vadd.s32 $0xF424, v1  }
0x23: {  	[tilespmem:$0x2B0] =	vst v2;
	v2 =	vadd.s32 $0x1E848, v1  }
0x24: {  	v1 =	vadd.s32 $0x2DC6C, v1;
	[tilespmem:$0x330] =	vst v2;
	v2 =	vld [tilespmem:$0x50]  }
0x25: {  	[tilespmem:$0x3B0] =	vst v1;
	v1 =	vshra.s32 v3, $0x4  }
0x26: {  	[tilespmem:$0x240] =	vst v1;
	v3 =	vadd.s32 $0xF424, v1  }
0x27: {  	[tilespmem:$0x2C0] =	vst v3;
	v3 =	vadd.s32 $0x1E848, v1  }
0x28: {  	v1 =	vadd.s32 $0x2DC6C, v1;
	[tilespmem:$0x340] =	vst v3;
	v3 =	vld [tilespmem:$0x60]  }
0x29: {  	[tilespmem:$0x3C0] =	vst v1;
	v1 =	vshra.s32 v2, $0x4  }
0x2a: {  	[tilespmem:$0x250] =	vst v1;
	v2 =	vadd.s32 $0xF424, v1  }
0x2b: {  	[tilespmem:$0x2D0] =	vst v2;
	v2 =	vadd.s32 $0x1E848, v1  }
0x2c: {  	v1 =	vadd.s32 $0x2DC6C, v1;
	[tilespmem:$0x350] =	vst v2;
	v2 =	vld [tilespmem:$0x70]  }
0x2d: {  	[tilespmem:$0x3D0] =	vst v1;
	v1 =	vshra.s32 v3, $0x4  }
0x2e: {  	[tilespmem:$0x260] =	vst v1;
	v3 =	vadd.s32 $0xF424, v1  }
0x2f: {  	[tilespmem:$0x2E0] =	vst v3;
	v3 =	vadd.s32 $0x1E848, v1  }
0x30: {  	v1 =	vadd.s32 $0x2DC6C, v1;
	[tilespmem:$0x360] =	vst v3;
	v3 =	vld [tilespmem:$0x80]  }
0x31: {  	[tilespmem:$0x3E0] =	vst v1;
	v1 =	vshra.s32 v2, $0x4  }
0x32: {  	[tilespmem:$0x270] =	vst v1;
	v2 =	vadd.s32 $0xF424, v1  }
0x33: {  	[tilespmem:$0x2F0] =	vst v2;
	v2 =	vadd.s32 $0x1E848, v1  }
0x34: {  	v1 =	vadd.s32 $0x2DC6C, v1;
	[tilespmem:$0x370] =	vst v2;
	v2 =	vld [tilespmem:$0x90]  }
0x35: {  	[tilespmem:$0x3F0] =	vst v1;
	v1 =	vshra.s32 v3, $0x4  }
0x36: {  	[tilespmem:$0x400] =	vst v1;
	v3 =	vadd.s32 $0xF424, v1  }
0x37: {  	[tilespmem:$0x480] =	vst v3;
	v3 =	vadd.s32 $0x1E848, v1  }
0x38: {  	v1 =	vadd.s32 $0x2DC6C, v1;
	[tilespmem:$0x500] =	vst v3;
	v3 =	vld [tilespmem:$0xA0]  }
0x39: {  	[tilespmem:$0x580] =	vst v1;
	v1 =	vshra.s32 v2, $0x4  }
0x3a: {  	[tilespmem:$0x410] =	vst v1;
	v2 =	vadd.s32 $0xF424, v1  }
0x3b: {  	[tilespmem:$0x490] =	vst v2;
	v2 =	vadd.s32 $0x1E848, v1  }
0x3c: {  	v1 =	vadd.s32 $0x2DC6C, v1;
	[tilespmem:$0x510] =	vst v2;
	v2 =	vld [tilespmem:$0xB0]  }
0x3d: {  	[tilespmem:$0x590] =	vst v1;
	v1 =	vshra.s32 v3, $0x4  }
0x3e: {  	[tilespmem:$0x420] =	vst v1;
	v3 =	vadd.s32 $0xF424, v1  }
0x3f: {  	[tilespmem:$0x4A0] =	vst v3;
	v3 =	vadd.s32 $0x1E848, v1  }
0x40: {  	v1 =	vadd.s32 $0x2DC6C, v1;
	[tilespmem:$0x520] =	vst v3;
	v3 =	vld [tilespmem:$0xC0]  }
0x41: {  	[tilespmem:$0x5A0] =	vst v1;
	v1 =	vshra.s32 v2, $0x4  }
0x42: {  	[tilespmem:$0x430] =	vst v1;
	v2 =	vadd.s32 $0xF424, v1  }
0x43: {  	[tilespmem:$0x4B0] =	vst v2;
	v2 =	vadd.s32 $0x1E848, v1  }
0x44: {  	v1 =	vadd.s32 $0x2DC6C, v1;
	[tilespmem:$0x530] =	vst v2;
	v2 =	vld [tilespmem:$0xD0]  }
0x45: {  	[tilespmem:$0x5B0] =	vst v1;
	v1 =	vshra.s32 v3, $0x4  }
0x46: {  	[tilespmem:$0x440] =	vst v1;
	v3 =	vadd.s32 $0xF424, v1  }
0x47: {  	[tilespmem:$0x4C0] =	vst v3;
	v3 =	vadd.s32 $0x1E848, v1  }
0x48: {  	v1 =	vadd.s32 $0x2DC6C, v1;
	[tilespmem:$0x540] =	vst v3;
	v3 =	vld [tilespmem:$0xE0]  }
0x49: {  	[tilespmem:$0x5C0] =	vst v1;
	v1 =	vshra.s32 v2, $0x4  }
0x4a: {  	[tilespmem:$0x450] =	vst v1;
	v2 =	vadd.s32 $0xF424, v1  }
0x4b: {  	[tilespmem:$0x4D0] =	vst v2;
	v2 =	vadd.s32 $0x1E848, v1  }
0x4c: {  	v1 =	vadd.s32 $0x2DC6C, v1;
	[tilespmem:$0x550] =	vst v2;
	v2 =	vld [tilespmem:$0xF0]  }
0x4d: {  	[tilespmem:$0x5D0] =	vst v1;
	v1 =	vshra.s32 v3, $0x4  }
0x4e: {  	[tilespmem:$0x460] =	vst v1;
	v3 =	vadd.s32 $0xF424, v1  }
0x4f: {  	[tilespmem:$0x4E0] =	vst v3;
	v3 =	vadd.s32 $0x1E848, v1  }
0x50: {  	v1 =	vadd.s32 $0x2DC6C, v1;
	[tilespmem:$0x560] =	vst v3;
	v3 =	vld [tilespmem:$0x100]  }
0x51: {  	[tilespmem:$0x5E0] =	vst v1;
	v1 =	vshra.s32 v2, $0x4  }
0x52: {  	[tilespmem:$0x470] =	vst v1;
	v2 =	vadd.s32 $0xF424, v1  }
0x53: {  	[tilespmem:$0x4F0] =	vst v2;
	v2 =	vadd.s32 $0x1E848, v1  }
0x54: {  	v1 =	vadd.s32 $0x2DC6C, v1;
	[tilespmem:$0x570] =	vst v2;
	v2 =	vld [tilespmem:$0x110]  }
0x55: {  	[tilespmem:$0x5F0] =	vst v1;
	v1 =	vshra.s32 v3, $0x4  }
0x56: {  	[tilespmem:$0x600] =	vst v1;
	v3 =	vadd.s32 $0xF424, v1  }
0x57: {  	[tilespmem:$0x680] =	vst v3;
	v3 =	vadd.s32 $0x1E848, v1  }
0x58: {  	v1 =	vadd.s32 $0x2DC6C, v1;
	[tilespmem:$0x700] =	vst v3;
	v3 =	vld [tilespmem:$0x120]  }
0x59: {  	[tilespmem:$0x780] =	vst v1;
	v1 =	vshra.s32 v2, $0x4  }
0x5a: {  	[tilespmem:$0x610] =	vst v1;
	v2 =	vadd.s32 $0xF424, v1  }
0x5b: {  	[tilespmem:$0x690] =	vst v2;
	v2 =	vadd.s32 $0x1E848, v1  }
0x5c: {  	v1 =	vadd.s32 $0x2DC6C, v1;
	[tilespmem:$0x710] =	vst v2;
	v2 =	vld [tilespmem:$0x130]  }
0x5d: {  	[tilespmem:$0x790] =	vst v1;
	v1 =	vshra.s32 v3, $0x4  }
0x5e: {  	[tilespmem:$0x620] =	vst v1;
	v3 =	vadd.s32 $0xF424, v1  }
0x5f: {  	[tilespmem:$0x6A0] =	vst v3;
	v3 =	vadd.s32 $0x1E848, v1  }
0x60: {  	v1 =	vadd.s32 $0x2DC6C, v1;
	[tilespmem:$0x720] =	vst v3;
	v3 =	vld [tilespmem:$0x140]  }
0x61: {  	[tilespmem:$0x7A0] =	vst v1;
	v1 =	vshra.s32 v2, $0x4  }
0x62: {  	[tilespmem:$0x630] =	vst v1;
	v2 =	vadd.s32 $0xF424, v1  }
0x63: {  	[tilespmem:$0x6B0] =	vst v2;
	v2 =	vadd.s32 $0x1E848, v1  }
0x64: {  	v1 =	vadd.s32 $0x2DC6C, v1;
	[tilespmem:$0x730] =	vst v2;
	v2 =	vld [tilespmem:$0x150]  }
0x65: {  	[tilespmem:$0x7B0] =	vst v1;
	v1 =	vshra.s32 v3, $0x4  }
0x66: {  	[tilespmem:$0x640] =	vst v1;
	v3 =	vadd.s32 $0xF424, v1  }
0x67: {  	[tilespmem:$0x6C0] =	vst v3;
	v3 =	vadd.s32 $0x1E848, v1  }
0x68: {  	v1 =	vadd.s32 $0x2DC6C, v1;
	[tilespmem:$0x740] =	vst v3;
	v3 =	vld [tilespmem:$0x160]  }
0x69: {  	[tilespmem:$0x7C0] =	vst v1;
	v1 =	vshra.s32 v2, $0x4  }
0x6a: {  	[tilespmem:$0x650] =	vst v1;
	v2 =	vadd.s32 $0xF424, v1  }
0x6b: {  	[tilespmem:$0x6D0] =	vst v2;
	v2 =	vadd.s32 $0x1E848, v1  }
0x6c: {  	v1 =	vadd.s32 $0x2DC6C, v1;
	[tilespmem:$0x750] =	vst v2;
	v2 =	vld [tilespmem:$0x170]  }
0x6d: {  	[tilespmem:$0x7D0] =	vst v1;
	v1 =	vshra.s32 v3, $0x4  }
0x6e: {  	[tilespmem:$0x660] =	vst v1;
	v3 =	vadd.s32 $0xF424, v1  }
0x6f: {  	[tilespmem:$0x6E0] =	vst v3;
	v3 =	vadd.s32 $0x1E848, v1  }
0x70: {  	v1 =	vadd.s32 $0x2DC6C, v1;
	[tilespmem:$0x760] =	vst v3;
	v3 =	vld [tilespmem:$0x180]  }
0x71: {  	[tilespmem:$0x7E0] =	vst v1;
	v1 =	vshra.s32 v2, $0x4  }
0x72: {  	[tilespmem:$0x670] =	vst v1;
	v2 =	vadd.s32 $0xF424, v1  }
0x73: {  	[tilespmem:$0x6F0] =	vst v2;
	v2 =	vadd.s32 $0x1E848, v1  }
0x74: {  	v1 =	vadd.s32 $0x2DC6C, v1;
	[tilespmem:$0x770] =	vst v2;
	v2 =	vld [tilespmem:$0x190]  }
0x75: {  	[tilespmem:$0x7F0] =	vst v1;
	v1 =	vshra.s32 v3, $0x4  }
0x76: {  	[tilespmem:$0x800] =	vst v1;
	v3 =	vadd.s32 $0xF424, v1  }
0x77: {  	[tilespmem:$0x880] =	vst v3;
	v3 =	vadd.s32 $0x1E848, v1  }
0x78: {  	v1 =	vadd.s32 $0x2DC6C, v1;
	[tilespmem:$0x900] =	vst v3;
	v3 =	vld [tilespmem:$0x1A0]  }
0x79: {  	[tilespmem:$0x980] =	vst v1;
	v1 =	vshra.s32 v2, $0x4  }
0x7a: {  	[tilespmem:$0x810] =	vst v1;
	v2 =	vadd.s32 $0xF424, v1  }
0x7b: {  	[tilespmem:$0x890] =	vst v2;
	v2 =	vadd.s32 $0x1E848, v1  }
0x7c: {  	v1 =	vadd.s32 $0x2DC6C, v1;
	[tilespmem:$0x910] =	vst v2;
	v2 =	vld [tilespmem:$0x1B0]  }
0x7d: {  	[tilespmem:$0x990] =	vst v1;
	v1 =	vshra.s32 v3, $0x4  }
0x7e: {  	[tilespmem:$0x820] =	vst v1;
	v3 =	vadd.s32 $0xF424, v1  }
0x7f: {  	[tilespmem:$0x8A0] =	vst v3;
	v3 =	vadd.s32 $0x1E848, v1  }
0x80: {  	v1 =	vadd.s32 $0x2DC6C, v1;
	[tilespmem:$0x920] =	vst v3;
	v3 =	vld [tilespmem:$0x1C0]  }
0x81: {  	[tilespmem:$0x9A0] =	vst v1;
	v1 =	vshra.s32 v2, $0x4  }
0x82: {  	[tilespmem:$0x830] =	vst v1;
	v2 =	vadd.s32 $0xF424, v1  }
0x83: {  	[tilespmem:$0x8B0] =	vst v2;
	v2 =	vadd.s32 $0x1E848, v1  }
0x84: {  	v1 =	vadd.s32 $0x2DC6C, v1;
	[tilespmem:$0x930] =	vst v2;
	v2 =	vld [tilespmem:$0x1D0]  }
0x85: {  	[tilespmem:$0x9B0] =	vst v1;
	v1 =	vshra.s32 v3, $0x4  }
0x86: {  	[tilespmem:$0x840] =	vst v1;
	v3 =	vadd.s32 $0xF424, v1  }
0x87: {  	[tilespmem:$0x8C0] =	vst v3;
	v3 =	vadd.s32 $0x1E848, v1  }
0x88: {  	v1 =	vadd.s32 $0x2DC6C, v1;
	[tilespmem:$0x940] =	vst v3;
	v3 =	vld [tilespmem:$0x1E0]  }
0x89: {  	[tilespmem:$0x9C0] =	vst v1;
	v1 =	vshra.s32 v2, $0x4  }
0x8a: {  	[tilespmem:$0x850] =	vst v1;
	v2 =	vadd.s32 $0xF424, v1  }
0x8b: {  	[tilespmem:$0x8D0] =	vst v2;
	v2 =	vadd.s32 $0x1E848, v1  }
0x8c: {  	v1 =	vadd.s32 $0x2DC6C, v1;
	[tilespmem:$0x950] =	vst v2;
	v2 =	vld [tilespmem:$0x1F0]  }
0x8d: {  	[tilespmem:$0x9D0] =	vst v1;
	v1 =	vshra.s32 v3, $0x4  }
0x8e: {  	[tilespmem:$0x860] =	vst v1;
	v3 =	vadd.s32 $0xF424, v1  }
0x8f: {  	[tilespmem:$0x8E0] =	vst v3;
	v3 =	vadd.s32 $0x1E848, v1  }
0x90: {  	v1 =	vadd.s32 $0x2DC6C, v1;
	[tilespmem:$0x960] =	vst v3  }
0x91: {  	[tilespmem:$0x9E0] =	vst v1;
	v1 =	vshra.s32 v2, $0x4  }
0x92: {  	[tilespmem:$0x870] =	vst v1;
	v2 =	vadd.s32 $0xF424, v1  }
0x93: {  	[tilespmem:$0x8F0] =	vst v2;
	v2 =	vadd.s32 $0x1E848, v1  }
0x94: {  	v1 =	vadd.s32 $0x2DC6C, v1;
	[tilespmem:$0x970] =	vst v2  }
0x95: {  	s0 =	simm.s32 $0x200;
	[tilespmem:$0x9F0] =	vst v1  }
0x96: {  	[tilespmem:s10], [sflag:$0x1] =	stream.indirect.gather [hbm4b:s3+s8], $0x10, s0, s8, $0xb8;
	[tilespmem:$0x9200] =	vst v63  }
0x97: {  	s29 =	simm.s32 $0x280;
	s1 =	simm.s32 $0x1200  }
0x98: {  	[tilespmem:s1], [sflag:$0x1] =	stream.indirect.gather [hbm4b:s3+s8], $0x10, s29, s8, $0xb8;
	[tilespmem:$0x9200] =	vst v63  }
0x99: {  	s30 =	simm.s32 $0x300;
	s31 =	simm.s32 $0x1A00  }
0x9a: {  	[tilespmem:s31], [sflag:$0x1] =	stream.indirect.gather [hbm4b:s3+s8], $0x10, s30, s8, $0xb8;
	[tilespmem:$0x9200] =	vst v63  }
0x9b: {  	s24 =	simm.s32 $0x380;
	s25 =	simm.s32 $0x2200  }
0x9c: {  	[tilespmem:s25], [sflag:$0x1] =	stream.indirect.gather [hbm4b:s3+s8], $0x10, s24, s8, $0xb8;
	[tilespmem:$0x9200] =	vst v63  }
0x9d: {  	s26 =	simm.s32 $0x400;
	s29 =	simm.s32 $0x2A00  }
0x9e: {  	[tilespmem:s29], [sflag:$0x2] =	stream.indirect.gather [hbm4b:s3+s8], $0x10, s26, s8, $0xb8;
	[tilespmem:$0x9200] =	vst v63  }
0x9f: {  	s30 =	simm.s32 $0x480;
	s31 =	simm.s32 $0x3200  }
0xa0: {  	[tilespmem:s31], [sflag:$0x2] =	stream.indirect.gather [hbm4b:s3+s8], $0x10, s30, s8, $0xb8;
	[tilespmem:$0x9200] =	vst v63  }
0xa1: {  	s24 =	simm.s32 $0x500;
	s25 =	simm.s32 $0x3A00  }
0xa2: {  	[tilespmem:s25], [sflag:$0x2] =	stream.indirect.gather [hbm4b:s3+s8], $0x10, s24, s8, $0xb8;
	[tilespmem:$0x9200] =	vst v63  }
0xa3: {  	s26 =	simm.s32 $0x580;
	s29 =	simm.s32 $0x4200  }
0xa4: {  	[tilespmem:s29], [sflag:$0x2] =	stream.indirect.gather [hbm4b:s3+s8], $0x10, s26, s8, $0xb8;
	[tilespmem:$0x9200] =	vst v63  }
0xa5: {  	s30 =	simm.s32 $0x600;
	s31 =	simm.s32 $0x4A00  }
0xa6: {  	[tilespmem:s31], [sflag:$0x3] =	stream.indirect.gather [hbm4b:s3+s8], $0x10, s30, s8, $0xb8;
	[tilespmem:$0x9200] =	vst v63  }
0xa7: {  	s24 =	simm.s32 $0x680;
	s25 =	simm.s32 $0x5200  }
0xa8: {  	[tilespmem:s25], [sflag:$0x3] =	stream.indirect.gather [hbm4b:s3+s8], $0x10, s24, s8, $0xb8;
	[tilespmem:$0x9200] =	vst v63  }
0xa9: {  	s26 =	simm.s32 $0x700;
	s29 =	simm.s32 $0x5A00  }
0xaa: {  	[tilespmem:s29], [sflag:$0x3] =	stream.indirect.gather [hbm4b:s3+s8], $0x10, s26, s8, $0xb8;
	[tilespmem:$0x9200] =	vst v63  }
0xab: {  	s30 =	simm.s32 $0x780;
	s31 =	simm.s32 $0x6200  }
0xac: {  	[tilespmem:s31], [sflag:$0x3] =	stream.indirect.gather [hbm4b:s3+s8], $0x10, s30, s8, $0xb8;
	[tilespmem:$0x9200] =	vst v63  }
0xad: {  	_ = 	snop  }
0xae: {  	[tilespmem:s11], [sflag:$0x4] =	stream.indirect.gather [hbm4b:s3+s8], $0x10, s9, s8, $0xb8;
	[tilespmem:$0x9200] =	vst v63  }
0xaf: {  	_ = 	snop  }
0xb0: {  	[tilespmem:s13], [sflag:$0x4] =	stream.indirect.gather [hbm4b:s3+s8], $0x10, s12, s8, $0xb8;
	[tilespmem:$0x9200] =	vst v63  }
0xb1: {  	_ = 	snop  }
0xb2: {  	[tilespmem:s15], [sflag:$0x4] =	stream.indirect.gather [hbm4b:s3+s8], $0x10, s14, s8, $0xb8;
	[tilespmem:$0x9200] =	vst v63  }
0xb3: {  	_ = 	snop  }
0xb4: {  	[tilespmem:s17], [sflag:$0x4] =	stream.indirect.gather [hbm4b:s3+s8], $0x10, s16, s8, $0xb8;
	[tilespmem:$0x9200] =	vst v63  }
0xb5: {  	_ =	swait.ge [sflag:s18], $0x800  }
0xb6: {  	[sflag:s18] =	ssyncset.done $0x0  }
0xb7: {  	[sflag:s18] =	ssyncadd.s32 $0xFFFFF800  }
0xb8: {  	_ =	swait.ge [sflag:s18], $0x800  }
0xb9: {  	[sflag:s18] =	ssyncset.done $0x0  }
0xba: {  	[sflag:s18] =	ssyncadd.s32 $0xFFFFF800  }
0xbb: {  	_ =	swait.ge [sflag:s18], $0x800  }
0xbc: {  	[sflag:s18] =	ssyncset.done $0x0  }
0xbd: {  	[sflag:s18] =	ssyncadd.s32 $0xFFFFF800  }
0xbe: {  	_ =	swait.ge [sflag:s18], $0x800  }
0xbf: {  	s24 =	simm.s32 $0x20;
	[sflag:s18] =	ssyncset.done $0x0  }
0xc0: {  	s28 =	simm.s32 $0x10;
	s25 =	sand.u32 $0x60, s24;
	[sflag:s18] =	ssyncadd.s32 $0xFFFFF800  }
0xc1: {  	v4 =	vmov s28;
	s26 =	simm.s32 $0x0;
	v1 =	vld [tilespmem:s25+$0x0]  }
0xc2: {  	v4 =	vshll.u32 v4, $0x4;
	s0 =	simm.s32 $0x30;
	s29 =	sand.u32 $0x40, s26  }
0xc3: {  	s28 =	sand.u32 $0x50, s28;
	v4 =	vor.u32 v0, v4;
	v3 =	vmov s0;
	v7 =	vmov s24;
	v2 =	vld [tilespmem:s29+$0x0]  }
0xc4: {  	v3 =	vshll.u32 v3, $0x4;
	s1 =	simm.s32 $0x60;
	v7 =	vshll.u32 v7, $0x4;
	v5 =	vmov s26;
	v6 =	vld [tilespmem:s28+$0x0];
	s28 =	simm.s32 $0x70  }
0xc5: {  	v7 =	vor.u32 v0, v7;
	v5 =	vshll.u32 v5, $0x4;
	s30 =	simm.s32 $0x50;
	s31 =	simm.s32 $0x40;
	s29 =	sand.u32 $0x60, s1;
	v9 =	vmov s28  }
0xc6: {  	v11 =	vmov s31;
	s26 =	sand.u32 $0x50, s30;
	v8 =	vld [tilespmem:s29+$0x0];
	v9 =	vshll.u32 v9, $0x4;
	v1 =	vand.u32 $0xF, v1  }
0xc7: {  	s25 =	sand.u32 $0x70, s0;
	v13 =	vor.u32 v0, v9;
	v9 =	vshll.u32 v11, $0x4;
	v11 =	vld [tilespmem:s26+$0x0];
	v1 =	vor.u32 v7, v1  }
0xc8: {  	v5 =	vor.u32 v0, v5;
	v10 =	vmov s30;
	v2 =	vand.u32 $0xF, v2;
	v7 =	vld [tilespmem:s25+$0x0];
	s25 =	sand.u32 $0x40, s31  }
0xc9: {  	v3 =	vor.u32 v0, v3;
	v10 =	vshll.u32 v10, $0x4;
	s0 =	sand.u32 $0x70, s28;
	v2 =	vor.u32 v5, v2;
	v12 =	vld [tilespmem:s25+$0x0]  }
0xca: {  	v10 =	vor.u32 v0, v10;
	v15 =	vld [tilespmem:s0+$0x0];
	v6 =	vand.u32 $0xF, v6;
	v5 =	vmov s1  }
0xcb: {  	s28 =	simm.s32 $0x90;
	v9 =	vor.u32 v0, v9;
	s1 =	simm.s32 $0xA0;
	v16 =	vor.u32 v4, v6;
	v5 =	vshll.u32 v5, $0x4  }
0xcc: {  	v6 =	vmov s28;
	s30 =	sand.u32 $0x60, s1;
	v14 =	vld.idx.msk [tilespmem:v1+s10+$0x0], $0xffff;
	v1 =	vor.u32 v0, v5;
	v5 =	vand.u32 $0xF, v8  }
0xcd: {  	s29 =	simm.s32 $0xB0;
	s31 =	simm.s32 $0x80;
	v17 =	vld [tilespmem:s30+$0x0];
	v11 =	vand.u32 $0xF, v11;
	v7 =	vand.u32 $0xF, v7;
	v5 =	vor.u32 v1, v5  }
0xce: {  	s24 =	sand.u32 $0x40, s31;
	v18 =	vld.idx.msk [tilespmem:v2+s10+$0x0], $0xffff;
	v1 =	vor.u32 v3, v7;
	v3 =	vmov s29;
	v4 =	vand.u32 $0xF, v12  }
0xcf: {  	s28 =	sand.u32 $0x50, s28;
	v8 =	vld [tilespmem:s24+$0x0];
	v7 =	vmov s31;
	v12 =	vand.u32 $0xF, v15;
	v2 =	vshll.u32 v3, $0x4  }
0xd0: {  	s26 =	sand.u32 $0x70, s29;
	v3 =	vshll.u32 v6, $0x4;
	v6 =	vshll.u32 v7, $0x4;
	v7 =	vld [tilespmem:s28+$0x0];
	v9 =	vor.u32 v9, v4  }
0xd1: {  	s24 =	simm.s32 $0x8A20;
	v15 =	vmov s1;
	v4 =	vor.u32 v10, v11;
	v11 =	vld [tilespmem:s26+$0x0];
	v12 =	vor.u32 v13, v12  }
0xd2: {  	v10 =	vshll.u32 v15, $0x4;
	v2 =	vor.u32 v0, v2;
	v3 =	vor.u32 v0, v3;
	[tilespmem:s24+$0x0] =	vst v14;
	v5 =	vld.idx.msk [tilespmem:v5+s10+$0x0], $0xffff  }
0xd3: {  	s25 =	simm.s32 $0x8A20;
	s26 =	simm.s32 $0x8;
	s28 =	simm.s32 $0xF0;
	v6 =	vor.u32 v0, v6;
	v13 =	vor.u32 v0, v10;
	v10 =	vld.idx.msk [tilespmem:v16+s10+$0x0], $0xffff;
	v14 =	vand.u32 $0xF, v17;
	[tilespmem:s24+$0xFFFFFFE0] =	vst v18  }
.LBB2_2:
0xd4: {  	s29 =	sadd.s32 $0xFFFFFFE0, s28;
	s30 =	sadd.s32 $0xFFFFFFF0, s28;
	v15 =	vmov s28;
	s26 =	sadd.s32 $0x4, s26;
	v16 =	vand.u32 $0xF, v8;
	v13 =	vor.u32 v13, v14;
	v14 =	vld.idx.msk [tilespmem:v1+s10+$0x0], $0xffff;
	v1 =	vmovc v12  }
0xd5: {  	s31 =	sadd.s32 $0xFFFFFFD0, s28;
	v8 =	vmov s29;
	s0 =	sand.u32 $0x60, s30;
	v12 =	vshll.u32 v15, $0x4;
	p0 =	slt.u32 s26, $0x1C;
	v15 =	vand.u32 $0xF, v7;
	v17 =	vld.idx.msk [tilespmem:v9+s10+$0x0], $0xffff  }
0xd6: {  	s24 =	sadd.s32 $0x40, s24;
	s1 =	sand.u32 $0x40, s31;
	v7 =	vmov s31;
	s29 =	sand.u32 $0x50, s29;
	v9 =	vshll.u32 v8, $0x4;
	v18 =	vld [tilespmem:s0+$0x0];
	v19 =	vor.u32 v0, v12  }
.Ltmp0:
0xd7: {  	v12 =	vshll.u32 v7, $0x4;
	s0 =	sand.u32 $0x70, s28;
	v8 =	vld [tilespmem:s1+$0x0];
	v20 =	vor.u32 v0, v9;
	v11 =	vand.u32 $0xF, v11;
	[tilespmem:s24+$0x0] =	vst v5;
	(pc) =	sbr.rel @p0 .LBB2_2-.Ltmp0, $4  }
0xd8: {  	v15 =	vor.u32 v3, v15;
	v9 =	vor.u32 v6, v16;
	v6 =	vor.u32 v0, v12;
	v7 =	vld [tilespmem:s29+$0x0];
	v3 =	vmovc v20  }
0xd9: {  	v16 =	vmov s30;
	v12 =	vor.u32 v2, v11;
	v2 =	vmov v19;
	v5 =	vld.idx.msk [tilespmem:v13+s10+$0x0], $0xffff;
	[tilespmem:s25+$0xFFFFFFF0] =	vst v10  }
0xda: {  	v10 =	vshll.u32 v16, $0x4;
	v11 =	vld [tilespmem:s0+$0x0];
	[tilespmem:s25+$0x10] =	vst v14;
	s25 =	smov.u32 s24  }
0xdb: {  	s28 =	sadd.s32 $0x40, s28;
	v13 =	vor.u32 v0, v10;
	v14 =	vand.u32 $0xF, v18;
	[tilespmem:s24+$0xFFFFFFE0] =	vst v17;
	v10 =	vld.idx.msk [tilespmem:v4+s10+$0x0], $0xffff;
	v4 =	vmov v15  }
0xdc: {  	_ =	sdelay $0x3  }
0xdd: {  	v13 =	vor.u32 v13, v14;
	v8 =	vand.u32 $0xF, v8;
	v1 =	vld.idx.msk [tilespmem:v1+s10+$0x0], $0xffff  }
0xde: {  	v4 =	vld.idx.msk [tilespmem:v4+s10+$0x0], $0xffff;
	v7 =	vand.u32 $0xF, v7;
	v6 =	vor.u32 v6, v8  }
0xdf: {  	v8 =	vld.idx.msk [tilespmem:v9+s10+$0x0], $0xffff;
	v3 =	vor.u32 v3, v7;
	v9 =	vand.u32 $0xF, v11  }
0xe0: {  	s0 =	sadd.s32 $0x40, s24;
	v2 =	vor.u32 v2, v9  }
0xe1: {  	[tilespmem:s0+$0x0] =	vst v5;
	v5 =	vld.idx.msk [tilespmem:v12+s10+$0x0], $0xffff  }
0xe2: {  	[tilespmem:s25+$0xFFFFFFF0] =	vst v10;
	v7 =	vld.idx.msk [tilespmem:v13+s10+$0x0], $0xffff  }
0xe3: {  	[tilespmem:s25+$0x10] =	vst v1;
	v1 =	vld.idx.msk [tilespmem:v6+s10+$0x0], $0xffff  }
0xe4: {  	[tilespmem:s0+$0xFFFFFFF0] =	vst v4;
	v3 =	vld.idx.msk [tilespmem:v3+s10+$0x0], $0xffff  }
0xe5: {  	[tilespmem:s0+$0xFFFFFFE0] =	vst v8;
	v2 =	vld.idx.msk [tilespmem:v2+s10+$0x0], $0xffff  }
0xe6: {  	s1 =	sadd.s32 $0x40, s0;
	[tilespmem:s0+$0x10] =	vst v5  }
0xe7: {  	[tilespmem:s1+$0x0] =	vst v7  }
0xe8: {  	[tilespmem:s1+$0xFFFFFFE0] =	vst v1  }
0xe9: {  	[tilespmem:s1+$0xFFFFFFF0] =	vst v3  }
0xea: {  	[tilespmem:s1+$0x10] =	vst v2  }
0xeb: {  	_ =	swait.ge [sflag:s19], $0x800  }
0xec: {  	[sflag:s19] =	ssyncset.done $0x0  }
0xed: {  	[sflag:s19] =	ssyncadd.s32 $0xFFFFF800  }
0xee: {  	_ =	swait.ge [sflag:s19], $0x800  }
0xef: {  	[sflag:s19] =	ssyncset.done $0x0  }
0xf0: {  	[sflag:s19] =	ssyncadd.s32 $0xFFFFF800  }
0xf1: {  	_ =	swait.ge [sflag:s19], $0x800  }
0xf2: {  	[sflag:s19] =	ssyncset.done $0x0  }
0xf3: {  	[sflag:s19] =	ssyncadd.s32 $0xFFFFF800  }
0xf4: {  	_ =	swait.ge [sflag:s19], $0x800  }
0xf5: {  	s0 =	simm.s32 $0x220;
	[sflag:s19] =	ssyncset.done $0x0  }
0xf6: {  	s30 =	simm.s32 $0x200;
	s29 =	sand.u32 $0x60, s0;
	[sflag:s19] =	ssyncadd.s32 $0xFFFFF800  }
0xf7: {  	v5 =	vmov s30;
	v1 =	vld [tilespmem:s29+$0x80]  }
0xf8: {  	s26 =	sand.u32 $0x40, s30;
	v5 =	vshll.u32 v5, $0x4;
	v7 =	vmov s0  }
0xf9: {  	s31 =	simm.s32 $0x230;
	v5 =	vor.u32 v0, v5;
	s0 =	simm.s32 $0x260;
	v7 =	vshll.u32 v7, $0x4;
	v4 =	vld [tilespmem:s26+$0x80]  }
0xfa: {  	v12 =	vmov s0;
	v7 =	vor.u32 v0, v7;
	v2 =	vmov s31;
	s1 =	sand.u32 $0x70, s31;
	s31 =	simm.s32 $0x250;
	s29 =	simm.s32 $0x210  }
0xfb: {  	v12 =	vshll.u32 v12, $0x4;
	v2 =	vshll.u32 v2, $0x4;
	v10 =	vmov s31;
	v8 =	vld [tilespmem:s1+$0x80];
	s25 =	sand.u32 $0x50, s29  }
0xfc: {  	s30 =	sand.u32 $0x60, s0;
	v2 =	vor.u32 v0, v2;
	v10 =	vshll.u32 v10, $0x4;
	v6 =	vld [tilespmem:s25+$0x80];
	s25 =	simm.s32 $0x270;
	v1 =	vand.u32 $0xF, v1  }
0xfd: {  	v10 =	vor.u32 v0, v10;
	v9 =	vmov s25;
	v1 =	vor.u32 v7, v1;
	v7 =	vld [tilespmem:s30+$0x80]  }
0xfe: {  	s31 =	sand.u32 $0x50, s31;
	v3 =	vmov s29;
	s29 =	simm.s32 $0x240;
	v9 =	vshll.u32 v9, $0x4;
	v4 =	vand.u32 $0xF, v4  }
0xff: {  	s1 =	simm.s32 $0x2A0;
	v3 =	vshll.u32 v3, $0x4;
	v13 =	vor.u32 v0, v9;
	v9 =	vld [tilespmem:s31+$0x80];
	s30 =	sand.u32 $0x40, s29;
	v4 =	vor.u32 v5, v4  }
0x100: {  	v19 =	vmov s1;
	v3 =	vor.u32 v0, v3;
	s31 =	sand.u32 $0x60, s1;
	v5 =	vmov s29;
	v11 =	vld [tilespmem:s30+$0x80]  }
0x101: {  	v8 =	vand.u32 $0xF, v8;
	v18 =	vld [tilespmem:s31+$0x80];
	v6 =	vand.u32 $0xF, v6;
	v5 =	vshll.u32 v5, $0x4  }
0x102: {  	s26 =	sand.u32 $0x70, s25;
	s29 =	simm.s32 $0x290;
	s30 =	simm.s32 $0x280;
	v16 =	vor.u32 v3, v6;
	v14 =	vld.idx.msk [tilespmem:v1+s10+$0x0], $0xffff;
	v1 =	vor.u32 v0, v12;
	v7 =	vand.u32 $0xF, v7  }
0x103: {  	v3 =	vmov s29;
	v6 =	vmov s30;
	v12 =	vld [tilespmem:s26+$0x80];
	v15 =	vor.u32 v1, v7  }
0x104: {  	v5 =	vor.u32 v0, v5;
	s28 =	sand.u32 $0x40, s30;
	v3 =	vshll.u32 v3, $0x4;
	v6 =	vshll.u32 v6, $0x4;
	v17 =	vld.idx.msk [tilespmem:v4+s10+$0x0], $0xffff  }
0x105: {  	s0 =	simm.s32 $0x2B0;
	s24 =	sand.u32 $0x50, s29;
	v3 =	vor.u32 v0, v3;
	v1 =	vor.u32 v2, v8;
	v4 =	vand.u32 $0xF, v11;
	v8 =	vld [tilespmem:s28+$0x80]  }
0x106: {  	v2 =	vmov s0;
	v11 =	vand.u32 $0xF, v9;
	v7 =	vld [tilespmem:s24+$0x80];
	s0 =	sand.u32 $0x70, s0;
	v9 =	vor.u32 v5, v4  }
0x107: {  	v6 =	vor.u32 v0, v6;
	s24 =	simm.s32 $0x8C30;
	v2 =	vshll.u32 v2, $0x4;
	v4 =	vor.u32 v10, v11;
	v11 =	vld [tilespmem:s0+$0x80]  }
0x108: {  	v10 =	vshll.u32 v19, $0x4;
	v2 =	vor.u32 v0, v2;
	v12 =	vand.u32 $0xF, v12;
	[tilespmem:s24+$0xFFFFFFF0] =	vst v14;
	v5 =	vld.idx.msk [tilespmem:v15+s10+$0x0], $0xffff  }
0x109: {  	s25 =	simm.s32 $0x8C30;
	s26 =	simm.s32 $0x28;
	s28 =	simm.s32 $0x2F0;
	v14 =	vand.u32 $0xF, v18;
	[tilespmem:s24+$0xFFFFFFD0] =	vst v17;
	v12 =	vor.u32 v13, v12;
	v13 =	vor.u32 v0, v10;
	v10 =	vld.idx.msk [tilespmem:v16+s10+$0x0], $0xffff  }
.LBB2_4:
0x10a: {  	s0 =	sadd.s32 $0xFFFFFFE0, s28;
	s1 =	sadd.s32 $0xFFFFFFF0, s28;
	v15 =	vmov s28;
	s26 =	sadd.s32 $0x4, s26;
	v16 =	vand.u32 $0xF, v8;
	v13 =	vor.u32 v13, v14;
	v14 =	vld.idx.msk [tilespmem:v1+s10+$0x0], $0xffff;
	v1 =	vmovc v12  }
0x10b: {  	s29 =	sadd.s32 $0xFFFFFFD0, s28;
	v8 =	vmov s0;
	s30 =	sand.u32 $0x60, s1;
	v12 =	vshll.u32 v15, $0x4;
	p0 =	slt.u32 s26, $0x3C;
	v15 =	vand.u32 $0xF, v7;
	v17 =	vld.idx.msk [tilespmem:v9+s10+$0x0], $0xffff  }
0x10c: {  	s24 =	sadd.s32 $0x40, s24;
	s31 =	sand.u32 $0x40, s29;
	v7 =	vmov s29;
	s0 =	sand.u32 $0x50, s0;
	v9 =	vshll.u32 v8, $0x4;
	v18 =	vld [tilespmem:s30+$0x80];
	v19 =	vor.u32 v0, v12  }
.Ltmp1:
0x10d: {  	s29 =	sand.u32 $0x70, s28;
	v12 =	vshll.u32 v7, $0x4;
	v8 =	vld [tilespmem:s31+$0x80];
	v20 =	vor.u32 v0, v9;
	v11 =	vand.u32 $0xF, v11;
	[tilespmem:s24+$0xFFFFFFF0] =	vst v5;
	(pc) =	sbr.rel @p0 .LBB2_4-.Ltmp1, $4  }
0x10e: {  	v15 =	vor.u32 v3, v15;
	v9 =	vor.u32 v6, v16;
	v6 =	vor.u32 v0, v12;
	v7 =	vld [tilespmem:s0+$0x80];
	v3 =	vmovc v20  }
0x10f: {  	v16 =	vmov s1;
	v12 =	vor.u32 v2, v11;
	v2 =	vmov v19;
	v5 =	vld.idx.msk [tilespmem:v13+s10+$0x0], $0xffff;
	[tilespmem:s25+$0xFFFFFFE0] =	vst v10  }
0x110: {  	v10 =	vshll.u32 v16, $0x4;
	v11 =	vld [tilespmem:s29+$0x80];
	[tilespmem:s25+$0x0] =	vst v14;
	s25 =	smov.u32 s24  }
0x111: {  	s28 =	sadd.s32 $0x40, s28;
	v13 =	vor.u32 v0, v10;
	v14 =	vand.u32 $0xF, v18;
	[tilespmem:s24+$0xFFFFFFD0] =	vst v17;
	v10 =	vld.idx.msk [tilespmem:v4+s10+$0x0], $0xffff;
	v4 =	vmov v15  }
0x112: {  	_ =	sdelay $0x3  }
0x113: {  	v13 =	vor.u32 v13, v14;
	v8 =	vand.u32 $0xF, v8;
	v1 =	vld.idx.msk [tilespmem:v1+s10+$0x0], $0xffff  }
0x114: {  	v4 =	vld.idx.msk [tilespmem:v4+s10+$0x0], $0xffff;
	v7 =	vand.u32 $0xF, v7;
	v6 =	vor.u32 v6, v8  }
0x115: {  	v8 =	vld.idx.msk [tilespmem:v9+s10+$0x0], $0xffff;
	v3 =	vor.u32 v3, v7;
	v9 =	vand.u32 $0xF, v11  }
0x116: {  	s0 =	sadd.s32 $0x40, s24;
	v2 =	vor.u32 v2, v9  }
0x117: {  	[tilespmem:s0+$0xFFFFFFF0] =	vst v5;
	v5 =	vld.idx.msk [tilespmem:v12+s10+$0x0], $0xffff  }
0x118: {  	[tilespmem:s25+$0xFFFFFFE0] =	vst v10;
	v7 =	vld.idx.msk [tilespmem:v13+s10+$0x0], $0xffff  }
0x119: {  	[tilespmem:s25+$0x0] =	vst v1;
	v1 =	vld.idx.msk [tilespmem:v6+s10+$0x0], $0xffff  }
0x11a: {  	[tilespmem:s0+$0xFFFFFFE0] =	vst v4;
	v3 =	vld.idx.msk [tilespmem:v3+s10+$0x0], $0xffff  }
0x11b: {  	[tilespmem:s0+$0xFFFFFFD0] =	vst v8;
	v2 =	vld.idx.msk [tilespmem:v2+s10+$0x0], $0xffff  }
0x11c: {  	s1 =	sadd.s32 $0x40, s0;
	[tilespmem:s0+$0x0] =	vst v5  }
0x11d: {  	[tilespmem:s1+$0xFFFFFFF0] =	vst v7  }
0x11e: {  	[tilespmem:s1+$0xFFFFFFD0] =	vst v1  }
0x11f: {  	[tilespmem:s1+$0xFFFFFFE0] =	vst v3  }
0x120: {  	[tilespmem:s1+$0x0] =	vst v2  }
0x121: {  	_ =	swait.ge [sflag:s20], $0x800  }
0x122: {  	[sflag:s20] =	ssyncset.done $0x0  }
0x123: {  	[sflag:s20] =	ssyncadd.s32 $0xFFFFF800  }
0x124: {  	_ =	swait.ge [sflag:s20], $0x800  }
0x125: {  	[sflag:s20] =	ssyncset.done $0x0  }
0x126: {  	[sflag:s20] =	ssyncadd.s32 $0xFFFFF800  }
0x127: {  	_ =	swait.ge [sflag:s20], $0x800  }
0x128: {  	[sflag:s20] =	ssyncset.done $0x0  }
0x129: {  	[sflag:s20] =	ssyncadd.s32 $0xFFFFF800  }
0x12a: {  	_ =	swait.ge [sflag:s20], $0x800  }
0x12b: {  	s0 =	simm.s32 $0x420;
	[sflag:s20] =	ssyncset.done $0x0  }
0x12c: {  	s30 =	simm.s32 $0x400;
	s29 =	sand.u32 $0x60, s0;
	[sflag:s20] =	ssyncadd.s32 $0xFFFFF800  }
0x12d: {  	v5 =	vmov s30;
	v1 =	vld [tilespmem:s29+$0x100]  }
0x12e: {  	s26 =	sand.u32 $0x40, s30;
	v5 =	vshll.u32 v5, $0x4;
	v7 =	vmov s0  }
0x12f: {  	s31 =	simm.s32 $0x430;
	v5 =	vor.u32 v0, v5;
	s0 =	simm.s32 $0x460;
	v7 =	vshll.u32 v7, $0x4;
	v4 =	vld [tilespmem:s26+$0x100]  }
0x130: {  	v12 =	vmov s0;
	v7 =	vor.u32 v0, v7;
	v2 =	vmov s31;
	s1 =	sand.u32 $0x70, s31;
	s31 =	simm.s32 $0x450;
	s29 =	simm.s32 $0x410  }
0x131: {  	v12 =	vshll.u32 v12, $0x4;
	v2 =	vshll.u32 v2, $0x4;
	v10 =	vmov s31;
	v8 =	vld [tilespmem:s1+$0x100];
	s25 =	sand.u32 $0x50, s29  }
0x132: {  	s30 =	sand.u32 $0x60, s0;
	v2 =	vor.u32 v0, v2;
	v10 =	vshll.u32 v10, $0x4;
	v6 =	vld [tilespmem:s25+$0x100];
	s25 =	simm.s32 $0x470;
	v1 =	vand.u32 $0xF, v1  }
0x133: {  	v10 =	vor.u32 v0, v10;
	v9 =	vmov s25;
	v1 =	vor.u32 v7, v1;
	v7 =	vld [tilespmem:s30+$0x100]  }
0x134: {  	s31 =	sand.u32 $0x50, s31;
	v3 =	vmov s29;
	s29 =	simm.s32 $0x440;
	v9 =	vshll.u32 v9, $0x4;
	v4 =	vand.u32 $0xF, v4  }
0x135: {  	s1 =	simm.s32 $0x4A0;
	v3 =	vshll.u32 v3, $0x4;
	v13 =	vor.u32 v0, v9;
	v9 =	vld [tilespmem:s31+$0x100];
	s30 =	sand.u32 $0x40, s29;
	v4 =	vor.u32 v5, v4  }
0x136: {  	v19 =	vmov s1;
	v3 =	vor.u32 v0, v3;
	s31 =	sand.u32 $0x60, s1;
	v5 =	vmov s29;
	v11 =	vld [tilespmem:s30+$0x100]  }
0x137: {  	v8 =	vand.u32 $0xF, v8;
	v18 =	vld [tilespmem:s31+$0x100];
	v6 =	vand.u32 $0xF, v6;
	v5 =	vshll.u32 v5, $0x4  }
0x138: {  	s26 =	sand.u32 $0x70, s25;
	s29 =	simm.s32 $0x490;
	s30 =	simm.s32 $0x480;
	v16 =	vor.u32 v3, v6;
	v14 =	vld.idx.msk [tilespmem:v1+s10+$0x0], $0xffff;
	v1 =	vor.u32 v0, v12;
	v7 =	vand.u32 $0xF, v7  }
0x139: {  	v3 =	vmov s29;
	v6 =	vmov s30;
	v12 =	vld [tilespmem:s26+$0x100];
	v15 =	vor.u32 v1, v7  }
0x13a: {  	v5 =	vor.u32 v0, v5;
	s28 =	sand.u32 $0x40, s30;
	v3 =	vshll.u32 v3, $0x4;
	v6 =	vshll.u32 v6, $0x4;
	v17 =	vld.idx.msk [tilespmem:v4+s10+$0x0], $0xffff  }
0x13b: {  	s0 =	simm.s32 $0x4B0;
	s24 =	sand.u32 $0x50, s29;
	v3 =	vor.u32 v0, v3;
	v1 =	vor.u32 v2, v8;
	v4 =	vand.u32 $0xF, v11;
	v8 =	vld [tilespmem:s28+$0x100]  }
0x13c: {  	v2 =	vmov s0;
	v11 =	vand.u32 $0xF, v9;
	v7 =	vld [tilespmem:s24+$0x100];
	s0 =	sand.u32 $0x70, s0;
	v9 =	vor.u32 v5, v4  }
0x13d: {  	v6 =	vor.u32 v0, v6;
	s24 =	simm.s32 $0x8E30;
	v2 =	vshll.u32 v2, $0x4;
	v4 =	vor.u32 v10, v11;
	v11 =	vld [tilespmem:s0+$0x100]  }
0x13e: {  	v10 =	vshll.u32 v19, $0x4;
	v2 =	vor.u32 v0, v2;
	v12 =	vand.u32 $0xF, v12;
	[tilespmem:s24+$0xFFFFFFF0] =	vst v14;
	v5 =	vld.idx.msk [tilespmem:v15+s10+$0x0], $0xffff  }
0x13f: {  	s25 =	simm.s32 $0x8E30;
	s26 =	simm.s32 $0x48;
	s28 =	simm.s32 $0x4F0;
	v14 =	vand.u32 $0xF, v18;
	[tilespmem:s24+$0xFFFFFFD0] =	vst v17;
	v12 =	vor.u32 v13, v12;
	v13 =	vor.u32 v0, v10;
	v10 =	vld.idx.msk [tilespmem:v16+s10+$0x0], $0xffff  }
.LBB2_6:
0x140: {  	s0 =	sadd.s32 $0xFFFFFFE0, s28;
	s1 =	sadd.s32 $0xFFFFFFF0, s28;
	v15 =	vmov s28;
	s26 =	sadd.s32 $0x4, s26;
	v16 =	vand.u32 $0xF, v8;
	v13 =	vor.u32 v13, v14;
	v14 =	vld.idx.msk [tilespmem:v1+s10+$0x0], $0xffff;
	v1 =	vmovc v12  }
0x141: {  	s29 =	sadd.s32 $0xFFFFFFD0, s28;
	v8 =	vmov s0;
	s30 =	sand.u32 $0x60, s1;
	v12 =	vshll.u32 v15, $0x4;
	p0 =	slt.u32 s26, $0x5C;
	v15 =	vand.u32 $0xF, v7;
	v17 =	vld.idx.msk [tilespmem:v9+s10+$0x0], $0xffff  }
0x142: {  	s24 =	sadd.s32 $0x40, s24;
	s31 =	sand.u32 $0x40, s29;
	v7 =	vmov s29;
	s0 =	sand.u32 $0x50, s0;
	v9 =	vshll.u32 v8, $0x4;
	v18 =	vld [tilespmem:s30+$0x100];
	v19 =	vor.u32 v0, v12  }
.Ltmp2:
0x143: {  	s29 =	sand.u32 $0x70, s28;
	v12 =	vshll.u32 v7, $0x4;
	v8 =	vld [tilespmem:s31+$0x100];
	v20 =	vor.u32 v0, v9;
	v11 =	vand.u32 $0xF, v11;
	[tilespmem:s24+$0xFFFFFFF0] =	vst v5;
	(pc) =	sbr.rel @p0 .LBB2_6-.Ltmp2, $4  }
0x144: {  	v15 =	vor.u32 v3, v15;
	v9 =	vor.u32 v6, v16;
	v6 =	vor.u32 v0, v12;
	v7 =	vld [tilespmem:s0+$0x100];
	v3 =	vmovc v20  }
0x145: {  	v16 =	vmov s1;
	v12 =	vor.u32 v2, v11;
	v2 =	vmov v19;
	v5 =	vld.idx.msk [tilespmem:v13+s10+$0x0], $0xffff;
	[tilespmem:s25+$0xFFFFFFE0] =	vst v10  }
0x146: {  	v10 =	vshll.u32 v16, $0x4;
	v11 =	vld [tilespmem:s29+$0x100];
	[tilespmem:s25+$0x0] =	vst v14;
	s25 =	smov.u32 s24  }
0x147: {  	s28 =	sadd.s32 $0x40, s28;
	v13 =	vor.u32 v0, v10;
	v14 =	vand.u32 $0xF, v18;
	[tilespmem:s24+$0xFFFFFFD0] =	vst v17;
	v10 =	vld.idx.msk [tilespmem:v4+s10+$0x0], $0xffff;
	v4 =	vmov v15  }
0x148: {  	_ =	sdelay $0x3  }
0x149: {  	v13 =	vor.u32 v13, v14;
	v8 =	vand.u32 $0xF, v8;
	v1 =	vld.idx.msk [tilespmem:v1+s10+$0x0], $0xffff  }
0x14a: {  	v4 =	vld.idx.msk [tilespmem:v4+s10+$0x0], $0xffff;
	v7 =	vand.u32 $0xF, v7;
	v6 =	vor.u32 v6, v8  }
0x14b: {  	v8 =	vld.idx.msk [tilespmem:v9+s10+$0x0], $0xffff;
	v3 =	vor.u32 v3, v7;
	v9 =	vand.u32 $0xF, v11  }
0x14c: {  	s0 =	sadd.s32 $0x40, s24;
	v2 =	vor.u32 v2, v9  }
0x14d: {  	[tilespmem:s0+$0xFFFFFFF0] =	vst v5;
	v5 =	vld.idx.msk [tilespmem:v12+s10+$0x0], $0xffff  }
0x14e: {  	[tilespmem:s25+$0xFFFFFFE0] =	vst v10;
	v7 =	vld.idx.msk [tilespmem:v13+s10+$0x0], $0xffff  }
0x14f: {  	[tilespmem:s25+$0x0] =	vst v1;
	v1 =	vld.idx.msk [tilespmem:v6+s10+$0x0], $0xffff  }
0x150: {  	[tilespmem:s0+$0xFFFFFFE0] =	vst v4;
	v3 =	vld.idx.msk [tilespmem:v3+s10+$0x0], $0xffff  }
0x151: {  	[tilespmem:s0+$0xFFFFFFD0] =	vst v8;
	v2 =	vld.idx.msk [tilespmem:v2+s10+$0x0], $0xffff  }
0x152: {  	s1 =	sadd.s32 $0x40, s0;
	[tilespmem:s0+$0x0] =	vst v5  }
0x153: {  	[tilespmem:s1+$0xFFFFFFF0] =	vst v7  }
0x154: {  	[tilespmem:s1+$0xFFFFFFD0] =	vst v1  }
0x155: {  	[tilespmem:s1+$0xFFFFFFE0] =	vst v3  }
0x156: {  	[tilespmem:s1+$0x0] =	vst v2  }
0x157: {  	_ =	swait.ge [sflag:s21], $0x800  }
0x158: {  	[sflag:s21] =	ssyncset.done $0x0  }
0x159: {  	[sflag:s21] =	ssyncadd.s32 $0xFFFFF800  }
0x15a: {  	_ =	swait.ge [sflag:s21], $0x800  }
0x15b: {  	[sflag:s21] =	ssyncset.done $0x0  }
0x15c: {  	[sflag:s21] =	ssyncadd.s32 $0xFFFFF800  }
0x15d: {  	_ =	swait.ge [sflag:s21], $0x800  }
0x15e: {  	[sflag:s21] =	ssyncset.done $0x0  }
0x15f: {  	[sflag:s21] =	ssyncadd.s32 $0xFFFFF800  }
0x160: {  	_ =	swait.ge [sflag:s21], $0x800  }
0x161: {  	s0 =	simm.s32 $0x620;
	[sflag:s21] =	ssyncset.done $0x0  }
0x162: {  	s30 =	simm.s32 $0x600;
	s29 =	sand.u32 $0x60, s0;
	[sflag:s21] =	ssyncadd.s32 $0xFFFFF800  }
0x163: {  	v5 =	vmov s30;
	v1 =	vld [tilespmem:s29+$0x180]  }
0x164: {  	s26 =	sand.u32 $0x40, s30;
	v5 =	vshll.u32 v5, $0x4;
	v7 =	vmov s0  }
0x165: {  	s31 =	simm.s32 $0x630;
	v5 =	vor.u32 v0, v5;
	s0 =	simm.s32 $0x660;
	v7 =	vshll.u32 v7, $0x4;
	v4 =	vld [tilespmem:s26+$0x180]  }
0x166: {  	v12 =	vmov s0;
	v7 =	vor.u32 v0, v7;
	v2 =	vmov s31;
	s1 =	sand.u32 $0x70, s31;
	s31 =	simm.s32 $0x650;
	s29 =	simm.s32 $0x610  }
0x167: {  	v12 =	vshll.u32 v12, $0x4;
	v2 =	vshll.u32 v2, $0x4;
	v10 =	vmov s31;
	v8 =	vld [tilespmem:s1+$0x180];
	s25 =	sand.u32 $0x50, s29  }
0x168: {  	s30 =	sand.u32 $0x60, s0;
	v2 =	vor.u32 v0, v2;
	v10 =	vshll.u32 v10, $0x4;
	v6 =	vld [tilespmem:s25+$0x180];
	s25 =	simm.s32 $0x670;
	v1 =	vand.u32 $0xF, v1  }
0x169: {  	v10 =	vor.u32 v0, v10;
	v9 =	vmov s25;
	v1 =	vor.u32 v7, v1;
	v7 =	vld [tilespmem:s30+$0x180]  }
0x16a: {  	s31 =	sand.u32 $0x50, s31;
	v3 =	vmov s29;
	s29 =	simm.s32 $0x640;
	v9 =	vshll.u32 v9, $0x4;
	v4 =	vand.u32 $0xF, v4  }
0x16b: {  	s1 =	simm.s32 $0x6A0;
	v3 =	vshll.u32 v3, $0x4;
	v13 =	vor.u32 v0, v9;
	v9 =	vld [tilespmem:s31+$0x180];
	s30 =	sand.u32 $0x40, s29;
	v4 =	vor.u32 v5, v4  }
0x16c: {  	v19 =	vmov s1;
	v3 =	vor.u32 v0, v3;
	s31 =	sand.u32 $0x60, s1;
	v5 =	vmov s29;
	v11 =	vld [tilespmem:s30+$0x180]  }
0x16d: {  	v8 =	vand.u32 $0xF, v8;
	v18 =	vld [tilespmem:s31+$0x180];
	v6 =	vand.u32 $0xF, v6;
	v5 =	vshll.u32 v5, $0x4  }
0x16e: {  	s26 =	sand.u32 $0x70, s25;
	s29 =	simm.s32 $0x690;
	s30 =	simm.s32 $0x680;
	v16 =	vor.u32 v3, v6;
	v14 =	vld.idx.msk [tilespmem:v1+s10+$0x0], $0xffff;
	v1 =	vor.u32 v0, v12;
	v7 =	vand.u32 $0xF, v7  }
0x16f: {  	v3 =	vmov s29;
	v6 =	vmov s30;
	v12 =	vld [tilespmem:s26+$0x180];
	v15 =	vor.u32 v1, v7  }
0x170: {  	v5 =	vor.u32 v0, v5;
	s28 =	sand.u32 $0x40, s30;
	v3 =	vshll.u32 v3, $0x4;
	v6 =	vshll.u32 v6, $0x4;
	v17 =	vld.idx.msk [tilespmem:v4+s10+$0x0], $0xffff  }
0x171: {  	s0 =	simm.s32 $0x6B0;
	s24 =	sand.u32 $0x50, s29;
	v3 =	vor.u32 v0, v3;
	v1 =	vor.u32 v2, v8;
	v4 =	vand.u32 $0xF, v11;
	v8 =	vld [tilespmem:s28+$0x180]  }
0x172: {  	v2 =	vmov s0;
	v11 =	vand.u32 $0xF, v9;
	v7 =	vld [tilespmem:s24+$0x180];
	s0 =	sand.u32 $0x70, s0;
	v9 =	vor.u32 v5, v4  }
0x173: {  	v6 =	vor.u32 v0, v6;
	s24 =	simm.s32 $0x9030;
	v2 =	vshll.u32 v2, $0x4;
	v4 =	vor.u32 v10, v11;
	v11 =	vld [tilespmem:s0+$0x180]  }
0x174: {  	v10 =	vshll.u32 v19, $0x4;
	v2 =	vor.u32 v0, v2;
	v12 =	vand.u32 $0xF, v12;
	[tilespmem:s24+$0xFFFFFFF0] =	vst v14;
	v5 =	vld.idx.msk [tilespmem:v15+s10+$0x0], $0xffff  }
0x175: {  	s25 =	simm.s32 $0x9030;
	s26 =	simm.s32 $0x68;
	s28 =	simm.s32 $0x6F0;
	v14 =	vand.u32 $0xF, v18;
	[tilespmem:s24+$0xFFFFFFD0] =	vst v17;
	v12 =	vor.u32 v13, v12;
	v13 =	vor.u32 v0, v10;
	v10 =	vld.idx.msk [tilespmem:v16+s10+$0x0], $0xffff  }
.LBB2_8:
0x176: {  	s0 =	sadd.s32 $0xFFFFFFE0, s28;
	s1 =	sadd.s32 $0xFFFFFFF0, s28;
	v15 =	vmov s28;
	s26 =	sadd.s32 $0x4, s26;
	v16 =	vand.u32 $0xF, v8;
	v13 =	vor.u32 v13, v14;
	v14 =	vld.idx.msk [tilespmem:v1+s10+$0x0], $0xffff;
	v1 =	vmovc v12  }
0x177: {  	s29 =	sadd.s32 $0xFFFFFFD0, s28;
	v8 =	vmov s0;
	s30 =	sand.u32 $0x60, s1;
	v12 =	vshll.u32 v15, $0x4;
	p0 =	slt.u32 s26, $0x7C;
	v15 =	vand.u32 $0xF, v7;
	v17 =	vld.idx.msk [tilespmem:v9+s10+$0x0], $0xffff  }
0x178: {  	s24 =	sadd.s32 $0x40, s24;
	s31 =	sand.u32 $0x40, s29;
	v7 =	vmov s29;
	s0 =	sand.u32 $0x50, s0;
	v9 =	vshll.u32 v8, $0x4;
	v18 =	vld [tilespmem:s30+$0x180];
	v19 =	vor.u32 v0, v12  }
.Ltmp3:
0x179: {  	s29 =	sand.u32 $0x70, s28;
	v12 =	vshll.u32 v7, $0x4;
	v8 =	vld [tilespmem:s31+$0x180];
	v20 =	vor.u32 v0, v9;
	v11 =	vand.u32 $0xF, v11;
	[tilespmem:s24+$0xFFFFFFF0] =	vst v5;
	(pc) =	sbr.rel @p0 .LBB2_8-.Ltmp3, $4  }
0x17a: {  	v15 =	vor.u32 v3, v15;
	v9 =	vor.u32 v6, v16;
	v6 =	vor.u32 v0, v12;
	v7 =	vld [tilespmem:s0+$0x180];
	v3 =	vmovc v20  }
0x17b: {  	v16 =	vmov s1;
	v12 =	vor.u32 v2, v11;
	v2 =	vmov v19;
	v5 =	vld.idx.msk [tilespmem:v13+s10+$0x0], $0xffff;
	[tilespmem:s25+$0xFFFFFFE0] =	vst v10  }
0x17c: {  	v10 =	vshll.u32 v16, $0x4;
	v11 =	vld [tilespmem:s29+$0x180];
	[tilespmem:s25+$0x0] =	vst v14;
	s25 =	smov.u32 s24  }
0x17d: {  	s28 =	sadd.s32 $0x40, s28;
	v13 =	vor.u32 v0, v10;
	v14 =	vand.u32 $0xF, v18;
	[tilespmem:s24+$0xFFFFFFD0] =	vst v17;
	v10 =	vld.idx.msk [tilespmem:v4+s10+$0x0], $0xffff;
	v4 =	vmov v15  }
0x17e: {  	_ =	sdelay $0x2  }
0x17f: {  	v13 =	vor.u32 v13, v14;
	v8 =	vand.u32 $0xF, v8  }
0x180: {  	v1 =	vld.idx.msk [tilespmem:v1+s10+$0x0], $0xffff;
	v7 =	vand.u32 $0xF, v7;
	v6 =	vor.u32 v6, v8  }
0x181: {  	v60 =	vld.idx.msk [tilespmem:v9+s10+$0x0], $0xffff;
	v3 =	vor.u32 v3, v7;
	v61 =	vand.u32 $0xF, v11  }
0x182: {  	s0 =	sadd.s32 $0x40, s24;
	v4 =	vld.idx.msk [tilespmem:v4+s10+$0x0], $0xffff;
	v2 =	vor.u32 v2, v61  }
0x183: {  	v63 =	vld.idx.msk [tilespmem:v12+s10+$0x0], $0xffff;
	[tilespmem:s0+$0xFFFFFFF0] =	vst v5  }
0x184: {  	[tilespmem:s25+$0xFFFFFFE0] =	vst v10;
	v62 =	vld.idx.msk [tilespmem:v13+s10+$0x0], $0xffff  }
0x185: {  	[tilespmem:s25+$0x0] =	vst v1;
	v1 =	vld.idx.msk [tilespmem:v6+s10+$0x0], $0xffff  }
0x186: {  	[tilespmem:s0+$0xFFFFFFD0] =	vst v60;
	v3 =	vld.idx.msk [tilespmem:v3+s10+$0x0], $0xffff  }
0x187: {  	[tilespmem:s0+$0xFFFFFFE0] =	vst v4;
	v2 =	vld.idx.msk [tilespmem:v2+s10+$0x0], $0xffff  }
0x188: {  	s1 =	sadd.s32 $0x40, s0;
	[tilespmem:s0+$0x0] =	vst v63  }
0x189: {  	[tilespmem:s1+$0xFFFFFFF0] =	vst v62  }
0x18a: {  	s23 =	sadd.s32 $0x1, s23;
	[tilespmem:s1+$0xFFFFFFD0] =	vst v1  }
0x18b: {  	p0 =	sne.s32 s23, s6;
	[tilespmem:s1+$0xFFFFFFE0] =	vst v3  }
.Ltmp4:
0x18c: {  	[tilespmem:s1+$0x0] =	vst v2;
	(pc) =	sbr.rel @p0 .LBB2_1-.Ltmp4, $4  }
0x18d: {  	[hbm4b:s5+s2] =	stream.linear.scatter [tilespmem:s22], [sflag:$0x5], $0x800, $0x38;
	[tilespmem:$0x9200] =	vst v63  }
0x18e: {  	_ =	swait.ge [sflag:s7], $0x800  }
0x18f: {  	[sflag:s7] =	ssyncset.done $0x0  }
0x190: {  	[sflag:s7] =	ssyncadd.s32 $0xFFFFF800  }
0x191: {  	_ =	sfence.sel $0x180000  }
0x192: {  	[bflag:$0x0] =	sbarrier.arrive $0xFFFF  }
0x193: {  	_ =	strace $0x90000047  }
0x194: {  	s0 =	stileid.u32;
	[bflag:$0x2] =	sbarrier.arrive $0xFFFF  }
0x195: {  	p0 =	sne.s32 s0, $0x0;
	s0 =	rddreg [dreg:$0x3]  }
0x196: {  	s0 =	sadd.s32 @!p0 $0x100000, s0  }
0x197: {  	[sflag:s0] =	ssyncadd.tile.s32 @!p0 $0x1;
	_ =	shalt  }
.Lfunc_end2:
_tile_overlayer_lowered:
.L_overlay_start_2:
0x198: {  	(tag) =	ssettag $0x2  }
0x199: {  	s0 =	rddreg [dreg:$0x0];
	s2 =	stileid.u32  }
0x19a: {  	s1 =	rddreg [dreg:$0x1];
	p0 =	sne.s32 s2, $0x0  }
0x19b: {  	s3 =	rddreg [dreg:$0x2];
	[bflag:$0x3] =	sbarrier.arrive $0xFFFF;
	s2 =	simm.s32 @!p0 $0x1C05  }
0x19c: {  	[timem:s3], [sflag:s2] =	dma.local @!p0 [hbm:s0], s1  }
0x19d: {  	s0 =	simm.s32 @!p0 $0x5  }
0x19e: {  	_ =	swait.ge @!p0 [sflag:s0], s1  }
0x19f: {  	s1 =	ssub.s32 @!p0 $0x0, s1;
	[sflag:s0] =	ssyncset.done @!p0 $0x0  }
0x1a0: {  	[sflag:s0] =	ssyncadd.s32 @!p0 s1  }
0x1a1: {  	[bflag:$0x3] =	sbarrier.arrive $0xFFFF  }
0x1a2: {  	_ =	shalt  }

</sc_bundles>
